<compile_context>
chip_gen: v7x
topology: tpu7x:2x2x1
jax: 0.10.2.dev20260603
libtpu: 0.0.44.dev20260713+nightly
codegen_flags: <defaults>
</compile_context>

<pallas_src>
import functools

import jax
import jax.numpy as jnp
from jax import lax
from jax.experimental import pallas as pl
from jax.experimental.pallas import tpu as pltpu
from jax.experimental.pallas import tpu_sc as plsc

N = 10000
NPAD = 10016
D = 128
NC, NS = 2, 16
NBLK = 80
BLK = 128
EP = NC * NS * NBLK * BLK
TBLK = 160
NB0 = 115
NB1 = TBLK - NB0
RPT = 624
RPTL = NPAD - 15 * RPT


def _zero_my_rows(z_hbm, acc, s):
  @pl.when(s < 15)
  def _():
    pltpu.sync_copy(z_hbm.at[pl.ds(0, RPT)], acc.at[pl.ds(s * RPT, RPT)])

  @pl.when(s == 15)
  def _():
    pltpu.sync_copy(z_hbm, acc.at[pl.ds(15 * RPT, RPTL)])


def _copy_my_rows(acc, out_hbm, c, s):
  @pl.when(s < 15)
  def _():
    pltpu.sync_copy(acc.at[pl.ds(s * RPT, RPT)],
                    out_hbm.at[c, pl.ds(s * RPT, RPT)])

  @pl.when(s == 15)
  def _():
    pltpu.sync_copy(acc.at[pl.ds(15 * RPT, RPTL)],
                    out_hbm.at[c, pl.ds(15 * RPT, RPTL)])


def _sc_deg(dst4, ones16, zdeg):
  mesh = plsc.VectorSubcoreMesh(core_axis_name="c", subcore_axis_name="s")

  @functools.partial(
      pl.kernel,
      out_type=jax.ShapeDtypeStruct((NC, NPAD, D), jnp.float32),
      mesh=mesh,
      scratch_types=[
          pltpu.VMEM((NBLK, BLK), jnp.int32),
          pltpu.VMEM((BLK, D), jnp.float32),
          pltpu.VMEM_SHARED((NPAD, D), jnp.float32),
          pltpu.SemaphoreType.DMA((8,)),
      ],
  )
  def k(dst_hbm, ones_hbm, z_hbm, out_hbm, dst_v, ones_v, acc, ssem):
    c = lax.axis_index("c")
    s = lax.axis_index("s")
    _zero_my_rows(z_hbm, acc, s)
    pltpu.sync_copy(ones_hbm, ones_v)
    pltpu.sync_copy(dst_hbm.at[c, s], dst_v)
    plsc.subcore_barrier()

    def body(j, carry):
      sd = [
          pltpu.async_copy(ones_v, acc.at[dst_v.at[j * 8 + b]], ssem.at[b],
                           add=True) for b in range(8)
      ]
      for d in sd:
        d.wait()
      return carry

    lax.fori_loop(0, NBLK // 8, body, 0)
    plsc.subcore_barrier()
    _copy_my_rows(acc, out_hbm, c, s)

  return k(dst4, ones16, zdeg)


def _sc_agg(g, idx6, zbig):
  mesh = plsc.VectorSubcoreMesh(core_axis_name="c", subcore_axis_name="s")

  @functools.partial(
      pl.kernel,
      out_type=jax.ShapeDtypeStruct((NC, NPAD, D), jnp.float32),
      mesh=mesh,
      scratch_types=[
          pltpu.VMEM((4, 2, BLK), jnp.int32),
          pltpu.VMEM((3, BLK, D), jnp.float32),
          pltpu.VMEM_SHARED((NPAD, D), jnp.float32),
          pltpu.SemaphoreType.DMA((4,)),
          pltpu.SemaphoreType.DMA((3,)),
          pltpu.SemaphoreType.DMA((3,)),
      ],
  )
  def k(g_hbm, idx_hbm, z_hbm, out_hbm, idx_v, buf, acc, isem, gsem, ssem):
    c = lax.axis_index("c")
    s = lax.axis_index("s")
    _zero_my_rows(z_hbm, acc, s)
    plsc.subcore_barrier()

    def idx_load(j, slot):
      return pltpu.async_copy(idx_hbm.at[s, j], idx_v.at[slot], isem.at[slot])

    def idx_wait(j, slot):
      pltpu.make_async_copy(idx_hbm.at[s, j], idx_v.at[slot],
                            isem.at[slot]).wait()

    def gather(j4, b):
      return pltpu.async_copy(g_hbm.at[idx_v.at[j4, 0]], buf.at[b],
                              gsem.at[b])

    def gather_wait(j4, b):
      pltpu.make_async_copy(g_hbm.at[idx_v.at[j4, 0]], buf.at[b],
                            gsem.at[b]).wait()

    def scatter(j4, b):
      return pltpu.async_copy(buf.at[b], acc.at[idx_v.at[j4, 1]],
                              ssem.at[b], add=True)

    def scatter_wait(j4, b):
      pltpu.make_async_copy(buf.at[b], acc.at[idx_v.at[j4, 1]],
                            ssem.at[b]).wait()

    def run(base, nb):
      for jj in range(4):
        idx_load(base + jj, jj)
      idx_wait(base, 0)
      gather(0, 0)
      idx_wait(base + 1, 1)
      gather(1, 1)

      def body(j, carry):
        b = lax.rem(j, 3)
        bn = lax.rem(j + 2, 3)
        i0 = lax.rem(j, 4)
        i2 = lax.rem(j + 2, 4)
        i3 = lax.rem(j + 3, 4)
        gather_wait(i0, b)
        scatter(i0, b)

        @pl.when(j >= 1)
        def _():
          scatter_wait(i3, bn)

        @pl.when(jnp.logical_and(j >= 1, j + 3 < nb))
        def _():
          idx_load(base + j + 3, i3)

        @pl.when(j + 2 < nb)
        def _():
          idx_wait(base + j + 2, i2)
          gather(i2, bn)
        return carry

      lax.fori_loop(0, nb, body, 0)
      scatter_wait(lax.rem(nb - 1, 4), lax.rem(nb - 1, 3))

    @pl.when(c == 0)
    def _c0():
      run(0, NB0)

    @pl.when(c == 1)
    def _c1():
      run(NB0, NB1)

    plsc.subcore_barrier()
    _copy_my_rows(acc, out_hbm, c, s)

  return k(g, idx6, zbig)


def _tc_pre(x, W, degp):
  def body(x_ref, w_ref, dp_ref, dinv_ref, g_ref):
    deg = dp_ref[0, :N, 0:1] + dp_ref[1, :N, 0:1] + 1.0
    dinv = lax.rsqrt(deg)
    dinv_ref[...] = dinv
    h = jnp.dot(x_ref[...], w_ref[...], preferred_element_type=jnp.float32)
    g_ref[...] = h * dinv

  return pl.pallas_call(
      body,
      out_shape=(
          jax.ShapeDtypeStruct((N, 1), jnp.float32),
          jax.ShapeDtypeStruct((N, D), jnp.float32),
      ),
  )(x, W, degp)


def _tc_mid(S, g, dinv, b, Wn):
  def body(s_ref, g_ref, dinv_ref, b_ref, w_ref, gout_ref):
    t = s_ref[0, :N, :] + s_ref[1, :N, :] + g_ref[...]
    xn = jnp.maximum(t * dinv_ref[...] + b_ref[...], 0.0)
    h = jnp.dot(xn, w_ref[...], preferred_element_type=jnp.float32)
    gout_ref[...] = h * dinv_ref[...]

  return pl.pallas_call(
      body,
      out_shape=jax.ShapeDtypeStruct((N, D), jnp.float32),
  )(S, g, dinv, b.reshape(1, D), Wn)


def _tc_fin(S, g, dinv, b):
  def body(s_ref, g_ref, dinv_ref, b_ref, out_ref):
    t = s_ref[0, :N, :] + s_ref[1, :N, :] + g_ref[...]
    out_ref[...] = jnp.maximum(t * dinv_ref[...] + b_ref[...], 0.0)

  return pl.pallas_call(
      body,
      out_shape=jax.ShapeDtypeStruct((N, D), jnp.float32),
  )(S, g, dinv, b.reshape(1, D))


@jax.jit
def kernel(encoded_cfg_nodes, edge_index, W1, b1, W2, b2, W3, b3):
  x = encoded_cfg_nodes
  src = edge_index[0].astype(jnp.int32)
  dst = edge_index[1].astype(jnp.int32)
  e = src.shape[0]
  pad = EP - e
  srcp = jnp.concatenate([src, jnp.zeros((pad,), jnp.int32)]).reshape(
      NS, TBLK, BLK)
  dstp = jnp.concatenate([dst, jnp.full((pad,), N, jnp.int32)]).reshape(
      NS, TBLK, BLK)
  idx6 = jnp.stack([srcp, dstp], axis=2)
  dst4 = dstp.reshape(NC, NS, NBLK, BLK)
  ones128 = jnp.ones((BLK, D), jnp.float32)
  zbig = jnp.zeros((RPTL, D), jnp.float32)

  degp = _sc_deg(dst4, ones128, zbig)
  dinv, g = _tc_pre(x, W1, degp)
  S = _sc_agg(g, idx6, zbig)
  g = _tc_mid(S, g, dinv, b1, W2)
  S = _sc_agg(g, idx6, zbig)
  g = _tc_mid(S, g, dinv, b2, W3)
  S = _sc_agg(g, idx6, zbig)
  return _tc_fin(S, g, dinv, b3)

# --- scband reference (transcript-rebuilt; emitter-appended) ---
"""Pipeline reference for scband-cfggnnencoder-21217138442428 (READ-ONLY COPY).

The authoritative reference and input builder live on the scoring server;
editing this copy changes nothing except your own understanding.
"""

import jax, jax.numpy as jnp
import numpy as np

N_NODES = 10000
N_EDGES = 320000
D = 128
NR_LAYERS = 3


def _gcn_layer(x, src, dst, W, b, num_nodes):
    # PyG GCNConv with normalize=True, add_self_loops=True
    loop = jnp.arange(num_nodes, dtype=src.dtype)
    src_sl = jnp.concatenate([src, loop])
    dst_sl = jnp.concatenate([dst, loop])
    deg = jnp.zeros((num_nodes,), dtype=x.dtype).at[dst_sl].add(1.0)
    deg_inv_sqrt = jnp.where(deg > 0, deg ** -0.5, 0.0)
    norm = deg_inv_sqrt[src_sl] * deg_inv_sqrt[dst_sl]
    h = x @ W  # linear transform first (in_channels -> out_channels)
    msg = h[src_sl] * norm[:, None]
    out = jnp.zeros((num_nodes, W.shape[1]), dtype=x.dtype).at[dst_sl].add(msg)
    return out + b


def setup_inputs(seed: int = 0) -> dict:
    key = jax.random.key(seed)
    ks = jax.random.split(key, 8)
    x = jax.random.normal(ks[0], (N_NODES, D), dtype=jnp.float32)
    edge_index = jax.random.randint(ks[1], (2, N_EDGES), 0, N_NODES, dtype=jnp.int64)
    scale = 1.0 / np.sqrt(D)
    W1 = jax.random.normal(ks[2], (D, D), dtype=jnp.float32) * scale
    b1 = jnp.zeros((D,), dtype=jnp.float32)
    W2 = jax.random.normal(ks[3], (D, D), dtype=jnp.float32) * scale
    b2 = jnp.zeros((D,), dtype=jnp.float32)
    W3 = jax.random.normal(ks[4], (D, D), dtype=jnp.float32) * scale
    b3 = jnp.zeros((D,), dtype=jnp.float32)
    return {"encoded_cfg_nodes": x, "edge_index": edge_index,
            "W1": W1, "b1": b1, "W2": W2, "b2": b2, "W3": W3, "b3": b3}


def reference(encoded_cfg_nodes, edge_index, W1, b1, W2, b2, W3, b3):
    src, dst = edge_index[0], edge_index[1]
    x = encoded_cfg_nodes
    # dropout_rate=0.0 and no norm layer -> activation only between GNN layers
    for (W, b) in ((W1, b1), (W2, b2), (W3, b3)):
        x = _gcn_layer(x, src, dst, W, b, N_NODES)
        x = jax.nn.relu(x)
    return x

if __name__ == "__main__":
    import jax
    _d = setup_inputs()
    print(jax.jit(kernel)(*tuple(_d.values())))

</pallas_src>

<mosaic_0001>
#map = affine_map<(d0, d1) -> (0, 0)>
#map1 = affine_map<(d0, d1) -> (0, 0, 0, 0)>
#map2 = affine_map<(d0, d1) -> (0, 0, 0)>
module attributes {stable_mosaic.version = 14 : i64} {
  func.func @k(%arg0: i32, %arg1: i32, %arg2: memref<10000x128xf32, #tpu.memory_space<hbm>>, %arg3: memref<16x160x2x128xi32, #tpu.memory_space<hbm>>, %arg4: memref<656x128xf32, #tpu.memory_space<hbm>>, %arg5: memref<2x10016x128xf32, #tpu.memory_space<hbm>>, %arg6: memref<4x2x128xi32, #tpu.memory_space<vmem>>, %arg7: memref<3x128x128xf32, #tpu.memory_space<vmem>>, %arg8: memref<10016x128xf32, #tpu.memory_space<vmem_shared>>, %arg9: memref<4x!tpu.dma_semaphore, #tpu.memory_space<semaphore_mem>>, %arg10: memref<3x!tpu.dma_semaphore, #tpu.memory_space<semaphore_mem>>, %arg11: memref<3x!tpu.dma_semaphore, #tpu.memory_space<semaphore_mem>>) attributes {dimension_semantics = [#tpu.dimension_semantics<core_parallel>, #tpu.dimension_semantics<subcore_parallel>], iteration_bounds = array<i64: 2, 16>, scalar_prefetch = 0 : i64, scratch_operands = 6 : i64, tpu.core_type = #tpu.core_type<sc_vector_subcore>, window_params = [{transform_indices = #map}, {transform_indices = #map1}, {transform_indices = #map}, {transform_indices = #map2}]} {
    %lt3A = arith.constant 15 : i32
    %lt3A_0 = arith.cmpi slt, %arg1, %lt3A : i32
    %convert_element_type3A = arith.extui %lt3A_0 : i1 to i32
    %cond3A = arith.constant 0 : i32
    %cond3A_1 = arith.cmpi ne, %convert_element_type3A, %cond3A : i32
    scf.if %cond3A_1 {
      %mul3A = arith.constant 624 : i32
      %mul3A_27 = arith.muli %arg1, %mul3A : i32
      "tpu.region"() ({
        %run_scoped3A = tpu.sem_alloc : memref<!tpu.dma_semaphore, #tpu.memory_space<semaphore_mem>>
        %dma_start3A = arith.constant 0 : i32
        %dma_start3A_28 = tpu.memref_slice %arg8[%mul3A_27, %dma_start3A] : memref<10016x128xf32, #tpu.memory_space<vmem_shared>> -> memref<624x128xf32, #tpu.memory_space<vmem_shared>>
        %dma_start3A_29 = arith.constant 0 : i32
        %dma_start3A_30 = arith.constant 0 : i32
        %dma_start3A_31 = tpu.memref_slice %arg4[%dma_start3A_29, %dma_start3A_30] : memref<656x128xf32, #tpu.memory_space<hbm>> -> memref<624x128xf32, #tpu.memory_space<hbm>>
        tpu.enqueue_dma source(%dma_start3A_31 : memref<624x128xf32, #tpu.memory_space<hbm>>) target(%dma_start3A_28 : memref<624x128xf32, #tpu.memory_space<vmem_shared>>) target_semaphore(%run_scoped3A : memref<!tpu.dma_semaphore, #tpu.memory_space<semaphore_mem>>)
        %dma_wait3A = arith.constant 0 : i32
        %dma_wait3A_32 = tpu.memref_slice %arg8[%mul3A_27, %dma_wait3A] : memref<10016x128xf32, #tpu.memory_space<vmem_shared>> -> memref<624x128xf32, #tpu.memory_space<vmem_shared>>
        %dma_wait3A_33 = arith.constant 0 : i32
        %dma_wait3A_34 = arith.constant 0 : i32
        %dma_wait3A_35 = tpu.memref_slice %arg4[%dma_wait3A_33, %dma_wait3A_34] : memref<656x128xf32, #tpu.memory_space<hbm>> -> memref<624x128xf32, #tpu.memory_space<hbm>>
        tpu.wait_dma2 semaphore(%run_scoped3A : memref<!tpu.dma_semaphore, #tpu.memory_space<semaphore_mem>>) src(%dma_wait3A_35 : memref<624x128xf32, #tpu.memory_space<hbm>>) dst(%dma_wait3A_32 : memref<624x128xf32, #tpu.memory_space<vmem_shared>>)
        tpu.yield
      }) : () -> ()
    } else {
    }
    %eq3A = arith.constant 15 : i32
    %eq3A_2 = arith.cmpi eq, %arg1, %eq3A : i32
    %convert_element_type3A_3 = arith.extui %eq3A_2 : i1 to i32
    %cond3A_4 = arith.constant 0 : i32
    %cond3A_5 = arith.cmpi ne, %convert_element_type3A_3, %cond3A_4 : i32
    scf.if %cond3A_5 {
      "tpu.region"() ({
        %run_scoped3A = tpu.sem_alloc : memref<!tpu.dma_semaphore, #tpu.memory_space<semaphore_mem>>
        %dma_start3A = arith.constant 9360 : i32
        %dma_start3A_27 = arith.constant 0 : i32
        %dma_start3A_28 = tpu.memref_slice %arg8[%dma_start3A, %dma_start3A_27] : memref<10016x128xf32, #tpu.memory_space<vmem_shared>> -> memref<656x128xf32, #tpu.memory_space<vmem_shared>>
        tpu.enqueue_dma source(%arg4 : memref<656x128xf32, #tpu.memory_space<hbm>>) target(%dma_start3A_28 : memref<656x128xf32, #tpu.memory_space<vmem_shared>>) target_semaphore(%run_scoped3A : memref<!tpu.dma_semaphore, #tpu.memory_space<semaphore_mem>>)
        %dma_wait3A = arith.constant 9360 : i32
        %dma_wait3A_29 = arith.constant 0 : i32
        %dma_wait3A_30 = tpu.memref_slice %arg8[%dma_wait3A, %dma_wait3A_29] : memref<10016x128xf32, #tpu.memory_space<vmem_shared>> -> memref<656x128xf32, #tpu.memory_space<vmem_shared>>
        tpu.wait_dma2 semaphore(%run_scoped3A : memref<!tpu.dma_semaphore, #tpu.memory_space<semaphore_mem>>) src(%arg4 : memref<656x128xf32, #tpu.memory_space<hbm>>) dst(%dma_wait3A_30 : memref<656x128xf32, #tpu.memory_space<vmem_shared>>)
        tpu.yield
      }) : () -> ()
    } else {
    }
    %barrier3A = arith.constant 0 : index
    tpu.barrier barrier_id(%barrier3A)
    %eq3A_6 = arith.constant 0 : i32
    %eq3A_7 = arith.cmpi eq, %arg0, %eq3A_6 : i32
    %convert_element_type3A_8 = arith.extui %eq3A_7 : i1 to i32
    %cond3A_9 = arith.constant 0 : i32
    %cond3A_10 = arith.cmpi ne, %convert_element_type3A_8, %cond3A_9 : i32
    scf.if %cond3A_10 {
      %dma_start3A = arith.constant 0 : i32
      %dma_start3A_27 = arith.constant 0 : i32
      %dma_start3A_28 = arith.constant 0 : i32
      %dma_start3A_29 = arith.constant 0 : i32
      %dma_start3A_30 = arith.constant 0 : i32
      %dma_start3A_31 = tpu.memref_slice %arg6[%dma_start3A_27, %dma_start3A_29, %dma_start3A_30] : memref<4x2x128xi32, #tpu.memory_space<vmem>> -> memref<1x2x128xi32, #tpu.memory_space<vmem>>
      %dma_start3A_32 = tpu.memref_squeeze %dma_start3A_31 : memref<1x2x128xi32, #tpu.memory_space<vmem>> -> memref<2x128xi32, #tpu.memory_space<vmem>>
      %dma_start3A_33 = arith.constant 0 : i32
      %dma_start3A_34 = arith.constant 0 : i32
      %dma_start3A_35 = tpu.memref_slice %arg3[%arg1, %dma_start3A, %dma_start3A_33, %dma_start3A_34] : memref<16x160x2x128xi32, #tpu.memory_space<hbm>> -> memref<1x1x2x128xi32, #tpu.memory_space<hbm>>
      %dma_start3A_36 = tpu.memref_squeeze %dma_start3A_35 : memref<1x1x2x128xi32, #tpu.memory_space<hbm>> -> memref<2x128xi32, #tpu.memory_space<hbm>>
      %dma_start3A_37 = tpu.memref_slice %arg9[%dma_start3A_28] : memref<4x!tpu.dma_semaphore, #tpu.memory_space<semaphore_mem>> -> memref<1x!tpu.dma_semaphore, #tpu.memory_space<semaphore_mem>>
      %dma_start3A_38 = tpu.memref_squeeze %dma_start3A_37 : memref<1x!tpu.dma_semaphore, #tpu.memory_space<semaphore_mem>> -> memref<!tpu.dma_semaphore, #tpu.memory_space<semaphore_mem>>
      %dma_start3A_39 = arith.constant 0 : i32
      %dma_start3A_40 = arith.constant 0 : i32
      %dma_start3A_41 = tpu.memref_slice %arg6[%dma_start3A_27, %dma_start3A_39, %dma_start3A_40] : memref<4x2x128xi32, #tpu.memory_space<vmem>> -> memref<1x2x128xi32, #tpu.memory_space<vmem>>
      %dma_start3A_42 = tpu.memref_squeeze %dma_start3A_41 : memref<1x2x128xi32, #tpu.memory_space<vmem>> -> memref<2x128xi32, #tpu.memory_space<vmem>>
      %dma_start3A_43 = arith.constant 0 : i32
      %dma_start3A_44 = arith.constant 0 : i32
      %dma_start3A_45 = tpu.memref_slice %arg3[%arg1, %dma_start3A, %dma_start3A_43, %dma_start3A_44] : memref<16x160x2x128xi32, #tpu.memory_space<hbm>> -> memref<1x1x2x128xi32, #tpu.memory_space<hbm>>
      %dma_start3A_46 = tpu.memref_squeeze %dma_start3A_45 : memref<1x1x2x128xi32, #tpu.memory_space<hbm>> -> memref<2x128xi32, #tpu.memory_space<hbm>>
      tpu.enqueue_dma source(%dma_start3A_46 : memref<2x128xi32, #tpu.memory_space<hbm>>) target(%dma_start3A_42 : memref<2x128xi32, #tpu.memory_space<vmem>>) target_semaphore(%dma_start3A_38 : memref<!tpu.dma_semaphore, #tpu.memory_space<semaphore_mem>>)
      %dma_start3A_47 = arith.constant 1 : i32
      %dma_start3A_48 = arith.constant 1 : i32
      %dma_start3A_49 = arith.constant 1 : i32
      %dma_start3A_50 = arith.constant 0 : i32
      %dma_start3A_51 = arith.constant 0 : i32
      %dma_start3A_52 = tpu.memref_slice %arg6[%dma_start3A_48, %dma_start3A_50, %dma_start3A_51] : memref<4x2x128xi32, #tpu.memory_space<vmem>> -> memref<1x2x128xi32, #tpu.memory_space<vmem>>
      %dma_start3A_53 = tpu.memref_squeeze %dma_start3A_52 : memref<1x2x128xi32, #tpu.memory_space<vmem>> -> memref<2x128xi32, #tpu.memory_space<vmem>>
      %dma_start3A_54 = arith.constant 0 : i32
      %dma_start3A_55 = arith.constant 0 : i32
      %dma_start3A_56 = tpu.memref_slice %arg3[%arg1, %dma_start3A_47, %dma_start3A_54, %dma_start3A_55] : memref<16x160x2x128xi32, #tpu.memory_space<hbm>> -> memref<1x1x2x128xi32, #tpu.memory_space<hbm>>
      %dma_start3A_57 = tpu.memref_squeeze %dma_start3A_56 : memref<1x1x2x128xi32, #tpu.memory_space<hbm>> -> memref<2x128xi32, #tpu.memory_space<hbm>>
      %dma_start3A_58 = tpu.memref_slice %arg9[%dma_start3A_49] : memref<4x!tpu.dma_semaphore, #tpu.memory_space<semaphore_mem>> -> memref<1x!tpu.dma_semaphore, #tpu.memory_space<semaphore_mem>>
      %dma_start3A_59 = tpu.memref_squeeze %dma_start3A_58 : memref<1x!tpu.dma_semaphore, #tpu.memory_space<semaphore_mem>> -> memref<!tpu.dma_semaphore, #tpu.memory_space<semaphore_mem>>
      %dma_start3A_60 = arith.constant 0 : i32
      %dma_start3A_61 = arith.constant 0 : i32
      %dma_start3A_62 = tpu.memref_slice %arg6[%dma_start3A_48, %dma_start3A_60, %dma_start3A_61] : memref<4x2x128xi32, #tpu.memory_space<vmem>> -> memref<1x2x128xi32, #tpu.memory_space<vmem>>
      %dma_start3A_63 = tpu.memref_squeeze %dma_start3A_62 : memref<1x2x128xi32, #tpu.memory_space<vmem>> -> memref<2x128xi32, #tpu.memory_space<vmem>>
      %dma_start3A_64 = arith.constant 0 : i32
      %dma_start3A_65 = arith.constant 0 : i32
      %dma_start3A_66 = tpu.memref_slice %arg3[%arg1, %dma_start3A_47, %dma_start3A_64, %dma_start3A_65] : memref<16x160x2x128xi32, #tpu.memory_space<hbm>> -> memref<1x1x2x128xi32, #tpu.memory_space<hbm>>
      %dma_start3A_67 = tpu.memref_squeeze %dma_start3A_66 : memref<1x1x2x128xi32, #tpu.memory_space<hbm>> -> memref<2x128xi32, #tpu.memory_space<hbm>>
      tpu.enqueue_dma source(%dma_start3A_67 : memref<2x128xi32, #tpu.memory_space<hbm>>) target(%dma_start3A_63 : memref<2x128xi32, #tpu.memory_space<vmem>>) target_semaphore(%dma_start3A_59 : memref<!tpu.dma_semaphore, #tpu.memory_space<semaphore_mem>>)
      %dma_start3A_68 = arith.constant 2 : i32
      %dma_start3A_69 = arith.constant 2 : i32
      %dma_start3A_70 = arith.constant 2 : i32
      %dma_start3A_71 = arith.constant 0 : i32
      %dma_start3A_72 = arith.constant 0 : i32
      %dma_start3A_73 = tpu.memref_slice %arg6[%dma_start3A_69, %dma_start3A_71, %dma_start3A_72] : memref<4x2x128xi32, #tpu.memory_space<vmem>> -> memref<1x2x128xi32, #tpu.memory_space<vmem>>
      %dma_start3A_74 = tpu.memref_squeeze %dma_start3A_73 : memref<1x2x128xi32, #tpu.memory_space<vmem>> -> memref<2x128xi32, #tpu.memory_space<vmem>>
      %dma_start3A_75 = arith.constant 0 : i32
      %dma_start3A_76 = arith.constant 0 : i32
      %dma_start3A_77 = tpu.memref_slice %arg3[%arg1, %dma_start3A_68, %dma_start3A_75, %dma_start3A_76] : memref<16x160x2x128xi32, #tpu.memory_space<hbm>> -> memref<1x1x2x128xi32, #tpu.memory_space<hbm>>
      %dma_start3A_78 = tpu.memref_squeeze %dma_start3A_77 : memref<1x1x2x128xi32, #tpu.memory_space<hbm>> -> memref<2x128xi32, #tpu.memory_space<hbm>>
      %dma_start3A_79 = tpu.memref_slice %arg9[%dma_start3A_70] : memref<4x!tpu.dma_semaphore, #tpu.memory_space<semaphore_mem>> -> memref<1x!tpu.dma_semaphore, #tpu.memory_space<semaphore_mem>>
      %dma_start3A_80 = tpu.memref_squeeze %dma_start3A_79 : memref<1x!tpu.dma_semaphore, #tpu.memory_space<semaphore_mem>> -> memref<!tpu.dma_semaphore, #tpu.memory_space<semaphore_mem>>
      %dma_start3A_81 = arith.constant 0 : i32
      %dma_start3A_82 = arith.constant 0 : i32
      %dma_start3A_83 = tpu.memref_slice %arg6[%dma_start3A_69, %dma_start3A_81, %dma_start3A_82] : memref<4x2x128xi32, #tpu.memory_space<vmem>> -> memref<1x2x128xi32, #tpu.memory_space<vmem>>
      %dma_start3A_84 = tpu.memref_squeeze %dma_start3A_83 : memref<1x2x128xi32, #tpu.memory_space<vmem>> -> memref<2x128xi32, #tpu.memory_space<vmem>>
      %dma_start3A_85 = arith.constant 0 : i32
      %dma_start3A_86 = arith.constant 0 : i32
      %dma_start3A_87 = tpu.memref_slice %arg3[%arg1, %dma_start3A_68, %dma_start3A_85, %dma_start3A_86] : memref<16x160x2x128xi32, #tpu.memory_space<hbm>> -> memref<1x1x2x128xi32, #tpu.memory_space<hbm>>
      %dma_start3A_88 = tpu.memref_squeeze %dma_start3A_87 : memref<1x1x2x128xi32, #tpu.memory_space<hbm>> -> memref<2x128xi32, #tpu.memory_space<hbm>>
      tpu.enqueue_dma source(%dma_start3A_88 : memref<2x128xi32, #tpu.memory_space<hbm>>) target(%dma_start3A_84 : memref<2x128xi32, #tpu.memory_space<vmem>>) target_semaphore(%dma_start3A_80 : memref<!tpu.dma_semaphore, #tpu.memory_space<semaphore_mem>>)
      %dma_start3A_89 = arith.constant 3 : i32
      %dma_start3A_90 = arith.constant 3 : i32
      %dma_start3A_91 = arith.constant 3 : i32
      %dma_start3A_92 = arith.constant 0 : i32
      %dma_start3A_93 = arith.constant 0 : i32
      %dma_start3A_94 = tpu.memref_slice %arg6[%dma_start3A_90, %dma_start3A_92, %dma_start3A_93] : memref<4x2x128xi32, #tpu.memory_space<vmem>> -> memref<1x2x128xi32, #tpu.memory_space<vmem>>
      %dma_start3A_95 = tpu.memref_squeeze %dma_start3A_94 : memref<1x2x128xi32, #tpu.memory_space<vmem>> -> memref<2x128xi32, #tpu.memory_space<vmem>>
      %dma_start3A_96 = arith.constant 0 : i32
      %dma_start3A_97 = arith.constant 0 : i32
      %dma_start3A_98 = tpu.memref_slice %arg3[%arg1, %dma_start3A_89, %dma_start3A_96, %dma_start3A_97] : memref<16x160x2x128xi32, #tpu.memory_space<hbm>> -> memref<1x1x2x128xi32, #tpu.memory_space<hbm>>
      %dma_start3A_99 = tpu.memref_squeeze %dma_start3A_98 : memref<1x1x2x128xi32, #tpu.memory_space<hbm>> -> memref<2x128xi32, #tpu.memory_space<hbm>>
      %dma_start3A_100 = tpu.memref_slice %arg9[%dma_start3A_91] : memref<4x!tpu.dma_semaphore, #tpu.memory_space<semaphore_mem>> -> memref<1x!tpu.dma_semaphore, #tpu.memory_space<semaphore_mem>>
      %dma_start3A_101 = tpu.memref_squeeze %dma_start3A_100 : memref<1x!tpu.dma_semaphore, #tpu.memory_space<semaphore_mem>> -> memref<!tpu.dma_semaphore, #tpu.memory_space<semaphore_mem>>
      %dma_start3A_102 = arith.constant 0 : i32
      %dma_start3A_103 = arith.constant 0 : i32
      %dma_start3A_104 = tpu.memref_slice %arg6[%dma_start3A_90, %dma_start3A_102, %dma_start3A_103] : memref<4x2x128xi32, #tpu.memory_space<vmem>> -> memref<1x2x128xi32, #tpu.memory_space<vmem>>
      %dma_start3A_105 = tpu.memref_squeeze %dma_start3A_104 : memref<1x2x128xi32, #tpu.memory_space<vmem>> -> memref<2x128xi32, #tpu.memory_space<vmem>>
      %dma_start3A_106 = arith.constant 0 : i32
      %dma_start3A_107 = arith.constant 0 : i32
      %dma_start3A_108 = tpu.memref_slice %arg3[%arg1, %dma_start3A_89, %dma_start3A_106, %dma_start3A_107] : memref<16x160x2x128xi32, #tpu.memory_space<hbm>> -> memref<1x1x2x128xi32, #tpu.memory_space<hbm>>
      %dma_start3A_109 = tpu.memref_squeeze %dma_start3A_108 : memref<1x1x2x128xi32, #tpu.memory_space<hbm>> -> memref<2x128xi32, #tpu.memory_space<hbm>>
      tpu.enqueue_dma source(%dma_start3A_109 : memref<2x128xi32, #tpu.memory_space<hbm>>) target(%dma_start3A_105 : memref<2x128xi32, #tpu.memory_space<vmem>>) target_semaphore(%dma_start3A_101 : memref<!tpu.dma_semaphore, #tpu.memory_space<semaphore_mem>>)
      %dma_wait3A = arith.constant 0 : i32
      %dma_wait3A_110 = arith.constant 0 : i32
      %dma_wait3A_111 = arith.constant 0 : i32
      %dma_wait3A_112 = arith.constant 0 : i32
      %dma_wait3A_113 = arith.constant 0 : i32
      %dma_wait3A_114 = tpu.memref_slice %arg6[%dma_wait3A_110, %dma_wait3A_112, %dma_wait3A_113] : memref<4x2x128xi32, #tpu.memory_space<vmem>> -> memref<1x2x128xi32, #tpu.memory_space<vmem>>
      %dma_wait3A_115 = tpu.memref_squeeze %dma_wait3A_114 : memref<1x2x128xi32, #tpu.memory_space<vmem>> -> memref<2x128xi32, #tpu.memory_space<vmem>>
      %dma_wait3A_116 = arith.constant 0 : i32
      %dma_wait3A_117 = arith.constant 0 : i32
      %dma_wait3A_118 = tpu.memref_slice %arg3[%arg1, %dma_wait3A, %dma_wait3A_116, %dma_wait3A_117] : memref<16x160x2x128xi32, #tpu.memory_space<hbm>> -> memref<1x1x2x128xi32, #tpu.memory_space<hbm>>
      %dma_wait3A_119 = tpu.memref_squeeze %dma_wait3A_118 : memref<1x1x2x128xi32, #tpu.memory_space<hbm>> -> memref<2x128xi32, #tpu.memory_space<hbm>>
      %dma_wait3A_120 = tpu.memref_slice %arg9[%dma_wait3A_111] : memref<4x!tpu.dma_semaphore, #tpu.memory_space<semaphore_mem>> -> memref<1x!tpu.dma_semaphore, #tpu.memory_space<semaphore_mem>>
      %dma_wait3A_121 = tpu.memref_squeeze %dma_wait3A_120 : memref<1x!tpu.dma_semaphore, #tpu.memory_space<semaphore_mem>> -> memref<!tpu.dma_semaphore, #tpu.memory_space<semaphore_mem>>
      %dma_wait3A_122 = arith.constant 0 : i32
      %dma_wait3A_123 = arith.constant 0 : i32
      %dma_wait3A_124 = tpu.memref_slice %arg6[%dma_wait3A_110, %dma_wait3A_122, %dma_wait3A_123] : memref<4x2x128xi32, #tpu.memory_space<vmem>> -> memref<1x2x128xi32, #tpu.memory_space<vmem>>
      %dma_wait3A_125 = tpu.memref_squeeze %dma_wait3A_124 : memref<1x2x128xi32, #tpu.memory_space<vmem>> -> memref<2x128xi32, #tpu.memory_space<vmem>>
      %dma_wait3A_126 = arith.constant 0 : i32
      %dma_wait3A_127 = arith.constant 0 : i32
      %dma_wait3A_128 = tpu.memref_slice %arg3[%arg1, %dma_wait3A, %dma_wait3A_126, %dma_wait3A_127] : memref<16x160x2x128xi32, #tpu.memory_space<hbm>> -> memref<1x1x2x128xi32, #tpu.memory_space<hbm>>
      %dma_wait3A_129 = tpu.memref_squeeze %dma_wait3A_128 : memref<1x1x2x128xi32, #tpu.memory_space<hbm>> -> memref<2x128xi32, #tpu.memory_space<hbm>>
      tpu.wait_dma2 semaphore(%dma_wait3A_121 : memref<!tpu.dma_semaphore, #tpu.memory_space<semaphore_mem>>) src(%dma_wait3A_129 : memref<2x128xi32, #tpu.memory_space<hbm>>) dst(%dma_wait3A_125 : memref<2x128xi32, #tpu.memory_space<vmem>>)
      %dma_start3A_130 = arith.constant 0 : i32
      %dma_start3A_131 = arith.constant 0 : i32
      %dma_start3A_132 = arith.constant 0 : i32
      %dma_start3A_133 = arith.constant 0 : i32
      %dma_start3A_134 = arith.constant 0 : i32
      %dma_start3A_135 = arith.constant 0 : i32
      %dma_start3A_136 = tpu.memref_slice %arg7[%dma_start3A_132, %dma_start3A_134, %dma_start3A_135] : memref<3x128x128xf32, #tpu.memory_space<vmem>> -> memref<1x128x128xf32, #tpu.memory_space<vmem>>
      %dma_start3A_137 = tpu.memref_squeeze %dma_start3A_136 : memref<1x128x128xf32, #tpu.memory_space<vmem>> -> memref<128x128xf32, #tpu.memory_space<vmem>>
      %dma_start3A_138 = arith.constant 0 : i32
      %dma_start3A_139 = tpu.memref_slice %arg6[%dma_start3A_130, %dma_start3A_131, %dma_start3A_138] : memref<4x2x128xi32, #tpu.memory_space<vmem>> -> memref<1x1x128xi32, #tpu.memory_space<vmem>>
      %dma_start3A_140 = tpu.memref_squeeze %dma_start3A_139 : memref<1x1x128xi32, #tpu.memory_space<vmem>> -> memref<128xi32, #tpu.memory_space<vmem>>
      %dma_start3A_141 = arith.constant 0 : i32
      %dma_start3A_142 = arith.constant 0 : i32
      %dma_start3A_143 = tpu.memref_slice %arg2[%dma_start3A_141, %dma_start3A_142] : memref<10000x128xf32, #tpu.memory_space<hbm>> -> memref<10000x128xf32, #tpu.memory_space<hbm>>
      %dma_start3A_144 = tpu.memref_slice %arg10[%dma_start3A_133] : memref<3x!tpu.dma_semaphore, #tpu.memory_space<semaphore_mem>> -> memref<1x!tpu.dma_semaphore, #tpu.memory_space<semaphore_mem>>
      %dma_start3A_145 = tpu.memref_squeeze %dma_start3A_144 : memref<1x!tpu.dma_semaphore, #tpu.memory_space<semaphore_mem>> -> memref<!tpu.dma_semaphore, #tpu.memory_space<semaphore_mem>>
      tpu.enqueue_indirect_dma source(%dma_start3A_143 : memref<10000x128xf32, #tpu.memory_space<hbm>>) target(%dma_start3A_137 : memref<128x128xf32, #tpu.memory_space<vmem>>) offsets(%dma_start3A_140 : memref<128xi32, #tpu.memory_space<vmem>>) semaphore(%dma_start3A_145 : memref<!tpu.dma_semaphore, #tpu.memory_space<semaphore_mem>>)
      %dma_wait3A_146 = arith.constant 1 : i32
      %dma_wait3A_147 = arith.constant 1 : i32
      %dma_wait3A_148 = arith.constant 1 : i32
      %dma_wait3A_149 = arith.constant 0 : i32
      %dma_wait3A_150 = arith.constant 0 : i32
      %dma_wait3A_151 = tpu.memref_slice %arg6[%dma_wait3A_147, %dma_wait3A_149, %dma_wait3A_150] : memref<4x2x128xi32, #tpu.memory_space<vmem>> -> memref<1x2x128xi32, #tpu.memory_space<vmem>>
      %dma_wait3A_152 = tpu.memref_squeeze %dma_wait3A_151 : memref<1x2x128xi32, #tpu.memory_space<vmem>> -> memref<2x128xi32, #tpu.memory_space<vmem>>
      %dma_wait3A_153 = arith.constant 0 : i32
      %dma_wait3A_154 = arith.constant 0 : i32
      %dma_wait3A_155 = tpu.memref_slice %arg3[%arg1, %dma_wait3A_146, %dma_wait3A_153, %dma_wait3A_154] : memref<16x160x2x128xi32, #tpu.memory_space<hbm>> -> memref<1x1x2x128xi32, #tpu.memory_space<hbm>>
      %dma_wait3A_156 = tpu.memref_squeeze %dma_wait3A_155 : memref<1x1x2x128xi32, #tpu.memory_space<hbm>> -> memref<2x128xi32, #tpu.memory_space<hbm>>
      %dma_wait3A_157 = tpu.memref_slice %arg9[%dma_wait3A_148] : memref<4x!tpu.dma_semaphore, #tpu.memory_space<semaphore_mem>> -> memref<1x!tpu.dma_semaphore, #tpu.memory_space<semaphore_mem>>
      %dma_wait3A_158 = tpu.memref_squeeze %dma_wait3A_157 : memref<1x!tpu.dma_semaphore, #tpu.memory_space<semaphore_mem>> -> memref<!tpu.dma_semaphore, #tpu.memory_space<semaphore_mem>>
      %dma_wait3A_159 = arith.constant 0 : i32
      %dma_wait3A_160 = arith.constant 0 : i32
      %dma_wait3A_161 = tpu.memref_slice %arg6[%dma_wait3A_147, %dma_wait3A_159, %dma_wait3A_160] : memref<4x2x128xi32, #tpu.memory_space<vmem>> -> memref<1x2x128xi32, #tpu.memory_space<vmem>>
      %dma_wait3A_162 = tpu.memref_squeeze %dma_wait3A_161 : memref<1x2x128xi32, #tpu.memory_space<vmem>> -> memref<2x128xi32, #tpu.memory_space<vmem>>
      %dma_wait3A_163 = arith.constant 0 : i32
      %dma_wait3A_164 = arith.constant 0 : i32
      %dma_wait3A_165 = tpu.memref_slice %arg3[%arg1, %dma_wait3A_146, %dma_wait3A_163, %dma_wait3A_164] : memref<16x160x2x128xi32, #tpu.memory_space<hbm>> -> memref<1x1x2x128xi32, #tpu.memory_space<hbm>>
      %dma_wait3A_166 = tpu.memref_squeeze %dma_wait3A_165 : memref<1x1x2x128xi32, #tpu.memory_space<hbm>> -> memref<2x128xi32, #tpu.memory_space<hbm>>
      tpu.wait_dma2 semaphore(%dma_wait3A_158 : memref<!tpu.dma_semaphore, #tpu.memory_space<semaphore_mem>>) src(%dma_wait3A_166 : memref<2x128xi32, #tpu.memory_space<hbm>>) dst(%dma_wait3A_162 : memref<2x128xi32, #tpu.memory_space<vmem>>)
      %dma_start3A_167 = arith.constant 1 : i32
      %dma_start3A_168 = arith.constant 0 : i32
      %dma_start3A_169 = arith.constant 1 : i32
      %dma_start3A_170 = arith.constant 1 : i32
      %dma_start3A_171 = arith.constant 0 : i32
      %dma_start3A_172 = arith.constant 0 : i32
      %dma_start3A_173 = tpu.memref_slice %arg7[%dma_start3A_169, %dma_start3A_171, %dma_start3A_172] : memref<3x128x128xf32, #tpu.memory_space<vmem>> -> memref<1x128x128xf32, #tpu.memory_space<vmem>>
      %dma_start3A_174 = tpu.memref_squeeze %dma_start3A_173 : memref<1x128x128xf32, #tpu.memory_space<vmem>> -> memref<128x128xf32, #tpu.memory_space<vmem>>
      %dma_start3A_175 = arith.constant 0 : i32
      %dma_start3A_176 = tpu.memref_slice %arg6[%dma_start3A_167, %dma_start3A_168, %dma_start3A_175] : memref<4x2x128xi32, #tpu.memory_space<vmem>> -> memref<1x1x128xi32, #tpu.memory_space<vmem>>
      %dma_start3A_177 = tpu.memref_squeeze %dma_start3A_176 : memref<1x1x128xi32, #tpu.memory_space<vmem>> -> memref<128xi32, #tpu.memory_space<vmem>>
      %dma_start3A_178 = arith.constant 0 : i32
      %dma_start3A_179 = arith.constant 0 : i32
      %dma_start3A_180 = tpu.memref_slice %arg2[%dma_start3A_178, %dma_start3A_179] : memref<10000x128xf32, #tpu.memory_space<hbm>> -> memref<10000x128xf32, #tpu.memory_space<hbm>>
      %dma_start3A_181 = tpu.memref_slice %arg10[%dma_start3A_170] : memref<3x!tpu.dma_semaphore, #tpu.memory_space<semaphore_mem>> -> memref<1x!tpu.dma_semaphore, #tpu.memory_space<semaphore_mem>>
      %dma_start3A_182 = tpu.memref_squeeze %dma_start3A_181 : memref<1x!tpu.dma_semaphore, #tpu.memory_space<semaphore_mem>> -> memref<!tpu.dma_semaphore, #tpu.memory_space<semaphore_mem>>
      tpu.enqueue_indirect_dma source(%dma_start3A_180 : memref<10000x128xf32, #tpu.memory_space<hbm>>) target(%dma_start3A_174 : memref<128x128xf32, #tpu.memory_space<vmem>>) offsets(%dma_start3A_177 : memref<128xi32, #tpu.memory_space<vmem>>) semaphore(%dma_start3A_182 : memref<!tpu.dma_semaphore, #tpu.memory_space<semaphore_mem>>)
      %scan3A = arith.constant 0 : i32
      %scan3A_183 = arith.constant 0 : i32
      %scan3A_184 = arith.constant 115 : i32
      %scan3A_185 = arith.addi %scan3A_183, %scan3A_184 : i32
      %scan3A_186 = arith.constant 1 : i32
      scf.for %scan3A_206 = %scan3A_183 to %scan3A_185 step %scan3A_186  : i32 {
        %rem3A_207 = arith.constant 3 : i32
        %rem3A_208 = arith.remsi %scan3A_206, %rem3A_207 : i32
        %add3A = arith.constant 2 : i32
        %add3A_209 = arith.addi %scan3A_206, %add3A : i32
        %rem3A_210 = arith.constant 3 : i32
        %rem3A_211 = arith.remsi %add3A_209, %rem3A_210 : i32
        %rem3A_212 = arith.constant 4 : i32
        %rem3A_213 = arith.remsi %scan3A_206, %rem3A_212 : i32
        %add3A_214 = arith.constant 2 : i32
        %add3A_215 = arith.addi %scan3A_206, %add3A_214 : i32
        %rem3A_216 = arith.constant 4 : i32
        %rem3A_217 = arith.remsi %add3A_215, %rem3A_216 : i32
        %add3A_218 = arith.constant 3 : i32
        %add3A_219 = arith.addi %scan3A_206, %add3A_218 : i32
        %rem3A_220 = arith.constant 4 : i32
        %rem3A_221 = arith.remsi %add3A_219, %rem3A_220 : i32
        %dma_wait3A_222 = arith.constant 0 : i32
        %dma_wait3A_223 = arith.constant 0 : i32
        %dma_wait3A_224 = arith.constant 0 : i32
        %dma_wait3A_225 = tpu.memref_slice %arg7[%rem3A_208, %dma_wait3A_223, %dma_wait3A_224] : memref<3x128x128xf32, #tpu.memory_space<vmem>> -> memref<1x128x128xf32, #tpu.memory_space<vmem>>
        %dma_wait3A_226 = tpu.memref_squeeze %dma_wait3A_225 : memref<1x128x128xf32, #tpu.memory_space<vmem>> -> memref<128x128xf32, #tpu.memory_space<vmem>>
        %dma_wait3A_227 = arith.constant 0 : i32
        %dma_wait3A_228 = tpu.memref_slice %arg6[%rem3A_213, %dma_wait3A_222, %dma_wait3A_227] : memref<4x2x128xi32, #tpu.memory_space<vmem>> -> memref<1x1x128xi32, #tpu.memory_space<vmem>>
        %dma_wait3A_229 = tpu.memref_squeeze %dma_wait3A_228 : memref<1x1x128xi32, #tpu.memory_space<vmem>> -> memref<128xi32, #tpu.memory_space<vmem>>
        %dma_wait3A_230 = arith.constant 0 : i32
        %dma_wait3A_231 = arith.constant 0 : i32
        %dma_wait3A_232 = tpu.memref_slice %arg2[%dma_wait3A_230, %dma_wait3A_231] : memref<10000x128xf32, #tpu.memory_space<hbm>> -> memref<10000x128xf32, #tpu.memory_space<hbm>>
        %dma_wait3A_233 = tpu.memref_slice %arg10[%rem3A_208] : memref<3x!tpu.dma_semaphore, #tpu.memory_space<semaphore_mem>> -> memref<1x!tpu.dma_semaphore, #tpu.memory_space<semaphore_mem>>
        %dma_wait3A_234 = tpu.memref_squeeze %dma_wait3A_233 : memref<1x!tpu.dma_semaphore, #tpu.memory_space<semaphore_mem>> -> memref<!tpu.dma_semaphore, #tpu.memory_space<semaphore_mem>>
        tpu.wait_indirect_dma semaphore(%dma_wait3A_234 : memref<!tpu.dma_semaphore, #tpu.memory_space<semaphore_mem>>) src(%dma_wait3A_232 : memref<10000x128xf32, #tpu.memory_space<hbm>>) dst(%dma_wait3A_226 : memref<128x128xf32, #tpu.memory_space<vmem>>)
        %dma_start3A_235 = arith.constant 1 : i32
        %dma_start3A_236 = arith.constant 0 : i32
        %dma_start3A_237 = arith.constant 0 : i32
        %dma_start3A_238 = tpu.memref_slice %arg7[%rem3A_208, %dma_start3A_236, %dma_start3A_237] : memref<3x128x128xf32, #tpu.memory_space<vmem>> -> memref<1x128x128xf32, #tpu.memory_space<vmem>>
        %dma_start3A_239 = tpu.memref_squeeze %dma_start3A_238 : memref<1x128x128xf32, #tpu.memory_space<vmem>> -> memref<128x128xf32, #tpu.memory_space<vmem>>
        %dma_start3A_240 = arith.constant 0 : i32
        %dma_start3A_241 = tpu.memref_slice %arg6[%rem3A_213, %dma_start3A_235, %dma_start3A_240] : memref<4x2x128xi32, #tpu.memory_space<vmem>> -> memref<1x1x128xi32, #tpu.memory_space<vmem>>
        %dma_start3A_242 = tpu.memref_squeeze %dma_start3A_241 : memref<1x1x128xi32, #tpu.memory_space<vmem>> -> memref<128xi32, #tpu.memory_space<vmem>>
        %dma_start3A_243 = arith.constant 0 : i32
        %dma_start3A_244 = arith.constant 0 : i32
        %dma_start3A_245 = tpu.memref_slice %arg8[%dma_start3A_243, %dma_start3A_244] : memref<10016x128xf32, #tpu.memory_space<vmem_shared>> -> memref<10016x128xf32, #tpu.memory_space<vmem_shared>>
        %dma_start3A_246 = tpu.memref_slice %arg11[%rem3A_208] : memref<3x!tpu.dma_semaphore, #tpu.memory_space<semaphore_mem>> -> memref<1x!tpu.dma_semaphore, #tpu.memory_space<semaphore_mem>>
        %dma_start3A_247 = tpu.memref_squeeze %dma_start3A_246 : memref<1x!tpu.dma_semaphore, #tpu.memory_space<semaphore_mem>> -> memref<!tpu.dma_semaphore, #tpu.memory_space<semaphore_mem>>
        tpu.enqueue_indirect_dma source(%dma_start3A_239 : memref<128x128xf32, #tpu.memory_space<vmem>>) target(%dma_start3A_245 : memref<10016x128xf32, #tpu.memory_space<vmem_shared>>) offsets(%dma_start3A_242 : memref<128xi32, #tpu.memory_space<vmem>>) semaphore(%dma_start3A_247 : memref<!tpu.dma_semaphore, #tpu.memory_space<semaphore_mem>>) {add = true}
        %ge3A = arith.constant 1 : i32
        %ge3A_248 = arith.cmpi sge, %scan3A_206, %ge3A : i32
        %convert_element_type3A_249 = arith.extui %ge3A_248 : i1 to i32
        %cond3A_250 = arith.constant 0 : i32
        %cond3A_251 = arith.cmpi ne, %convert_element_type3A_249, %cond3A_250 : i32
        scf.if %cond3A_251 {
          %dma_wait3A_268 = arith.constant 1 : i32
          %dma_wait3A_269 = arith.constant 0 : i32
          %dma_wait3A_270 = arith.constant 0 : i32
          %dma_wait3A_271 = tpu.memref_slice %arg7[%rem3A_211, %dma_wait3A_269, %dma_wait3A_270] : memref<3x128x128xf32, #tpu.memory_space<vmem>> -> memref<1x128x128xf32, #tpu.memory_space<vmem>>
          %dma_wait3A_272 = tpu.memref_squeeze %dma_wait3A_271 : memref<1x128x128xf32, #tpu.memory_space<vmem>> -> memref<128x128xf32, #tpu.memory_space<vmem>>
          %dma_wait3A_273 = arith.constant 0 : i32
          %dma_wait3A_274 = tpu.memref_slice %arg6[%rem3A_221, %dma_wait3A_268, %dma_wait3A_273] : memref<4x2x128xi32, #tpu.memory_space<vmem>> -> memref<1x1x128xi32, #tpu.memory_space<vmem>>
          %dma_wait3A_275 = tpu.memref_squeeze %dma_wait3A_274 : memref<1x1x128xi32, #tpu.memory_space<vmem>> -> memref<128xi32, #tpu.memory_space<vmem>>
          %dma_wait3A_276 = arith.constant 0 : i32
          %dma_wait3A_277 = arith.constant 0 : i32
          %dma_wait3A_278 = tpu.memref_slice %arg8[%dma_wait3A_276, %dma_wait3A_277] : memref<10016x128xf32, #tpu.memory_space<vmem_shared>> -> memref<10016x128xf32, #tpu.memory_space<vmem_shared>>
          %dma_wait3A_279 = tpu.memref_slice %arg11[%rem3A_211] : memref<3x!tpu.dma_semaphore, #tpu.memory_space<semaphore_mem>> -> memref<1x!tpu.dma_semaphore, #tpu.memory_space<semaphore_mem>>
          %dma_wait3A_280 = tpu.memref_squeeze %dma_wait3A_279 : memref<1x!tpu.dma_semaphore, #tpu.memory_space<semaphore_mem>> -> memref<!tpu.dma_semaphore, #tpu.memory_space<semaphore_mem>>
          tpu.wait_indirect_dma semaphore(%dma_wait3A_280 : memref<!tpu.dma_semaphore, #tpu.memory_space<semaphore_mem>>) src(%dma_wait3A_272 : memref<128x128xf32, #tpu.memory_space<vmem>>) dst(%dma_wait3A_278 : memref<10016x128xf32, #tpu.memory_space<vmem_shared>>)
        } else {
        }
        %ge3A_252 = arith.constant 1 : i32
        %ge3A_253 = arith.cmpi sge, %scan3A_206, %ge3A_252 : i32
        %add3A_254 = arith.constant 3 : i32
        %add3A_255 = arith.addi %scan3A_206, %add3A_254 : i32
        %lt3A_256 = arith.constant 115 : i32
        %lt3A_257 = arith.cmpi slt, %add3A_255, %lt3A_256 : i32
        %and3A = arith.andi %ge3A_253, %lt3A_257 : i1
        %convert_element_type3A_258 = arith.extui %and3A : i1 to i32
        %cond3A_259 = arith.constant 0 : i32
        %cond3A_260 = arith.cmpi ne, %convert_element_type3A_258, %cond3A_259 : i32
        scf.if %cond3A_260 {
          %add3A_268 = arith.constant 0 : i32
          %add3A_269 = arith.addi %add3A_268, %scan3A_206 : i32
          %add3A_270 = arith.constant 3 : i32
          %add3A_271 = arith.addi %add3A_269, %add3A_270 : i32
          %dma_start3A_272 = arith.constant 0 : i32
          %dma_start3A_273 = arith.constant 0 : i32
          %dma_start3A_274 = tpu.memref_slice %arg6[%rem3A_221, %dma_start3A_272, %dma_start3A_273] : memref<4x2x128xi32, #tpu.memory_space<vmem>> -> memref<1x2x128xi32, #tpu.memory_space<vmem>>
          %dma_start3A_275 = tpu.memref_squeeze %dma_start3A_274 : memref<1x2x128xi32, #tpu.memory_space<vmem>> -> memref<2x128xi32, #tpu.memory_space<vmem>>
          %dma_start3A_276 = arith.constant 0 : i32
          %dma_start3A_277 = arith.constant 0 : i32
          %dma_start3A_278 = tpu.memref_slice %arg3[%arg1, %add3A_271, %dma_start3A_276, %dma_start3A_277] : memref<16x160x2x128xi32, #tpu.memory_space<hbm>> -> memref<1x1x2x128xi32, #tpu.memory_space<hbm>>
          %dma_start3A_279 = tpu.memref_squeeze %dma_start3A_278 : memref<1x1x2x128xi32, #tpu.memory_space<hbm>> -> memref<2x128xi32, #tpu.memory_space<hbm>>
          %dma_start3A_280 = tpu.memref_slice %arg9[%rem3A_221] : memref<4x!tpu.dma_semaphore, #tpu.memory_space<semaphore_mem>> -> memref<1x!tpu.dma_semaphore, #tpu.memory_space<semaphore_mem>>
          %dma_start3A_281 = tpu.memref_squeeze %dma_start3A_280 : memref<1x!tpu.dma_semaphore, #tpu.memory_space<semaphore_mem>> -> memref<!tpu.dma_semaphore, #tpu.memory_space<semaphore_mem>>
          %dma_start3A_282 = arith.constant 0 : i32
          %dma_start3A_283 = arith.constant 0 : i32
          %dma_start3A_284 = tpu.memref_slice %arg6[%rem3A_221, %dma_start3A_282, %dma_start3A_283] : memref<4x2x128xi32, #tpu.memory_space<vmem>> -> memref<1x2x128xi32, #tpu.memory_space<vmem>>
          %dma_start3A_285 = tpu.memref_squeeze %dma_start3A_284 : memref<1x2x128xi32, #tpu.memory_space<vmem>> -> memref<2x128xi32, #tpu.memory_space<vmem>>
          %dma_start3A_286 = arith.constant 0 : i32
          %dma_start3A_287 = arith.constant 0 : i32
          %dma_start3A_288 = tpu.memref_slice %arg3[%arg1, %add3A_271, %dma_start3A_286, %dma_start3A_287] : memref<16x160x2x128xi32, #tpu.memory_space<hbm>> -> memref<1x1x2x128xi32, #tpu.memory_space<hbm>>
          %dma_start3A_289 = tpu.memref_squeeze %dma_start3A_288 : memref<1x1x2x128xi32, #tpu.memory_space<hbm>> -> memref<2x128xi32, #tpu.memory_space<hbm>>
          tpu.enqueue_dma source(%dma_start3A_289 : memref<2x128xi32, #tpu.memory_space<hbm>>) target(%dma_start3A_285 : memref<2x128xi32, #tpu.memory_space<vmem>>) target_semaphore(%dma_start3A_281 : memref<!tpu.dma_semaphore, #tpu.memory_space<semaphore_mem>>)
        } else {
        }
        %add3A_261 = arith.constant 2 : i32
        %add3A_262 = arith.addi %scan3A_206, %add3A_261 : i32
        %lt3A_263 = arith.constant 115 : i32
        %lt3A_264 = arith.cmpi slt, %add3A_262, %lt3A_263 : i32
        %convert_element_type3A_265 = arith.extui %lt3A_264 : i1 to i32
        %cond3A_266 = arith.constant 0 : i32
        %cond3A_267 = arith.cmpi ne, %convert_element_type3A_265, %cond3A_266 : i32
        scf.if %cond3A_267 {
          %add3A_268 = arith.constant 0 : i32
          %add3A_269 = arith.addi %add3A_268, %scan3A_206 : i32
          %add3A_270 = arith.constant 2 : i32
          %add3A_271 = arith.addi %add3A_269, %add3A_270 : i32
          %dma_wait3A_272 = arith.constant 0 : i32
          %dma_wait3A_273 = arith.constant 0 : i32
          %dma_wait3A_274 = tpu.memref_slice %arg6[%rem3A_217, %dma_wait3A_272, %dma_wait3A_273] : memref<4x2x128xi32, #tpu.memory_space<vmem>> -> memref<1x2x128xi32, #tpu.memory_space<vmem>>
          %dma_wait3A_275 = tpu.memref_squeeze %dma_wait3A_274 : memref<1x2x128xi32, #tpu.memory_space<vmem>> -> memref<2x128xi32, #tpu.memory_space<vmem>>
          %dma_wait3A_276 = arith.constant 0 : i32
          %dma_wait3A_277 = arith.constant 0 : i32
          %dma_wait3A_278 = tpu.memref_slice %arg3[%arg1, %add3A_271, %dma_wait3A_276, %dma_wait3A_277] : memref<16x160x2x128xi32, #tpu.memory_space<hbm>> -> memref<1x1x2x128xi32, #tpu.memory_space<hbm>>
          %dma_wait3A_279 = tpu.memref_squeeze %dma_wait3A_278 : memref<1x1x2x128xi32, #tpu.memory_space<hbm>> -> memref<2x128xi32, #tpu.memory_space<hbm>>
          %dma_wait3A_280 = tpu.memref_slice %arg9[%rem3A_217] : memref<4x!tpu.dma_semaphore, #tpu.memory_space<semaphore_mem>> -> memref<1x!tpu.dma_semaphore, #tpu.memory_space<semaphore_mem>>
          %dma_wait3A_281 = tpu.memref_squeeze %dma_wait3A_280 : memref<1x!tpu.dma_semaphore, #tpu.memory_space<semaphore_mem>> -> memref<!tpu.dma_semaphore, #tpu.memory_space<semaphore_mem>>
          %dma_wait3A_282 = arith.constant 0 : i32
          %dma_wait3A_283 = arith.constant 0 : i32
          %dma_wait3A_284 = tpu.memref_slice %arg6[%rem3A_217, %dma_wait3A_282, %dma_wait3A_283] : memref<4x2x128xi32, #tpu.memory_space<vmem>> -> memref<1x2x128xi32, #tpu.memory_space<vmem>>
          %dma_wait3A_285 = tpu.memref_squeeze %dma_wait3A_284 : memref<1x2x128xi32, #tpu.memory_space<vmem>> -> memref<2x128xi32, #tpu.memory_space<vmem>>
          %dma_wait3A_286 = arith.constant 0 : i32
          %dma_wait3A_287 = arith.constant 0 : i32
          %dma_wait3A_288 = tpu.memref_slice %arg3[%arg1, %add3A_271, %dma_wait3A_286, %dma_wait3A_287] : memref<16x160x2x128xi32, #tpu.memory_space<hbm>> -> memref<1x1x2x128xi32, #tpu.memory_space<hbm>>
          %dma_wait3A_289 = tpu.memref_squeeze %dma_wait3A_288 : memref<1x1x2x128xi32, #tpu.memory_space<hbm>> -> memref<2x128xi32, #tpu.memory_space<hbm>>
          tpu.wait_dma2 semaphore(%dma_wait3A_281 : memref<!tpu.dma_semaphore, #tpu.memory_space<semaphore_mem>>) src(%dma_wait3A_289 : memref<2x128xi32, #tpu.memory_space<hbm>>) dst(%dma_wait3A_285 : memref<2x128xi32, #tpu.memory_space<vmem>>)
          %dma_start3A_290 = arith.constant 0 : i32
          %dma_start3A_291 = arith.constant 0 : i32
          %dma_start3A_292 = arith.constant 0 : i32
          %dma_start3A_293 = tpu.memref_slice %arg7[%rem3A_211, %dma_start3A_291, %dma_start3A_292] : memref<3x128x128xf32, #tpu.memory_space<vmem>> -> memref<1x128x128xf32, #tpu.memory_space<vmem>>
          %dma_start3A_294 = tpu.memref_squeeze %dma_start3A_293 : memref<1x128x128xf32, #tpu.memory_space<vmem>> -> memref<128x128xf32, #tpu.memory_space<vmem>>
          %dma_start3A_295 = arith.constant 0 : i32
          %dma_start3A_296 = tpu.memref_slice %arg6[%rem3A_217, %dma_start3A_290, %dma_start3A_295] : memref<4x2x128xi32, #tpu.memory_space<vmem>> -> memref<1x1x128xi32, #tpu.memory_space<vmem>>
          %dma_start3A_297 = tpu.memref_squeeze %dma_start3A_296 : memref<1x1x128xi32, #tpu.memory_space<vmem>> -> memref<128xi32, #tpu.memory_space<vmem>>
          %dma_start3A_298 = arith.constant 0 : i32
          %dma_start3A_299 = arith.constant 0 : i32
          %dma_start3A_300 = tpu.memref_slice %arg2[%dma_start3A_298, %dma_start3A_299] : memref<10000x128xf32, #tpu.memory_space<hbm>> -> memref<10000x128xf32, #tpu.memory_space<hbm>>
          %dma_start3A_301 = tpu.memref_slice %arg10[%rem3A_211] : memref<3x!tpu.dma_semaphore, #tpu.memory_space<semaphore_mem>> -> memref<1x!tpu.dma_semaphore, #tpu.memory_space<semaphore_mem>>
          %dma_start3A_302 = tpu.memref_squeeze %dma_start3A_301 : memref<1x!tpu.dma_semaphore, #tpu.memory_space<semaphore_mem>> -> memref<!tpu.dma_semaphore, #tpu.memory_space<semaphore_mem>>
          tpu.enqueue_indirect_dma source(%dma_start3A_300 : memref<10000x128xf32, #tpu.memory_space<hbm>>) target(%dma_start3A_294 : memref<128x128xf32, #tpu.memory_space<vmem>>) offsets(%dma_start3A_297 : memref<128xi32, #tpu.memory_space<vmem>>) semaphore(%dma_start3A_302 : memref<!tpu.dma_semaphore, #tpu.memory_space<semaphore_mem>>)
        } else {
        }
      }
      %scan3A_187 = arith.constant 115 : i32
      %rem3A = arith.constant 114 : i32
      %rem3A_188 = arith.constant 4 : i32
      %rem3A_189 = arith.remsi %rem3A, %rem3A_188 : i32
      %rem3A_190 = arith.constant 114 : i32
      %rem3A_191 = arith.constant 3 : i32
      %rem3A_192 = arith.remsi %rem3A_190, %rem3A_191 : i32
      %dma_wait3A_193 = arith.constant 1 : i32
      %dma_wait3A_194 = arith.constant 0 : i32
      %dma_wait3A_195 = arith.constant 0 : i32
      %dma_wait3A_196 = tpu.memref_slice %arg7[%rem3A_192, %dma_wait3A_194, %dma_wait3A_195] : memref<3x128x128xf32, #tpu.memory_space<vmem>> -> memref<1x128x128xf32, #tpu.memory_space<vmem>>
      %dma_wait3A_197 = tpu.memref_squeeze %dma_wait3A_196 : memref<1x128x128xf32, #tpu.memory_space<vmem>> -> memref<128x128xf32, #tpu.memory_space<vmem>>
      %dma_wait3A_198 = arith.constant 0 : i32
      %dma_wait3A_199 = tpu.memref_slice %arg6[%rem3A_189, %dma_wait3A_193, %dma_wait3A_198] : memref<4x2x128xi32, #tpu.memory_space<vmem>> -> memref<1x1x128xi32, #tpu.memory_space<vmem>>
      %dma_wait3A_200 = tpu.memref_squeeze %dma_wait3A_199 : memref<1x1x128xi32, #tpu.memory_space<vmem>> -> memref<128xi32, #tpu.memory_space<vmem>>
      %dma_wait3A_201 = arith.constant 0 : i32
      %dma_wait3A_202 = arith.constant 0 : i32
      %dma_wait3A_203 = tpu.memref_slice %arg8[%dma_wait3A_201, %dma_wait3A_202] : memref<10016x128xf32, #tpu.memory_space<vmem_shared>> -> memref<10016x128xf32, #tpu.memory_space<vmem_shared>>
      %dma_wait3A_204 = tpu.memref_slice %arg11[%rem3A_192] : memref<3x!tpu.dma_semaphore, #tpu.memory_space<semaphore_mem>> -> memref<1x!tpu.dma_semaphore, #tpu.memory_space<semaphore_mem>>
      %dma_wait3A_205 = tpu.memref_squeeze %dma_wait3A_204 : memref<1x!tpu.dma_semaphore, #tpu.memory_space<semaphore_mem>> -> memref<!tpu.dma_semaphore, #tpu.memory_space<semaphore_mem>>
      tpu.wait_indirect_dma semaphore(%dma_wait3A_205 : memref<!tpu.dma_semaphore, #tpu.memory_space<semaphore_mem>>) src(%dma_wait3A_197 : memref<128x128xf32, #tpu.memory_space<vmem>>) dst(%dma_wait3A_203 : memref<10016x128xf32, #tpu.memory_space<vmem_shared>>)
    } else {
    }
    %eq3A_11 = arith.constant 1 : i32
    %eq3A_12 = arith.cmpi eq, %arg0, %eq3A_11 : i32
    %convert_element_type3A_13 = arith.extui %eq3A_12 : i1 to i32
    %cond3A_14 = arith.constant 0 : i32
    %cond3A_15 = arith.cmpi ne, %convert_element_type3A_13, %cond3A_14 : i32
    scf.if %cond3A_15 {
      %dma_start3A = arith.constant 115 : i32
      %dma_start3A_27 = arith.constant 0 : i32
      %dma_start3A_28 = arith.constant 0 : i32
      %dma_start3A_29 = arith.constant 0 : i32
      %dma_start3A_30 = arith.constant 0 : i32
      %dma_start3A_31 = tpu.memref_slice %arg6[%dma_start3A_27, %dma_start3A_29, %dma_start3A_30] : memref<4x2x128xi32, #tpu.memory_space<vmem>> -> memref<1x2x128xi32, #tpu.memory_space<vmem>>
      %dma_start3A_32 = tpu.memref_squeeze %dma_start3A_31 : memref<1x2x128xi32, #tpu.memory_space<vmem>> -> memref<2x128xi32, #tpu.memory_space<vmem>>
      %dma_start3A_33 = arith.constant 0 : i32
      %dma_start3A_34 = arith.constant 0 : i32
      %dma_start3A_35 = tpu.memref_slice %arg3[%arg1, %dma_start3A, %dma_start3A_33, %dma_start3A_34] : memref<16x160x2x128xi32, #tpu.memory_space<hbm>> -> memref<1x1x2x128xi32, #tpu.memory_space<hbm>>
      %dma_start3A_36 = tpu.memref_squeeze %dma_start3A_35 : memref<1x1x2x128xi32, #tpu.memory_space<hbm>> -> memref<2x128xi32, #tpu.memory_space<hbm>>
      %dma_start3A_37 = tpu.memref_slice %arg9[%dma_start3A_28] : memref<4x!tpu.dma_semaphore, #tpu.memory_space<semaphore_mem>> -> memref<1x!tpu.dma_semaphore, #tpu.memory_space<semaphore_mem>>
      %dma_start3A_38 = tpu.memref_squeeze %dma_start3A_37 : memref<1x!tpu.dma_semaphore, #tpu.memory_space<semaphore_mem>> -> memref<!tpu.dma_semaphore, #tpu.memory_space<semaphore_mem>>
      %dma_start3A_39 = arith.constant 0 : i32
      %dma_start3A_40 = arith.constant 0 : i32
      %dma_start3A_41 = tpu.memref_slice %arg6[%dma_start3A_27, %dma_start3A_39, %dma_start3A_40] : memref<4x2x128xi32, #tpu.memory_space<vmem>> -> memref<1x2x128xi32, #tpu.memory_space<vmem>>
      %dma_start3A_42 = tpu.memref_squeeze %dma_start3A_41 : memref<1x2x128xi32, #tpu.memory_space<vmem>> -> memref<2x128xi32, #tpu.memory_space<vmem>>
      %dma_start3A_43 = arith.constant 0 : i32
      %dma_start3A_44 = arith.constant 0 : i32
      %dma_start3A_45 = tpu.memref_slice %arg3[%arg1, %dma_start3A, %dma_start3A_43, %dma_start3A_44] : memref<16x160x2x128xi32, #tpu.memory_space<hbm>> -> memref<1x1x2x128xi32, #tpu.memory_space<hbm>>
      %dma_start3A_46 = tpu.memref_squeeze %dma_start3A_45 : memref<1x1x2x128xi32, #tpu.memory_space<hbm>> -> memref<2x128xi32, #tpu.memory_space<hbm>>
      tpu.enqueue_dma source(%dma_start3A_46 : memref<2x128xi32, #tpu.memory_space<hbm>>) target(%dma_start3A_42 : memref<2x128xi32, #tpu.memory_space<vmem>>) target_semaphore(%dma_start3A_38 : memref<!tpu.dma_semaphore, #tpu.memory_space<semaphore_mem>>)
      %dma_start3A_47 = arith.constant 116 : i32
      %dma_start3A_48 = arith.constant 1 : i32
      %dma_start3A_49 = arith.constant 1 : i32
      %dma_start3A_50 = arith.constant 0 : i32
      %dma_start3A_51 = arith.constant 0 : i32
      %dma_start3A_52 = tpu.memref_slice %arg6[%dma_start3A_48, %dma_start3A_50, %dma_start3A_51] : memref<4x2x128xi32, #tpu.memory_space<vmem>> -> memref<1x2x128xi32, #tpu.memory_space<vmem>>
      %dma_start3A_53 = tpu.memref_squeeze %dma_start3A_52 : memref<1x2x128xi32, #tpu.memory_space<vmem>> -> memref<2x128xi32, #tpu.memory_space<vmem>>
      %dma_start3A_54 = arith.constant 0 : i32
      %dma_start3A_55 = arith.constant 0 : i32
      %dma_start3A_56 = tpu.memref_slice %arg3[%arg1, %dma_start3A_47, %dma_start3A_54, %dma_start3A_55] : memref<16x160x2x128xi32, #tpu.memory_space<hbm>> -> memref<1x1x2x128xi32, #tpu.memory_space<hbm>>
      %dma_start3A_57 = tpu.memref_squeeze %dma_start3A_56 : memref<1x1x2x128xi32, #tpu.memory_space<hbm>> -> memref<2x128xi32, #tpu.memory_space<hbm>>
      %dma_start3A_58 = tpu.memref_slice %arg9[%dma_start3A_49] : memref<4x!tpu.dma_semaphore, #tpu.memory_space<semaphore_mem>> -> memref<1x!tpu.dma_semaphore, #tpu.memory_space<semaphore_mem>>
      %dma_start3A_59 = tpu.memref_squeeze %dma_start3A_58 : memref<1x!tpu.dma_semaphore, #tpu.memory_space<semaphore_mem>> -> memref<!tpu.dma_semaphore, #tpu.memory_space<semaphore_mem>>
      %dma_start3A_60 = arith.constant 0 : i32
      %dma_start3A_61 = arith.constant 0 : i32
      %dma_start3A_62 = tpu.memref_slice %arg6[%dma_start3A_48, %dma_start3A_60, %dma_start3A_61] : memref<4x2x128xi32, #tpu.memory_space<vmem>> -> memref<1x2x128xi32, #tpu.memory_space<vmem>>
      %dma_start3A_63 = tpu.memref_squeeze %dma_start3A_62 : memref<1x2x128xi32, #tpu.memory_space<vmem>> -> memref<2x128xi32, #tpu.memory_space<vmem>>
      %dma_start3A_64 = arith.constant 0 : i32
      %dma_start3A_65 = arith.constant 0 : i32
      %dma_start3A_66 = tpu.memref_slice %arg3[%arg1, %dma_start3A_47, %dma_start3A_64, %dma_start3A_65] : memref<16x160x2x128xi32, #tpu.memory_space<hbm>> -> memref<1x1x2x128xi32, #tpu.memory_space<hbm>>
      %dma_start3A_67 = tpu.memref_squeeze %dma_start3A_66 : memref<1x1x2x128xi32, #tpu.memory_space<hbm>> -> memref<2x128xi32, #tpu.memory_space<hbm>>
      tpu.enqueue_dma source(%dma_start3A_67 : memref<2x128xi32, #tpu.memory_space<hbm>>) target(%dma_start3A_63 : memref<2x128xi32, #tpu.memory_space<vmem>>) target_semaphore(%dma_start3A_59 : memref<!tpu.dma_semaphore, #tpu.memory_space<semaphore_mem>>)
      %dma_start3A_68 = arith.constant 117 : i32
      %dma_start3A_69 = arith.constant 2 : i32
      %dma_start3A_70 = arith.constant 2 : i32
      %dma_start3A_71 = arith.constant 0 : i32
      %dma_start3A_72 = arith.constant 0 : i32
      %dma_start3A_73 = tpu.memref_slice %arg6[%dma_start3A_69, %dma_start3A_71, %dma_start3A_72] : memref<4x2x128xi32, #tpu.memory_space<vmem>> -> memref<1x2x128xi32, #tpu.memory_space<vmem>>
      %dma_start3A_74 = tpu.memref_squeeze %dma_start3A_73 : memref<1x2x128xi32, #tpu.memory_space<vmem>> -> memref<2x128xi32, #tpu.memory_space<vmem>>
      %dma_start3A_75 = arith.constant 0 : i32
      %dma_start3A_76 = arith.constant 0 : i32
      %dma_start3A_77 = tpu.memref_slice %arg3[%arg1, %dma_start3A_68, %dma_start3A_75, %dma_start3A_76] : memref<16x160x2x128xi32, #tpu.memory_space<hbm>> -> memref<1x1x2x128xi32, #tpu.memory_space<hbm>>
      %dma_start3A_78 = tpu.memref_squeeze %dma_start3A_77 : memref<1x1x2x128xi32, #tpu.memory_space<hbm>> -> memref<2x128xi32, #tpu.memory_space<hbm>>
      %dma_start3A_79 = tpu.memref_slice %arg9[%dma_start3A_70] : memref<4x!tpu.dma_semaphore, #tpu.memory_space<semaphore_mem>> -> memref<1x!tpu.dma_semaphore, #tpu.memory_space<semaphore_mem>>
      %dma_start3A_80 = tpu.memref_squeeze %dma_start3A_79 : memref<1x!tpu.dma_semaphore, #tpu.memory_space<semaphore_mem>> -> memref<!tpu.dma_semaphore, #tpu.memory_space<semaphore_mem>>
      %dma_start3A_81 = arith.constant 0 : i32
      %dma_start3A_82 = arith.constant 0 : i32
      %dma_start3A_83 = tpu.memref_slice %arg6[%dma_start3A_69, %dma_start3A_81, %dma_start3A_82] : memref<4x2x128xi32, #tpu.memory_space<vmem>> -> memref<1x2x128xi32, #tpu.memory_space<vmem>>
      %dma_start3A_84 = tpu.memref_squeeze %dma_start3A_83 : memref<1x2x128xi32, #tpu.memory_space<vmem>> -> memref<2x128xi32, #tpu.memory_space<vmem>>
      %dma_start3A_85 = arith.constant 0 : i32
      %dma_start3A_86 = arith.constant 0 : i32
      %dma_start3A_87 = tpu.memref_slice %arg3[%arg1, %dma_start3A_68, %dma_start3A_85, %dma_start3A_86] : memref<16x160x2x128xi32, #tpu.memory_space<hbm>> -> memref<1x1x2x128xi32, #tpu.memory_space<hbm>>
      %dma_start3A_88 = tpu.memref_squeeze %dma_start3A_87 : memref<1x1x2x128xi32, #tpu.memory_space<hbm>> -> memref<2x128xi32, #tpu.memory_space<hbm>>
      tpu.enqueue_dma source(%dma_start3A_88 : memref<2x128xi32, #tpu.memory_space<hbm>>) target(%dma_start3A_84 : memref<2x128xi32, #tpu.memory_space<vmem>>) target_semaphore(%dma_start3A_80 : memref<!tpu.dma_semaphore, #tpu.memory_space<semaphore_mem>>)
      %dma_start3A_89 = arith.constant 118 : i32
      %dma_start3A_90 = arith.constant 3 : i32
      %dma_start3A_91 = arith.constant 3 : i32
      %dma_start3A_92 = arith.constant 0 : i32
      %dma_start3A_93 = arith.constant 0 : i32
      %dma_start3A_94 = tpu.memref_slice %arg6[%dma_start3A_90, %dma_start3A_92, %dma_start3A_93] : memref<4x2x128xi32, #tpu.memory_space<vmem>> -> memref<1x2x128xi32, #tpu.memory_space<vmem>>
      %dma_start3A_95 = tpu.memref_squeeze %dma_start3A_94 : memref<1x2x128xi32, #tpu.memory_space<vmem>> -> memref<2x128xi32, #tpu.memory_space<vmem>>
      %dma_start3A_96 = arith.constant 0 : i32
      %dma_start3A_97 = arith.constant 0 : i32
      %dma_start3A_98 = tpu.memref_slice %arg3[%arg1, %dma_start3A_89, %dma_start3A_96, %dma_start3A_97] : memref<16x160x2x128xi32, #tpu.memory_space<hbm>> -> memref<1x1x2x128xi32, #tpu.memory_space<hbm>>
      %dma_start3A_99 = tpu.memref_squeeze %dma_start3A_98 : memref<1x1x2x128xi32, #tpu.memory_space<hbm>> -> memref<2x128xi32, #tpu.memory_space<hbm>>
      %dma_start3A_100 = tpu.memref_slice %arg9[%dma_start3A_91] : memref<4x!tpu.dma_semaphore, #tpu.memory_space<semaphore_mem>> -> memref<1x!tpu.dma_semaphore, #tpu.memory_space<semaphore_mem>>
      %dma_start3A_101 = tpu.memref_squeeze %dma_start3A_100 : memref<1x!tpu.dma_semaphore, #tpu.memory_space<semaphore_mem>> -> memref<!tpu.dma_semaphore, #tpu.memory_space<semaphore_mem>>
      %dma_start3A_102 = arith.constant 0 : i32
      %dma_start3A_103 = arith.constant 0 : i32
      %dma_start3A_104 = tpu.memref_slice %arg6[%dma_start3A_90, %dma_start3A_102, %dma_start3A_103] : memref<4x2x128xi32, #tpu.memory_space<vmem>> -> memref<1x2x128xi32, #tpu.memory_space<vmem>>
      %dma_start3A_105 = tpu.memref_squeeze %dma_start3A_104 : memref<1x2x128xi32, #tpu.memory_space<vmem>> -> memref<2x128xi32, #tpu.memory_space<vmem>>
      %dma_start3A_106 = arith.constant 0 : i32
      %dma_start3A_107 = arith.constant 0 : i32
      %dma_start3A_108 = tpu.memref_slice %arg3[%arg1, %dma_start3A_89, %dma_start3A_106, %dma_start3A_107] : memref<16x160x2x128xi32, #tpu.memory_space<hbm>> -> memref<1x1x2x128xi32, #tpu.memory_space<hbm>>
      %dma_start3A_109 = tpu.memref_squeeze %dma_start3A_108 : memref<1x1x2x128xi32, #tpu.memory_space<hbm>> -> memref<2x128xi32, #tpu.memory_space<hbm>>
      tpu.enqueue_dma source(%dma_start3A_109 : memref<2x128xi32, #tpu.memory_space<hbm>>) target(%dma_start3A_105 : memref<2x128xi32, #tpu.memory_space<vmem>>) target_semaphore(%dma_start3A_101 : memref<!tpu.dma_semaphore, #tpu.memory_space<semaphore_mem>>)
      %dma_wait3A = arith.constant 115 : i32
      %dma_wait3A_110 = arith.constant 0 : i32
      %dma_wait3A_111 = arith.constant 0 : i32
      %dma_wait3A_112 = arith.constant 0 : i32
      %dma_wait3A_113 = arith.constant 0 : i32
      %dma_wait3A_114 = tpu.memref_slice %arg6[%dma_wait3A_110, %dma_wait3A_112, %dma_wait3A_113] : memref<4x2x128xi32, #tpu.memory_space<vmem>> -> memref<1x2x128xi32, #tpu.memory_space<vmem>>
      %dma_wait3A_115 = tpu.memref_squeeze %dma_wait3A_114 : memref<1x2x128xi32, #tpu.memory_space<vmem>> -> memref<2x128xi32, #tpu.memory_space<vmem>>
      %dma_wait3A_116 = arith.constant 0 : i32
      %dma_wait3A_117 = arith.constant 0 : i32
      %dma_wait3A_118 = tpu.memref_slice %arg3[%arg1, %dma_wait3A, %dma_wait3A_116, %dma_wait3A_117] : memref<16x160x2x128xi32, #tpu.memory_space<hbm>> -> memref<1x1x2x128xi32, #tpu.memory_space<hbm>>
      %dma_wait3A_119 = tpu.memref_squeeze %dma_wait3A_118 : memref<1x1x2x128xi32, #tpu.memory_space<hbm>> -> memref<2x128xi32, #tpu.memory_space<hbm>>
      %dma_wait3A_120 = tpu.memref_slice %arg9[%dma_wait3A_111] : memref<4x!tpu.dma_semaphore, #tpu.memory_space<semaphore_mem>> -> memref<1x!tpu.dma_semaphore, #tpu.memory_space<semaphore_mem>>
      %dma_wait3A_121 = tpu.memref_squeeze %dma_wait3A_120 : memref<1x!tpu.dma_semaphore, #tpu.memory_space<semaphore_mem>> -> memref<!tpu.dma_semaphore, #tpu.memory_space<semaphore_mem>>
      %dma_wait3A_122 = arith.constant 0 : i32
      %dma_wait3A_123 = arith.constant 0 : i32
      %dma_wait3A_124 = tpu.memref_slice %arg6[%dma_wait3A_110, %dma_wait3A_122, %dma_wait3A_123] : memref<4x2x128xi32, #tpu.memory_space<vmem>> -> memref<1x2x128xi32, #tpu.memory_space<vmem>>
      %dma_wait3A_125 = tpu.memref_squeeze %dma_wait3A_124 : memref<1x2x128xi32, #tpu.memory_space<vmem>> -> memref<2x128xi32, #tpu.memory_space<vmem>>
      %dma_wait3A_126 = arith.constant 0 : i32
      %dma_wait3A_127 = arith.constant 0 : i32
      %dma_wait3A_128 = tpu.memref_slice %arg3[%arg1, %dma_wait3A, %dma_wait3A_126, %dma_wait3A_127] : memref<16x160x2x128xi32, #tpu.memory_space<hbm>> -> memref<1x1x2x128xi32, #tpu.memory_space<hbm>>
      %dma_wait3A_129 = tpu.memref_squeeze %dma_wait3A_128 : memref<1x1x2x128xi32, #tpu.memory_space<hbm>> -> memref<2x128xi32, #tpu.memory_space<hbm>>
      tpu.wait_dma2 semaphore(%dma_wait3A_121 : memref<!tpu.dma_semaphore, #tpu.memory_space<semaphore_mem>>) src(%dma_wait3A_129 : memref<2x128xi32, #tpu.memory_space<hbm>>) dst(%dma_wait3A_125 : memref<2x128xi32, #tpu.memory_space<vmem>>)
      %dma_start3A_130 = arith.constant 0 : i32
      %dma_start3A_131 = arith.constant 0 : i32
      %dma_start3A_132 = arith.constant 0 : i32
      %dma_start3A_133 = arith.constant 0 : i32
      %dma_start3A_134 = arith.constant 0 : i32
      %dma_start3A_135 = arith.constant 0 : i32
      %dma_start3A_136 = tpu.memref_slice %arg7[%dma_start3A_132, %dma_start3A_134, %dma_start3A_135] : memref<3x128x128xf32, #tpu.memory_space<vmem>> -> memref<1x128x128xf32, #tpu.memory_space<vmem>>
      %dma_start3A_137 = tpu.memref_squeeze %dma_start3A_136 : memref<1x128x128xf32, #tpu.memory_space<vmem>> -> memref<128x128xf32, #tpu.memory_space<vmem>>
      %dma_start3A_138 = arith.constant 0 : i32
      %dma_start3A_139 = tpu.memref_slice %arg6[%dma_start3A_130, %dma_start3A_131, %dma_start3A_138] : memref<4x2x128xi32, #tpu.memory_space<vmem>> -> memref<1x1x128xi32, #tpu.memory_space<vmem>>
      %dma_start3A_140 = tpu.memref_squeeze %dma_start3A_139 : memref<1x1x128xi32, #tpu.memory_space<vmem>> -> memref<128xi32, #tpu.memory_space<vmem>>
      %dma_start3A_141 = arith.constant 0 : i32
      %dma_start3A_142 = arith.constant 0 : i32
      %dma_start3A_143 = tpu.memref_slice %arg2[%dma_start3A_141, %dma_start3A_142] : memref<10000x128xf32, #tpu.memory_space<hbm>> -> memref<10000x128xf32, #tpu.memory_space<hbm>>
      %dma_start3A_144 = tpu.memref_slice %arg10[%dma_start3A_133] : memref<3x!tpu.dma_semaphore, #tpu.memory_space<semaphore_mem>> -> memref<1x!tpu.dma_semaphore, #tpu.memory_space<semaphore_mem>>
      %dma_start3A_145 = tpu.memref_squeeze %dma_start3A_144 : memref<1x!tpu.dma_semaphore, #tpu.memory_space<semaphore_mem>> -> memref<!tpu.dma_semaphore, #tpu.memory_space<semaphore_mem>>
      tpu.enqueue_indirect_dma source(%dma_start3A_143 : memref<10000x128xf32, #tpu.memory_space<hbm>>) target(%dma_start3A_137 : memref<128x128xf32, #tpu.memory_space<vmem>>) offsets(%dma_start3A_140 : memref<128xi32, #tpu.memory_space<vmem>>) semaphore(%dma_start3A_145 : memref<!tpu.dma_semaphore, #tpu.memory_space<semaphore_mem>>)
      %dma_wait3A_146 = arith.constant 116 : i32
      %dma_wait3A_147 = arith.constant 1 : i32
      %dma_wait3A_148 = arith.constant 1 : i32
      %dma_wait3A_149 = arith.constant 0 : i32
      %dma_wait3A_150 = arith.constant 0 : i32
      %dma_wait3A_151 = tpu.memref_slice %arg6[%dma_wait3A_147, %dma_wait3A_149, %dma_wait3A_150] : memref<4x2x128xi32, #tpu.memory_space<vmem>> -> memref<1x2x128xi32, #tpu.memory_space<vmem>>
      %dma_wait3A_152 = tpu.memref_squeeze %dma_wait3A_151 : memref<1x2x128xi32, #tpu.memory_space<vmem>> -> memref<2x128xi32, #tpu.memory_space<vmem>>
      %dma_wait3A_153 = arith.constant 0 : i32
      %dma_wait3A_154 = arith.constant 0 : i32
      %dma_wait3A_155 = tpu.memref_slice %arg3[%arg1, %dma_wait3A_146, %dma_wait3A_153, %dma_wait3A_154] : memref<16x160x2x128xi32, #tpu.memory_space<hbm>> -> memref<1x1x2x128xi32, #tpu.memory_space<hbm>>
      %dma_wait3A_156 = tpu.memref_squeeze %dma_wait3A_155 : memref<1x1x2x128xi32, #tpu.memory_space<hbm>> -> memref<2x128xi32, #tpu.memory_space<hbm>>
      %dma_wait3A_157 = tpu.memref_slice %arg9[%dma_wait3A_148] : memref<4x!tpu.dma_semaphore, #tpu.memory_space<semaphore_mem>> -> memref<1x!tpu.dma_semaphore, #tpu.memory_space<semaphore_mem>>
      %dma_wait3A_158 = tpu.memref_squeeze %dma_wait3A_157 : memref<1x!tpu.dma_semaphore, #tpu.memory_space<semaphore_mem>> -> memref<!tpu.dma_semaphore, #tpu.memory_space<semaphore_mem>>
      %dma_wait3A_159 = arith.constant 0 : i32
      %dma_wait3A_160 = arith.constant 0 : i32
      %dma_wait3A_161 = tpu.memref_slice %arg6[%dma_wait3A_147, %dma_wait3A_159, %dma_wait3A_160] : memref<4x2x128xi32, #tpu.memory_space<vmem>> -> memref<1x2x128xi32, #tpu.memory_space<vmem>>
      %dma_wait3A_162 = tpu.memref_squeeze %dma_wait3A_161 : memref<1x2x128xi32, #tpu.memory_space<vmem>> -> memref<2x128xi32, #tpu.memory_space<vmem>>
      %dma_wait3A_163 = arith.constant 0 : i32
      %dma_wait3A_164 = arith.constant 0 : i32
      %dma_wait3A_165 = tpu.memref_slice %arg3[%arg1, %dma_wait3A_146, %dma_wait3A_163, %dma_wait3A_164] : memref<16x160x2x128xi32, #tpu.memory_space<hbm>> -> memref<1x1x2x128xi32, #tpu.memory_space<hbm>>
      %dma_wait3A_166 = tpu.memref_squeeze %dma_wait3A_165 : memref<1x1x2x128xi32, #tpu.memory_space<hbm>> -> memref<2x128xi32, #tpu.memory_space<hbm>>
      tpu.wait_dma2 semaphore(%dma_wait3A_158 : memref<!tpu.dma_semaphore, #tpu.memory_space<semaphore_mem>>) src(%dma_wait3A_166 : memref<2x128xi32, #tpu.memory_space<hbm>>) dst(%dma_wait3A_162 : memref<2x128xi32, #tpu.memory_space<vmem>>)
      %dma_start3A_167 = arith.constant 1 : i32
      %dma_start3A_168 = arith.constant 0 : i32
      %dma_start3A_169 = arith.constant 1 : i32
      %dma_start3A_170 = arith.constant 1 : i32
      %dma_start3A_171 = arith.constant 0 : i32
      %dma_start3A_172 = arith.constant 0 : i32
      %dma_start3A_173 = tpu.memref_slice %arg7[%dma_start3A_169, %dma_start3A_171, %dma_start3A_172] : memref<3x128x128xf32, #tpu.memory_space<vmem>> -> memref<1x128x128xf32, #tpu.memory_space<vmem>>
      %dma_start3A_174 = tpu.memref_squeeze %dma_start3A_173 : memref<1x128x128xf32, #tpu.memory_space<vmem>> -> memref<128x128xf32, #tpu.memory_space<vmem>>
      %dma_start3A_175 = arith.constant 0 : i32
      %dma_start3A_176 = tpu.memref_slice %arg6[%dma_start3A_167, %dma_start3A_168, %dma_start3A_175] : memref<4x2x128xi32, #tpu.memory_space<vmem>> -> memref<1x1x128xi32, #tpu.memory_space<vmem>>
      %dma_start3A_177 = tpu.memref_squeeze %dma_start3A_176 : memref<1x1x128xi32, #tpu.memory_space<vmem>> -> memref<128xi32, #tpu.memory_space<vmem>>
      %dma_start3A_178 = arith.constant 0 : i32
      %dma_start3A_179 = arith.constant 0 : i32
      %dma_start3A_180 = tpu.memref_slice %arg2[%dma_start3A_178, %dma_start3A_179] : memref<10000x128xf32, #tpu.memory_space<hbm>> -> memref<10000x128xf32, #tpu.memory_space<hbm>>
      %dma_start3A_181 = tpu.memref_slice %arg10[%dma_start3A_170] : memref<3x!tpu.dma_semaphore, #tpu.memory_space<semaphore_mem>> -> memref<1x!tpu.dma_semaphore, #tpu.memory_space<semaphore_mem>>
      %dma_start3A_182 = tpu.memref_squeeze %dma_start3A_181 : memref<1x!tpu.dma_semaphore, #tpu.memory_space<semaphore_mem>> -> memref<!tpu.dma_semaphore, #tpu.memory_space<semaphore_mem>>
      tpu.enqueue_indirect_dma source(%dma_start3A_180 : memref<10000x128xf32, #tpu.memory_space<hbm>>) target(%dma_start3A_174 : memref<128x128xf32, #tpu.memory_space<vmem>>) offsets(%dma_start3A_177 : memref<128xi32, #tpu.memory_space<vmem>>) semaphore(%dma_start3A_182 : memref<!tpu.dma_semaphore, #tpu.memory_space<semaphore_mem>>)
      %scan3A = arith.constant 0 : i32
      %scan3A_183 = arith.constant 0 : i32
      %scan3A_184 = arith.constant 45 : i32
      %scan3A_185 = arith.addi %scan3A_183, %scan3A_184 : i32
      %scan3A_186 = arith.constant 1 : i32
      scf.for %scan3A_206 = %scan3A_183 to %scan3A_185 step %scan3A_186  : i32 {
        %rem3A_207 = arith.constant 3 : i32
        %rem3A_208 = arith.remsi %scan3A_206, %rem3A_207 : i32
        %add3A = arith.constant 2 : i32
        %add3A_209 = arith.addi %scan3A_206, %add3A : i32
        %rem3A_210 = arith.constant 3 : i32
        %rem3A_211 = arith.remsi %add3A_209, %rem3A_210 : i32
        %rem3A_212 = arith.constant 4 : i32
        %rem3A_213 = arith.remsi %scan3A_206, %rem3A_212 : i32
        %add3A_214 = arith.constant 2 : i32
        %add3A_215 = arith.addi %scan3A_206, %add3A_214 : i32
        %rem3A_216 = arith.constant 4 : i32
        %rem3A_217 = arith.remsi %add3A_215, %rem3A_216 : i32
        %add3A_218 = arith.constant 3 : i32
        %add3A_219 = arith.addi %scan3A_206, %add3A_218 : i32
        %rem3A_220 = arith.constant 4 : i32
        %rem3A_221 = arith.remsi %add3A_219, %rem3A_220 : i32
        %dma_wait3A_222 = arith.constant 0 : i32
        %dma_wait3A_223 = arith.constant 0 : i32
        %dma_wait3A_224 = arith.constant 0 : i32
        %dma_wait3A_225 = tpu.memref_slice %arg7[%rem3A_208, %dma_wait3A_223, %dma_wait3A_224] : memref<3x128x128xf32, #tpu.memory_space<vmem>> -> memref<1x128x128xf32, #tpu.memory_space<vmem>>
        %dma_wait3A_226 = tpu.memref_squeeze %dma_wait3A_225 : memref<1x128x128xf32, #tpu.memory_space<vmem>> -> memref<128x128xf32, #tpu.memory_space<vmem>>
        %dma_wait3A_227 = arith.constant 0 : i32
        %dma_wait3A_228 = tpu.memref_slice %arg6[%rem3A_213, %dma_wait3A_222, %dma_wait3A_227] : memref<4x2x128xi32, #tpu.memory_space<vmem>> -> memref<1x1x128xi32, #tpu.memory_space<vmem>>
        %dma_wait3A_229 = tpu.memref_squeeze %dma_wait3A_228 : memref<1x1x128xi32, #tpu.memory_space<vmem>> -> memref<128xi32, #tpu.memory_space<vmem>>
        %dma_wait3A_230 = arith.constant 0 : i32
        %dma_wait3A_231 = arith.constant 0 : i32
        %dma_wait3A_232 = tpu.memref_slice %arg2[%dma_wait3A_230, %dma_wait3A_231] : memref<10000x128xf32, #tpu.memory_space<hbm>> -> memref<10000x128xf32, #tpu.memory_space<hbm>>
        %dma_wait3A_233 = tpu.memref_slice %arg10[%rem3A_208] : memref<3x!tpu.dma_semaphore, #tpu.memory_space<semaphore_mem>> -> memref<1x!tpu.dma_semaphore, #tpu.memory_space<semaphore_mem>>
        %dma_wait3A_234 = tpu.memref_squeeze %dma_wait3A_233 : memref<1x!tpu.dma_semaphore, #tpu.memory_space<semaphore_mem>> -> memref<!tpu.dma_semaphore, #tpu.memory_space<semaphore_mem>>
        tpu.wait_indirect_dma semaphore(%dma_wait3A_234 : memref<!tpu.dma_semaphore, #tpu.memory_space<semaphore_mem>>) src(%dma_wait3A_232 : memref<10000x128xf32, #tpu.memory_space<hbm>>) dst(%dma_wait3A_226 : memref<128x128xf32, #tpu.memory_space<vmem>>)
        %dma_start3A_235 = arith.constant 1 : i32
        %dma_start3A_236 = arith.constant 0 : i32
        %dma_start3A_237 = arith.constant 0 : i32
        %dma_start3A_238 = tpu.memref_slice %arg7[%rem3A_208, %dma_start3A_236, %dma_start3A_237] : memref<3x128x128xf32, #tpu.memory_space<vmem>> -> memref<1x128x128xf32, #tpu.memory_space<vmem>>
        %dma_start3A_239 = tpu.memref_squeeze %dma_start3A_238 : memref<1x128x128xf32, #tpu.memory_space<vmem>> -> memref<128x128xf32, #tpu.memory_space<vmem>>
        %dma_start3A_240 = arith.constant 0 : i32
        %dma_start3A_241 = tpu.memref_slice %arg6[%rem3A_213, %dma_start3A_235, %dma_start3A_240] : memref<4x2x128xi32, #tpu.memory_space<vmem>> -> memref<1x1x128xi32, #tpu.memory_space<vmem>>
        %dma_start3A_242 = tpu.memref_squeeze %dma_start3A_241 : memref<1x1x128xi32, #tpu.memory_space<vmem>> -> memref<128xi32, #tpu.memory_space<vmem>>
        %dma_start3A_243 = arith.constant 0 : i32
        %dma_start3A_244 = arith.constant 0 : i32
        %dma_start3A_245 = tpu.memref_slice %arg8[%dma_start3A_243, %dma_start3A_244] : memref<10016x128xf32, #tpu.memory_space<vmem_shared>> -> memref<10016x128xf32, #tpu.memory_space<vmem_shared>>
        %dma_start3A_246 = tpu.memref_slice %arg11[%rem3A_208] : memref<3x!tpu.dma_semaphore, #tpu.memory_space<semaphore_mem>> -> memref<1x!tpu.dma_semaphore, #tpu.memory_space<semaphore_mem>>
        %dma_start3A_247 = tpu.memref_squeeze %dma_start3A_246 : memref<1x!tpu.dma_semaphore, #tpu.memory_space<semaphore_mem>> -> memref<!tpu.dma_semaphore, #tpu.memory_space<semaphore_mem>>
        tpu.enqueue_indirect_dma source(%dma_start3A_239 : memref<128x128xf32, #tpu.memory_space<vmem>>) target(%dma_start3A_245 : memref<10016x128xf32, #tpu.memory_space<vmem_shared>>) offsets(%dma_start3A_242 : memref<128xi32, #tpu.memory_space<vmem>>) semaphore(%dma_start3A_247 : memref<!tpu.dma_semaphore, #tpu.memory_space<semaphore_mem>>) {add = true}
        %ge3A = arith.constant 1 : i32
        %ge3A_248 = arith.cmpi sge, %scan3A_206, %ge3A : i32
        %convert_element_type3A_249 = arith.extui %ge3A_248 : i1 to i32
        %cond3A_250 = arith.constant 0 : i32
        %cond3A_251 = arith.cmpi ne, %convert_element_type3A_249, %cond3A_250 : i32
        scf.if %cond3A_251 {
          %dma_wait3A_268 = arith.constant 1 : i32
          %dma_wait3A_269 = arith.constant 0 : i32
          %dma_wait3A_270 = arith.constant 0 : i32
          %dma_wait3A_271 = tpu.memref_slice %arg7[%rem3A_211, %dma_wait3A_269, %dma_wait3A_270] : memref<3x128x128xf32, #tpu.memory_space<vmem>> -> memref<1x128x128xf32, #tpu.memory_space<vmem>>
          %dma_wait3A_272 = tpu.memref_squeeze %dma_wait3A_271 : memref<1x128x128xf32, #tpu.memory_space<vmem>> -> memref<128x128xf32, #tpu.memory_space<vmem>>
          %dma_wait3A_273 = arith.constant 0 : i32
          %dma_wait3A_274 = tpu.memref_slice %arg6[%rem3A_221, %dma_wait3A_268, %dma_wait3A_273] : memref<4x2x128xi32, #tpu.memory_space<vmem>> -> memref<1x1x128xi32, #tpu.memory_space<vmem>>
          %dma_wait3A_275 = tpu.memref_squeeze %dma_wait3A_274 : memref<1x1x128xi32, #tpu.memory_space<vmem>> -> memref<128xi32, #tpu.memory_space<vmem>>
          %dma_wait3A_276 = arith.constant 0 : i32
          %dma_wait3A_277 = arith.constant 0 : i32
          %dma_wait3A_278 = tpu.memref_slice %arg8[%dma_wait3A_276, %dma_wait3A_277] : memref<10016x128xf32, #tpu.memory_space<vmem_shared>> -> memref<10016x128xf32, #tpu.memory_space<vmem_shared>>
          %dma_wait3A_279 = tpu.memref_slice %arg11[%rem3A_211] : memref<3x!tpu.dma_semaphore, #tpu.memory_space<semaphore_mem>> -> memref<1x!tpu.dma_semaphore, #tpu.memory_space<semaphore_mem>>
          %dma_wait3A_280 = tpu.memref_squeeze %dma_wait3A_279 : memref<1x!tpu.dma_semaphore, #tpu.memory_space<semaphore_mem>> -> memref<!tpu.dma_semaphore, #tpu.memory_space<semaphore_mem>>
          tpu.wait_indirect_dma semaphore(%dma_wait3A_280 : memref<!tpu.dma_semaphore, #tpu.memory_space<semaphore_mem>>) src(%dma_wait3A_272 : memref<128x128xf32, #tpu.memory_space<vmem>>) dst(%dma_wait3A_278 : memref<10016x128xf32, #tpu.memory_space<vmem_shared>>)
        } else {
        }
        %ge3A_252 = arith.constant 1 : i32
        %ge3A_253 = arith.cmpi sge, %scan3A_206, %ge3A_252 : i32
        %add3A_254 = arith.constant 3 : i32
        %add3A_255 = arith.addi %scan3A_206, %add3A_254 : i32
        %lt3A_256 = arith.constant 45 : i32
        %lt3A_257 = arith.cmpi slt, %add3A_255, %lt3A_256 : i32
        %and3A = arith.andi %ge3A_253, %lt3A_257 : i1
        %convert_element_type3A_258 = arith.extui %and3A : i1 to i32
        %cond3A_259 = arith.constant 0 : i32
        %cond3A_260 = arith.cmpi ne, %convert_element_type3A_258, %cond3A_259 : i32
        scf.if %cond3A_260 {
          %add3A_268 = arith.constant 115 : i32
          %add3A_269 = arith.addi %add3A_268, %scan3A_206 : i32
          %add3A_270 = arith.constant 3 : i32
          %add3A_271 = arith.addi %add3A_269, %add3A_270 : i32
          %dma_start3A_272 = arith.constant 0 : i32
          %dma_start3A_273 = arith.constant 0 : i32
          %dma_start3A_274 = tpu.memref_slice %arg6[%rem3A_221, %dma_start3A_272, %dma_start3A_273] : memref<4x2x128xi32, #tpu.memory_space<vmem>> -> memref<1x2x128xi32, #tpu.memory_space<vmem>>
          %dma_start3A_275 = tpu.memref_squeeze %dma_start3A_274 : memref<1x2x128xi32, #tpu.memory_space<vmem>> -> memref<2x128xi32, #tpu.memory_space<vmem>>
          %dma_start3A_276 = arith.constant 0 : i32
          %dma_start3A_277 = arith.constant 0 : i32
          %dma_start3A_278 = tpu.memref_slice %arg3[%arg1, %add3A_271, %dma_start3A_276, %dma_start3A_277] : memref<16x160x2x128xi32, #tpu.memory_space<hbm>> -> memref<1x1x2x128xi32, #tpu.memory_space<hbm>>
          %dma_start3A_279 = tpu.memref_squeeze %dma_start3A_278 : memref<1x1x2x128xi32, #tpu.memory_space<hbm>> -> memref<2x128xi32, #tpu.memory_space<hbm>>
          %dma_start3A_280 = tpu.memref_slice %arg9[%rem3A_221] : memref<4x!tpu.dma_semaphore, #tpu.memory_space<semaphore_mem>> -> memref<1x!tpu.dma_semaphore, #tpu.memory_space<semaphore_mem>>
          %dma_start3A_281 = tpu.memref_squeeze %dma_start3A_280 : memref<1x!tpu.dma_semaphore, #tpu.memory_space<semaphore_mem>> -> memref<!tpu.dma_semaphore, #tpu.memory_space<semaphore_mem>>
          %dma_start3A_282 = arith.constant 0 : i32
          %dma_start3A_283 = arith.constant 0 : i32
          %dma_start3A_284 = tpu.memref_slice %arg6[%rem3A_221, %dma_start3A_282, %dma_start3A_283] : memref<4x2x128xi32, #tpu.memory_space<vmem>> -> memref<1x2x128xi32, #tpu.memory_space<vmem>>
          %dma_start3A_285 = tpu.memref_squeeze %dma_start3A_284 : memref<1x2x128xi32, #tpu.memory_space<vmem>> -> memref<2x128xi32, #tpu.memory_space<vmem>>
          %dma_start3A_286 = arith.constant 0 : i32
          %dma_start3A_287 = arith.constant 0 : i32
          %dma_start3A_288 = tpu.memref_slice %arg3[%arg1, %add3A_271, %dma_start3A_286, %dma_start3A_287] : memref<16x160x2x128xi32, #tpu.memory_space<hbm>> -> memref<1x1x2x128xi32, #tpu.memory_space<hbm>>
          %dma_start3A_289 = tpu.memref_squeeze %dma_start3A_288 : memref<1x1x2x128xi32, #tpu.memory_space<hbm>> -> memref<2x128xi32, #tpu.memory_space<hbm>>
          tpu.enqueue_dma source(%dma_start3A_289 : memref<2x128xi32, #tpu.memory_space<hbm>>) target(%dma_start3A_285 : memref<2x128xi32, #tpu.memory_space<vmem>>) target_semaphore(%dma_start3A_281 : memref<!tpu.dma_semaphore, #tpu.memory_space<semaphore_mem>>)
        } else {
        }
        %add3A_261 = arith.constant 2 : i32
        %add3A_262 = arith.addi %scan3A_206, %add3A_261 : i32
        %lt3A_263 = arith.constant 45 : i32
        %lt3A_264 = arith.cmpi slt, %add3A_262, %lt3A_263 : i32
        %convert_element_type3A_265 = arith.extui %lt3A_264 : i1 to i32
        %cond3A_266 = arith.constant 0 : i32
        %cond3A_267 = arith.cmpi ne, %convert_element_type3A_265, %cond3A_266 : i32
        scf.if %cond3A_267 {
          %add3A_268 = arith.constant 115 : i32
          %add3A_269 = arith.addi %add3A_268, %scan3A_206 : i32
          %add3A_270 = arith.constant 2 : i32
          %add3A_271 = arith.addi %add3A_269, %add3A_270 : i32
          %dma_wait3A_272 = arith.constant 0 : i32
          %dma_wait3A_273 = arith.constant 0 : i32
          %dma_wait3A_274 = tpu.memref_slice %arg6[%rem3A_217, %dma_wait3A_272, %dma_wait3A_273] : memref<4x2x128xi32, #tpu.memory_space<vmem>> -> memref<1x2x128xi32, #tpu.memory_space<vmem>>
          %dma_wait3A_275 = tpu.memref_squeeze %dma_wait3A_274 : memref<1x2x128xi32, #tpu.memory_space<vmem>> -> memref<2x128xi32, #tpu.memory_space<vmem>>
          %dma_wait3A_276 = arith.constant 0 : i32
          %dma_wait3A_277 = arith.constant 0 : i32
          %dma_wait3A_278 = tpu.memref_slice %arg3[%arg1, %add3A_271, %dma_wait3A_276, %dma_wait3A_277] : memref<16x160x2x128xi32, #tpu.memory_space<hbm>> -> memref<1x1x2x128xi32, #tpu.memory_space<hbm>>
          %dma_wait3A_279 = tpu.memref_squeeze %dma_wait3A_278 : memref<1x1x2x128xi32, #tpu.memory_space<hbm>> -> memref<2x128xi32, #tpu.memory_space<hbm>>
          %dma_wait3A_280 = tpu.memref_slice %arg9[%rem3A_217] : memref<4x!tpu.dma_semaphore, #tpu.memory_space<semaphore_mem>> -> memref<1x!tpu.dma_semaphore, #tpu.memory_space<semaphore_mem>>
          %dma_wait3A_281 = tpu.memref_squeeze %dma_wait3A_280 : memref<1x!tpu.dma_semaphore, #tpu.memory_space<semaphore_mem>> -> memref<!tpu.dma_semaphore, #tpu.memory_space<semaphore_mem>>
          %dma_wait3A_282 = arith.constant 0 : i32
          %dma_wait3A_283 = arith.constant 0 : i32
          %dma_wait3A_284 = tpu.memref_slice %arg6[%rem3A_217, %dma_wait3A_282, %dma_wait3A_283] : memref<4x2x128xi32, #tpu.memory_space<vmem>> -> memref<1x2x128xi32, #tpu.memory_space<vmem>>
          %dma_wait3A_285 = tpu.memref_squeeze %dma_wait3A_284 : memref<1x2x128xi32, #tpu.memory_space<vmem>> -> memref<2x128xi32, #tpu.memory_space<vmem>>
          %dma_wait3A_286 = arith.constant 0 : i32
          %dma_wait3A_287 = arith.constant 0 : i32
          %dma_wait3A_288 = tpu.memref_slice %arg3[%arg1, %add3A_271, %dma_wait3A_286, %dma_wait3A_287] : memref<16x160x2x128xi32, #tpu.memory_space<hbm>> -> memref<1x1x2x128xi32, #tpu.memory_space<hbm>>
          %dma_wait3A_289 = tpu.memref_squeeze %dma_wait3A_288 : memref<1x1x2x128xi32, #tpu.memory_space<hbm>> -> memref<2x128xi32, #tpu.memory_space<hbm>>
          tpu.wait_dma2 semaphore(%dma_wait3A_281 : memref<!tpu.dma_semaphore, #tpu.memory_space<semaphore_mem>>) src(%dma_wait3A_289 : memref<2x128xi32, #tpu.memory_space<hbm>>) dst(%dma_wait3A_285 : memref<2x128xi32, #tpu.memory_space<vmem>>)
          %dma_start3A_290 = arith.constant 0 : i32
          %dma_start3A_291 = arith.constant 0 : i32
          %dma_start3A_292 = arith.constant 0 : i32
          %dma_start3A_293 = tpu.memref_slice %arg7[%rem3A_211, %dma_start3A_291, %dma_start3A_292] : memref<3x128x128xf32, #tpu.memory_space<vmem>> -> memref<1x128x128xf32, #tpu.memory_space<vmem>>
          %dma_start3A_294 = tpu.memref_squeeze %dma_start3A_293 : memref<1x128x128xf32, #tpu.memory_space<vmem>> -> memref<128x128xf32, #tpu.memory_space<vmem>>
          %dma_start3A_295 = arith.constant 0 : i32
          %dma_start3A_296 = tpu.memref_slice %arg6[%rem3A_217, %dma_start3A_290, %dma_start3A_295] : memref<4x2x128xi32, #tpu.memory_space<vmem>> -> memref<1x1x128xi32, #tpu.memory_space<vmem>>
          %dma_start3A_297 = tpu.memref_squeeze %dma_start3A_296 : memref<1x1x128xi32, #tpu.memory_space<vmem>> -> memref<128xi32, #tpu.memory_space<vmem>>
          %dma_start3A_298 = arith.constant 0 : i32
          %dma_start3A_299 = arith.constant 0 : i32
          %dma_start3A_300 = tpu.memref_slice %arg2[%dma_start3A_298, %dma_start3A_299] : memref<10000x128xf32, #tpu.memory_space<hbm>> -> memref<10000x128xf32, #tpu.memory_space<hbm>>
          %dma_start3A_301 = tpu.memref_slice %arg10[%rem3A_211] : memref<3x!tpu.dma_semaphore, #tpu.memory_space<semaphore_mem>> -> memref<1x!tpu.dma_semaphore, #tpu.memory_space<semaphore_mem>>
          %dma_start3A_302 = tpu.memref_squeeze %dma_start3A_301 : memref<1x!tpu.dma_semaphore, #tpu.memory_space<semaphore_mem>> -> memref<!tpu.dma_semaphore, #tpu.memory_space<semaphore_mem>>
          tpu.enqueue_indirect_dma source(%dma_start3A_300 : memref<10000x128xf32, #tpu.memory_space<hbm>>) target(%dma_start3A_294 : memref<128x128xf32, #tpu.memory_space<vmem>>) offsets(%dma_start3A_297 : memref<128xi32, #tpu.memory_space<vmem>>) semaphore(%dma_start3A_302 : memref<!tpu.dma_semaphore, #tpu.memory_space<semaphore_mem>>)
        } else {
        }
      }
      %scan3A_187 = arith.constant 45 : i32
      %rem3A = arith.constant 44 : i32
      %rem3A_188 = arith.constant 4 : i32
      %rem3A_189 = arith.remsi %rem3A, %rem3A_188 : i32
      %rem3A_190 = arith.constant 44 : i32
      %rem3A_191 = arith.constant 3 : i32
      %rem3A_192 = arith.remsi %rem3A_190, %rem3A_191 : i32
      %dma_wait3A_193 = arith.constant 1 : i32
      %dma_wait3A_194 = arith.constant 0 : i32
      %dma_wait3A_195 = arith.constant 0 : i32
      %dma_wait3A_196 = tpu.memref_slice %arg7[%rem3A_192, %dma_wait3A_194, %dma_wait3A_195] : memref<3x128x128xf32, #tpu.memory_space<vmem>> -> memref<1x128x128xf32, #tpu.memory_space<vmem>>
      %dma_wait3A_197 = tpu.memref_squeeze %dma_wait3A_196 : memref<1x128x128xf32, #tpu.memory_space<vmem>> -> memref<128x128xf32, #tpu.memory_space<vmem>>
      %dma_wait3A_198 = arith.constant 0 : i32
      %dma_wait3A_199 = tpu.memref_slice %arg6[%rem3A_189, %dma_wait3A_193, %dma_wait3A_198] : memref<4x2x128xi32, #tpu.memory_space<vmem>> -> memref<1x1x128xi32, #tpu.memory_space<vmem>>
      %dma_wait3A_200 = tpu.memref_squeeze %dma_wait3A_199 : memref<1x1x128xi32, #tpu.memory_space<vmem>> -> memref<128xi32, #tpu.memory_space<vmem>>
      %dma_wait3A_201 = arith.constant 0 : i32
      %dma_wait3A_202 = arith.constant 0 : i32
      %dma_wait3A_203 = tpu.memref_slice %arg8[%dma_wait3A_201, %dma_wait3A_202] : memref<10016x128xf32, #tpu.memory_space<vmem_shared>> -> memref<10016x128xf32, #tpu.memory_space<vmem_shared>>
      %dma_wait3A_204 = tpu.memref_slice %arg11[%rem3A_192] : memref<3x!tpu.dma_semaphore, #tpu.memory_space<semaphore_mem>> -> memref<1x!tpu.dma_semaphore, #tpu.memory_space<semaphore_mem>>
      %dma_wait3A_205 = tpu.memref_squeeze %dma_wait3A_204 : memref<1x!tpu.dma_semaphore, #tpu.memory_space<semaphore_mem>> -> memref<!tpu.dma_semaphore, #tpu.memory_space<semaphore_mem>>
      tpu.wait_indirect_dma semaphore(%dma_wait3A_205 : memref<!tpu.dma_semaphore, #tpu.memory_space<semaphore_mem>>) src(%dma_wait3A_197 : memref<128x128xf32, #tpu.memory_space<vmem>>) dst(%dma_wait3A_203 : memref<10016x128xf32, #tpu.memory_space<vmem_shared>>)
    } else {
    }
    %barrier3A_16 = arith.constant 0 : index
    tpu.barrier barrier_id(%barrier3A_16)
    %lt3A_17 = arith.constant 15 : i32
    %lt3A_18 = arith.cmpi slt, %arg1, %lt3A_17 : i32
    %convert_element_type3A_19 = arith.extui %lt3A_18 : i1 to i32
    %cond3A_20 = arith.constant 0 : i32
    %cond3A_21 = arith.cmpi ne, %convert_element_type3A_19, %cond3A_20 : i32
    scf.if %cond3A_21 {
      %mul3A = arith.constant 624 : i32
      %mul3A_27 = arith.muli %arg1, %mul3A : i32
      %mul3A_28 = arith.constant 624 : i32
      %mul3A_29 = arith.muli %arg1, %mul3A_28 : i32
      "tpu.region"() ({
        %run_scoped3A = tpu.sem_alloc : memref<!tpu.dma_semaphore, #tpu.memory_space<semaphore_mem>>
        %dma_start3A = arith.constant 0 : i32
        %dma_start3A_30 = tpu.memref_slice %arg5[%arg0, %mul3A_29, %dma_start3A] : memref<2x10016x128xf32, #tpu.memory_space<hbm>> -> memref<1x624x128xf32, #tpu.memory_space<hbm>>
        %dma_start3A_31 = tpu.memref_squeeze %dma_start3A_30 : memref<1x624x128xf32, #tpu.memory_space<hbm>> -> memref<624x128xf32, #tpu.memory_space<hbm>>
        %dma_start3A_32 = arith.constant 0 : i32
        %dma_start3A_33 = tpu.memref_slice %arg8[%mul3A_27, %dma_start3A_32] : memref<10016x128xf32, #tpu.memory_space<vmem_shared>> -> memref<624x128xf32, #tpu.memory_space<vmem_shared>>
        tpu.enqueue_dma source(%dma_start3A_33 : memref<624x128xf32, #tpu.memory_space<vmem_shared>>) target(%dma_start3A_31 : memref<624x128xf32, #tpu.memory_space<hbm>>) target_semaphore(%run_scoped3A : memref<!tpu.dma_semaphore, #tpu.memory_space<semaphore_mem>>)
        %dma_wait3A = arith.constant 0 : i32
        %dma_wait3A_34 = tpu.memref_slice %arg5[%arg0, %mul3A_29, %dma_wait3A] : memref<2x10016x128xf32, #tpu.memory_space<hbm>> -> memref<1x624x128xf32, #tpu.memory_space<hbm>>
        %dma_wait3A_35 = tpu.memref_squeeze %dma_wait3A_34 : memref<1x624x128xf32, #tpu.memory_space<hbm>> -> memref<624x128xf32, #tpu.memory_space<hbm>>
        %dma_wait3A_36 = arith.constant 0 : i32
        %dma_wait3A_37 = tpu.memref_slice %arg8[%mul3A_27, %dma_wait3A_36] : memref<10016x128xf32, #tpu.memory_space<vmem_shared>> -> memref<624x128xf32, #tpu.memory_space<vmem_shared>>
        tpu.wait_dma2 semaphore(%run_scoped3A : memref<!tpu.dma_semaphore, #tpu.memory_space<semaphore_mem>>) src(%dma_wait3A_37 : memref<624x128xf32, #tpu.memory_space<vmem_shared>>) dst(%dma_wait3A_35 : memref<624x128xf32, #tpu.memory_space<hbm>>)
        tpu.yield
      }) : () -> ()
    } else {
    }
    %eq3A_22 = arith.constant 15 : i32
    %eq3A_23 = arith.cmpi eq, %arg1, %eq3A_22 : i32
    %convert_element_type3A_24 = arith.extui %eq3A_23 : i1 to i32
    %cond3A_25 = arith.constant 0 : i32
    %cond3A_26 = arith.cmpi ne, %convert_element_type3A_24, %cond3A_25 : i32
    scf.if %cond3A_26 {
      "tpu.region"() ({
        %run_scoped3A = tpu.sem_alloc : memref<!tpu.dma_semaphore, #tpu.memory_space<semaphore_mem>>
        %dma_start3A = arith.constant 9360 : i32
        %dma_start3A_27 = arith.constant 0 : i32
        %dma_start3A_28 = tpu.memref_slice %arg5[%arg0, %dma_start3A, %dma_start3A_27] : memref<2x10016x128xf32, #tpu.memory_space<hbm>> -> memref<1x656x128xf32, #tpu.memory_space<hbm>>
        %dma_start3A_29 = tpu.memref_squeeze %dma_start3A_28 : memref<1x656x128xf32, #tpu.memory_space<hbm>> -> memref<656x128xf32, #tpu.memory_space<hbm>>
        %dma_start3A_30 = arith.constant 9360 : i32
        %dma_start3A_31 = arith.constant 0 : i32
        %dma_start3A_32 = tpu.memref_slice %arg8[%dma_start3A_30, %dma_start3A_31] : memref<10016x128xf32, #tpu.memory_space<vmem_shared>> -> memref<656x128xf32, #tpu.memory_space<vmem_shared>>
        tpu.enqueue_dma source(%dma_start3A_32 : memref<656x128xf32, #tpu.memory_space<vmem_shared>>) target(%dma_start3A_29 : memref<656x128xf32, #tpu.memory_space<hbm>>) target_semaphore(%run_scoped3A : memref<!tpu.dma_semaphore, #tpu.memory_space<semaphore_mem>>)
        %dma_wait3A = arith.constant 9360 : i32
        %dma_wait3A_33 = arith.constant 0 : i32
        %dma_wait3A_34 = tpu.memref_slice %arg5[%arg0, %dma_wait3A, %dma_wait3A_33] : memref<2x10016x128xf32, #tpu.memory_space<hbm>> -> memref<1x656x128xf32, #tpu.memory_space<hbm>>
        %dma_wait3A_35 = tpu.memref_squeeze %dma_wait3A_34 : memref<1x656x128xf32, #tpu.memory_space<hbm>> -> memref<656x128xf32, #tpu.memory_space<hbm>>
        %dma_wait3A_36 = arith.constant 9360 : i32
        %dma_wait3A_37 = arith.constant 0 : i32
        %dma_wait3A_38 = tpu.memref_slice %arg8[%dma_wait3A_36, %dma_wait3A_37] : memref<10016x128xf32, #tpu.memory_space<vmem_shared>> -> memref<656x128xf32, #tpu.memory_space<vmem_shared>>
        tpu.wait_dma2 semaphore(%run_scoped3A : memref<!tpu.dma_semaphore, #tpu.memory_space<semaphore_mem>>) src(%dma_wait3A_38 : memref<656x128xf32, #tpu.memory_space<vmem_shared>>) dst(%dma_wait3A_35 : memref<656x128xf32, #tpu.memory_space<hbm>>)
        tpu.yield
      }) : () -> ()
    } else {
    }
    return
  }
}

#map = affine_map<(d0, d1) -> (0, 0, 0, 0)>
#map1 = affine_map<(d0, d1) -> (0, 0)>
#map2 = affine_map<(d0, d1) -> (0, 0, 0)>
module attributes {stable_mosaic.version = 14 : i64} {
  func.func @k(%arg0: i32, %arg1: i32, %arg2: memref<2x16x80x128xi32, #tpu.memory_space<hbm>>, %arg3: memref<128x128xf32, #tpu.memory_space<hbm>>, %arg4: memref<656x128xf32, #tpu.memory_space<hbm>>, %arg5: memref<2x10016x128xf32, #tpu.memory_space<hbm>>, %arg6: memref<80x128xi32, #tpu.memory_space<vmem>>, %arg7: memref<128x128xf32, #tpu.memory_space<vmem>>, %arg8: memref<10016x128xf32, #tpu.memory_space<vmem_shared>>, %arg9: memref<8x!tpu.dma_semaphore, #tpu.memory_space<semaphore_mem>>) attributes {dimension_semantics = [#tpu.dimension_semantics<core_parallel>, #tpu.dimension_semantics<subcore_parallel>], iteration_bounds = array<i64: 2, 16>, scalar_prefetch = 0 : i64, scratch_operands = 4 : i64, tpu.core_type = #tpu.core_type<sc_vector_subcore>, window_params = [{transform_indices = #map}, {transform_indices = #map1}, {transform_indices = #map1}, {transform_indices = #map2}]} {
    %lt3A = arith.constant 15 : i32
    %lt3A_0 = arith.cmpi slt, %arg1, %lt3A : i32
    %convert_element_type3A = arith.extui %lt3A_0 : i1 to i32
    %cond3A = arith.constant 0 : i32
    %cond3A_1 = arith.cmpi ne, %convert_element_type3A, %cond3A : i32
    scf.if %cond3A_1 {
      %mul3A = arith.constant 624 : i32
      %mul3A_22 = arith.muli %arg1, %mul3A : i32
      "tpu.region"() ({
        %run_scoped3A = tpu.sem_alloc : memref<!tpu.dma_semaphore, #tpu.memory_space<semaphore_mem>>
        %dma_start3A = arith.constant 0 : i32
        %dma_start3A_23 = tpu.memref_slice %arg8[%mul3A_22, %dma_start3A] : memref<10016x128xf32, #tpu.memory_space<vmem_shared>> -> memref<624x128xf32, #tpu.memory_space<vmem_shared>>
        %dma_start3A_24 = arith.constant 0 : i32
        %dma_start3A_25 = arith.constant 0 : i32
        %dma_start3A_26 = tpu.memref_slice %arg4[%dma_start3A_24, %dma_start3A_25] : memref<656x128xf32, #tpu.memory_space<hbm>> -> memref<624x128xf32, #tpu.memory_space<hbm>>
        tpu.enqueue_dma source(%dma_start3A_26 : memref<624x128xf32, #tpu.memory_space<hbm>>) target(%dma_start3A_23 : memref<624x128xf32, #tpu.memory_space<vmem_shared>>) target_semaphore(%run_scoped3A : memref<!tpu.dma_semaphore, #tpu.memory_space<semaphore_mem>>)
        %dma_wait3A = arith.constant 0 : i32
        %dma_wait3A_27 = tpu.memref_slice %arg8[%mul3A_22, %dma_wait3A] : memref<10016x128xf32, #tpu.memory_space<vmem_shared>> -> memref<624x128xf32, #tpu.memory_space<vmem_shared>>
        %dma_wait3A_28 = arith.constant 0 : i32
        %dma_wait3A_29 = arith.constant 0 : i32
        %dma_wait3A_30 = tpu.memref_slice %arg4[%dma_wait3A_28, %dma_wait3A_29] : memref<656x128xf32, #tpu.memory_space<hbm>> -> memref<624x128xf32, #tpu.memory_space<hbm>>
        tpu.wait_dma2 semaphore(%run_scoped3A : memref<!tpu.dma_semaphore, #tpu.memory_space<semaphore_mem>>) src(%dma_wait3A_30 : memref<624x128xf32, #tpu.memory_space<hbm>>) dst(%dma_wait3A_27 : memref<624x128xf32, #tpu.memory_space<vmem_shared>>)
        tpu.yield
      }) : () -> ()
    } else {
    }
    %eq3A = arith.constant 15 : i32
    %eq3A_2 = arith.cmpi eq, %arg1, %eq3A : i32
    %convert_element_type3A_3 = arith.extui %eq3A_2 : i1 to i32
    %cond3A_4 = arith.constant 0 : i32
    %cond3A_5 = arith.cmpi ne, %convert_element_type3A_3, %cond3A_4 : i32
    scf.if %cond3A_5 {
      "tpu.region"() ({
        %run_scoped3A = tpu.sem_alloc : memref<!tpu.dma_semaphore, #tpu.memory_space<semaphore_mem>>
        %dma_start3A = arith.constant 9360 : i32
        %dma_start3A_22 = arith.constant 0 : i32
        %dma_start3A_23 = tpu.memref_slice %arg8[%dma_start3A, %dma_start3A_22] : memref<10016x128xf32, #tpu.memory_space<vmem_shared>> -> memref<656x128xf32, #tpu.memory_space<vmem_shared>>
        tpu.enqueue_dma source(%arg4 : memref<656x128xf32, #tpu.memory_space<hbm>>) target(%dma_start3A_23 : memref<656x128xf32, #tpu.memory_space<vmem_shared>>) target_semaphore(%run_scoped3A : memref<!tpu.dma_semaphore, #tpu.memory_space<semaphore_mem>>)
        %dma_wait3A = arith.constant 9360 : i32
        %dma_wait3A_24 = arith.constant 0 : i32
        %dma_wait3A_25 = tpu.memref_slice %arg8[%dma_wait3A, %dma_wait3A_24] : memref<10016x128xf32, #tpu.memory_space<vmem_shared>> -> memref<656x128xf32, #tpu.memory_space<vmem_shared>>
        tpu.wait_dma2 semaphore(%run_scoped3A : memref<!tpu.dma_semaphore, #tpu.memory_space<semaphore_mem>>) src(%arg4 : memref<656x128xf32, #tpu.memory_space<hbm>>) dst(%dma_wait3A_25 : memref<656x128xf32, #tpu.memory_space<vmem_shared>>)
        tpu.yield
      }) : () -> ()
    } else {
    }
    "tpu.region"() ({
      %run_scoped3A = tpu.sem_alloc : memref<!tpu.dma_semaphore, #tpu.memory_space<semaphore_mem>>
      tpu.enqueue_dma source(%arg3 : memref<128x128xf32, #tpu.memory_space<hbm>>) target(%arg7 : memref<128x128xf32, #tpu.memory_space<vmem>>) target_semaphore(%run_scoped3A : memref<!tpu.dma_semaphore, #tpu.memory_space<semaphore_mem>>)
      tpu.wait_dma2 semaphore(%run_scoped3A : memref<!tpu.dma_semaphore, #tpu.memory_space<semaphore_mem>>) src(%arg3 : memref<128x128xf32, #tpu.memory_space<hbm>>) dst(%arg7 : memref<128x128xf32, #tpu.memory_space<vmem>>)
      tpu.yield
    }) : () -> ()
    "tpu.region"() ({
      %run_scoped3A = tpu.sem_alloc : memref<!tpu.dma_semaphore, #tpu.memory_space<semaphore_mem>>
      %dma_start3A = arith.constant 0 : i32
      %dma_start3A_22 = arith.constant 0 : i32
      %dma_start3A_23 = tpu.memref_slice %arg2[%arg0, %arg1, %dma_start3A, %dma_start3A_22] : memref<2x16x80x128xi32, #tpu.memory_space<hbm>> -> memref<1x1x80x128xi32, #tpu.memory_space<hbm>>
      %dma_start3A_24 = tpu.memref_squeeze %dma_start3A_23 : memref<1x1x80x128xi32, #tpu.memory_space<hbm>> -> memref<80x128xi32, #tpu.memory_space<hbm>>
      %dma_start3A_25 = arith.constant 0 : i32
      %dma_start3A_26 = arith.constant 0 : i32
      %dma_start3A_27 = tpu.memref_slice %arg2[%arg0, %arg1, %dma_start3A_25, %dma_start3A_26] : memref<2x16x80x128xi32, #tpu.memory_space<hbm>> -> memref<1x1x80x128xi32, #tpu.memory_space<hbm>>
      %dma_start3A_28 = tpu.memref_squeeze %dma_start3A_27 : memref<1x1x80x128xi32, #tpu.memory_space<hbm>> -> memref<80x128xi32, #tpu.memory_space<hbm>>
      tpu.enqueue_dma source(%dma_start3A_28 : memref<80x128xi32, #tpu.memory_space<hbm>>) target(%arg6 : memref<80x128xi32, #tpu.memory_space<vmem>>) target_semaphore(%run_scoped3A : memref<!tpu.dma_semaphore, #tpu.memory_space<semaphore_mem>>)
      %dma_wait3A = arith.constant 0 : i32
      %dma_wait3A_29 = arith.constant 0 : i32
      %dma_wait3A_30 = tpu.memref_slice %arg2[%arg0, %arg1, %dma_wait3A, %dma_wait3A_29] : memref<2x16x80x128xi32, #tpu.memory_space<hbm>> -> memref<1x1x80x128xi32, #tpu.memory_space<hbm>>
      %dma_wait3A_31 = tpu.memref_squeeze %dma_wait3A_30 : memref<1x1x80x128xi32, #tpu.memory_space<hbm>> -> memref<80x128xi32, #tpu.memory_space<hbm>>
      %dma_wait3A_32 = arith.constant 0 : i32
      %dma_wait3A_33 = arith.constant 0 : i32
      %dma_wait3A_34 = tpu.memref_slice %arg2[%arg0, %arg1, %dma_wait3A_32, %dma_wait3A_33] : memref<2x16x80x128xi32, #tpu.memory_space<hbm>> -> memref<1x1x80x128xi32, #tpu.memory_space<hbm>>
      %dma_wait3A_35 = tpu.memref_squeeze %dma_wait3A_34 : memref<1x1x80x128xi32, #tpu.memory_space<hbm>> -> memref<80x128xi32, #tpu.memory_space<hbm>>
      tpu.wait_dma2 semaphore(%run_scoped3A : memref<!tpu.dma_semaphore, #tpu.memory_space<semaphore_mem>>) src(%dma_wait3A_35 : memref<80x128xi32, #tpu.memory_space<hbm>>) dst(%arg6 : memref<80x128xi32, #tpu.memory_space<vmem>>)
      tpu.yield
    }) : () -> ()
    %barrier3A = arith.constant 0 : index
    tpu.barrier barrier_id(%barrier3A)
    %scan3A = arith.constant 0 : i32
    %scan3A_6 = arith.constant 0 : i32
    %scan3A_7 = arith.constant 10 : i32
    %scan3A_8 = arith.addi %scan3A_6, %scan3A_7 : i32
    %scan3A_9 = arith.constant 1 : i32
    scf.for %scan3A_22 = %scan3A_6 to %scan3A_8 step %scan3A_9  : i32 {
      %mul3A = arith.constant 8 : i32
      %mul3A_23 = arith.muli %scan3A_22, %mul3A : i32
      %add3A = arith.constant 0 : i32
      %add3A_24 = arith.addi %mul3A_23, %add3A : i32
      %dma_start3A = arith.constant 0 : i32
      %dma_start3A_25 = arith.constant 0 : i32
      %dma_start3A_26 = tpu.memref_slice %arg6[%add3A_24, %dma_start3A_25] : memref<80x128xi32, #tpu.memory_space<vmem>> -> memref<1x128xi32, #tpu.memory_space<vmem>>
      %dma_start3A_27 = tpu.memref_squeeze %dma_start3A_26 : memref<1x128xi32, #tpu.memory_space<vmem>> -> memref<128xi32, #tpu.memory_space<vmem>>
      %dma_start3A_28 = arith.constant 0 : i32
      %dma_start3A_29 = arith.constant 0 : i32
      %dma_start3A_30 = tpu.memref_slice %arg8[%dma_start3A_28, %dma_start3A_29] : memref<10016x128xf32, #tpu.memory_space<vmem_shared>> -> memref<10016x128xf32, #tpu.memory_space<vmem_shared>>
      %dma_start3A_31 = tpu.memref_slice %arg9[%dma_start3A] : memref<8x!tpu.dma_semaphore, #tpu.memory_space<semaphore_mem>> -> memref<1x!tpu.dma_semaphore, #tpu.memory_space<semaphore_mem>>
      %dma_start3A_32 = tpu.memref_squeeze %dma_start3A_31 : memref<1x!tpu.dma_semaphore, #tpu.memory_space<semaphore_mem>> -> memref<!tpu.dma_semaphore, #tpu.memory_space<semaphore_mem>>
      tpu.enqueue_indirect_dma source(%arg7 : memref<128x128xf32, #tpu.memory_space<vmem>>) target(%dma_start3A_30 : memref<10016x128xf32, #tpu.memory_space<vmem_shared>>) offsets(%dma_start3A_27 : memref<128xi32, #tpu.memory_space<vmem>>) semaphore(%dma_start3A_32 : memref<!tpu.dma_semaphore, #tpu.memory_space<semaphore_mem>>) {add = true}
      %mul3A_33 = arith.constant 8 : i32
      %mul3A_34 = arith.muli %scan3A_22, %mul3A_33 : i32
      %add3A_35 = arith.constant 1 : i32
      %add3A_36 = arith.addi %mul3A_34, %add3A_35 : i32
      %dma_start3A_37 = arith.constant 1 : i32
      %dma_start3A_38 = arith.constant 0 : i32
      %dma_start3A_39 = tpu.memref_slice %arg6[%add3A_36, %dma_start3A_38] : memref<80x128xi32, #tpu.memory_space<vmem>> -> memref<1x128xi32, #tpu.memory_space<vmem>>
      %dma_start3A_40 = tpu.memref_squeeze %dma_start3A_39 : memref<1x128xi32, #tpu.memory_space<vmem>> -> memref<128xi32, #tpu.memory_space<vmem>>
      %dma_start3A_41 = arith.constant 0 : i32
      %dma_start3A_42 = arith.constant 0 : i32
      %dma_start3A_43 = tpu.memref_slice %arg8[%dma_start3A_41, %dma_start3A_42] : memref<10016x128xf32, #tpu.memory_space<vmem_shared>> -> memref<10016x128xf32, #tpu.memory_space<vmem_shared>>
      %dma_start3A_44 = tpu.memref_slice %arg9[%dma_start3A_37] : memref<8x!tpu.dma_semaphore, #tpu.memory_space<semaphore_mem>> -> memref<1x!tpu.dma_semaphore, #tpu.memory_space<semaphore_mem>>
      %dma_start3A_45 = tpu.memref_squeeze %dma_start3A_44 : memref<1x!tpu.dma_semaphore, #tpu.memory_space<semaphore_mem>> -> memref<!tpu.dma_semaphore, #tpu.memory_space<semaphore_mem>>
      tpu.enqueue_indirect_dma source(%arg7 : memref<128x128xf32, #tpu.memory_space<vmem>>) target(%dma_start3A_43 : memref<10016x128xf32, #tpu.memory_space<vmem_shared>>) offsets(%dma_start3A_40 : memref<128xi32, #tpu.memory_space<vmem>>) semaphore(%dma_start3A_45 : memref<!tpu.dma_semaphore, #tpu.memory_space<semaphore_mem>>) {add = true}
      %mul3A_46 = arith.constant 8 : i32
      %mul3A_47 = arith.muli %scan3A_22, %mul3A_46 : i32
      %add3A_48 = arith.constant 2 : i32
      %add3A_49 = arith.addi %mul3A_47, %add3A_48 : i32
      %dma_start3A_50 = arith.constant 2 : i32
      %dma_start3A_51 = arith.constant 0 : i32
      %dma_start3A_52 = tpu.memref_slice %arg6[%add3A_49, %dma_start3A_51] : memref<80x128xi32, #tpu.memory_space<vmem>> -> memref<1x128xi32, #tpu.memory_space<vmem>>
      %dma_start3A_53 = tpu.memref_squeeze %dma_start3A_52 : memref<1x128xi32, #tpu.memory_space<vmem>> -> memref<128xi32, #tpu.memory_space<vmem>>
      %dma_start3A_54 = arith.constant 0 : i32
      %dma_start3A_55 = arith.constant 0 : i32
      %dma_start3A_56 = tpu.memref_slice %arg8[%dma_start3A_54, %dma_start3A_55] : memref<10016x128xf32, #tpu.memory_space<vmem_shared>> -> memref<10016x128xf32, #tpu.memory_space<vmem_shared>>
      %dma_start3A_57 = tpu.memref_slice %arg9[%dma_start3A_50] : memref<8x!tpu.dma_semaphore, #tpu.memory_space<semaphore_mem>> -> memref<1x!tpu.dma_semaphore, #tpu.memory_space<semaphore_mem>>
      %dma_start3A_58 = tpu.memref_squeeze %dma_start3A_57 : memref<1x!tpu.dma_semaphore, #tpu.memory_space<semaphore_mem>> -> memref<!tpu.dma_semaphore, #tpu.memory_space<semaphore_mem>>
      tpu.enqueue_indirect_dma source(%arg7 : memref<128x128xf32, #tpu.memory_space<vmem>>) target(%dma_start3A_56 : memref<10016x128xf32, #tpu.memory_space<vmem_shared>>) offsets(%dma_start3A_53 : memref<128xi32, #tpu.memory_space<vmem>>) semaphore(%dma_start3A_58 : memref<!tpu.dma_semaphore, #tpu.memory_space<semaphore_mem>>) {add = true}
      %mul3A_59 = arith.constant 8 : i32
      %mul3A_60 = arith.muli %scan3A_22, %mul3A_59 : i32
      %add3A_61 = arith.constant 3 : i32
      %add3A_62 = arith.addi %mul3A_60, %add3A_61 : i32
      %dma_start3A_63 = arith.constant 3 : i32
      %dma_start3A_64 = arith.constant 0 : i32
      %dma_start3A_65 = tpu.memref_slice %arg6[%add3A_62, %dma_start3A_64] : memref<80x128xi32, #tpu.memory_space<vmem>> -> memref<1x128xi32, #tpu.memory_space<vmem>>
      %dma_start3A_66 = tpu.memref_squeeze %dma_start3A_65 : memref<1x128xi32, #tpu.memory_space<vmem>> -> memref<128xi32, #tpu.memory_space<vmem>>
      %dma_start3A_67 = arith.constant 0 : i32
      %dma_start3A_68 = arith.constant 0 : i32
      %dma_start3A_69 = tpu.memref_slice %arg8[%dma_start3A_67, %dma_start3A_68] : memref<10016x128xf32, #tpu.memory_space<vmem_shared>> -> memref<10016x128xf32, #tpu.memory_space<vmem_shared>>
      %dma_start3A_70 = tpu.memref_slice %arg9[%dma_start3A_63] : memref<8x!tpu.dma_semaphore, #tpu.memory_space<semaphore_mem>> -> memref<1x!tpu.dma_semaphore, #tpu.memory_space<semaphore_mem>>
      %dma_start3A_71 = tpu.memref_squeeze %dma_start3A_70 : memref<1x!tpu.dma_semaphore, #tpu.memory_space<semaphore_mem>> -> memref<!tpu.dma_semaphore, #tpu.memory_space<semaphore_mem>>
      tpu.enqueue_indirect_dma source(%arg7 : memref<128x128xf32, #tpu.memory_space<vmem>>) target(%dma_start3A_69 : memref<10016x128xf32, #tpu.memory_space<vmem_shared>>) offsets(%dma_start3A_66 : memref<128xi32, #tpu.memory_space<vmem>>) semaphore(%dma_start3A_71 : memref<!tpu.dma_semaphore, #tpu.memory_space<semaphore_mem>>) {add = true}
      %mul3A_72 = arith.constant 8 : i32
      %mul3A_73 = arith.muli %scan3A_22, %mul3A_72 : i32
      %add3A_74 = arith.constant 4 : i32
      %add3A_75 = arith.addi %mul3A_73, %add3A_74 : i32
      %dma_start3A_76 = arith.constant 4 : i32
      %dma_start3A_77 = arith.constant 0 : i32
      %dma_start3A_78 = tpu.memref_slice %arg6[%add3A_75, %dma_start3A_77] : memref<80x128xi32, #tpu.memory_space<vmem>> -> memref<1x128xi32, #tpu.memory_space<vmem>>
      %dma_start3A_79 = tpu.memref_squeeze %dma_start3A_78 : memref<1x128xi32, #tpu.memory_space<vmem>> -> memref<128xi32, #tpu.memory_space<vmem>>
      %dma_start3A_80 = arith.constant 0 : i32
      %dma_start3A_81 = arith.constant 0 : i32
      %dma_start3A_82 = tpu.memref_slice %arg8[%dma_start3A_80, %dma_start3A_81] : memref<10016x128xf32, #tpu.memory_space<vmem_shared>> -> memref<10016x128xf32, #tpu.memory_space<vmem_shared>>
      %dma_start3A_83 = tpu.memref_slice %arg9[%dma_start3A_76] : memref<8x!tpu.dma_semaphore, #tpu.memory_space<semaphore_mem>> -> memref<1x!tpu.dma_semaphore, #tpu.memory_space<semaphore_mem>>
      %dma_start3A_84 = tpu.memref_squeeze %dma_start3A_83 : memref<1x!tpu.dma_semaphore, #tpu.memory_space<semaphore_mem>> -> memref<!tpu.dma_semaphore, #tpu.memory_space<semaphore_mem>>
      tpu.enqueue_indirect_dma source(%arg7 : memref<128x128xf32, #tpu.memory_space<vmem>>) target(%dma_start3A_82 : memref<10016x128xf32, #tpu.memory_space<vmem_shared>>) offsets(%dma_start3A_79 : memref<128xi32, #tpu.memory_space<vmem>>) semaphore(%dma_start3A_84 : memref<!tpu.dma_semaphore, #tpu.memory_space<semaphore_mem>>) {add = true}
      %mul3A_85 = arith.constant 8 : i32
      %mul3A_86 = arith.muli %scan3A_22, %mul3A_85 : i32
      %add3A_87 = arith.constant 5 : i32
      %add3A_88 = arith.addi %mul3A_86, %add3A_87 : i32
      %dma_start3A_89 = arith.constant 5 : i32
      %dma_start3A_90 = arith.constant 0 : i32
      %dma_start3A_91 = tpu.memref_slice %arg6[%add3A_88, %dma_start3A_90] : memref<80x128xi32, #tpu.memory_space<vmem>> -> memref<1x128xi32, #tpu.memory_space<vmem>>
      %dma_start3A_92 = tpu.memref_squeeze %dma_start3A_91 : memref<1x128xi32, #tpu.memory_space<vmem>> -> memref<128xi32, #tpu.memory_space<vmem>>
      %dma_start3A_93 = arith.constant 0 : i32
      %dma_start3A_94 = arith.constant 0 : i32
      %dma_start3A_95 = tpu.memref_slice %arg8[%dma_start3A_93, %dma_start3A_94] : memref<10016x128xf32, #tpu.memory_space<vmem_shared>> -> memref<10016x128xf32, #tpu.memory_space<vmem_shared>>
      %dma_start3A_96 = tpu.memref_slice %arg9[%dma_start3A_89] : memref<8x!tpu.dma_semaphore, #tpu.memory_space<semaphore_mem>> -> memref<1x!tpu.dma_semaphore, #tpu.memory_space<semaphore_mem>>
      %dma_start3A_97 = tpu.memref_squeeze %dma_start3A_96 : memref<1x!tpu.dma_semaphore, #tpu.memory_space<semaphore_mem>> -> memref<!tpu.dma_semaphore, #tpu.memory_space<semaphore_mem>>
      tpu.enqueue_indirect_dma source(%arg7 : memref<128x128xf32, #tpu.memory_space<vmem>>) target(%dma_start3A_95 : memref<10016x128xf32, #tpu.memory_space<vmem_shared>>) offsets(%dma_start3A_92 : memref<128xi32, #tpu.memory_space<vmem>>) semaphore(%dma_start3A_97 : memref<!tpu.dma_semaphore, #tpu.memory_space<semaphore_mem>>) {add = true}
      %mul3A_98 = arith.constant 8 : i32
      %mul3A_99 = arith.muli %scan3A_22, %mul3A_98 : i32
      %add3A_100 = arith.constant 6 : i32
      %add3A_101 = arith.addi %mul3A_99, %add3A_100 : i32
      %dma_start3A_102 = arith.constant 6 : i32
      %dma_start3A_103 = arith.constant 0 : i32
      %dma_start3A_104 = tpu.memref_slice %arg6[%add3A_101, %dma_start3A_103] : memref<80x128xi32, #tpu.memory_space<vmem>> -> memref<1x128xi32, #tpu.memory_space<vmem>>
      %dma_start3A_105 = tpu.memref_squeeze %dma_start3A_104 : memref<1x128xi32, #tpu.memory_space<vmem>> -> memref<128xi32, #tpu.memory_space<vmem>>
      %dma_start3A_106 = arith.constant 0 : i32
      %dma_start3A_107 = arith.constant 0 : i32
      %dma_start3A_108 = tpu.memref_slice %arg8[%dma_start3A_106, %dma_start3A_107] : memref<10016x128xf32, #tpu.memory_space<vmem_shared>> -> memref<10016x128xf32, #tpu.memory_space<vmem_shared>>
      %dma_start3A_109 = tpu.memref_slice %arg9[%dma_start3A_102] : memref<8x!tpu.dma_semaphore, #tpu.memory_space<semaphore_mem>> -> memref<1x!tpu.dma_semaphore, #tpu.memory_space<semaphore_mem>>
      %dma_start3A_110 = tpu.memref_squeeze %dma_start3A_109 : memref<1x!tpu.dma_semaphore, #tpu.memory_space<semaphore_mem>> -> memref<!tpu.dma_semaphore, #tpu.memory_space<semaphore_mem>>
      tpu.enqueue_indirect_dma source(%arg7 : memref<128x128xf32, #tpu.memory_space<vmem>>) target(%dma_start3A_108 : memref<10016x128xf32, #tpu.memory_space<vmem_shared>>) offsets(%dma_start3A_105 : memref<128xi32, #tpu.memory_space<vmem>>) semaphore(%dma_start3A_110 : memref<!tpu.dma_semaphore, #tpu.memory_space<semaphore_mem>>) {add = true}
      %mul3A_111 = arith.constant 8 : i32
      %mul3A_112 = arith.muli %scan3A_22, %mul3A_111 : i32
      %add3A_113 = arith.constant 7 : i32
      %add3A_114 = arith.addi %mul3A_112, %add3A_113 : i32
      %dma_start3A_115 = arith.constant 7 : i32
      %dma_start3A_116 = arith.constant 0 : i32
      %dma_start3A_117 = tpu.memref_slice %arg6[%add3A_114, %dma_start3A_116] : memref<80x128xi32, #tpu.memory_space<vmem>> -> memref<1x128xi32, #tpu.memory_space<vmem>>
      %dma_start3A_118 = tpu.memref_squeeze %dma_start3A_117 : memref<1x128xi32, #tpu.memory_space<vmem>> -> memref<128xi32, #tpu.memory_space<vmem>>
      %dma_start3A_119 = arith.constant 0 : i32
      %dma_start3A_120 = arith.constant 0 : i32
      %dma_start3A_121 = tpu.memref_slice %arg8[%dma_start3A_119, %dma_start3A_120] : memref<10016x128xf32, #tpu.memory_space<vmem_shared>> -> memref<10016x128xf32, #tpu.memory_space<vmem_shared>>
      %dma_start3A_122 = tpu.memref_slice %arg9[%dma_start3A_115] : memref<8x!tpu.dma_semaphore, #tpu.memory_space<semaphore_mem>> -> memref<1x!tpu.dma_semaphore, #tpu.memory_space<semaphore_mem>>
      %dma_start3A_123 = tpu.memref_squeeze %dma_start3A_122 : memref<1x!tpu.dma_semaphore, #tpu.memory_space<semaphore_mem>> -> memref<!tpu.dma_semaphore, #tpu.memory_space<semaphore_mem>>
      tpu.enqueue_indirect_dma source(%arg7 : memref<128x128xf32, #tpu.memory_space<vmem>>) target(%dma_start3A_121 : memref<10016x128xf32, #tpu.memory_space<vmem_shared>>) offsets(%dma_start3A_118 : memref<128xi32, #tpu.memory_space<vmem>>) semaphore(%dma_start3A_123 : memref<!tpu.dma_semaphore, #tpu.memory_space<semaphore_mem>>) {add = true}
      %dma_wait3A = arith.constant 0 : i32
      %dma_wait3A_124 = arith.constant 0 : i32
      %dma_wait3A_125 = tpu.memref_slice %arg6[%add3A_24, %dma_wait3A_124] : memref<80x128xi32, #tpu.memory_space<vmem>> -> memref<1x128xi32, #tpu.memory_space<vmem>>
      %dma_wait3A_126 = tpu.memref_squeeze %dma_wait3A_125 : memref<1x128xi32, #tpu.memory_space<vmem>> -> memref<128xi32, #tpu.memory_space<vmem>>
      %dma_wait3A_127 = arith.constant 0 : i32
      %dma_wait3A_128 = arith.constant 0 : i32
      %dma_wait3A_129 = tpu.memref_slice %arg8[%dma_wait3A_127, %dma_wait3A_128] : memref<10016x128xf32, #tpu.memory_space<vmem_shared>> -> memref<10016x128xf32, #tpu.memory_space<vmem_shared>>
      %dma_wait3A_130 = tpu.memref_slice %arg9[%dma_wait3A] : memref<8x!tpu.dma_semaphore, #tpu.memory_space<semaphore_mem>> -> memref<1x!tpu.dma_semaphore, #tpu.memory_space<semaphore_mem>>
      %dma_wait3A_131 = tpu.memref_squeeze %dma_wait3A_130 : memref<1x!tpu.dma_semaphore, #tpu.memory_space<semaphore_mem>> -> memref<!tpu.dma_semaphore, #tpu.memory_space<semaphore_mem>>
      tpu.wait_indirect_dma semaphore(%dma_wait3A_131 : memref<!tpu.dma_semaphore, #tpu.memory_space<semaphore_mem>>) src(%arg7 : memref<128x128xf32, #tpu.memory_space<vmem>>) dst(%dma_wait3A_129 : memref<10016x128xf32, #tpu.memory_space<vmem_shared>>)
      %dma_wait3A_132 = arith.constant 1 : i32
      %dma_wait3A_133 = arith.constant 0 : i32
      %dma_wait3A_134 = tpu.memref_slice %arg6[%add3A_36, %dma_wait3A_133] : memref<80x128xi32, #tpu.memory_space<vmem>> -> memref<1x128xi32, #tpu.memory_space<vmem>>
      %dma_wait3A_135 = tpu.memref_squeeze %dma_wait3A_134 : memref<1x128xi32, #tpu.memory_space<vmem>> -> memref<128xi32, #tpu.memory_space<vmem>>
      %dma_wait3A_136 = arith.constant 0 : i32
      %dma_wait3A_137 = arith.constant 0 : i32
      %dma_wait3A_138 = tpu.memref_slice %arg8[%dma_wait3A_136, %dma_wait3A_137] : memref<10016x128xf32, #tpu.memory_space<vmem_shared>> -> memref<10016x128xf32, #tpu.memory_space<vmem_shared>>
      %dma_wait3A_139 = tpu.memref_slice %arg9[%dma_wait3A_132] : memref<8x!tpu.dma_semaphore, #tpu.memory_space<semaphore_mem>> -> memref<1x!tpu.dma_semaphore, #tpu.memory_space<semaphore_mem>>
      %dma_wait3A_140 = tpu.memref_squeeze %dma_wait3A_139 : memref<1x!tpu.dma_semaphore, #tpu.memory_space<semaphore_mem>> -> memref<!tpu.dma_semaphore, #tpu.memory_space<semaphore_mem>>
      tpu.wait_indirect_dma semaphore(%dma_wait3A_140 : memref<!tpu.dma_semaphore, #tpu.memory_space<semaphore_mem>>) src(%arg7 : memref<128x128xf32, #tpu.memory_space<vmem>>) dst(%dma_wait3A_138 : memref<10016x128xf32, #tpu.memory_space<vmem_shared>>)
      %dma_wait3A_141 = arith.constant 2 : i32
      %dma_wait3A_142 = arith.constant 0 : i32
      %dma_wait3A_143 = tpu.memref_slice %arg6[%add3A_49, %dma_wait3A_142] : memref<80x128xi32, #tpu.memory_space<vmem>> -> memref<1x128xi32, #tpu.memory_space<vmem>>
      %dma_wait3A_144 = tpu.memref_squeeze %dma_wait3A_143 : memref<1x128xi32, #tpu.memory_space<vmem>> -> memref<128xi32, #tpu.memory_space<vmem>>
      %dma_wait3A_145 = arith.constant 0 : i32
      %dma_wait3A_146 = arith.constant 0 : i32
      %dma_wait3A_147 = tpu.memref_slice %arg8[%dma_wait3A_145, %dma_wait3A_146] : memref<10016x128xf32, #tpu.memory_space<vmem_shared>> -> memref<10016x128xf32, #tpu.memory_space<vmem_shared>>
      %dma_wait3A_148 = tpu.memref_slice %arg9[%dma_wait3A_141] : memref<8x!tpu.dma_semaphore, #tpu.memory_space<semaphore_mem>> -> memref<1x!tpu.dma_semaphore, #tpu.memory_space<semaphore_mem>>
      %dma_wait3A_149 = tpu.memref_squeeze %dma_wait3A_148 : memref<1x!tpu.dma_semaphore, #tpu.memory_space<semaphore_mem>> -> memref<!tpu.dma_semaphore, #tpu.memory_space<semaphore_mem>>
      tpu.wait_indirect_dma semaphore(%dma_wait3A_149 : memref<!tpu.dma_semaphore, #tpu.memory_space<semaphore_mem>>) src(%arg7 : memref<128x128xf32, #tpu.memory_space<vmem>>) dst(%dma_wait3A_147 : memref<10016x128xf32, #tpu.memory_space<vmem_shared>>)
      %dma_wait3A_150 = arith.constant 3 : i32
      %dma_wait3A_151 = arith.constant 0 : i32
      %dma_wait3A_152 = tpu.memref_slice %arg6[%add3A_62, %dma_wait3A_151] : memref<80x128xi32, #tpu.memory_space<vmem>> -> memref<1x128xi32, #tpu.memory_space<vmem>>
      %dma_wait3A_153 = tpu.memref_squeeze %dma_wait3A_152 : memref<1x128xi32, #tpu.memory_space<vmem>> -> memref<128xi32, #tpu.memory_space<vmem>>
      %dma_wait3A_154 = arith.constant 0 : i32
      %dma_wait3A_155 = arith.constant 0 : i32
      %dma_wait3A_156 = tpu.memref_slice %arg8[%dma_wait3A_154, %dma_wait3A_155] : memref<10016x128xf32, #tpu.memory_space<vmem_shared>> -> memref<10016x128xf32, #tpu.memory_space<vmem_shared>>
      %dma_wait3A_157 = tpu.memref_slice %arg9[%dma_wait3A_150] : memref<8x!tpu.dma_semaphore, #tpu.memory_space<semaphore_mem>> -> memref<1x!tpu.dma_semaphore, #tpu.memory_space<semaphore_mem>>
      %dma_wait3A_158 = tpu.memref_squeeze %dma_wait3A_157 : memref<1x!tpu.dma_semaphore, #tpu.memory_space<semaphore_mem>> -> memref<!tpu.dma_semaphore, #tpu.memory_space<semaphore_mem>>
      tpu.wait_indirect_dma semaphore(%dma_wait3A_158 : memref<!tpu.dma_semaphore, #tpu.memory_space<semaphore_mem>>) src(%arg7 : memref<128x128xf32, #tpu.memory_space<vmem>>) dst(%dma_wait3A_156 : memref<10016x128xf32, #tpu.memory_space<vmem_shared>>)
      %dma_wait3A_159 = arith.constant 4 : i32
      %dma_wait3A_160 = arith.constant 0 : i32
      %dma_wait3A_161 = tpu.memref_slice %arg6[%add3A_75, %dma_wait3A_160] : memref<80x128xi32, #tpu.memory_space<vmem>> -> memref<1x128xi32, #tpu.memory_space<vmem>>
      %dma_wait3A_162 = tpu.memref_squeeze %dma_wait3A_161 : memref<1x128xi32, #tpu.memory_space<vmem>> -> memref<128xi32, #tpu.memory_space<vmem>>
      %dma_wait3A_163 = arith.constant 0 : i32
      %dma_wait3A_164 = arith.constant 0 : i32
      %dma_wait3A_165 = tpu.memref_slice %arg8[%dma_wait3A_163, %dma_wait3A_164] : memref<10016x128xf32, #tpu.memory_space<vmem_shared>> -> memref<10016x128xf32, #tpu.memory_space<vmem_shared>>
      %dma_wait3A_166 = tpu.memref_slice %arg9[%dma_wait3A_159] : memref<8x!tpu.dma_semaphore, #tpu.memory_space<semaphore_mem>> -> memref<1x!tpu.dma_semaphore, #tpu.memory_space<semaphore_mem>>
      %dma_wait3A_167 = tpu.memref_squeeze %dma_wait3A_166 : memref<1x!tpu.dma_semaphore, #tpu.memory_space<semaphore_mem>> -> memref<!tpu.dma_semaphore, #tpu.memory_space<semaphore_mem>>
      tpu.wait_indirect_dma semaphore(%dma_wait3A_167 : memref<!tpu.dma_semaphore, #tpu.memory_space<semaphore_mem>>) src(%arg7 : memref<128x128xf32, #tpu.memory_space<vmem>>) dst(%dma_wait3A_165 : memref<10016x128xf32, #tpu.memory_space<vmem_shared>>)
      %dma_wait3A_168 = arith.constant 5 : i32
      %dma_wait3A_169 = arith.constant 0 : i32
      %dma_wait3A_170 = tpu.memref_slice %arg6[%add3A_88, %dma_wait3A_169] : memref<80x128xi32, #tpu.memory_space<vmem>> -> memref<1x128xi32, #tpu.memory_space<vmem>>
      %dma_wait3A_171 = tpu.memref_squeeze %dma_wait3A_170 : memref<1x128xi32, #tpu.memory_space<vmem>> -> memref<128xi32, #tpu.memory_space<vmem>>
      %dma_wait3A_172 = arith.constant 0 : i32
      %dma_wait3A_173 = arith.constant 0 : i32
      %dma_wait3A_174 = tpu.memref_slice %arg8[%dma_wait3A_172, %dma_wait3A_173] : memref<10016x128xf32, #tpu.memory_space<vmem_shared>> -> memref<10016x128xf32, #tpu.memory_space<vmem_shared>>
      %dma_wait3A_175 = tpu.memref_slice %arg9[%dma_wait3A_168] : memref<8x!tpu.dma_semaphore, #tpu.memory_space<semaphore_mem>> -> memref<1x!tpu.dma_semaphore, #tpu.memory_space<semaphore_mem>>
      %dma_wait3A_176 = tpu.memref_squeeze %dma_wait3A_175 : memref<1x!tpu.dma_semaphore, #tpu.memory_space<semaphore_mem>> -> memref<!tpu.dma_semaphore, #tpu.memory_space<semaphore_mem>>
      tpu.wait_indirect_dma semaphore(%dma_wait3A_176 : memref<!tpu.dma_semaphore, #tpu.memory_space<semaphore_mem>>) src(%arg7 : memref<128x128xf32, #tpu.memory_space<vmem>>) dst(%dma_wait3A_174 : memref<10016x128xf32, #tpu.memory_space<vmem_shared>>)
      %dma_wait3A_177 = arith.constant 6 : i32
      %dma_wait3A_178 = arith.constant 0 : i32
      %dma_wait3A_179 = tpu.memref_slice %arg6[%add3A_101, %dma_wait3A_178] : memref<80x128xi32, #tpu.memory_space<vmem>> -> memref<1x128xi32, #tpu.memory_space<vmem>>
      %dma_wait3A_180 = tpu.memref_squeeze %dma_wait3A_179 : memref<1x128xi32, #tpu.memory_space<vmem>> -> memref<128xi32, #tpu.memory_space<vmem>>
      %dma_wait3A_181 = arith.constant 0 : i32
      %dma_wait3A_182 = arith.constant 0 : i32
      %dma_wait3A_183 = tpu.memref_slice %arg8[%dma_wait3A_181, %dma_wait3A_182] : memref<10016x128xf32, #tpu.memory_space<vmem_shared>> -> memref<10016x128xf32, #tpu.memory_space<vmem_shared>>
      %dma_wait3A_184 = tpu.memref_slice %arg9[%dma_wait3A_177] : memref<8x!tpu.dma_semaphore, #tpu.memory_space<semaphore_mem>> -> memref<1x!tpu.dma_semaphore, #tpu.memory_space<semaphore_mem>>
      %dma_wait3A_185 = tpu.memref_squeeze %dma_wait3A_184 : memref<1x!tpu.dma_semaphore, #tpu.memory_space<semaphore_mem>> -> memref<!tpu.dma_semaphore, #tpu.memory_space<semaphore_mem>>
      tpu.wait_indirect_dma semaphore(%dma_wait3A_185 : memref<!tpu.dma_semaphore, #tpu.memory_space<semaphore_mem>>) src(%arg7 : memref<128x128xf32, #tpu.memory_space<vmem>>) dst(%dma_wait3A_183 : memref<10016x128xf32, #tpu.memory_space<vmem_shared>>)
      %dma_wait3A_186 = arith.constant 7 : i32
      %dma_wait3A_187 = arith.constant 0 : i32
      %dma_wait3A_188 = tpu.memref_slice %arg6[%add3A_114, %dma_wait3A_187] : memref<80x128xi32, #tpu.memory_space<vmem>> -> memref<1x128xi32, #tpu.memory_space<vmem>>
      %dma_wait3A_189 = tpu.memref_squeeze %dma_wait3A_188 : memref<1x128xi32, #tpu.memory_space<vmem>> -> memref<128xi32, #tpu.memory_space<vmem>>
      %dma_wait3A_190 = arith.constant 0 : i32
      %dma_wait3A_191 = arith.constant 0 : i32
      %dma_wait3A_192 = tpu.memref_slice %arg8[%dma_wait3A_190, %dma_wait3A_191] : memref<10016x128xf32, #tpu.memory_space<vmem_shared>> -> memref<10016x128xf32, #tpu.memory_space<vmem_shared>>
      %dma_wait3A_193 = tpu.memref_slice %arg9[%dma_wait3A_186] : memref<8x!tpu.dma_semaphore, #tpu.memory_space<semaphore_mem>> -> memref<1x!tpu.dma_semaphore, #tpu.memory_space<semaphore_mem>>
      %dma_wait3A_194 = tpu.memref_squeeze %dma_wait3A_193 : memref<1x!tpu.dma_semaphore, #tpu.memory_space<semaphore_mem>> -> memref<!tpu.dma_semaphore, #tpu.memory_space<semaphore_mem>>
      tpu.wait_indirect_dma semaphore(%dma_wait3A_194 : memref<!tpu.dma_semaphore, #tpu.memory_space<semaphore_mem>>) src(%arg7 : memref<128x128xf32, #tpu.memory_space<vmem>>) dst(%dma_wait3A_192 : memref<10016x128xf32, #tpu.memory_space<vmem_shared>>)
    }
    %scan3A_10 = arith.constant 10 : i32
    %barrier3A_11 = arith.constant 0 : index
    tpu.barrier barrier_id(%barrier3A_11)
    %lt3A_12 = arith.constant 15 : i32
    %lt3A_13 = arith.cmpi slt, %arg1, %lt3A_12 : i32
    %convert_element_type3A_14 = arith.extui %lt3A_13 : i1 to i32
    %cond3A_15 = arith.constant 0 : i32
    %cond3A_16 = arith.cmpi ne, %convert_element_type3A_14, %cond3A_15 : i32
    scf.if %cond3A_16 {
      %mul3A = arith.constant 624 : i32
      %mul3A_22 = arith.muli %arg1, %mul3A : i32
      %mul3A_23 = arith.constant 624 : i32
      %mul3A_24 = arith.muli %arg1, %mul3A_23 : i32
      "tpu.region"() ({
        %run_scoped3A = tpu.sem_alloc : memref<!tpu.dma_semaphore, #tpu.memory_space<semaphore_mem>>
        %dma_start3A = arith.constant 0 : i32
        %dma_start3A_25 = tpu.memref_slice %arg5[%arg0, %mul3A_24, %dma_start3A] : memref<2x10016x128xf32, #tpu.memory_space<hbm>> -> memref<1x624x128xf32, #tpu.memory_space<hbm>>
        %dma_start3A_26 = tpu.memref_squeeze %dma_start3A_25 : memref<1x624x128xf32, #tpu.memory_space<hbm>> -> memref<624x128xf32, #tpu.memory_space<hbm>>
        %dma_start3A_27 = arith.constant 0 : i32
        %dma_start3A_28 = tpu.memref_slice %arg8[%mul3A_22, %dma_start3A_27] : memref<10016x128xf32, #tpu.memory_space<vmem_shared>> -> memref<624x128xf32, #tpu.memory_space<vmem_shared>>
        tpu.enqueue_dma source(%dma_start3A_28 : memref<624x128xf32, #tpu.memory_space<vmem_shared>>) target(%dma_start3A_26 : memref<624x128xf32, #tpu.memory_space<hbm>>) target_semaphore(%run_scoped3A : memref<!tpu.dma_semaphore, #tpu.memory_space<semaphore_mem>>)
        %dma_wait3A = arith.constant 0 : i32
        %dma_wait3A_29 = tpu.memref_slice %arg5[%arg0, %mul3A_24, %dma_wait3A] : memref<2x10016x128xf32, #tpu.memory_space<hbm>> -> memref<1x624x128xf32, #tpu.memory_space<hbm>>
        %dma_wait3A_30 = tpu.memref_squeeze %dma_wait3A_29 : memref<1x624x128xf32, #tpu.memory_space<hbm>> -> memref<624x128xf32, #tpu.memory_space<hbm>>
        %dma_wait3A_31 = arith.constant 0 : i32
        %dma_wait3A_32 = tpu.memref_slice %arg8[%mul3A_22, %dma_wait3A_31] : memref<10016x128xf32, #tpu.memory_space<vmem_shared>> -> memref<624x128xf32, #tpu.memory_space<vmem_shared>>
        tpu.wait_dma2 semaphore(%run_scoped3A : memref<!tpu.dma_semaphore, #tpu.memory_space<semaphore_mem>>) src(%dma_wait3A_32 : memref<624x128xf32, #tpu.memory_space<vmem_shared>>) dst(%dma_wait3A_30 : memref<624x128xf32, #tpu.memory_space<hbm>>)
        tpu.yield
      }) : () -> ()
    } else {
    }
    %eq3A_17 = arith.constant 15 : i32
    %eq3A_18 = arith.cmpi eq, %arg1, %eq3A_17 : i32
    %convert_element_type3A_19 = arith.extui %eq3A_18 : i1 to i32
    %cond3A_20 = arith.constant 0 : i32
    %cond3A_21 = arith.cmpi ne, %convert_element_type3A_19, %cond3A_20 : i32
    scf.if %cond3A_21 {
      "tpu.region"() ({
        %run_scoped3A = tpu.sem_alloc : memref<!tpu.dma_semaphore, #tpu.memory_space<semaphore_mem>>
        %dma_start3A = arith.constant 9360 : i32
        %dma_start3A_22 = arith.constant 0 : i32
        %dma_start3A_23 = tpu.memref_slice %arg5[%arg0, %dma_start3A, %dma_start3A_22] : memref<2x10016x128xf32, #tpu.memory_space<hbm>> -> memref<1x656x128xf32, #tpu.memory_space<hbm>>
        %dma_start3A_24 = tpu.memref_squeeze %dma_start3A_23 : memref<1x656x128xf32, #tpu.memory_space<hbm>> -> memref<656x128xf32, #tpu.memory_space<hbm>>
        %dma_start3A_25 = arith.constant 9360 : i32
        %dma_start3A_26 = arith.constant 0 : i32
        %dma_start3A_27 = tpu.memref_slice %arg8[%dma_start3A_25, %dma_start3A_26] : memref<10016x128xf32, #tpu.memory_space<vmem_shared>> -> memref<656x128xf32, #tpu.memory_space<vmem_shared>>
        tpu.enqueue_dma source(%dma_start3A_27 : memref<656x128xf32, #tpu.memory_space<vmem_shared>>) target(%dma_start3A_24 : memref<656x128xf32, #tpu.memory_space<hbm>>) target_semaphore(%run_scoped3A : memref<!tpu.dma_semaphore, #tpu.memory_space<semaphore_mem>>)
        %dma_wait3A = arith.constant 9360 : i32
        %dma_wait3A_28 = arith.constant 0 : i32
        %dma_wait3A_29 = tpu.memref_slice %arg5[%arg0, %dma_wait3A, %dma_wait3A_28] : memref<2x10016x128xf32, #tpu.memory_space<hbm>> -> memref<1x656x128xf32, #tpu.memory_space<hbm>>
        %dma_wait3A_30 = tpu.memref_squeeze %dma_wait3A_29 : memref<1x656x128xf32, #tpu.memory_space<hbm>> -> memref<656x128xf32, #tpu.memory_space<hbm>>
        %dma_wait3A_31 = arith.constant 9360 : i32
        %dma_wait3A_32 = arith.constant 0 : i32
        %dma_wait3A_33 = tpu.memref_slice %arg8[%dma_wait3A_31, %dma_wait3A_32] : memref<10016x128xf32, #tpu.memory_space<vmem_shared>> -> memref<656x128xf32, #tpu.memory_space<vmem_shared>>
        tpu.wait_dma2 semaphore(%run_scoped3A : memref<!tpu.dma_semaphore, #tpu.memory_space<semaphore_mem>>) src(%dma_wait3A_33 : memref<656x128xf32, #tpu.memory_space<vmem_shared>>) dst(%dma_wait3A_30 : memref<656x128xf32, #tpu.memory_space<hbm>>)
        tpu.yield
      }) : () -> ()
    } else {
    }
    return
  }
}

#map = affine_map<(d0, d1) -> (0, 0)>
#map1 = affine_map<(d0, d1) -> (0, 0, 0, 0)>
#map2 = affine_map<(d0, d1) -> (0, 0, 0)>
module attributes {stable_mosaic.version = 14 : i64} {
  func.func @k(%arg0: i32, %arg1: i32, %arg2: memref<10000x128xf32, #tpu.memory_space<hbm>>, %arg3: memref<16x160x2x128xi32, #tpu.memory_space<hbm>>, %arg4: memref<656x128xf32, #tpu.memory_space<hbm>>, %arg5: memref<2x10016x128xf32, #tpu.memory_space<hbm>>, %arg6: memref<4x2x128xi32, #tpu.memory_space<vmem>>, %arg7: memref<3x128x128xf32, #tpu.memory_space<vmem>>, %arg8: memref<10016x128xf32, #tpu.memory_space<vmem_shared>>, %arg9: memref<4x!tpu.dma_semaphore, #tpu.memory_space<semaphore_mem>>, %arg10: memref<3x!tpu.dma_semaphore, #tpu.memory_space<semaphore_mem>>, %arg11: memref<3x!tpu.dma_semaphore, #tpu.memory_space<semaphore_mem>>) attributes {dimension_semantics = [#tpu.dimension_semantics<core_parallel>, #tpu.dimension_semantics<subcore_parallel>], iteration_bounds = array<i64: 2, 16>, scalar_prefetch = 0 : i64, scratch_operands = 6 : i64, tpu.core_type = #tpu.core_type<sc_vector_subcore>, window_params = [{transform_indices = #map}, {transform_indices = #map1}, {transform_indices = #map}, {transform_indices = #map2}]} {
    %lt3A = arith.constant 15 : i32
    %lt3A_0 = arith.cmpi slt, %arg1, %lt3A : i32
    %convert_element_type3A = arith.extui %lt3A_0 : i1 to i32
    %cond3A = arith.constant 0 : i32
    %cond3A_1 = arith.cmpi ne, %convert_element_type3A, %cond3A : i32
    scf.if %cond3A_1 {
      %mul3A = arith.constant 624 : i32
      %mul3A_27 = arith.muli %arg1, %mul3A : i32
      "tpu.region"() ({
        %run_scoped3A = tpu.sem_alloc : memref<!tpu.dma_semaphore, #tpu.memory_space<semaphore_mem>>
        %dma_start3A = arith.constant 0 : i32
        %dma_start3A_28 = tpu.memref_slice %arg8[%mul3A_27, %dma_start3A] : memref<10016x128xf32, #tpu.memory_space<vmem_shared>> -> memref<624x128xf32, #tpu.memory_space<vmem_shared>>
        %dma_start3A_29 = arith.constant 0 : i32
        %dma_start3A_30 = arith.constant 0 : i32
        %dma_start3A_31 = tpu.memref_slice %arg4[%dma_start3A_29, %dma_start3A_30] : memref<656x128xf32, #tpu.memory_space<hbm>> -> memref<624x128xf32, #tpu.memory_space<hbm>>
        tpu.enqueue_dma source(%dma_start3A_31 : memref<624x128xf32, #tpu.memory_space<hbm>>) target(%dma_start3A_28 : memref<624x128xf32, #tpu.memory_space<vmem_shared>>) target_semaphore(%run_scoped3A : memref<!tpu.dma_semaphore, #tpu.memory_space<semaphore_mem>>)
        %dma_wait3A = arith.constant 0 : i32
        %dma_wait3A_32 = tpu.memref_slice %arg8[%mul3A_27, %dma_wait3A] : memref<10016x128xf32, #tpu.memory_space<vmem_shared>> -> memref<624x128xf32, #tpu.memory_space<vmem_shared>>
        %dma_wait3A_33 = arith.constant 0 : i32
        %dma_wait3A_34 = arith.constant 0 : i32
        %dma_wait3A_35 = tpu.memref_slice %arg4[%dma_wait3A_33, %dma_wait3A_34] : memref<656x128xf32, #tpu.memory_space<hbm>> -> memref<624x128xf32, #tpu.memory_space<hbm>>
        tpu.wait_dma2 semaphore(%run_scoped3A : memref<!tpu.dma_semaphore, #tpu.memory_space<semaphore_mem>>) src(%dma_wait3A_35 : memref<624x128xf32, #tpu.memory_space<hbm>>) dst(%dma_wait3A_32 : memref<624x128xf32, #tpu.memory_space<vmem_shared>>)
        tpu.yield
      }) : () -> ()
    } else {
    }
    %eq3A = arith.constant 15 : i32
    %eq3A_2 = arith.cmpi eq, %arg1, %eq3A : i32
    %convert_element_type3A_3 = arith.extui %eq3A_2 : i1 to i32
    %cond3A_4 = arith.constant 0 : i32
    %cond3A_5 = arith.cmpi ne, %convert_element_type3A_3, %cond3A_4 : i32
    scf.if %cond3A_5 {
      "tpu.region"() ({
        %run_scoped3A = tpu.sem_alloc : memref<!tpu.dma_semaphore, #tpu.memory_space<semaphore_mem>>
        %dma_start3A = arith.constant 9360 : i32
        %dma_start3A_27 = arith.constant 0 : i32
        %dma_start3A_28 = tpu.memref_slice %arg8[%dma_start3A, %dma_start3A_27] : memref<10016x128xf32, #tpu.memory_space<vmem_shared>> -> memref<656x128xf32, #tpu.memory_space<vmem_shared>>
        tpu.enqueue_dma source(%arg4 : memref<656x128xf32, #tpu.memory_space<hbm>>) target(%dma_start3A_28 : memref<656x128xf32, #tpu.memory_space<vmem_shared>>) target_semaphore(%run_scoped3A : memref<!tpu.dma_semaphore, #tpu.memory_space<semaphore_mem>>)
        %dma_wait3A = arith.constant 9360 : i32
        %dma_wait3A_29 = arith.constant 0 : i32
        %dma_wait3A_30 = tpu.memref_slice %arg8[%dma_wait3A, %dma_wait3A_29] : memref<10016x128xf32, #tpu.memory_space<vmem_shared>> -> memref<656x128xf32, #tpu.memory_space<vmem_shared>>
        tpu.wait_dma2 semaphore(%run_scoped3A : memref<!tpu.dma_semaphore, #tpu.memory_space<semaphore_mem>>) src(%arg4 : memref<656x128xf32, #tpu.memory_space<hbm>>) dst(%dma_wait3A_30 : memref<656x128xf32, #tpu.memory_space<vmem_shared>>)
        tpu.yield
      }) : () -> ()
    } else {
    }
    %barrier3A = arith.constant 0 : index
    tpu.barrier barrier_id(%barrier3A)
    %eq3A_6 = arith.constant 0 : i32
    %eq3A_7 = arith.cmpi eq, %arg0, %eq3A_6 : i32
    %convert_element_type3A_8 = arith.extui %eq3A_7 : i1 to i32
    %cond3A_9 = arith.constant 0 : i32
    %cond3A_10 = arith.cmpi ne, %convert_element_type3A_8, %cond3A_9 : i32
    scf.if %cond3A_10 {
      %dma_start3A = arith.constant 0 : i32
      %dma_start3A_27 = arith.constant 0 : i32
      %dma_start3A_28 = arith.constant 0 : i32
      %dma_start3A_29 = arith.constant 0 : i32
      %dma_start3A_30 = arith.constant 0 : i32
      %dma_start3A_31 = tpu.memref_slice %arg6[%dma_start3A_27, %dma_start3A_29, %dma_start3A_30] : memref<4x2x128xi32, #tpu.memory_space<vmem>> -> memref<1x2x128xi32, #tpu.memory_space<vmem>>
      %dma_start3A_32 = tpu.memref_squeeze %dma_start3A_31 : memref<1x2x128xi32, #tpu.memory_space<vmem>> -> memref<2x128xi32, #tpu.memory_space<vmem>>
      %dma_start3A_33 = arith.constant 0 : i32
      %dma_start3A_34 = arith.constant 0 : i32
      %dma_start3A_35 = tpu.memref_slice %arg3[%arg1, %dma_start3A, %dma_start3A_33, %dma_start3A_34] : memref<16x160x2x128xi32, #tpu.memory_space<hbm>> -> memref<1x1x2x128xi32, #tpu.memory_space<hbm>>
      %dma_start3A_36 = tpu.memref_squeeze %dma_start3A_35 : memref<1x1x2x128xi32, #tpu.memory_space<hbm>> -> memref<2x128xi32, #tpu.memory_space<hbm>>
      %dma_start3A_37 = tpu.memref_slice %arg9[%dma_start3A_28] : memref<4x!tpu.dma_semaphore, #tpu.memory_space<semaphore_mem>> -> memref<1x!tpu.dma_semaphore, #tpu.memory_space<semaphore_mem>>
      %dma_start3A_38 = tpu.memref_squeeze %dma_start3A_37 : memref<1x!tpu.dma_semaphore, #tpu.memory_space<semaphore_mem>> -> memref<!tpu.dma_semaphore, #tpu.memory_space<semaphore_mem>>
      %dma_start3A_39 = arith.constant 0 : i32
      %dma_start3A_40 = arith.constant 0 : i32
      %dma_start3A_41 = tpu.memref_slice %arg6[%dma_start3A_27, %dma_start3A_39, %dma_start3A_40] : memref<4x2x128xi32, #tpu.memory_space<vmem>> -> memref<1x2x128xi32, #tpu.memory_space<vmem>>
      %dma_start3A_42 = tpu.memref_squeeze %dma_start3A_41 : memref<1x2x128xi32, #tpu.memory_space<vmem>> -> memref<2x128xi32, #tpu.memory_space<vmem>>
      %dma_start3A_43 = arith.constant 0 : i32
      %dma_start3A_44 = arith.constant 0 : i32
      %dma_start3A_45 = tpu.memref_slice %arg3[%arg1, %dma_start3A, %dma_start3A_43, %dma_start3A_44] : memref<16x160x2x128xi32, #tpu.memory_space<hbm>> -> memref<1x1x2x128xi32, #tpu.memory_space<hbm>>
      %dma_start3A_46 = tpu.memref_squeeze %dma_start3A_45 : memref<1x1x2x128xi32, #tpu.memory_space<hbm>> -> memref<2x128xi32, #tpu.memory_space<hbm>>
      tpu.enqueue_dma source(%dma_start3A_46 : memref<2x128xi32, #tpu.memory_space<hbm>>) target(%dma_start3A_42 : memref<2x128xi32, #tpu.memory_space<vmem>>) target_semaphore(%dma_start3A_38 : memref<!tpu.dma_semaphore, #tpu.memory_space<semaphore_mem>>)
      %dma_start3A_47 = arith.constant 1 : i32
      %dma_start3A_48 = arith.constant 1 : i32
      %dma_start3A_49 = arith.constant 1 : i32
      %dma_start3A_50 = arith.constant 0 : i32
      %dma_start3A_51 = arith.constant 0 : i32
      %dma_start3A_52 = tpu.memref_slice %arg6[%dma_start3A_48, %dma_start3A_50, %dma_start3A_51] : memref<4x2x128xi32, #tpu.memory_space<vmem>> -> memref<1x2x128xi32, #tpu.memory_space<vmem>>
      %dma_start3A_53 = tpu.memref_squeeze %dma_start3A_52 : memref<1x2x128xi32, #tpu.memory_space<vmem>> -> memref<2x128xi32, #tpu.memory_space<vmem>>
      %dma_start3A_54 = arith.constant 0 : i32
      %dma_start3A_55 = arith.constant 0 : i32
      %dma_start3A_56 = tpu.memref_slice %arg3[%arg1, %dma_start3A_47, %dma_start3A_54, %dma_start3A_55] : memref<16x160x2x128xi32, #tpu.memory_space<hbm>> -> memref<1x1x2x128xi32, #tpu.memory_space<hbm>>
      %dma_start3A_57 = tpu.memref_squeeze %dma_start3A_56 : memref<1x1x2x128xi32, #tpu.memory_space<hbm>> -> memref<2x128xi32, #tpu.memory_space<hbm>>
      %dma_start3A_58 = tpu.memref_slice %arg9[%dma_start3A_49] : memref<4x!tpu.dma_semaphore, #tpu.memory_space<semaphore_mem>> -> memref<1x!tpu.dma_semaphore, #tpu.memory_space<semaphore_mem>>
      %dma_start3A_59 = tpu.memref_squeeze %dma_start3A_58 : memref<1x!tpu.dma_semaphore, #tpu.memory_space<semaphore_mem>> -> memref<!tpu.dma_semaphore, #tpu.memory_space<semaphore_mem>>
      %dma_start3A_60 = arith.constant 0 : i32
      %dma_start3A_61 = arith.constant 0 : i32
      %dma_start3A_62 = tpu.memref_slice %arg6[%dma_start3A_48, %dma_start3A_60, %dma_start3A_61] : memref<4x2x128xi32, #tpu.memory_space<vmem>> -> memref<1x2x128xi32, #tpu.memory_space<vmem>>
      %dma_start3A_63 = tpu.memref_squeeze %dma_start3A_62 : memref<1x2x128xi32, #tpu.memory_space<vmem>> -> memref<2x128xi32, #tpu.memory_space<vmem>>
      %dma_start3A_64 = arith.constant 0 : i32
      %dma_start3A_65 = arith.constant 0 : i32
      %dma_start3A_66 = tpu.memref_slice %arg3[%arg1, %dma_start3A_47, %dma_start3A_64, %dma_start3A_65] : memref<16x160x2x128xi32, #tpu.memory_space<hbm>> -> memref<1x1x2x128xi32, #tpu.memory_space<hbm>>
      %dma_start3A_67 = tpu.memref_squeeze %dma_start3A_66 : memref<1x1x2x128xi32, #tpu.memory_space<hbm>> -> memref<2x128xi32, #tpu.memory_space<hbm>>
      tpu.enqueue_dma source(%dma_start3A_67 : memref<2x128xi32, #tpu.memory_space<hbm>>) target(%dma_start3A_63 : memref<2x128xi32, #tpu.memory_space<vmem>>) target_semaphore(%dma_start3A_59 : memref<!tpu.dma_semaphore, #tpu.memory_space<semaphore_mem>>)
      %dma_start3A_68 = arith.constant 2 : i32
      %dma_start3A_69 = arith.constant 2 : i32
      %dma_start3A_70 = arith.constant 2 : i32
      %dma_start3A_71 = arith.constant 0 : i32
      %dma_start3A_72 = arith.constant 0 : i32
      %dma_start3A_73 = tpu.memref_slice %arg6[%dma_start3A_69, %dma_start3A_71, %dma_start3A_72] : memref<4x2x128xi32, #tpu.memory_space<vmem>> -> memref<1x2x128xi32, #tpu.memory_space<vmem>>
      %dma_start3A_74 = tpu.memref_squeeze %dma_start3A_73 : memref<1x2x128xi32, #tpu.memory_space<vmem>> -> memref<2x128xi32, #tpu.memory_space<vmem>>
      %dma_start3A_75 = arith.constant 0 : i32
      %dma_start3A_76 = arith.constant 0 : i32
      %dma_start3A_77 = tpu.memref_slice %arg3[%arg1, %dma_start3A_68, %dma_start3A_75, %dma_start3A_76] : memref<16x160x2x128xi32, #tpu.memory_space<hbm>> -> memref<1x1x2x128xi32, #tpu.memory_space<hbm>>
      %dma_start3A_78 = tpu.memref_squeeze %dma_start3A_77 : memref<1x1x2x128xi32, #tpu.memory_space<hbm>> -> memref<2x128xi32, #tpu.memory_space<hbm>>
      %dma_start3A_79 = tpu.memref_slice %arg9[%dma_start3A_70] : memref<4x!tpu.dma_semaphore, #tpu.memory_space<semaphore_mem>> -> memref<1x!tpu.dma_semaphore, #tpu.memory_space<semaphore_mem>>
      %dma_start3A_80 = tpu.memref_squeeze %dma_start3A_79 : memref<1x!tpu.dma_semaphore, #tpu.memory_space<semaphore_mem>> -> memref<!tpu.dma_semaphore, #tpu.memory_space<semaphore_mem>>
      %dma_start3A_81 = arith.constant 0 : i32
      %dma_start3A_82 = arith.constant 0 : i32
      %dma_start3A_83 = tpu.memref_slice %arg6[%dma_start3A_69, %dma_start3A_81, %dma_start3A_82] : memref<4x2x128xi32, #tpu.memory_space<vmem>> -> memref<1x2x128xi32, #tpu.memory_space<vmem>>
      %dma_start3A_84 = tpu.memref_squeeze %dma_start3A_83 : memref<1x2x128xi32, #tpu.memory_space<vmem>> -> memref<2x128xi32, #tpu.memory_space<vmem>>
      %dma_start3A_85 = arith.constant 0 : i32
      %dma_start3A_86 = arith.constant 0 : i32
      %dma_start3A_87 = tpu.memref_slice %arg3[%arg1, %dma_start3A_68, %dma_start3A_85, %dma_start3A_86] : memref<16x160x2x128xi32, #tpu.memory_space<hbm>> -> memref<1x1x2x128xi32, #tpu.memory_space<hbm>>
      %dma_start3A_88 = tpu.memref_squeeze %dma_start3A_87 : memref<1x1x2x128xi32, #tpu.memory_space<hbm>> -> memref<2x128xi32, #tpu.memory_space<hbm>>
      tpu.enqueue_dma source(%dma_start3A_88 : memref<2x128xi32, #tpu.memory_space<hbm>>) target(%dma_start3A_84 : memref<2x128xi32, #tpu.memory_space<vmem>>) target_semaphore(%dma_start3A_80 : memref<!tpu.dma_semaphore, #tpu.memory_space<semaphore_mem>>)
      %dma_start3A_89 = arith.constant 3 : i32
      %dma_start3A_90 = arith.constant 3 : i32
      %dma_start3A_91 = arith.constant 3 : i32
      %dma_start3A_92 = arith.constant 0 : i32
      %dma_start3A_93 = arith.constant 0 : i32
      %dma_start3A_94 = tpu.memref_slice %arg6[%dma_start3A_90, %dma_start3A_92, %dma_start3A_93] : memref<4x2x128xi32, #tpu.memory_space<vmem>> -> memref<1x2x128xi32, #tpu.memory_space<vmem>>
      %dma_start3A_95 = tpu.memref_squeeze %dma_start3A_94 : memref<1x2x128xi32, #tpu.memory_space<vmem>> -> memref<2x128xi32, #tpu.memory_space<vmem>>
      %dma_start3A_96 = arith.constant 0 : i32
      %dma_start3A_97 = arith.constant 0 : i32
      %dma_start3A_98 = tpu.memref_slice %arg3[%arg1, %dma_start3A_89, %dma_start3A_96, %dma_start3A_97] : memref<16x160x2x128xi32, #tpu.memory_space<hbm>> -> memref<1x1x2x128xi32, #tpu.memory_space<hbm>>
      %dma_start3A_99 = tpu.memref_squeeze %dma_start3A_98 : memref<1x1x2x128xi32, #tpu.memory_space<hbm>> -> memref<2x128xi32, #tpu.memory_space<hbm>>
      %dma_start3A_100 = tpu.memref_slice %arg9[%dma_start3A_91] : memref<4x!tpu.dma_semaphore, #tpu.memory_space<semaphore_mem>> -> memref<1x!tpu.dma_semaphore, #tpu.memory_space<semaphore_mem>>
      %dma_start3A_101 = tpu.memref_squeeze %dma_start3A_100 : memref<1x!tpu.dma_semaphore, #tpu.memory_space<semaphore_mem>> -> memref<!tpu.dma_semaphore, #tpu.memory_space<semaphore_mem>>
      %dma_start3A_102 = arith.constant 0 : i32
      %dma_start3A_103 = arith.constant 0 : i32
      %dma_start3A_104 = tpu.memref_slice %arg6[%dma_start3A_90, %dma_start3A_102, %dma_start3A_103] : memref<4x2x128xi32, #tpu.memory_space<vmem>> -> memref<1x2x128xi32, #tpu.memory_space<vmem>>
      %dma_start3A_105 = tpu.memref_squeeze %dma_start3A_104 : memref<1x2x128xi32, #tpu.memory_space<vmem>> -> memref<2x128xi32, #tpu.memory_space<vmem>>
      %dma_start3A_106 = arith.constant 0 : i32
      %dma_start3A_107 = arith.constant 0 : i32
      %dma_start3A_108 = tpu.memref_slice %arg3[%arg1, %dma_start3A_89, %dma_start3A_106, %dma_start3A_107] : memref<16x160x2x128xi32, #tpu.memory_space<hbm>> -> memref<1x1x2x128xi32, #tpu.memory_space<hbm>>
      %dma_start3A_109 = tpu.memref_squeeze %dma_start3A_108 : memref<1x1x2x128xi32, #tpu.memory_space<hbm>> -> memref<2x128xi32, #tpu.memory_space<hbm>>
      tpu.enqueue_dma source(%dma_start3A_109 : memref<2x128xi32, #tpu.memory_space<hbm>>) target(%dma_start3A_105 : memref<2x128xi32, #tpu.memory_space<vmem>>) target_semaphore(%dma_start3A_101 : memref<!tpu.dma_semaphore, #tpu.memory_space<semaphore_mem>>)
      %dma_wait3A = arith.constant 0 : i32
      %dma_wait3A_110 = arith.constant 0 : i32
      %dma_wait3A_111 = arith.constant 0 : i32
      %dma_wait3A_112 = arith.constant 0 : i32
      %dma_wait3A_113 = arith.constant 0 : i32
      %dma_wait3A_114 = tpu.memref_slice %arg6[%dma_wait3A_110, %dma_wait3A_112, %dma_wait3A_113] : memref<4x2x128xi32, #tpu.memory_space<vmem>> -> memref<1x2x128xi32, #tpu.memory_space<vmem>>
      %dma_wait3A_115 = tpu.memref_squeeze %dma_wait3A_114 : memref<1x2x128xi32, #tpu.memory_space<vmem>> -> memref<2x128xi32, #tpu.memory_space<vmem>>
      %dma_wait3A_116 = arith.constant 0 : i32
      %dma_wait3A_117 = arith.constant 0 : i32
      %dma_wait3A_118 = tpu.memref_slice %arg3[%arg1, %dma_wait3A, %dma_wait3A_116, %dma_wait3A_117] : memref<16x160x2x128xi32, #tpu.memory_space<hbm>> -> memref<1x1x2x128xi32, #tpu.memory_space<hbm>>
      %dma_wait3A_119 = tpu.memref_squeeze %dma_wait3A_118 : memref<1x1x2x128xi32, #tpu.memory_space<hbm>> -> memref<2x128xi32, #tpu.memory_space<hbm>>
      %dma_wait3A_120 = tpu.memref_slice %arg9[%dma_wait3A_111] : memref<4x!tpu.dma_semaphore, #tpu.memory_space<semaphore_mem>> -> memref<1x!tpu.dma_semaphore, #tpu.memory_space<semaphore_mem>>
      %dma_wait3A_121 = tpu.memref_squeeze %dma_wait3A_120 : memref<1x!tpu.dma_semaphore, #tpu.memory_space<semaphore_mem>> -> memref<!tpu.dma_semaphore, #tpu.memory_space<semaphore_mem>>
      %dma_wait3A_122 = arith.constant 0 : i32
      %dma_wait3A_123 = arith.constant 0 : i32
      %dma_wait3A_124 = tpu.memref_slice %arg6[%dma_wait3A_110, %dma_wait3A_122, %dma_wait3A_123] : memref<4x2x128xi32, #tpu.memory_space<vmem>> -> memref<1x2x128xi32, #tpu.memory_space<vmem>>
      %dma_wait3A_125 = tpu.memref_squeeze %dma_wait3A_124 : memref<1x2x128xi32, #tpu.memory_space<vmem>> -> memref<2x128xi32, #tpu.memory_space<vmem>>
      %dma_wait3A_126 = arith.constant 0 : i32
      %dma_wait3A_127 = arith.constant 0 : i32
      %dma_wait3A_128 = tpu.memref_slice %arg3[%arg1, %dma_wait3A, %dma_wait3A_126, %dma_wait3A_127] : memref<16x160x2x128xi32, #tpu.memory_space<hbm>> -> memref<1x1x2x128xi32, #tpu.memory_space<hbm>>
      %dma_wait3A_129 = tpu.memref_squeeze %dma_wait3A_128 : memref<1x1x2x128xi32, #tpu.memory_space<hbm>> -> memref<2x128xi32, #tpu.memory_space<hbm>>
      tpu.wait_dma2 semaphore(%dma_wait3A_121 : memref<!tpu.dma_semaphore, #tpu.memory_space<semaphore_mem>>) src(%dma_wait3A_129 : memref<2x128xi32, #tpu.memory_space<hbm>>) dst(%dma_wait3A_125 : memref<2x128xi32, #tpu.memory_space<vmem>>)
      %dma_start3A_130 = arith.constant 0 : i32
      %dma_start3A_131 = arith.constant 0 : i32
      %dma_start3A_132 = arith.constant 0 : i32
      %dma_start3A_133 = arith.constant 0 : i32
      %dma_start3A_134 = arith.constant 0 : i32
      %dma_start3A_135 = arith.constant 0 : i32
      %dma_start3A_136 = tpu.memref_slice %arg7[%dma_start3A_132, %dma_start3A_134, %dma_start3A_135] : memref<3x128x128xf32, #tpu.memory_space<vmem>> -> memref<1x128x128xf32, #tpu.memory_space<vmem>>
      %dma_start3A_137 = tpu.memref_squeeze %dma_start3A_136 : memref<1x128x128xf32, #tpu.memory_space<vmem>> -> memref<128x128xf32, #tpu.memory_space<vmem>>
      %dma_start3A_138 = arith.constant 0 : i32
      %dma_start3A_139 = tpu.memref_slice %arg6[%dma_start3A_130, %dma_start3A_131, %dma_start3A_138] : memref<4x2x128xi32, #tpu.memory_space<vmem>> -> memref<1x1x128xi32, #tpu.memory_space<vmem>>
      %dma_start3A_140 = tpu.memref_squeeze %dma_start3A_139 : memref<1x1x128xi32, #tpu.memory_space<vmem>> -> memref<128xi32, #tpu.memory_space<vmem>>
      %dma_start3A_141 = arith.constant 0 : i32
      %dma_start3A_142 = arith.constant 0 : i32
      %dma_start3A_143 = tpu.memref_slice %arg2[%dma_start3A_141, %dma_start3A_142] : memref<10000x128xf32, #tpu.memory_space<hbm>> -> memref<10000x128xf32, #tpu.memory_space<hbm>>
      %dma_start3A_144 = tpu.memref_slice %arg10[%dma_start3A_133] : memref<3x!tpu.dma_semaphore, #tpu.memory_space<semaphore_mem>> -> memref<1x!tpu.dma_semaphore, #tpu.memory_space<semaphore_mem>>
      %dma_start3A_145 = tpu.memref_squeeze %dma_start3A_144 : memref<1x!tpu.dma_semaphore, #tpu.memory_space<semaphore_mem>> -> memref<!tpu.dma_semaphore, #tpu.memory_space<semaphore_mem>>
      tpu.enqueue_indirect_dma source(%dma_start3A_143 : memref<10000x128xf32, #tpu.memory_space<hbm>>) target(%dma_start3A_137 : memref<128x128xf32, #tpu.memory_space<vmem>>) offsets(%dma_start3A_140 : memref<128xi32, #tpu.memory_space<vmem>>) semaphore(%dma_start3A_145 : memref<!tpu.dma_semaphore, #tpu.memory_space<semaphore_mem>>)
      %dma_wait3A_146 = arith.constant 1 : i32
      %dma_wait3A_147 = arith.constant 1 : i32
      %dma_wait3A_148 = arith.constant 1 : i32
      %dma_wait3A_149 = arith.constant 0 : i32
      %dma_wait3A_150 = arith.constant 0 : i32
      %dma_wait3A_151 = tpu.memref_slice %arg6[%dma_wait3A_147, %dma_wait3A_149, %dma_wait3A_150] : memref<4x2x128xi32, #tpu.memory_space<vmem>> -> memref<1x2x128xi32, #tpu.memory_space<vmem>>
      %dma_wait3A_152 = tpu.memref_squeeze %dma_wait3A_151 : memref<1x2x128xi32, #tpu.memory_space<vmem>> -> memref<2x128xi32, #tpu.memory_space<vmem>>
      %dma_wait3A_153 = arith.constant 0 : i32
      %dma_wait3A_154 = arith.constant 0 : i32
      %dma_wait3A_155 = tpu.memref_slice %arg3[%arg1, %dma_wait3A_146, %dma_wait3A_153, %dma_wait3A_154] : memref<16x160x2x128xi32, #tpu.memory_space<hbm>> -> memref<1x1x2x128xi32, #tpu.memory_space<hbm>>
      %dma_wait3A_156 = tpu.memref_squeeze %dma_wait3A_155 : memref<1x1x2x128xi32, #tpu.memory_space<hbm>> -> memref<2x128xi32, #tpu.memory_space<hbm>>
      %dma_wait3A_157 = tpu.memref_slice %arg9[%dma_wait3A_148] : memref<4x!tpu.dma_semaphore, #tpu.memory_space<semaphore_mem>> -> memref<1x!tpu.dma_semaphore, #tpu.memory_space<semaphore_mem>>
      %dma_wait3A_158 = tpu.memref_squeeze %dma_wait3A_157 : memref<1x!tpu.dma_semaphore, #tpu.memory_space<semaphore_mem>> -> memref<!tpu.dma_semaphore, #tpu.memory_space<semaphore_mem>>
      %dma_wait3A_159 = arith.constant 0 : i32
      %dma_wait3A_160 = arith.constant 0 : i32
      %dma_wait3A_161 = tpu.memref_slice %arg6[%dma_wait3A_147, %dma_wait3A_159, %dma_wait3A_160] : memref<4x2x128xi32, #tpu.memory_space<vmem>> -> memref<1x2x128xi32, #tpu.memory_space<vmem>>
      %dma_wait3A_162 = tpu.memref_squeeze %dma_wait3A_161 : memref<1x2x128xi32, #tpu.memory_space<vmem>> -> memref<2x128xi32, #tpu.memory_space<vmem>>
      %dma_wait3A_163 = arith.constant 0 : i32
      %dma_wait3A_164 = arith.constant 0 : i32
      %dma_wait3A_165 = tpu.memref_slice %arg3[%arg1, %dma_wait3A_146, %dma_wait3A_163, %dma_wait3A_164] : memref<16x160x2x128xi32, #tpu.memory_space<hbm>> -> memref<1x1x2x128xi32, #tpu.memory_space<hbm>>
      %dma_wait3A_166 = tpu.memref_squeeze %dma_wait3A_165 : memref<1x1x2x128xi32, #tpu.memory_space<hbm>> -> memref<2x128xi32, #tpu.memory_space<hbm>>
      tpu.wait_dma2 semaphore(%dma_wait3A_158 : memref<!tpu.dma_semaphore, #tpu.memory_space<semaphore_mem>>) src(%dma_wait3A_166 : memref<2x128xi32, #tpu.memory_space<hbm>>) dst(%dma_wait3A_162 : memref<2x128xi32, #tpu.memory_space<vmem>>)
      %dma_start3A_167 = arith.constant 1 : i32
      %dma_start3A_168 = arith.constant 0 : i32
      %dma_start3A_169 = arith.constant 1 : i32
      %dma_start3A_170 = arith.constant 1 : i32
      %dma_start3A_171 = arith.constant 0 : i32
      %dma_start3A_172 = arith.constant 0 : i32
      %dma_start3A_173 = tpu.memref_slice %arg7[%dma_start3A_169, %dma_start3A_171, %dma_start3A_172] : memref<3x128x128xf32, #tpu.memory_space<vmem>> -> memref<1x128x128xf32, #tpu.memory_space<vmem>>
      %dma_start3A_174 = tpu.memref_squeeze %dma_start3A_173 : memref<1x128x128xf32, #tpu.memory_space<vmem>> -> memref<128x128xf32, #tpu.memory_space<vmem>>
      %dma_start3A_175 = arith.constant 0 : i32
      %dma_start3A_176 = tpu.memref_slice %arg6[%dma_start3A_167, %dma_start3A_168, %dma_start3A_175] : memref<4x2x128xi32, #tpu.memory_space<vmem>> -> memref<1x1x128xi32, #tpu.memory_space<vmem>>
      %dma_start3A_177 = tpu.memref_squeeze %dma_start3A_176 : memref<1x1x128xi32, #tpu.memory_space<vmem>> -> memref<128xi32, #tpu.memory_space<vmem>>
      %dma_start3A_178 = arith.constant 0 : i32
      %dma_start3A_179 = arith.constant 0 : i32
      %dma_start3A_180 = tpu.memref_slice %arg2[%dma_start3A_178, %dma_start3A_179] : memref<10000x128xf32, #tpu.memory_space<hbm>> -> memref<10000x128xf32, #tpu.memory_space<hbm>>
      %dma_start3A_181 = tpu.memref_slice %arg10[%dma_start3A_170] : memref<3x!tpu.dma_semaphore, #tpu.memory_space<semaphore_mem>> -> memref<1x!tpu.dma_semaphore, #tpu.memory_space<semaphore_mem>>
      %dma_start3A_182 = tpu.memref_squeeze %dma_start3A_181 : memref<1x!tpu.dma_semaphore, #tpu.memory_space<semaphore_mem>> -> memref<!tpu.dma_semaphore, #tpu.memory_space<semaphore_mem>>
      tpu.enqueue_indirect_dma source(%dma_start3A_180 : memref<10000x128xf32, #tpu.memory_space<hbm>>) target(%dma_start3A_174 : memref<128x128xf32, #tpu.memory_space<vmem>>) offsets(%dma_start3A_177 : memref<128xi32, #tpu.memory_space<vmem>>) semaphore(%dma_start3A_182 : memref<!tpu.dma_semaphore, #tpu.memory_space<semaphore_mem>>)
      %scan3A = arith.constant 0 : i32
      %scan3A_183 = arith.constant 0 : i32
      %scan3A_184 = arith.constant 115 : i32
      %scan3A_185 = arith.addi %scan3A_183, %scan3A_184 : i32
      %scan3A_186 = arith.constant 1 : i32
      scf.for %scan3A_206 = %scan3A_183 to %scan3A_185 step %scan3A_186  : i32 {
        %rem3A_207 = arith.constant 3 : i32
        %rem3A_208 = arith.remsi %scan3A_206, %rem3A_207 : i32
        %add3A = arith.constant 2 : i32
        %add3A_209 = arith.addi %scan3A_206, %add3A : i32
        %rem3A_210 = arith.constant 3 : i32
        %rem3A_211 = arith.remsi %add3A_209, %rem3A_210 : i32
        %rem3A_212 = arith.constant 4 : i32
        %rem3A_213 = arith.remsi %scan3A_206, %rem3A_212 : i32
        %add3A_214 = arith.constant 2 : i32
        %add3A_215 = arith.addi %scan3A_206, %add3A_214 : i32
        %rem3A_216 = arith.constant 4 : i32
        %rem3A_217 = arith.remsi %add3A_215, %rem3A_216 : i32
        %add3A_218 = arith.constant 3 : i32
        %add3A_219 = arith.addi %scan3A_206, %add3A_218 : i32
        %rem3A_220 = arith.constant 4 : i32
        %rem3A_221 = arith.remsi %add3A_219, %rem3A_220 : i32
        %dma_wait3A_222 = arith.constant 0 : i32
        %dma_wait3A_223 = arith.constant 0 : i32
        %dma_wait3A_224 = arith.constant 0 : i32
        %dma_wait3A_225 = tpu.memref_slice %arg7[%rem3A_208, %dma_wait3A_223, %dma_wait3A_224] : memref<3x128x128xf32, #tpu.memory_space<vmem>> -> memref<1x128x128xf32, #tpu.memory_space<vmem>>
        %dma_wait3A_226 = tpu.memref_squeeze %dma_wait3A_225 : memref<1x128x128xf32, #tpu.memory_space<vmem>> -> memref<128x128xf32, #tpu.memory_space<vmem>>
        %dma_wait3A_227 = arith.constant 0 : i32
        %dma_wait3A_228 = tpu.memref_slice %arg6[%rem3A_213, %dma_wait3A_222, %dma_wait3A_227] : memref<4x2x128xi32, #tpu.memory_space<vmem>> -> memref<1x1x128xi32, #tpu.memory_space<vmem>>
        %dma_wait3A_229 = tpu.memref_squeeze %dma_wait3A_228 : memref<1x1x128xi32, #tpu.memory_space<vmem>> -> memref<128xi32, #tpu.memory_space<vmem>>
        %dma_wait3A_230 = arith.constant 0 : i32
        %dma_wait3A_231 = arith.constant 0 : i32
        %dma_wait3A_232 = tpu.memref_slice %arg2[%dma_wait3A_230, %dma_wait3A_231] : memref<10000x128xf32, #tpu.memory_space<hbm>> -> memref<10000x128xf32, #tpu.memory_space<hbm>>
        %dma_wait3A_233 = tpu.memref_slice %arg10[%rem3A_208] : memref<3x!tpu.dma_semaphore, #tpu.memory_space<semaphore_mem>> -> memref<1x!tpu.dma_semaphore, #tpu.memory_space<semaphore_mem>>
        %dma_wait3A_234 = tpu.memref_squeeze %dma_wait3A_233 : memref<1x!tpu.dma_semaphore, #tpu.memory_space<semaphore_mem>> -> memref<!tpu.dma_semaphore, #tpu.memory_space<semaphore_mem>>
        tpu.wait_indirect_dma semaphore(%dma_wait3A_234 : memref<!tpu.dma_semaphore, #tpu.memory_space<semaphore_mem>>) src(%dma_wait3A_232 : memref<10000x128xf32, #tpu.memory_space<hbm>>) dst(%dma_wait3A_226 : memref<128x128xf32, #tpu.memory_space<vmem>>)
        %dma_start3A_235 = arith.constant 1 : i32
        %dma_start3A_236 = arith.constant 0 : i32
        %dma_start3A_237 = arith.constant 0 : i32
        %dma_start3A_238 = tpu.memref_slice %arg7[%rem3A_208, %dma_start3A_236, %dma_start3A_237] : memref<3x128x128xf32, #tpu.memory_space<vmem>> -> memref<1x128x128xf32, #tpu.memory_space<vmem>>
        %dma_start3A_239 = tpu.memref_squeeze %dma_start3A_238 : memref<1x128x128xf32, #tpu.memory_space<vmem>> -> memref<128x128xf32, #tpu.memory_space<vmem>>
        %dma_start3A_240 = arith.constant 0 : i32
        %dma_start3A_241 = tpu.memref_slice %arg6[%rem3A_213, %dma_start3A_235, %dma_start3A_240] : memref<4x2x128xi32, #tpu.memory_space<vmem>> -> memref<1x1x128xi32, #tpu.memory_space<vmem>>
        %dma_start3A_242 = tpu.memref_squeeze %dma_start3A_241 : memref<1x1x128xi32, #tpu.memory_space<vmem>> -> memref<128xi32, #tpu.memory_space<vmem>>
        %dma_start3A_243 = arith.constant 0 : i32
        %dma_start3A_244 = arith.constant 0 : i32
        %dma_start3A_245 = tpu.memref_slice %arg8[%dma_start3A_243, %dma_start3A_244] : memref<10016x128xf32, #tpu.memory_space<vmem_shared>> -> memref<10016x128xf32, #tpu.memory_space<vmem_shared>>
        %dma_start3A_246 = tpu.memref_slice %arg11[%rem3A_208] : memref<3x!tpu.dma_semaphore, #tpu.memory_space<semaphore_mem>> -> memref<1x!tpu.dma_semaphore, #tpu.memory_space<semaphore_mem>>
        %dma_start3A_247 = tpu.memref_squeeze %dma_start3A_246 : memref<1x!tpu.dma_semaphore, #tpu.memory_space<semaphore_mem>> -> memref<!tpu.dma_semaphore, #tpu.memory_space<semaphore_mem>>
        tpu.enqueue_indirect_dma source(%dma_start3A_239 : memref<128x128xf32, #tpu.memory_space<vmem>>) target(%dma_start3A_245 : memref<10016x128xf32, #tpu.memory_space<vmem_shared>>) offsets(%dma_start3A_242 : memref<128xi32, #tpu.memory_space<vmem>>) semaphore(%dma_start3A_247 : memref<!tpu.dma_semaphore, #tpu.memory_space<semaphore_mem>>) {add = true}
        %ge3A = arith.constant 1 : i32
        %ge3A_248 = arith.cmpi sge, %scan3A_206, %ge3A : i32
        %convert_element_type3A_249 = arith.extui %ge3A_248 : i1 to i32
        %cond3A_250 = arith.constant 0 : i32
        %cond3A_251 = arith.cmpi ne, %convert_element_type3A_249, %cond3A_250 : i32
        scf.if %cond3A_251 {
          %dma_wait3A_268 = arith.constant 1 : i32
          %dma_wait3A_269 = arith.constant 0 : i32
          %dma_wait3A_270 = arith.constant 0 : i32
          %dma_wait3A_271 = tpu.memref_slice %arg7[%rem3A_211, %dma_wait3A_269, %dma_wait3A_270] : memref<3x128x128xf32, #tpu.memory_space<vmem>> -> memref<1x128x128xf32, #tpu.memory_space<vmem>>
          %dma_wait3A_272 = tpu.memref_squeeze %dma_wait3A_271 : memref<1x128x128xf32, #tpu.memory_space<vmem>> -> memref<128x128xf32, #tpu.memory_space<vmem>>
          %dma_wait3A_273 = arith.constant 0 : i32
          %dma_wait3A_274 = tpu.memref_slice %arg6[%rem3A_221, %dma_wait3A_268, %dma_wait3A_273] : memref<4x2x128xi32, #tpu.memory_space<vmem>> -> memref<1x1x128xi32, #tpu.memory_space<vmem>>
          %dma_wait3A_275 = tpu.memref_squeeze %dma_wait3A_274 : memref<1x1x128xi32, #tpu.memory_space<vmem>> -> memref<128xi32, #tpu.memory_space<vmem>>
          %dma_wait3A_276 = arith.constant 0 : i32
          %dma_wait3A_277 = arith.constant 0 : i32
          %dma_wait3A_278 = tpu.memref_slice %arg8[%dma_wait3A_276, %dma_wait3A_277] : memref<10016x128xf32, #tpu.memory_space<vmem_shared>> -> memref<10016x128xf32, #tpu.memory_space<vmem_shared>>
          %dma_wait3A_279 = tpu.memref_slice %arg11[%rem3A_211] : memref<3x!tpu.dma_semaphore, #tpu.memory_space<semaphore_mem>> -> memref<1x!tpu.dma_semaphore, #tpu.memory_space<semaphore_mem>>
          %dma_wait3A_280 = tpu.memref_squeeze %dma_wait3A_279 : memref<1x!tpu.dma_semaphore, #tpu.memory_space<semaphore_mem>> -> memref<!tpu.dma_semaphore, #tpu.memory_space<semaphore_mem>>
          tpu.wait_indirect_dma semaphore(%dma_wait3A_280 : memref<!tpu.dma_semaphore, #tpu.memory_space<semaphore_mem>>) src(%dma_wait3A_272 : memref<128x128xf32, #tpu.memory_space<vmem>>) dst(%dma_wait3A_278 : memref<10016x128xf32, #tpu.memory_space<vmem_shared>>)
        } else {
        }
        %ge3A_252 = arith.constant 1 : i32
        %ge3A_253 = arith.cmpi sge, %scan3A_206, %ge3A_252 : i32
        %add3A_254 = arith.constant 3 : i32
        %add3A_255 = arith.addi %scan3A_206, %add3A_254 : i32
        %lt3A_256 = arith.constant 115 : i32
        %lt3A_257 = arith.cmpi slt, %add3A_255, %lt3A_256 : i32
        %and3A = arith.andi %ge3A_253, %lt3A_257 : i1
        %convert_element_type3A_258 = arith.extui %and3A : i1 to i32
        %cond3A_259 = arith.constant 0 : i32
        %cond3A_260 = arith.cmpi ne, %convert_element_type3A_258, %cond3A_259 : i32
        scf.if %cond3A_260 {
          %add3A_268 = arith.constant 0 : i32
          %add3A_269 = arith.addi %add3A_268, %scan3A_206 : i32
          %add3A_270 = arith.constant 3 : i32
          %add3A_271 = arith.addi %add3A_269, %add3A_270 : i32
          %dma_start3A_272 = arith.constant 0 : i32
          %dma_start3A_273 = arith.constant 0 : i32
          %dma_start3A_274 = tpu.memref_slice %arg6[%rem3A_221, %dma_start3A_272, %dma_start3A_273] : memref<4x2x128xi32, #tpu.memory_space<vmem>> -> memref<1x2x128xi32, #tpu.memory_space<vmem>>
          %dma_start3A_275 = tpu.memref_squeeze %dma_start3A_274 : memref<1x2x128xi32, #tpu.memory_space<vmem>> -> memref<2x128xi32, #tpu.memory_space<vmem>>
          %dma_start3A_276 = arith.constant 0 : i32
          %dma_start3A_277 = arith.constant 0 : i32
          %dma_start3A_278 = tpu.memref_slice %arg3[%arg1, %add3A_271, %dma_start3A_276, %dma_start3A_277] : memref<16x160x2x128xi32, #tpu.memory_space<hbm>> -> memref<1x1x2x128xi32, #tpu.memory_space<hbm>>
          %dma_start3A_279 = tpu.memref_squeeze %dma_start3A_278 : memref<1x1x2x128xi32, #tpu.memory_space<hbm>> -> memref<2x128xi32, #tpu.memory_space<hbm>>
          %dma_start3A_280 = tpu.memref_slice %arg9[%rem3A_221] : memref<4x!tpu.dma_semaphore, #tpu.memory_space<semaphore_mem>> -> memref<1x!tpu.dma_semaphore, #tpu.memory_space<semaphore_mem>>
          %dma_start3A_281 = tpu.memref_squeeze %dma_start3A_280 : memref<1x!tpu.dma_semaphore, #tpu.memory_space<semaphore_mem>> -> memref<!tpu.dma_semaphore, #tpu.memory_space<semaphore_mem>>
          %dma_start3A_282 = arith.constant 0 : i32
          %dma_start3A_283 = arith.constant 0 : i32
          %dma_start3A_284 = tpu.memref_slice %arg6[%rem3A_221, %dma_start3A_282, %dma_start3A_283] : memref<4x2x128xi32, #tpu.memory_space<vmem>> -> memref<1x2x128xi32, #tpu.memory_space<vmem>>
          %dma_start3A_285 = tpu.memref_squeeze %dma_start3A_284 : memref<1x2x128xi32, #tpu.memory_space<vmem>> -> memref<2x128xi32, #tpu.memory_space<vmem>>
          %dma_start3A_286 = arith.constant 0 : i32
          %dma_start3A_287 = arith.constant 0 : i32
          %dma_start3A_288 = tpu.memref_slice %arg3[%arg1, %add3A_271, %dma_start3A_286, %dma_start3A_287] : memref<16x160x2x128xi32, #tpu.memory_space<hbm>> -> memref<1x1x2x128xi32, #tpu.memory_space<hbm>>
          %dma_start3A_289 = tpu.memref_squeeze %dma_start3A_288 : memref<1x1x2x128xi32, #tpu.memory_space<hbm>> -> memref<2x128xi32, #tpu.memory_space<hbm>>
          tpu.enqueue_dma source(%dma_start3A_289 : memref<2x128xi32, #tpu.memory_space<hbm>>) target(%dma_start3A_285 : memref<2x128xi32, #tpu.memory_space<vmem>>) target_semaphore(%dma_start3A_281 : memref<!tpu.dma_semaphore, #tpu.memory_space<semaphore_mem>>)
        } else {
        }
        %add3A_261 = arith.constant 2 : i32
        %add3A_262 = arith.addi %scan3A_206, %add3A_261 : i32
        %lt3A_263 = arith.constant 115 : i32
        %lt3A_264 = arith.cmpi slt, %add3A_262, %lt3A_263 : i32
        %convert_element_type3A_265 = arith.extui %lt3A_264 : i1 to i32
        %cond3A_266 = arith.constant 0 : i32
        %cond3A_267 = arith.cmpi ne, %convert_element_type3A_265, %cond3A_266 : i32
        scf.if %cond3A_267 {
          %add3A_268 = arith.constant 0 : i32
          %add3A_269 = arith.addi %add3A_268, %scan3A_206 : i32
          %add3A_270 = arith.constant 2 : i32
          %add3A_271 = arith.addi %add3A_269, %add3A_270 : i32
          %dma_wait3A_272 = arith.constant 0 : i32
          %dma_wait3A_273 = arith.constant 0 : i32
          %dma_wait3A_274 = tpu.memref_slice %arg6[%rem3A_217, %dma_wait3A_272, %dma_wait3A_273] : memref<4x2x128xi32, #tpu.memory_space<vmem>> -> memref<1x2x128xi32, #tpu.memory_space<vmem>>
          %dma_wait3A_275 = tpu.memref_squeeze %dma_wait3A_274 : memref<1x2x128xi32, #tpu.memory_space<vmem>> -> memref<2x128xi32, #tpu.memory_space<vmem>>
          %dma_wait3A_276 = arith.constant 0 : i32
          %dma_wait3A_277 = arith.constant 0 : i32
          %dma_wait3A_278 = tpu.memref_slice %arg3[%arg1, %add3A_271, %dma_wait3A_276, %dma_wait3A_277] : memref<16x160x2x128xi32, #tpu.memory_space<hbm>> -> memref<1x1x2x128xi32, #tpu.memory_space<hbm>>
          %dma_wait3A_279 = tpu.memref_squeeze %dma_wait3A_278 : memref<1x1x2x128xi32, #tpu.memory_space<hbm>> -> memref<2x128xi32, #tpu.memory_space<hbm>>
          %dma_wait3A_280 = tpu.memref_slice %arg9[%rem3A_217] : memref<4x!tpu.dma_semaphore, #tpu.memory_space<semaphore_mem>> -> memref<1x!tpu.dma_semaphore, #tpu.memory_space<semaphore_mem>>
          %dma_wait3A_281 = tpu.memref_squeeze %dma_wait3A_280 : memref<1x!tpu.dma_semaphore, #tpu.memory_space<semaphore_mem>> -> memref<!tpu.dma_semaphore, #tpu.memory_space<semaphore_mem>>
          %dma_wait3A_282 = arith.constant 0 : i32
          %dma_wait3A_283 = arith.constant 0 : i32
          %dma_wait3A_284 = tpu.memref_slice %arg6[%rem3A_217, %dma_wait3A_282, %dma_wait3A_283] : memref<4x2x128xi32, #tpu.memory_space<vmem>> -> memref<1x2x128xi32, #tpu.memory_space<vmem>>
          %dma_wait3A_285 = tpu.memref_squeeze %dma_wait3A_284 : memref<1x2x128xi32, #tpu.memory_space<vmem>> -> memref<2x128xi32, #tpu.memory_space<vmem>>
          %dma_wait3A_286 = arith.constant 0 : i32
          %dma_wait3A_287 = arith.constant 0 : i32
          %dma_wait3A_288 = tpu.memref_slice %arg3[%arg1, %add3A_271, %dma_wait3A_286, %dma_wait3A_287] : memref<16x160x2x128xi32, #tpu.memory_space<hbm>> -> memref<1x1x2x128xi32, #tpu.memory_space<hbm>>
          %dma_wait3A_289 = tpu.memref_squeeze %dma_wait3A_288 : memref<1x1x2x128xi32, #tpu.memory_space<hbm>> -> memref<2x128xi32, #tpu.memory_space<hbm>>
          tpu.wait_dma2 semaphore(%dma_wait3A_281 : memref<!tpu.dma_semaphore, #tpu.memory_space<semaphore_mem>>) src(%dma_wait3A_289 : memref<2x128xi32, #tpu.memory_space<hbm>>) dst(%dma_wait3A_285 : memref<2x128xi32, #tpu.memory_space<vmem>>)
          %dma_start3A_290 = arith.constant 0 : i32
          %dma_start3A_291 = arith.constant 0 : i32
          %dma_start3A_292 = arith.constant 0 : i32
          %dma_start3A_293 = tpu.memref_slice %arg7[%rem3A_211, %dma_start3A_291, %dma_start3A_292] : memref<3x128x128xf32, #tpu.memory_space<vmem>> -> memref<1x128x128xf32, #tpu.memory_space<vmem>>
          %dma_start3A_294 = tpu.memref_squeeze %dma_start3A_293 : memref<1x128x128xf32, #tpu.memory_space<vmem>> -> memref<128x128xf32, #tpu.memory_space<vmem>>
          %dma_start3A_295 = arith.constant 0 : i32
          %dma_start3A_296 = tpu.memref_slice %arg6[%rem3A_217, %dma_start3A_290, %dma_start3A_295] : memref<4x2x128xi32, #tpu.memory_space<vmem>> -> memref<1x1x128xi32, #tpu.memory_space<vmem>>
          %dma_start3A_297 = tpu.memref_squeeze %dma_start3A_296 : memref<1x1x128xi32, #tpu.memory_space<vmem>> -> memref<128xi32, #tpu.memory_space<vmem>>
          %dma_start3A_298 = arith.constant 0 : i32
          %dma_start3A_299 = arith.constant 0 : i32
          %dma_start3A_300 = tpu.memref_slice %arg2[%dma_start3A_298, %dma_start3A_299] : memref<10000x128xf32, #tpu.memory_space<hbm>> -> memref<10000x128xf32, #tpu.memory_space<hbm>>
          %dma_start3A_301 = tpu.memref_slice %arg10[%rem3A_211] : memref<3x!tpu.dma_semaphore, #tpu.memory_space<semaphore_mem>> -> memref<1x!tpu.dma_semaphore, #tpu.memory_space<semaphore_mem>>
          %dma_start3A_302 = tpu.memref_squeeze %dma_start3A_301 : memref<1x!tpu.dma_semaphore, #tpu.memory_space<semaphore_mem>> -> memref<!tpu.dma_semaphore, #tpu.memory_space<semaphore_mem>>
          tpu.enqueue_indirect_dma source(%dma_start3A_300 : memref<10000x128xf32, #tpu.memory_space<hbm>>) target(%dma_start3A_294 : memref<128x128xf32, #tpu.memory_space<vmem>>) offsets(%dma_start3A_297 : memref<128xi32, #tpu.memory_space<vmem>>) semaphore(%dma_start3A_302 : memref<!tpu.dma_semaphore, #tpu.memory_space<semaphore_mem>>)
        } else {
        }
      }
      %scan3A_187 = arith.constant 115 : i32
      %rem3A = arith.constant 114 : i32
      %rem3A_188 = arith.constant 4 : i32
      %rem3A_189 = arith.remsi %rem3A, %rem3A_188 : i32
      %rem3A_190 = arith.constant 114 : i32
      %rem3A_191 = arith.constant 3 : i32
      %rem3A_192 = arith.remsi %rem3A_190, %rem3A_191 : i32
      %dma_wait3A_193 = arith.constant 1 : i32
      %dma_wait3A_194 = arith.constant 0 : i32
      %dma_wait3A_195 = arith.constant 0 : i32
      %dma_wait3A_196 = tpu.memref_slice %arg7[%rem3A_192, %dma_wait3A_194, %dma_wait3A_195] : memref<3x128x128xf32, #tpu.memory_space<vmem>> -> memref<1x128x128xf32, #tpu.memory_space<vmem>>
      %dma_wait3A_197 = tpu.memref_squeeze %dma_wait3A_196 : memref<1x128x128xf32, #tpu.memory_space<vmem>> -> memref<128x128xf32, #tpu.memory_space<vmem>>
      %dma_wait3A_198 = arith.constant 0 : i32
      %dma_wait3A_199 = tpu.memref_slice %arg6[%rem3A_189, %dma_wait3A_193, %dma_wait3A_198] : memref<4x2x128xi32, #tpu.memory_space<vmem>> -> memref<1x1x128xi32, #tpu.memory_space<vmem>>
      %dma_wait3A_200 = tpu.memref_squeeze %dma_wait3A_199 : memref<1x1x128xi32, #tpu.memory_space<vmem>> -> memref<128xi32, #tpu.memory_space<vmem>>
      %dma_wait3A_201 = arith.constant 0 : i32
      %dma_wait3A_202 = arith.constant 0 : i32
      %dma_wait3A_203 = tpu.memref_slice %arg8[%dma_wait3A_201, %dma_wait3A_202] : memref<10016x128xf32, #tpu.memory_space<vmem_shared>> -> memref<10016x128xf32, #tpu.memory_space<vmem_shared>>
      %dma_wait3A_204 = tpu.memref_slice %arg11[%rem3A_192] : memref<3x!tpu.dma_semaphore, #tpu.memory_space<semaphore_mem>> -> memref<1x!tpu.dma_semaphore, #tpu.memory_space<semaphore_mem>>
      %dma_wait3A_205 = tpu.memref_squeeze %dma_wait3A_204 : memref<1x!tpu.dma_semaphore, #tpu.memory_space<semaphore_mem>> -> memref<!tpu.dma_semaphore, #tpu.memory_space<semaphore_mem>>
      tpu.wait_indirect_dma semaphore(%dma_wait3A_205 : memref<!tpu.dma_semaphore, #tpu.memory_space<semaphore_mem>>) src(%dma_wait3A_197 : memref<128x128xf32, #tpu.memory_space<vmem>>) dst(%dma_wait3A_203 : memref<10016x128xf32, #tpu.memory_space<vmem_shared>>)
    } else {
    }
    %eq3A_11 = arith.constant 1 : i32
    %eq3A_12 = arith.cmpi eq, %arg0, %eq3A_11 : i32
    %convert_element_type3A_13 = arith.extui %eq3A_12 : i1 to i32
    %cond3A_14 = arith.constant 0 : i32
    %cond3A_15 = arith.cmpi ne, %convert_element_type3A_13, %cond3A_14 : i32
    scf.if %cond3A_15 {
      %dma_start3A = arith.constant 115 : i32
      %dma_start3A_27 = arith.constant 0 : i32
      %dma_start3A_28 = arith.constant 0 : i32
      %dma_start3A_29 = arith.constant 0 : i32
      %dma_start3A_30 = arith.constant 0 : i32
      %dma_start3A_31 = tpu.memref_slice %arg6[%dma_start3A_27, %dma_start3A_29, %dma_start3A_30] : memref<4x2x128xi32, #tpu.memory_space<vmem>> -> memref<1x2x128xi32, #tpu.memory_space<vmem>>
      %dma_start3A_32 = tpu.memref_squeeze %dma_start3A_31 : memref<1x2x128xi32, #tpu.memory_space<vmem>> -> memref<2x128xi32, #tpu.memory_space<vmem>>
      %dma_start3A_33 = arith.constant 0 : i32
      %dma_start3A_34 = arith.constant 0 : i32
      %dma_start3A_35 = tpu.memref_slice %arg3[%arg1, %dma_start3A, %dma_start3A_33, %dma_start3A_34] : memref<16x160x2x128xi32, #tpu.memory_space<hbm>> -> memref<1x1x2x128xi32, #tpu.memory_space<hbm>>
      %dma_start3A_36 = tpu.memref_squeeze %dma_start3A_35 : memref<1x1x2x128xi32, #tpu.memory_space<hbm>> -> memref<2x128xi32, #tpu.memory_space<hbm>>
      %dma_start3A_37 = tpu.memref_slice %arg9[%dma_start3A_28] : memref<4x!tpu.dma_semaphore, #tpu.memory_space<semaphore_mem>> -> memref<1x!tpu.dma_semaphore, #tpu.memory_space<semaphore_mem>>
      %dma_start3A_38 = tpu.memref_squeeze %dma_start3A_37 : memref<1x!tpu.dma_semaphore, #tpu.memory_space<semaphore_mem>> -> memref<!tpu.dma_semaphore, #tpu.memory_space<semaphore_mem>>
      %dma_start3A_39 = arith.constant 0 : i32
      %dma_start3A_40 = arith.constant 0 : i32
      %dma_start3A_41 = tpu.memref_slice %arg6[%dma_start3A_27, %dma_start3A_39, %dma_start3A_40] : memref<4x2x128xi32, #tpu.memory_space<vmem>> -> memref<1x2x128xi32, #tpu.memory_space<vmem>>
      %dma_start3A_42 = tpu.memref_squeeze %dma_start3A_41 : memref<1x2x128xi32, #tpu.memory_space<vmem>> -> memref<2x128xi32, #tpu.memory_space<vmem>>
      %dma_start3A_43 = arith.constant 0 : i32
      %dma_start3A_44 = arith.constant 0 : i32
      %dma_start3A_45 = tpu.memref_slice %arg3[%arg1, %dma_start3A, %dma_start3A_43, %dma_start3A_44] : memref<16x160x2x128xi32, #tpu.memory_space<hbm>> -> memref<1x1x2x128xi32, #tpu.memory_space<hbm>>
      %dma_start3A_46 = tpu.memref_squeeze %dma_start3A_45 : memref<1x1x2x128xi32, #tpu.memory_space<hbm>> -> memref<2x128xi32, #tpu.memory_space<hbm>>
      tpu.enqueue_dma source(%dma_start3A_46 : memref<2x128xi32, #tpu.memory_space<hbm>>) target(%dma_start3A_42 : memref<2x128xi32, #tpu.memory_space<vmem>>) target_semaphore(%dma_start3A_38 : memref<!tpu.dma_semaphore, #tpu.memory_space<semaphore_mem>>)
      %dma_start3A_47 = arith.constant 116 : i32
      %dma_start3A_48 = arith.constant 1 : i32
      %dma_start3A_49 = arith.constant 1 : i32
      %dma_start3A_50 = arith.constant 0 : i32
      %dma_start3A_51 = arith.constant 0 : i32
      %dma_start3A_52 = tpu.memref_slice %arg6[%dma_start3A_48, %dma_start3A_50, %dma_start3A_51] : memref<4x2x128xi32, #tpu.memory_space<vmem>> -> memref<1x2x128xi32, #tpu.memory_space<vmem>>
      %dma_start3A_53 = tpu.memref_squeeze %dma_start3A_52 : memref<1x2x128xi32, #tpu.memory_space<vmem>> -> memref<2x128xi32, #tpu.memory_space<vmem>>
      %dma_start3A_54 = arith.constant 0 : i32
      %dma_start3A_55 = arith.constant 0 : i32
      %dma_start3A_56 = tpu.memref_slice %arg3[%arg1, %dma_start3A_47, %dma_start3A_54, %dma_start3A_55] : memref<16x160x2x128xi32, #tpu.memory_space<hbm>> -> memref<1x1x2x128xi32, #tpu.memory_space<hbm>>
      %dma_start3A_57 = tpu.memref_squeeze %dma_start3A_56 : memref<1x1x2x128xi32, #tpu.memory_space<hbm>> -> memref<2x128xi32, #tpu.memory_space<hbm>>
      %dma_start3A_58 = tpu.memref_slice %arg9[%dma_start3A_49] : memref<4x!tpu.dma_semaphore, #tpu.memory_space<semaphore_mem>> -> memref<1x!tpu.dma_semaphore, #tpu.memory_space<semaphore_mem>>
      %dma_start3A_59 = tpu.memref_squeeze %dma_start3A_58 : memref<1x!tpu.dma_semaphore, #tpu.memory_space<semaphore_mem>> -> memref<!tpu.dma_semaphore, #tpu.memory_space<semaphore_mem>>
      %dma_start3A_60 = arith.constant 0 : i32
      %dma_start3A_61 = arith.constant 0 : i32
      %dma_start3A_62 = tpu.memref_slice %arg6[%dma_start3A_48, %dma_start3A_60, %dma_start3A_61] : memref<4x2x128xi32, #tpu.memory_space<vmem>> -> memref<1x2x128xi32, #tpu.memory_space<vmem>>
      %dma_start3A_63 = tpu.memref_squeeze %dma_start3A_62 : memref<1x2x128xi32, #tpu.memory_space<vmem>> -> memref<2x128xi32, #tpu.memory_space<vmem>>
      %dma_start3A_64 = arith.constant 0 : i32
      %dma_start3A_65 = arith.constant 0 : i32
      %dma_start3A_66 = tpu.memref_slice %arg3[%arg1, %dma_start3A_47, %dma_start3A_64, %dma_start3A_65] : memref<16x160x2x128xi32, #tpu.memory_space<hbm>> -> memref<1x1x2x128xi32, #tpu.memory_space<hbm>>
      %dma_start3A_67 = tpu.memref_squeeze %dma_start3A_66 : memref<1x1x2x128xi32, #tpu.memory_space<hbm>> -> memref<2x128xi32, #tpu.memory_space<hbm>>
      tpu.enqueue_dma source(%dma_start3A_67 : memref<2x128xi32, #tpu.memory_space<hbm>>) target(%dma_start3A_63 : memref<2x128xi32, #tpu.memory_space<vmem>>) target_semaphore(%dma_start3A_59 : memref<!tpu.dma_semaphore, #tpu.memory_space<semaphore_mem>>)
      %dma_start3A_68 = arith.constant 117 : i32
      %dma_start3A_69 = arith.constant 2 : i32
      %dma_start3A_70 = arith.constant 2 : i32
      %dma_start3A_71 = arith.constant 0 : i32
      %dma_start3A_72 = arith.constant 0 : i32
      %dma_start3A_73 = tpu.memref_slice %arg6[%dma_start3A_69, %dma_start3A_71, %dma_start3A_72] : memref<4x2x128xi32, #tpu.memory_space<vmem>> -> memref<1x2x128xi32, #tpu.memory_space<vmem>>
      %dma_start3A_74 = tpu.memref_squeeze %dma_start3A_73 : memref<1x2x128xi32, #tpu.memory_space<vmem>> -> memref<2x128xi32, #tpu.memory_space<vmem>>
      %dma_start3A_75 = arith.constant 0 : i32
      %dma_start3A_76 = arith.constant 0 : i32
      %dma_start3A_77 = tpu.memref_slice %arg3[%arg1, %dma_start3A_68, %dma_start3A_75, %dma_start3A_76] : memref<16x160x2x128xi32, #tpu.memory_space<hbm>> -> memref<1x1x2x128xi32, #tpu.memory_space<hbm>>
      %dma_start3A_78 = tpu.memref_squeeze %dma_start3A_77 : memref<1x1x2x128xi32, #tpu.memory_space<hbm>> -> memref<2x128xi32, #tpu.memory_space<hbm>>
      %dma_start3A_79 = tpu.memref_slice %arg9[%dma_start3A_70] : memref<4x!tpu.dma_semaphore, #tpu.memory_space<semaphore_mem>> -> memref<1x!tpu.dma_semaphore, #tpu.memory_space<semaphore_mem>>
      %dma_start3A_80 = tpu.memref_squeeze %dma_start3A_79 : memref<1x!tpu.dma_semaphore, #tpu.memory_space<semaphore_mem>> -> memref<!tpu.dma_semaphore, #tpu.memory_space<semaphore_mem>>
      %dma_start3A_81 = arith.constant 0 : i32
      %dma_start3A_82 = arith.constant 0 : i32
      %dma_start3A_83 = tpu.memref_slice %arg6[%dma_start3A_69, %dma_start3A_81, %dma_start3A_82] : memref<4x2x128xi32, #tpu.memory_space<vmem>> -> memref<1x2x128xi32, #tpu.memory_space<vmem>>
      %dma_start3A_84 = tpu.memref_squeeze %dma_start3A_83 : memref<1x2x128xi32, #tpu.memory_space<vmem>> -> memref<2x128xi32, #tpu.memory_space<vmem>>
      %dma_start3A_85 = arith.constant 0 : i32
      %dma_start3A_86 = arith.constant 0 : i32
      %dma_start3A_87 = tpu.memref_slice %arg3[%arg1, %dma_start3A_68, %dma_start3A_85, %dma_start3A_86] : memref<16x160x2x128xi32, #tpu.memory_space<hbm>> -> memref<1x1x2x128xi32, #tpu.memory_space<hbm>>
      %dma_start3A_88 = tpu.memref_squeeze %dma_start3A_87 : memref<1x1x2x128xi32, #tpu.memory_space<hbm>> -> memref<2x128xi32, #tpu.memory_space<hbm>>
      tpu.enqueue_dma source(%dma_start3A_88 : memref<2x128xi32, #tpu.memory_space<hbm>>) target(%dma_start3A_84 : memref<2x128xi32, #tpu.memory_space<vmem>>) target_semaphore(%dma_start3A_80 : memref<!tpu.dma_semaphore, #tpu.memory_space<semaphore_mem>>)
      %dma_start3A_89 = arith.constant 118 : i32
      %dma_start3A_90 = arith.constant 3 : i32
      %dma_start3A_91 = arith.constant 3 : i32
      %dma_start3A_92 = arith.constant 0 : i32
      %dma_start3A_93 = arith.constant 0 : i32
      %dma_start3A_94 = tpu.memref_slice %arg6[%dma_start3A_90, %dma_start3A_92, %dma_start3A_93] : memref<4x2x128xi32, #tpu.memory_space<vmem>> -> memref<1x2x128xi32, #tpu.memory_space<vmem>>
      %dma_start3A_95 = tpu.memref_squeeze %dma_start3A_94 : memref<1x2x128xi32, #tpu.memory_space<vmem>> -> memref<2x128xi32, #tpu.memory_space<vmem>>
      %dma_start3A_96 = arith.constant 0 : i32
      %dma_start3A_97 = arith.constant 0 : i32
      %dma_start3A_98 = tpu.memref_slice %arg3[%arg1, %dma_start3A_89, %dma_start3A_96, %dma_start3A_97] : memref<16x160x2x128xi32, #tpu.memory_space<hbm>> -> memref<1x1x2x128xi32, #tpu.memory_space<hbm>>
      %dma_start3A_99 = tpu.memref_squeeze %dma_start3A_98 : memref<1x1x2x128xi32, #tpu.memory_space<hbm>> -> memref<2x128xi32, #tpu.memory_space<hbm>>
      %dma_start3A_100 = tpu.memref_slice %arg9[%dma_start3A_91] : memref<4x!tpu.dma_semaphore, #tpu.memory_space<semaphore_mem>> -> memref<1x!tpu.dma_semaphore, #tpu.memory_space<semaphore_mem>>
      %dma_start3A_101 = tpu.memref_squeeze %dma_start3A_100 : memref<1x!tpu.dma_semaphore, #tpu.memory_space<semaphore_mem>> -> memref<!tpu.dma_semaphore, #tpu.memory_space<semaphore_mem>>
      %dma_start3A_102 = arith.constant 0 : i32
      %dma_start3A_103 = arith.constant 0 : i32
      %dma_start3A_104 = tpu.memref_slice %arg6[%dma_start3A_90, %dma_start3A_102, %dma_start3A_103] : memref<4x2x128xi32, #tpu.memory_space<vmem>> -> memref<1x2x128xi32, #tpu.memory_space<vmem>>
      %dma_start3A_105 = tpu.memref_squeeze %dma_start3A_104 : memref<1x2x128xi32, #tpu.memory_space<vmem>> -> memref<2x128xi32, #tpu.memory_space<vmem>>
      %dma_start3A_106 = arith.constant 0 : i32
      %dma_start3A_107 = arith.constant 0 : i32
      %dma_start3A_108 = tpu.memref_slice %arg3[%arg1, %dma_start3A_89, %dma_start3A_106, %dma_start3A_107] : memref<16x160x2x128xi32, #tpu.memory_space<hbm>> -> memref<1x1x2x128xi32, #tpu.memory_space<hbm>>
      %dma_start3A_109 = tpu.memref_squeeze %dma_start3A_108 : memref<1x1x2x128xi32, #tpu.memory_space<hbm>> -> memref<2x128xi32, #tpu.memory_space<hbm>>
      tpu.enqueue_dma source(%dma_start3A_109 : memref<2x128xi32, #tpu.memory_space<hbm>>) target(%dma_start3A_105 : memref<2x128xi32, #tpu.memory_space<vmem>>) target_semaphore(%dma_start3A_101 : memref<!tpu.dma_semaphore, #tpu.memory_space<semaphore_mem>>)
      %dma_wait3A = arith.constant 115 : i32
      %dma_wait3A_110 = arith.constant 0 : i32
      %dma_wait3A_111 = arith.constant 0 : i32
      %dma_wait3A_112 = arith.constant 0 : i32
      %dma_wait3A_113 = arith.constant 0 : i32
      %dma_wait3A_114 = tpu.memref_slice %arg6[%dma_wait3A_110, %dma_wait3A_112, %dma_wait3A_113] : memref<4x2x128xi32, #tpu.memory_space<vmem>> -> memref<1x2x128xi32, #tpu.memory_space<vmem>>
      %dma_wait3A_115 = tpu.memref_squeeze %dma_wait3A_114 : memref<1x2x128xi32, #tpu.memory_space<vmem>> -> memref<2x128xi32, #tpu.memory_space<vmem>>
      %dma_wait3A_116 = arith.constant 0 : i32
      %dma_wait3A_117 = arith.constant 0 : i32
      %dma_wait3A_118 = tpu.memref_slice %arg3[%arg1, %dma_wait3A, %dma_wait3A_116, %dma_wait3A_117] : memref<16x160x2x128xi32, #tpu.memory_space<hbm>> -> memref<1x1x2x128xi32, #tpu.memory_space<hbm>>
      %dma_wait3A_119 = tpu.memref_squeeze %dma_wait3A_118 : memref<1x1x2x128xi32, #tpu.memory_space<hbm>> -> memref<2x128xi32, #tpu.memory_space<hbm>>
      %dma_wait3A_120 = tpu.memref_slice %arg9[%dma_wait3A_111] : memref<4x!tpu.dma_semaphore, #tpu.memory_space<semaphore_mem>> -> memref<1x!tpu.dma_semaphore, #tpu.memory_space<semaphore_mem>>
      %dma_wait3A_121 = tpu.memref_squeeze %dma_wait3A_120 : memref<1x!tpu.dma_semaphore, #tpu.memory_space<semaphore_mem>> -> memref<!tpu.dma_semaphore, #tpu.memory_space<semaphore_mem>>
      %dma_wait3A_122 = arith.constant 0 : i32
      %dma_wait3A_123 = arith.constant 0 : i32
      %dma_wait3A_124 = tpu.memref_slice %arg6[%dma_wait3A_110, %dma_wait3A_122, %dma_wait3A_123] : memref<4x2x128xi32, #tpu.memory_space<vmem>> -> memref<1x2x128xi32, #tpu.memory_space<vmem>>
      %dma_wait3A_125 = tpu.memref_squeeze %dma_wait3A_124 : memref<1x2x128xi32, #tpu.memory_space<vmem>> -> memref<2x128xi32, #tpu.memory_space<vmem>>
      %dma_wait3A_126 = arith.constant 0 : i32
      %dma_wait3A_127 = arith.constant 0 : i32
      %dma_wait3A_128 = tpu.memref_slice %arg3[%arg1, %dma_wait3A, %dma_wait3A_126, %dma_wait3A_127] : memref<16x160x2x128xi32, #tpu.memory_space<hbm>> -> memref<1x1x2x128xi32, #tpu.memory_space<hbm>>
      %dma_wait3A_129 = tpu.memref_squeeze %dma_wait3A_128 : memref<1x1x2x128xi32, #tpu.memory_space<hbm>> -> memref<2x128xi32, #tpu.memory_space<hbm>>
      tpu.wait_dma2 semaphore(%dma_wait3A_121 : memref<!tpu.dma_semaphore, #tpu.memory_space<semaphore_mem>>) src(%dma_wait3A_129 : memref<2x128xi32, #tpu.memory_space<hbm>>) dst(%dma_wait3A_125 : memref<2x128xi32, #tpu.memory_space<vmem>>)
      %dma_start3A_130 = arith.constant 0 : i32
      %dma_start3A_131 = arith.constant 0 : i32
      %dma_start3A_132 = arith.constant 0 : i32
      %dma_start3A_133 = arith.constant 0 : i32
      %dma_start3A_134 = arith.constant 0 : i32
      %dma_start3A_135 = arith.constant 0 : i32
      %dma_start3A_136 = tpu.memref_slice %arg7[%dma_start3A_132, %dma_start3A_134, %dma_start3A_135] : memref<3x128x128xf32, #tpu.memory_space<vmem>> -> memref<1x128x128xf32, #tpu.memory_space<vmem>>
      %dma_start3A_137 = tpu.memref_squeeze %dma_start3A_136 : memref<1x128x128xf32, #tpu.memory_space<vmem>> -> memref<128x128xf32, #tpu.memory_space<vmem>>
      %dma_start3A_138 = arith.constant 0 : i32
      %dma_start3A_139 = tpu.memref_slice %arg6[%dma_start3A_130, %dma_start3A_131, %dma_start3A_138] : memref<4x2x128xi32, #tpu.memory_space<vmem>> -> memref<1x1x128xi32, #tpu.memory_space<vmem>>
      %dma_start3A_140 = tpu.memref_squeeze %dma_start3A_139 : memref<1x1x128xi32, #tpu.memory_space<vmem>> -> memref<128xi32, #tpu.memory_space<vmem>>
      %dma_start3A_141 = arith.constant 0 : i32
      %dma_start3A_142 = arith.constant 0 : i32
      %dma_start3A_143 = tpu.memref_slice %arg2[%dma_start3A_141, %dma_start3A_142] : memref<10000x128xf32, #tpu.memory_space<hbm>> -> memref<10000x128xf32, #tpu.memory_space<hbm>>
      %dma_start3A_144 = tpu.memref_slice %arg10[%dma_start3A_133] : memref<3x!tpu.dma_semaphore, #tpu.memory_space<semaphore_mem>> -> memref<1x!tpu.dma_semaphore, #tpu.memory_space<semaphore_mem>>
      %dma_start3A_145 = tpu.memref_squeeze %dma_start3A_144 : memref<1x!tpu.dma_semaphore, #tpu.memory_space<semaphore_mem>> -> memref<!tpu.dma_semaphore, #tpu.memory_space<semaphore_mem>>
      tpu.enqueue_indirect_dma source(%dma_start3A_143 : memref<10000x128xf32, #tpu.memory_space<hbm>>) target(%dma_start3A_137 : memref<128x128xf32, #tpu.memory_space<vmem>>) offsets(%dma_start3A_140 : memref<128xi32, #tpu.memory_space<vmem>>) semaphore(%dma_start3A_145 : memref<!tpu.dma_semaphore, #tpu.memory_space<semaphore_mem>>)
      %dma_wait3A_146 = arith.constant 116 : i32
      %dma_wait3A_147 = arith.constant 1 : i32
      %dma_wait3A_148 = arith.constant 1 : i32
      %dma_wait3A_149 = arith.constant 0 : i32
      %dma_wait3A_150 = arith.constant 0 : i32
      %dma_wait3A_151 = tpu.memref_slice %arg6[%dma_wait3A_147, %dma_wait3A_149, %dma_wait3A_150] : memref<4x2x128xi32, #tpu.memory_space<vmem>> -> memref<1x2x128xi32, #tpu.memory_space<vmem>>
      %dma_wait3A_152 = tpu.memref_squeeze %dma_wait3A_151 : memref<1x2x128xi32, #tpu.memory_space<vmem>> -> memref<2x128xi32, #tpu.memory_space<vmem>>
      %dma_wait3A_153 = arith.constant 0 : i32
      %dma_wait3A_154 = arith.constant 0 : i32
      %dma_wait3A_155 = tpu.memref_slice %arg3[%arg1, %dma_wait3A_146, %dma_wait3A_153, %dma_wait3A_154] : memref<16x160x2x128xi32, #tpu.memory_space<hbm>> -> memref<1x1x2x128xi32, #tpu.memory_space<hbm>>
      %dma_wait3A_156 = tpu.memref_squeeze %dma_wait3A_155 : memref<1x1x2x128xi32, #tpu.memory_space<hbm>> -> memref<2x128xi32, #tpu.memory_space<hbm>>
      %dma_wait3A_157 = tpu.memref_slice %arg9[%dma_wait3A_148] : memref<4x!tpu.dma_semaphore, #tpu.memory_space<semaphore_mem>> -> memref<1x!tpu.dma_semaphore, #tpu.memory_space<semaphore_mem>>
      %dma_wait3A_158 = tpu.memref_squeeze %dma_wait3A_157 : memref<1x!tpu.dma_semaphore, #tpu.memory_space<semaphore_mem>> -> memref<!tpu.dma_semaphore, #tpu.memory_space<semaphore_mem>>
      %dma_wait3A_159 = arith.constant 0 : i32
      %dma_wait3A_160 = arith.constant 0 : i32
      %dma_wait3A_161 = tpu.memref_slice %arg6[%dma_wait3A_147, %dma_wait3A_159, %dma_wait3A_160] : memref<4x2x128xi32, #tpu.memory_space<vmem>> -> memref<1x2x128xi32, #tpu.memory_space<vmem>>
      %dma_wait3A_162 = tpu.memref_squeeze %dma_wait3A_161 : memref<1x2x128xi32, #tpu.memory_space<vmem>> -> memref<2x128xi32, #tpu.memory_space<vmem>>
      %dma_wait3A_163 = arith.constant 0 : i32
      %dma_wait3A_164 = arith.constant 0 : i32
      %dma_wait3A_165 = tpu.memref_slice %arg3[%arg1, %dma_wait3A_146, %dma_wait3A_163, %dma_wait3A_164] : memref<16x160x2x128xi32, #tpu.memory_space<hbm>> -> memref<1x1x2x128xi32, #tpu.memory_space<hbm>>
      %dma_wait3A_166 = tpu.memref_squeeze %dma_wait3A_165 : memref<1x1x2x128xi32, #tpu.memory_space<hbm>> -> memref<2x128xi32, #tpu.memory_space<hbm>>
      tpu.wait_dma2 semaphore(%dma_wait3A_158 : memref<!tpu.dma_semaphore, #tpu.memory_space<semaphore_mem>>) src(%dma_wait3A_166 : memref<2x128xi32, #tpu.memory_space<hbm>>) dst(%dma_wait3A_162 : memref<2x128xi32, #tpu.memory_space<vmem>>)
      %dma_start3A_167 = arith.constant 1 : i32
      %dma_start3A_168 = arith.constant 0 : i32
      %dma_start3A_169 = arith.constant 1 : i32
      %dma_start3A_170 = arith.constant 1 : i32
      %dma_start3A_171 = arith.constant 0 : i32
      %dma_start3A_172 = arith.constant 0 : i32
      %dma_start3A_173 = tpu.memref_slice %arg7[%dma_start3A_169, %dma_start3A_171, %dma_start3A_172] : memref<3x128x128xf32, #tpu.memory_space<vmem>> -> memref<1x128x128xf32, #tpu.memory_space<vmem>>
      %dma_start3A_174 = tpu.memref_squeeze %dma_start3A_173 : memref<1x128x128xf32, #tpu.memory_space<vmem>> -> memref<128x128xf32, #tpu.memory_space<vmem>>
      %dma_start3A_175 = arith.constant 0 : i32
      %dma_start3A_176 = tpu.memref_slice %arg6[%dma_start3A_167, %dma_start3A_168, %dma_start3A_175] : memref<4x2x128xi32, #tpu.memory_space<vmem>> -> memref<1x1x128xi32, #tpu.memory_space<vmem>>
      %dma_start3A_177 = tpu.memref_squeeze %dma_start3A_176 : memref<1x1x128xi32, #tpu.memory_space<vmem>> -> memref<128xi32, #tpu.memory_space<vmem>>
      %dma_start3A_178 = arith.constant 0 : i32
      %dma_start3A_179 = arith.constant 0 : i32
      %dma_start3A_180 = tpu.memref_slice %arg2[%dma_start3A_178, %dma_start3A_179] : memref<10000x128xf32, #tpu.memory_space<hbm>> -> memref<10000x128xf32, #tpu.memory_space<hbm>>
      %dma_start3A_181 = tpu.memref_slice %arg10[%dma_start3A_170] : memref<3x!tpu.dma_semaphore, #tpu.memory_space<semaphore_mem>> -> memref<1x!tpu.dma_semaphore, #tpu.memory_space<semaphore_mem>>
      %dma_start3A_182 = tpu.memref_squeeze %dma_start3A_181 : memref<1x!tpu.dma_semaphore, #tpu.memory_space<semaphore_mem>> -> memref<!tpu.dma_semaphore, #tpu.memory_space<semaphore_mem>>
      tpu.enqueue_indirect_dma source(%dma_start3A_180 : memref<10000x128xf32, #tpu.memory_space<hbm>>) target(%dma_start3A_174 : memref<128x128xf32, #tpu.memory_space<vmem>>) offsets(%dma_start3A_177 : memref<128xi32, #tpu.memory_space<vmem>>) semaphore(%dma_start3A_182 : memref<!tpu.dma_semaphore, #tpu.memory_space<semaphore_mem>>)
      %scan3A = arith.constant 0 : i32
      %scan3A_183 = arith.constant 0 : i32
      %scan3A_184 = arith.constant 45 : i32
      %scan3A_185 = arith.addi %scan3A_183, %scan3A_184 : i32
      %scan3A_186 = arith.constant 1 : i32
      scf.for %scan3A_206 = %scan3A_183 to %scan3A_185 step %scan3A_186  : i32 {
        %rem3A_207 = arith.constant 3 : i32
        %rem3A_208 = arith.remsi %scan3A_206, %rem3A_207 : i32
        %add3A = arith.constant 2 : i32
        %add3A_209 = arith.addi %scan3A_206, %add3A : i32
        %rem3A_210 = arith.constant 3 : i32
        %rem3A_211 = arith.remsi %add3A_209, %rem3A_210 : i32
        %rem3A_212 = arith.constant 4 : i32
        %rem3A_213 = arith.remsi %scan3A_206, %rem3A_212 : i32
        %add3A_214 = arith.constant 2 : i32
        %add3A_215 = arith.addi %scan3A_206, %add3A_214 : i32
        %rem3A_216 = arith.constant 4 : i32
        %rem3A_217 = arith.remsi %add3A_215, %rem3A_216 : i32
        %add3A_218 = arith.constant 3 : i32
        %add3A_219 = arith.addi %scan3A_206, %add3A_218 : i32
        %rem3A_220 = arith.constant 4 : i32
        %rem3A_221 = arith.remsi %add3A_219, %rem3A_220 : i32
        %dma_wait3A_222 = arith.constant 0 : i32
        %dma_wait3A_223 = arith.constant 0 : i32
        %dma_wait3A_224 = arith.constant 0 : i32
        %dma_wait3A_225 = tpu.memref_slice %arg7[%rem3A_208, %dma_wait3A_223, %dma_wait3A_224] : memref<3x128x128xf32, #tpu.memory_space<vmem>> -> memref<1x128x128xf32, #tpu.memory_space<vmem>>
        %dma_wait3A_226 = tpu.memref_squeeze %dma_wait3A_225 : memref<1x128x128xf32, #tpu.memory_space<vmem>> -> memref<128x128xf32, #tpu.memory_space<vmem>>
        %dma_wait3A_227 = arith.constant 0 : i32
        %dma_wait3A_228 = tpu.memref_slice %arg6[%rem3A_213, %dma_wait3A_222, %dma_wait3A_227] : memref<4x2x128xi32, #tpu.memory_space<vmem>> -> memref<1x1x128xi32, #tpu.memory_space<vmem>>
        %dma_wait3A_229 = tpu.memref_squeeze %dma_wait3A_228 : memref<1x1x128xi32, #tpu.memory_space<vmem>> -> memref<128xi32, #tpu.memory_space<vmem>>
        %dma_wait3A_230 = arith.constant 0 : i32
        %dma_wait3A_231 = arith.constant 0 : i32
        %dma_wait3A_232 = tpu.memref_slice %arg2[%dma_wait3A_230, %dma_wait3A_231] : memref<10000x128xf32, #tpu.memory_space<hbm>> -> memref<10000x128xf32, #tpu.memory_space<hbm>>
        %dma_wait3A_233 = tpu.memref_slice %arg10[%rem3A_208] : memref<3x!tpu.dma_semaphore, #tpu.memory_space<semaphore_mem>> -> memref<1x!tpu.dma_semaphore, #tpu.memory_space<semaphore_mem>>
        %dma_wait3A_234 = tpu.memref_squeeze %dma_wait3A_233 : memref<1x!tpu.dma_semaphore, #tpu.memory_space<semaphore_mem>> -> memref<!tpu.dma_semaphore, #tpu.memory_space<semaphore_mem>>
        tpu.wait_indirect_dma semaphore(%dma_wait3A_234 : memref<!tpu.dma_semaphore, #tpu.memory_space<semaphore_mem>>) src(%dma_wait3A_232 : memref<10000x128xf32, #tpu.memory_space<hbm>>) dst(%dma_wait3A_226 : memref<128x128xf32, #tpu.memory_space<vmem>>)
        %dma_start3A_235 = arith.constant 1 : i32
        %dma_start3A_236 = arith.constant 0 : i32
        %dma_start3A_237 = arith.constant 0 : i32
        %dma_start3A_238 = tpu.memref_slice %arg7[%rem3A_208, %dma_start3A_236, %dma_start3A_237] : memref<3x128x128xf32, #tpu.memory_space<vmem>> -> memref<1x128x128xf32, #tpu.memory_space<vmem>>
        %dma_start3A_239 = tpu.memref_squeeze %dma_start3A_238 : memref<1x128x128xf32, #tpu.memory_space<vmem>> -> memref<128x128xf32, #tpu.memory_space<vmem>>
        %dma_start3A_240 = arith.constant 0 : i32
        %dma_start3A_241 = tpu.memref_slice %arg6[%rem3A_213, %dma_start3A_235, %dma_start3A_240] : memref<4x2x128xi32, #tpu.memory_space<vmem>> -> memref<1x1x128xi32, #tpu.memory_space<vmem>>
        %dma_start3A_242 = tpu.memref_squeeze %dma_start3A_241 : memref<1x1x128xi32, #tpu.memory_space<vmem>> -> memref<128xi32, #tpu.memory_space<vmem>>
        %dma_start3A_243 = arith.constant 0 : i32
        %dma_start3A_244 = arith.constant 0 : i32
        %dma_start3A_245 = tpu.memref_slice %arg8[%dma_start3A_243, %dma_start3A_244] : memref<10016x128xf32, #tpu.memory_space<vmem_shared>> -> memref<10016x128xf32, #tpu.memory_space<vmem_shared>>
        %dma_start3A_246 = tpu.memref_slice %arg11[%rem3A_208] : memref<3x!tpu.dma_semaphore, #tpu.memory_space<semaphore_mem>> -> memref<1x!tpu.dma_semaphore, #tpu.memory_space<semaphore_mem>>
        %dma_start3A_247 = tpu.memref_squeeze %dma_start3A_246 : memref<1x!tpu.dma_semaphore, #tpu.memory_space<semaphore_mem>> -> memref<!tpu.dma_semaphore, #tpu.memory_space<semaphore_mem>>
        tpu.enqueue_indirect_dma source(%dma_start3A_239 : memref<128x128xf32, #tpu.memory_space<vmem>>) target(%dma_start3A_245 : memref<10016x128xf32, #tpu.memory_space<vmem_shared>>) offsets(%dma_start3A_242 : memref<128xi32, #tpu.memory_space<vmem>>) semaphore(%dma_start3A_247 : memref<!tpu.dma_semaphore, #tpu.memory_space<semaphore_mem>>) {add = true}
        %ge3A = arith.constant 1 : i32
        %ge3A_248 = arith.cmpi sge, %scan3A_206, %ge3A : i32
        %convert_element_type3A_249 = arith.extui %ge3A_248 : i1 to i32
        %cond3A_250 = arith.constant 0 : i32
        %cond3A_251 = arith.cmpi ne, %convert_element_type3A_249, %cond3A_250 : i32
        scf.if %cond3A_251 {
          %dma_wait3A_268 = arith.constant 1 : i32
          %dma_wait3A_269 = arith.constant 0 : i32
          %dma_wait3A_270 = arith.constant 0 : i32
          %dma_wait3A_271 = tpu.memref_slice %arg7[%rem3A_211, %dma_wait3A_269, %dma_wait3A_270] : memref<3x128x128xf32, #tpu.memory_space<vmem>> -> memref<1x128x128xf32, #tpu.memory_space<vmem>>
          %dma_wait3A_272 = tpu.memref_squeeze %dma_wait3A_271 : memref<1x128x128xf32, #tpu.memory_space<vmem>> -> memref<128x128xf32, #tpu.memory_space<vmem>>
          %dma_wait3A_273 = arith.constant 0 : i32
          %dma_wait3A_274 = tpu.memref_slice %arg6[%rem3A_221, %dma_wait3A_268, %dma_wait3A_273] : memref<4x2x128xi32, #tpu.memory_space<vmem>> -> memref<1x1x128xi32, #tpu.memory_space<vmem>>
          %dma_wait3A_275 = tpu.memref_squeeze %dma_wait3A_274 : memref<1x1x128xi32, #tpu.memory_space<vmem>> -> memref<128xi32, #tpu.memory_space<vmem>>
          %dma_wait3A_276 = arith.constant 0 : i32
          %dma_wait3A_277 = arith.constant 0 : i32
          %dma_wait3A_278 = tpu.memref_slice %arg8[%dma_wait3A_276, %dma_wait3A_277] : memref<10016x128xf32, #tpu.memory_space<vmem_shared>> -> memref<10016x128xf32, #tpu.memory_space<vmem_shared>>
          %dma_wait3A_279 = tpu.memref_slice %arg11[%rem3A_211] : memref<3x!tpu.dma_semaphore, #tpu.memory_space<semaphore_mem>> -> memref<1x!tpu.dma_semaphore, #tpu.memory_space<semaphore_mem>>
          %dma_wait3A_280 = tpu.memref_squeeze %dma_wait3A_279 : memref<1x!tpu.dma_semaphore, #tpu.memory_space<semaphore_mem>> -> memref<!tpu.dma_semaphore, #tpu.memory_space<semaphore_mem>>
          tpu.wait_indirect_dma semaphore(%dma_wait3A_280 : memref<!tpu.dma_semaphore, #tpu.memory_space<semaphore_mem>>) src(%dma_wait3A_272 : memref<128x128xf32, #tpu.memory_space<vmem>>) dst(%dma_wait3A_278 : memref<10016x128xf32, #tpu.memory_space<vmem_shared>>)
        } else {
        }
        %ge3A_252 = arith.constant 1 : i32
        %ge3A_253 = arith.cmpi sge, %scan3A_206, %ge3A_252 : i32
        %add3A_254 = arith.constant 3 : i32
        %add3A_255 = arith.addi %scan3A_206, %add3A_254 : i32
        %lt3A_256 = arith.constant 45 : i32
        %lt3A_257 = arith.cmpi slt, %add3A_255, %lt3A_256 : i32
        %and3A = arith.andi %ge3A_253, %lt3A_257 : i1
        %convert_element_type3A_258 = arith.extui %and3A : i1 to i32
        %cond3A_259 = arith.constant 0 : i32
        %cond3A_260 = arith.cmpi ne, %convert_element_type3A_258, %cond3A_259 : i32
        scf.if %cond3A_260 {
          %add3A_268 = arith.constant 115 : i32
          %add3A_269 = arith.addi %add3A_268, %scan3A_206 : i32
          %add3A_270 = arith.constant 3 : i32
          %add3A_271 = arith.addi %add3A_269, %add3A_270 : i32
          %dma_start3A_272 = arith.constant 0 : i32
          %dma_start3A_273 = arith.constant 0 : i32
          %dma_start3A_274 = tpu.memref_slice %arg6[%rem3A_221, %dma_start3A_272, %dma_start3A_273] : memref<4x2x128xi32, #tpu.memory_space<vmem>> -> memref<1x2x128xi32, #tpu.memory_space<vmem>>
          %dma_start3A_275 = tpu.memref_squeeze %dma_start3A_274 : memref<1x2x128xi32, #tpu.memory_space<vmem>> -> memref<2x128xi32, #tpu.memory_space<vmem>>
          %dma_start3A_276 = arith.constant 0 : i32
          %dma_start3A_277 = arith.constant 0 : i32
          %dma_start3A_278 = tpu.memref_slice %arg3[%arg1, %add3A_271, %dma_start3A_276, %dma_start3A_277] : memref<16x160x2x128xi32, #tpu.memory_space<hbm>> -> memref<1x1x2x128xi32, #tpu.memory_space<hbm>>
          %dma_start3A_279 = tpu.memref_squeeze %dma_start3A_278 : memref<1x1x2x128xi32, #tpu.memory_space<hbm>> -> memref<2x128xi32, #tpu.memory_space<hbm>>
          %dma_start3A_280 = tpu.memref_slice %arg9[%rem3A_221] : memref<4x!tpu.dma_semaphore, #tpu.memory_space<semaphore_mem>> -> memref<1x!tpu.dma_semaphore, #tpu.memory_space<semaphore_mem>>
          %dma_start3A_281 = tpu.memref_squeeze %dma_start3A_280 : memref<1x!tpu.dma_semaphore, #tpu.memory_space<semaphore_mem>> -> memref<!tpu.dma_semaphore, #tpu.memory_space<semaphore_mem>>
          %dma_start3A_282 = arith.constant 0 : i32
          %dma_start3A_283 = arith.constant 0 : i32
          %dma_start3A_284 = tpu.memref_slice %arg6[%rem3A_221, %dma_start3A_282, %dma_start3A_283] : memref<4x2x128xi32, #tpu.memory_space<vmem>> -> memref<1x2x128xi32, #tpu.memory_space<vmem>>
          %dma_start3A_285 = tpu.memref_squeeze %dma_start3A_284 : memref<1x2x128xi32, #tpu.memory_space<vmem>> -> memref<2x128xi32, #tpu.memory_space<vmem>>
          %dma_start3A_286 = arith.constant 0 : i32
          %dma_start3A_287 = arith.constant 0 : i32
          %dma_start3A_288 = tpu.memref_slice %arg3[%arg1, %add3A_271, %dma_start3A_286, %dma_start3A_287] : memref<16x160x2x128xi32, #tpu.memory_space<hbm>> -> memref<1x1x2x128xi32, #tpu.memory_space<hbm>>
          %dma_start3A_289 = tpu.memref_squeeze %dma_start3A_288 : memref<1x1x2x128xi32, #tpu.memory_space<hbm>> -> memref<2x128xi32, #tpu.memory_space<hbm>>
          tpu.enqueue_dma source(%dma_start3A_289 : memref<2x128xi32, #tpu.memory_space<hbm>>) target(%dma_start3A_285 : memref<2x128xi32, #tpu.memory_space<vmem>>) target_semaphore(%dma_start3A_281 : memref<!tpu.dma_semaphore, #tpu.memory_space<semaphore_mem>>)
        } else {
        }
        %add3A_261 = arith.constant 2 : i32
        %add3A_262 = arith.addi %scan3A_206, %add3A_261 : i32
        %lt3A_263 = arith.constant 45 : i32
        %lt3A_264 = arith.cmpi slt, %add3A_262, %lt3A_263 : i32
        %convert_element_type3A_265 = arith.extui %lt3A_264 : i1 to i32
        %cond3A_266 = arith.constant 0 : i32
        %cond3A_267 = arith.cmpi ne, %convert_element_type3A_265, %cond3A_266 : i32
        scf.if %cond3A_267 {
          %add3A_268 = arith.constant 115 : i32
          %add3A_269 = arith.addi %add3A_268, %scan3A_206 : i32
          %add3A_270 = arith.constant 2 : i32
          %add3A_271 = arith.addi %add3A_269, %add3A_270 : i32
          %dma_wait3A_272 = arith.constant 0 : i32
          %dma_wait3A_273 = arith.constant 0 : i32
          %dma_wait3A_274 = tpu.memref_slice %arg6[%rem3A_217, %dma_wait3A_272, %dma_wait3A_273] : memref<4x2x128xi32, #tpu.memory_space<vmem>> -> memref<1x2x128xi32, #tpu.memory_space<vmem>>
          %dma_wait3A_275 = tpu.memref_squeeze %dma_wait3A_274 : memref<1x2x128xi32, #tpu.memory_space<vmem>> -> memref<2x128xi32, #tpu.memory_space<vmem>>
          %dma_wait3A_276 = arith.constant 0 : i32
          %dma_wait3A_277 = arith.constant 0 : i32
          %dma_wait3A_278 = tpu.memref_slice %arg3[%arg1, %add3A_271, %dma_wait3A_276, %dma_wait3A_277] : memref<16x160x2x128xi32, #tpu.memory_space<hbm>> -> memref<1x1x2x128xi32, #tpu.memory_space<hbm>>
          %dma_wait3A_279 = tpu.memref_squeeze %dma_wait3A_278 : memref<1x1x2x128xi32, #tpu.memory_space<hbm>> -> memref<2x128xi32, #tpu.memory_space<hbm>>
          %dma_wait3A_280 = tpu.memref_slice %arg9[%rem3A_217] : memref<4x!tpu.dma_semaphore, #tpu.memory_space<semaphore_mem>> -> memref<1x!tpu.dma_semaphore, #tpu.memory_space<semaphore_mem>>
          %dma_wait3A_281 = tpu.memref_squeeze %dma_wait3A_280 : memref<1x!tpu.dma_semaphore, #tpu.memory_space<semaphore_mem>> -> memref<!tpu.dma_semaphore, #tpu.memory_space<semaphore_mem>>
          %dma_wait3A_282 = arith.constant 0 : i32
          %dma_wait3A_283 = arith.constant 0 : i32
          %dma_wait3A_284 = tpu.memref_slice %arg6[%rem3A_217, %dma_wait3A_282, %dma_wait3A_283] : memref<4x2x128xi32, #tpu.memory_space<vmem>> -> memref<1x2x128xi32, #tpu.memory_space<vmem>>
          %dma_wait3A_285 = tpu.memref_squeeze %dma_wait3A_284 : memref<1x2x128xi32, #tpu.memory_space<vmem>> -> memref<2x128xi32, #tpu.memory_space<vmem>>
          %dma_wait3A_286 = arith.constant 0 : i32
          %dma_wait3A_287 = arith.constant 0 : i32
          %dma_wait3A_288 = tpu.memref_slice %arg3[%arg1, %add3A_271, %dma_wait3A_286, %dma_wait3A_287] : memref<16x160x2x128xi32, #tpu.memory_space<hbm>> -> memref<1x1x2x128xi32, #tpu.memory_space<hbm>>
          %dma_wait3A_289 = tpu.memref_squeeze %dma_wait3A_288 : memref<1x1x2x128xi32, #tpu.memory_space<hbm>> -> memref<2x128xi32, #tpu.memory_space<hbm>>
          tpu.wait_dma2 semaphore(%dma_wait3A_281 : memref<!tpu.dma_semaphore, #tpu.memory_space<semaphore_mem>>) src(%dma_wait3A_289 : memref<2x128xi32, #tpu.memory_space<hbm>>) dst(%dma_wait3A_285 : memref<2x128xi32, #tpu.memory_space<vmem>>)
          %dma_start3A_290 = arith.constant 0 : i32
          %dma_start3A_291 = arith.constant 0 : i32
          %dma_start3A_292 = arith.constant 0 : i32
          %dma_start3A_293 = tpu.memref_slice %arg7[%rem3A_211, %dma_start3A_291, %dma_start3A_292] : memref<3x128x128xf32, #tpu.memory_space<vmem>> -> memref<1x128x128xf32, #tpu.memory_space<vmem>>
          %dma_start3A_294 = tpu.memref_squeeze %dma_start3A_293 : memref<1x128x128xf32, #tpu.memory_space<vmem>> -> memref<128x128xf32, #tpu.memory_space<vmem>>
          %dma_start3A_295 = arith.constant 0 : i32
          %dma_start3A_296 = tpu.memref_slice %arg6[%rem3A_217, %dma_start3A_290, %dma_start3A_295] : memref<4x2x128xi32, #tpu.memory_space<vmem>> -> memref<1x1x128xi32, #tpu.memory_space<vmem>>
          %dma_start3A_297 = tpu.memref_squeeze %dma_start3A_296 : memref<1x1x128xi32, #tpu.memory_space<vmem>> -> memref<128xi32, #tpu.memory_space<vmem>>
          %dma_start3A_298 = arith.constant 0 : i32
          %dma_start3A_299 = arith.constant 0 : i32
          %dma_start3A_300 = tpu.memref_slice %arg2[%dma_start3A_298, %dma_start3A_299] : memref<10000x128xf32, #tpu.memory_space<hbm>> -> memref<10000x128xf32, #tpu.memory_space<hbm>>
          %dma_start3A_301 = tpu.memref_slice %arg10[%rem3A_211] : memref<3x!tpu.dma_semaphore, #tpu.memory_space<semaphore_mem>> -> memref<1x!tpu.dma_semaphore, #tpu.memory_space<semaphore_mem>>
          %dma_start3A_302 = tpu.memref_squeeze %dma_start3A_301 : memref<1x!tpu.dma_semaphore, #tpu.memory_space<semaphore_mem>> -> memref<!tpu.dma_semaphore, #tpu.memory_space<semaphore_mem>>
          tpu.enqueue_indirect_dma source(%dma_start3A_300 : memref<10000x128xf32, #tpu.memory_space<hbm>>) target(%dma_start3A_294 : memref<128x128xf32, #tpu.memory_space<vmem>>) offsets(%dma_start3A_297 : memref<128xi32, #tpu.memory_space<vmem>>) semaphore(%dma_start3A_302 : memref<!tpu.dma_semaphore, #tpu.memory_space<semaphore_mem>>)
        } else {
        }
      }
      %scan3A_187 = arith.constant 45 : i32
      %rem3A = arith.constant 44 : i32
      %rem3A_188 = arith.constant 4 : i32
      %rem3A_189 = arith.remsi %rem3A, %rem3A_188 : i32
      %rem3A_190 = arith.constant 44 : i32
      %rem3A_191 = arith.constant 3 : i32
      %rem3A_192 = arith.remsi %rem3A_190, %rem3A_191 : i32
      %dma_wait3A_193 = arith.constant 1 : i32
      %dma_wait3A_194 = arith.constant 0 : i32
      %dma_wait3A_195 = arith.constant 0 : i32
      %dma_wait3A_196 = tpu.memref_slice %arg7[%rem3A_192, %dma_wait3A_194, %dma_wait3A_195] : memref<3x128x128xf32, #tpu.memory_space<vmem>> -> memref<1x128x128xf32, #tpu.memory_space<vmem>>
      %dma_wait3A_197 = tpu.memref_squeeze %dma_wait3A_196 : memref<1x128x128xf32, #tpu.memory_space<vmem>> -> memref<128x128xf32, #tpu.memory_space<vmem>>
      %dma_wait3A_198 = arith.constant 0 : i32
      %dma_wait3A_199 = tpu.memref_slice %arg6[%rem3A_189, %dma_wait3A_193, %dma_wait3A_198] : memref<4x2x128xi32, #tpu.memory_space<vmem>> -> memref<1x1x128xi32, #tpu.memory_space<vmem>>
      %dma_wait3A_200 = tpu.memref_squeeze %dma_wait3A_199 : memref<1x1x128xi32, #tpu.memory_space<vmem>> -> memref<128xi32, #tpu.memory_space<vmem>>
      %dma_wait3A_201 = arith.constant 0 : i32
      %dma_wait3A_202 = arith.constant 0 : i32
      %dma_wait3A_203 = tpu.memref_slice %arg8[%dma_wait3A_201, %dma_wait3A_202] : memref<10016x128xf32, #tpu.memory_space<vmem_shared>> -> memref<10016x128xf32, #tpu.memory_space<vmem_shared>>
      %dma_wait3A_204 = tpu.memref_slice %arg11[%rem3A_192] : memref<3x!tpu.dma_semaphore, #tpu.memory_space<semaphore_mem>> -> memref<1x!tpu.dma_semaphore, #tpu.memory_space<semaphore_mem>>
      %dma_wait3A_205 = tpu.memref_squeeze %dma_wait3A_204 : memref<1x!tpu.dma_semaphore, #tpu.memory_space<semaphore_mem>> -> memref<!tpu.dma_semaphore, #tpu.memory_space<semaphore_mem>>
      tpu.wait_indirect_dma semaphore(%dma_wait3A_205 : memref<!tpu.dma_semaphore, #tpu.memory_space<semaphore_mem>>) src(%dma_wait3A_197 : memref<128x128xf32, #tpu.memory_space<vmem>>) dst(%dma_wait3A_203 : memref<10016x128xf32, #tpu.memory_space<vmem_shared>>)
    } else {
    }
    %barrier3A_16 = arith.constant 0 : index
    tpu.barrier barrier_id(%barrier3A_16)
    %lt3A_17 = arith.constant 15 : i32
    %lt3A_18 = arith.cmpi slt, %arg1, %lt3A_17 : i32
    %convert_element_type3A_19 = arith.extui %lt3A_18 : i1 to i32
    %cond3A_20 = arith.constant 0 : i32
    %cond3A_21 = arith.cmpi ne, %convert_element_type3A_19, %cond3A_20 : i32
    scf.if %cond3A_21 {
      %mul3A = arith.constant 624 : i32
      %mul3A_27 = arith.muli %arg1, %mul3A : i32
      %mul3A_28 = arith.constant 624 : i32
      %mul3A_29 = arith.muli %arg1, %mul3A_28 : i32
      "tpu.region"() ({
        %run_scoped3A = tpu.sem_alloc : memref<!tpu.dma_semaphore, #tpu.memory_space<semaphore_mem>>
        %dma_start3A = arith.constant 0 : i32
        %dma_start3A_30 = tpu.memref_slice %arg5[%arg0, %mul3A_29, %dma_start3A] : memref<2x10016x128xf32, #tpu.memory_space<hbm>> -> memref<1x624x128xf32, #tpu.memory_space<hbm>>
        %dma_start3A_31 = tpu.memref_squeeze %dma_start3A_30 : memref<1x624x128xf32, #tpu.memory_space<hbm>> -> memref<624x128xf32, #tpu.memory_space<hbm>>
        %dma_start3A_32 = arith.constant 0 : i32
        %dma_start3A_33 = tpu.memref_slice %arg8[%mul3A_27, %dma_start3A_32] : memref<10016x128xf32, #tpu.memory_space<vmem_shared>> -> memref<624x128xf32, #tpu.memory_space<vmem_shared>>
        tpu.enqueue_dma source(%dma_start3A_33 : memref<624x128xf32, #tpu.memory_space<vmem_shared>>) target(%dma_start3A_31 : memref<624x128xf32, #tpu.memory_space<hbm>>) target_semaphore(%run_scoped3A : memref<!tpu.dma_semaphore, #tpu.memory_space<semaphore_mem>>)
        %dma_wait3A = arith.constant 0 : i32
        %dma_wait3A_34 = tpu.memref_slice %arg5[%arg0, %mul3A_29, %dma_wait3A] : memref<2x10016x128xf32, #tpu.memory_space<hbm>> -> memref<1x624x128xf32, #tpu.memory_space<hbm>>
        %dma_wait3A_35 = tpu.memref_squeeze %dma_wait3A_34 : memref<1x624x128xf32, #tpu.memory_space<hbm>> -> memref<624x128xf32, #tpu.memory_space<hbm>>
        %dma_wait3A_36 = arith.constant 0 : i32
        %dma_wait3A_37 = tpu.memref_slice %arg8[%mul3A_27, %dma_wait3A_36] : memref<10016x128xf32, #tpu.memory_space<vmem_shared>> -> memref<624x128xf32, #tpu.memory_space<vmem_shared>>
        tpu.wait_dma2 semaphore(%run_scoped3A : memref<!tpu.dma_semaphore, #tpu.memory_space<semaphore_mem>>) src(%dma_wait3A_37 : memref<624x128xf32, #tpu.memory_space<vmem_shared>>) dst(%dma_wait3A_35 : memref<624x128xf32, #tpu.memory_space<hbm>>)
        tpu.yield
      }) : () -> ()
    } else {
    }
    %eq3A_22 = arith.constant 15 : i32
    %eq3A_23 = arith.cmpi eq, %arg1, %eq3A_22 : i32
    %convert_element_type3A_24 = arith.extui %eq3A_23 : i1 to i32
    %cond3A_25 = arith.constant 0 : i32
    %cond3A_26 = arith.cmpi ne, %convert_element_type3A_24, %cond3A_25 : i32
    scf.if %cond3A_26 {
      "tpu.region"() ({
        %run_scoped3A = tpu.sem_alloc : memref<!tpu.dma_semaphore, #tpu.memory_space<semaphore_mem>>
        %dma_start3A = arith.constant 9360 : i32
        %dma_start3A_27 = arith.constant 0 : i32
        %dma_start3A_28 = tpu.memref_slice %arg5[%arg0, %dma_start3A, %dma_start3A_27] : memref<2x10016x128xf32, #tpu.memory_space<hbm>> -> memref<1x656x128xf32, #tpu.memory_space<hbm>>
        %dma_start3A_29 = tpu.memref_squeeze %dma_start3A_28 : memref<1x656x128xf32, #tpu.memory_space<hbm>> -> memref<656x128xf32, #tpu.memory_space<hbm>>
        %dma_start3A_30 = arith.constant 9360 : i32
        %dma_start3A_31 = arith.constant 0 : i32
        %dma_start3A_32 = tpu.memref_slice %arg8[%dma_start3A_30, %dma_start3A_31] : memref<10016x128xf32, #tpu.memory_space<vmem_shared>> -> memref<656x128xf32, #tpu.memory_space<vmem_shared>>
        tpu.enqueue_dma source(%dma_start3A_32 : memref<656x128xf32, #tpu.memory_space<vmem_shared>>) target(%dma_start3A_29 : memref<656x128xf32, #tpu.memory_space<hbm>>) target_semaphore(%run_scoped3A : memref<!tpu.dma_semaphore, #tpu.memory_space<semaphore_mem>>)
        %dma_wait3A = arith.constant 9360 : i32
        %dma_wait3A_33 = arith.constant 0 : i32
        %dma_wait3A_34 = tpu.memref_slice %arg5[%arg0, %dma_wait3A, %dma_wait3A_33] : memref<2x10016x128xf32, #tpu.memory_space<hbm>> -> memref<1x656x128xf32, #tpu.memory_space<hbm>>
        %dma_wait3A_35 = tpu.memref_squeeze %dma_wait3A_34 : memref<1x656x128xf32, #tpu.memory_space<hbm>> -> memref<656x128xf32, #tpu.memory_space<hbm>>
        %dma_wait3A_36 = arith.constant 9360 : i32
        %dma_wait3A_37 = arith.constant 0 : i32
        %dma_wait3A_38 = tpu.memref_slice %arg8[%dma_wait3A_36, %dma_wait3A_37] : memref<10016x128xf32, #tpu.memory_space<vmem_shared>> -> memref<656x128xf32, #tpu.memory_space<vmem_shared>>
        tpu.wait_dma2 semaphore(%run_scoped3A : memref<!tpu.dma_semaphore, #tpu.memory_space<semaphore_mem>>) src(%dma_wait3A_38 : memref<656x128xf32, #tpu.memory_space<vmem_shared>>) dst(%dma_wait3A_35 : memref<656x128xf32, #tpu.memory_space<hbm>>)
        tpu.yield
      }) : () -> ()
    } else {
    }
    return
  }
}

#map = affine_map<(d0, d1) -> (0, 0)>
#map1 = affine_map<(d0, d1) -> (0, 0, 0, 0)>
#map2 = affine_map<(d0, d1) -> (0, 0, 0)>
module attributes {stable_mosaic.version = 14 : i64} {
  func.func @k(%arg0: i32, %arg1: i32, %arg2: memref<10000x128xf32, #tpu.memory_space<hbm>>, %arg3: memref<16x160x2x128xi32, #tpu.memory_space<hbm>>, %arg4: memref<656x128xf32, #tpu.memory_space<hbm>>, %arg5: memref<2x10016x128xf32, #tpu.memory_space<hbm>>, %arg6: memref<4x2x128xi32, #tpu.memory_space<vmem>>, %arg7: memref<3x128x128xf32, #tpu.memory_space<vmem>>, %arg8: memref<10016x128xf32, #tpu.memory_space<vmem_shared>>, %arg9: memref<4x!tpu.dma_semaphore, #tpu.memory_space<semaphore_mem>>, %arg10: memref<3x!tpu.dma_semaphore, #tpu.memory_space<semaphore_mem>>, %arg11: memref<3x!tpu.dma_semaphore, #tpu.memory_space<semaphore_mem>>) attributes {dimension_semantics = [#tpu.dimension_semantics<core_parallel>, #tpu.dimension_semantics<subcore_parallel>], iteration_bounds = array<i64: 2, 16>, scalar_prefetch = 0 : i64, scratch_operands = 6 : i64, tpu.core_type = #tpu.core_type<sc_vector_subcore>, window_params = [{transform_indices = #map}, {transform_indices = #map1}, {transform_indices = #map}, {transform_indices = #map2}]} {
    %lt3A = arith.constant 15 : i32
    %lt3A_0 = arith.cmpi slt, %arg1, %lt3A : i32
    %convert_element_type3A = arith.extui %lt3A_0 : i1 to i32
    %cond3A = arith.constant 0 : i32
    %cond3A_1 = arith.cmpi ne, %convert_element_type3A, %cond3A : i32
    scf.if %cond3A_1 {
      %mul3A = arith.constant 624 : i32
      %mul3A_27 = arith.muli %arg1, %mul3A : i32
      "tpu.region"() ({
        %run_scoped3A = tpu.sem_alloc : memref<!tpu.dma_semaphore, #tpu.memory_space<semaphore_mem>>
        %dma_start3A = arith.constant 0 : i32
        %dma_start3A_28 = tpu.memref_slice %arg8[%mul3A_27, %dma_start3A] : memref<10016x128xf32, #tpu.memory_space<vmem_shared>> -> memref<624x128xf32, #tpu.memory_space<vmem_shared>>
        %dma_start3A_29 = arith.constant 0 : i32
        %dma_start3A_30 = arith.constant 0 : i32
        %dma_start3A_31 = tpu.memref_slice %arg4[%dma_start3A_29, %dma_start3A_30] : memref<656x128xf32, #tpu.memory_space<hbm>> -> memref<624x128xf32, #tpu.memory_space<hbm>>
        tpu.enqueue_dma source(%dma_start3A_31 : memref<624x128xf32, #tpu.memory_space<hbm>>) target(%dma_start3A_28 : memref<624x128xf32, #tpu.memory_space<vmem_shared>>) target_semaphore(%run_scoped3A : memref<!tpu.dma_semaphore, #tpu.memory_space<semaphore_mem>>)
        %dma_wait3A = arith.constant 0 : i32
        %dma_wait3A_32 = tpu.memref_slice %arg8[%mul3A_27, %dma_wait3A] : memref<10016x128xf32, #tpu.memory_space<vmem_shared>> -> memref<624x128xf32, #tpu.memory_space<vmem_shared>>
        %dma_wait3A_33 = arith.constant 0 : i32
        %dma_wait3A_34 = arith.constant 0 : i32
        %dma_wait3A_35 = tpu.memref_slice %arg4[%dma_wait3A_33, %dma_wait3A_34] : memref<656x128xf32, #tpu.memory_space<hbm>> -> memref<624x128xf32, #tpu.memory_space<hbm>>
        tpu.wait_dma2 semaphore(%run_scoped3A : memref<!tpu.dma_semaphore, #tpu.memory_space<semaphore_mem>>) src(%dma_wait3A_35 : memref<624x128xf32, #tpu.memory_space<hbm>>) dst(%dma_wait3A_32 : memref<624x128xf32, #tpu.memory_space<vmem_shared>>)
        tpu.yield
      }) : () -> ()
    } else {
    }
    %eq3A = arith.constant 15 : i32
    %eq3A_2 = arith.cmpi eq, %arg1, %eq3A : i32
    %convert_element_type3A_3 = arith.extui %eq3A_2 : i1 to i32
    %cond3A_4 = arith.constant 0 : i32
    %cond3A_5 = arith.cmpi ne, %convert_element_type3A_3, %cond3A_4 : i32
    scf.if %cond3A_5 {
      "tpu.region"() ({
        %run_scoped3A = tpu.sem_alloc : memref<!tpu.dma_semaphore, #tpu.memory_space<semaphore_mem>>
        %dma_start3A = arith.constant 9360 : i32
        %dma_start3A_27 = arith.constant 0 : i32
        %dma_start3A_28 = tpu.memref_slice %arg8[%dma_start3A, %dma_start3A_27] : memref<10016x128xf32, #tpu.memory_space<vmem_shared>> -> memref<656x128xf32, #tpu.memory_space<vmem_shared>>
        tpu.enqueue_dma source(%arg4 : memref<656x128xf32, #tpu.memory_space<hbm>>) target(%dma_start3A_28 : memref<656x128xf32, #tpu.memory_space<vmem_shared>>) target_semaphore(%run_scoped3A : memref<!tpu.dma_semaphore, #tpu.memory_space<semaphore_mem>>)
        %dma_wait3A = arith.constant 9360 : i32
        %dma_wait3A_29 = arith.constant 0 : i32
        %dma_wait3A_30 = tpu.memref_slice %arg8[%dma_wait3A, %dma_wait3A_29] : memref<10016x128xf32, #tpu.memory_space<vmem_shared>> -> memref<656x128xf32, #tpu.memory_space<vmem_shared>>
        tpu.wait_dma2 semaphore(%run_scoped3A : memref<!tpu.dma_semaphore, #tpu.memory_space<semaphore_mem>>) src(%arg4 : memref<656x128xf32, #tpu.memory_space<hbm>>) dst(%dma_wait3A_30 : memref<656x128xf32, #tpu.memory_space<vmem_shared>>)
        tpu.yield
      }) : () -> ()
    } else {
    }
    %barrier3A = arith.constant 0 : index
    tpu.barrier barrier_id(%barrier3A)
    %eq3A_6 = arith.constant 0 : i32
    %eq3A_7 = arith.cmpi eq, %arg0, %eq3A_6 : i32
    %convert_element_type3A_8 = arith.extui %eq3A_7 : i1 to i32
    %cond3A_9 = arith.constant 0 : i32
    %cond3A_10 = arith.cmpi ne, %convert_element_type3A_8, %cond3A_9 : i32
    scf.if %cond3A_10 {
      %dma_start3A = arith.constant 0 : i32
      %dma_start3A_27 = arith.constant 0 : i32
      %dma_start3A_28 = arith.constant 0 : i32
      %dma_start3A_29 = arith.constant 0 : i32
      %dma_start3A_30 = arith.constant 0 : i32
      %dma_start3A_31 = tpu.memref_slice %arg6[%dma_start3A_27, %dma_start3A_29, %dma_start3A_30] : memref<4x2x128xi32, #tpu.memory_space<vmem>> -> memref<1x2x128xi32, #tpu.memory_space<vmem>>
      %dma_start3A_32 = tpu.memref_squeeze %dma_start3A_31 : memref<1x2x128xi32, #tpu.memory_space<vmem>> -> memref<2x128xi32, #tpu.memory_space<vmem>>
      %dma_start3A_33 = arith.constant 0 : i32
      %dma_start3A_34 = arith.constant 0 : i32
      %dma_start3A_35 = tpu.memref_slice %arg3[%arg1, %dma_start3A, %dma_start3A_33, %dma_start3A_34] : memref<16x160x2x128xi32, #tpu.memory_space<hbm>> -> memref<1x1x2x128xi32, #tpu.memory_space<hbm>>
      %dma_start3A_36 = tpu.memref_squeeze %dma_start3A_35 : memref<1x1x2x128xi32, #tpu.memory_space<hbm>> -> memref<2x128xi32, #tpu.memory_space<hbm>>
      %dma_start3A_37 = tpu.memref_slice %arg9[%dma_start3A_28] : memref<4x!tpu.dma_semaphore, #tpu.memory_space<semaphore_mem>> -> memref<1x!tpu.dma_semaphore, #tpu.memory_space<semaphore_mem>>
      %dma_start3A_38 = tpu.memref_squeeze %dma_start3A_37 : memref<1x!tpu.dma_semaphore, #tpu.memory_space<semaphore_mem>> -> memref<!tpu.dma_semaphore, #tpu.memory_space<semaphore_mem>>
      %dma_start3A_39 = arith.constant 0 : i32
      %dma_start3A_40 = arith.constant 0 : i32
      %dma_start3A_41 = tpu.memref_slice %arg6[%dma_start3A_27, %dma_start3A_39, %dma_start3A_40] : memref<4x2x128xi32, #tpu.memory_space<vmem>> -> memref<1x2x128xi32, #tpu.memory_space<vmem>>
      %dma_start3A_42 = tpu.memref_squeeze %dma_start3A_41 : memref<1x2x128xi32, #tpu.memory_space<vmem>> -> memref<2x128xi32, #tpu.memory_space<vmem>>
      %dma_start3A_43 = arith.constant 0 : i32
      %dma_start3A_44 = arith.constant 0 : i32
      %dma_start3A_45 = tpu.memref_slice %arg3[%arg1, %dma_start3A, %dma_start3A_43, %dma_start3A_44] : memref<16x160x2x128xi32, #tpu.memory_space<hbm>> -> memref<1x1x2x128xi32, #tpu.memory_space<hbm>>
      %dma_start3A_46 = tpu.memref_squeeze %dma_start3A_45 : memref<1x1x2x128xi32, #tpu.memory_space<hbm>> -> memref<2x128xi32, #tpu.memory_space<hbm>>
      tpu.enqueue_dma source(%dma_start3A_46 : memref<2x128xi32, #tpu.memory_space<hbm>>) target(%dma_start3A_42 : memref<2x128xi32, #tpu.memory_space<vmem>>) target_semaphore(%dma_start3A_38 : memref<!tpu.dma_semaphore, #tpu.memory_space<semaphore_mem>>)
      %dma_start3A_47 = arith.constant 1 : i32
      %dma_start3A_48 = arith.constant 1 : i32
      %dma_start3A_49 = arith.constant 1 : i32
      %dma_start3A_50 = arith.constant 0 : i32
      %dma_start3A_51 = arith.constant 0 : i32
      %dma_start3A_52 = tpu.memref_slice %arg6[%dma_start3A_48, %dma_start3A_50, %dma_start3A_51] : memref<4x2x128xi32, #tpu.memory_space<vmem>> -> memref<1x2x128xi32, #tpu.memory_space<vmem>>
      %dma_start3A_53 = tpu.memref_squeeze %dma_start3A_52 : memref<1x2x128xi32, #tpu.memory_space<vmem>> -> memref<2x128xi32, #tpu.memory_space<vmem>>
      %dma_start3A_54 = arith.constant 0 : i32
      %dma_start3A_55 = arith.constant 0 : i32
      %dma_start3A_56 = tpu.memref_slice %arg3[%arg1, %dma_start3A_47, %dma_start3A_54, %dma_start3A_55] : memref<16x160x2x128xi32, #tpu.memory_space<hbm>> -> memref<1x1x2x128xi32, #tpu.memory_space<hbm>>
      %dma_start3A_57 = tpu.memref_squeeze %dma_start3A_56 : memref<1x1x2x128xi32, #tpu.memory_space<hbm>> -> memref<2x128xi32, #tpu.memory_space<hbm>>
      %dma_start3A_58 = tpu.memref_slice %arg9[%dma_start3A_49] : memref<4x!tpu.dma_semaphore, #tpu.memory_space<semaphore_mem>> -> memref<1x!tpu.dma_semaphore, #tpu.memory_space<semaphore_mem>>
      %dma_start3A_59 = tpu.memref_squeeze %dma_start3A_58 : memref<1x!tpu.dma_semaphore, #tpu.memory_space<semaphore_mem>> -> memref<!tpu.dma_semaphore, #tpu.memory_space<semaphore_mem>>
      %dma_start3A_60 = arith.constant 0 : i32
      %dma_start3A_61 = arith.constant 0 : i32
      %dma_start3A_62 = tpu.memref_slice %arg6[%dma_start3A_48, %dma_start3A_60, %dma_start3A_61] : memref<4x2x128xi32, #tpu.memory_space<vmem>> -> memref<1x2x128xi32, #tpu.memory_space<vmem>>
      %dma_start3A_63 = tpu.memref_squeeze %dma_start3A_62 : memref<1x2x128xi32, #tpu.memory_space<vmem>> -> memref<2x128xi32, #tpu.memory_space<vmem>>
      %dma_start3A_64 = arith.constant 0 : i32
      %dma_start3A_65 = arith.constant 0 : i32
      %dma_start3A_66 = tpu.memref_slice %arg3[%arg1, %dma_start3A_47, %dma_start3A_64, %dma_start3A_65] : memref<16x160x2x128xi32, #tpu.memory_space<hbm>> -> memref<1x1x2x128xi32, #tpu.memory_space<hbm>>
      %dma_start3A_67 = tpu.memref_squeeze %dma_start3A_66 : memref<1x1x2x128xi32, #tpu.memory_space<hbm>> -> memref<2x128xi32, #tpu.memory_space<hbm>>
      tpu.enqueue_dma source(%dma_start3A_67 : memref<2x128xi32, #tpu.memory_space<hbm>>) target(%dma_start3A_63 : memref<2x128xi32, #tpu.memory_space<vmem>>) target_semaphore(%dma_start3A_59 : memref<!tpu.dma_semaphore, #tpu.memory_space<semaphore_mem>>)
      %dma_start3A_68 = arith.constant 2 : i32
      %dma_start3A_69 = arith.constant 2 : i32
      %dma_start3A_70 = arith.constant 2 : i32
      %dma_start3A_71 = arith.constant 0 : i32
      %dma_start3A_72 = arith.constant 0 : i32
      %dma_start3A_73 = tpu.memref_slice %arg6[%dma_start3A_69, %dma_start3A_71, %dma_start3A_72] : memref<4x2x128xi32, #tpu.memory_space<vmem>> -> memref<1x2x128xi32, #tpu.memory_space<vmem>>
      %dma_start3A_74 = tpu.memref_squeeze %dma_start3A_73 : memref<1x2x128xi32, #tpu.memory_space<vmem>> -> memref<2x128xi32, #tpu.memory_space<vmem>>
      %dma_start3A_75 = arith.constant 0 : i32
      %dma_start3A_76 = arith.constant 0 : i32
      %dma_start3A_77 = tpu.memref_slice %arg3[%arg1, %dma_start3A_68, %dma_start3A_75, %dma_start3A_76] : memref<16x160x2x128xi32, #tpu.memory_space<hbm>> -> memref<1x1x2x128xi32, #tpu.memory_space<hbm>>
      %dma_start3A_78 = tpu.memref_squeeze %dma_start3A_77 : memref<1x1x2x128xi32, #tpu.memory_space<hbm>> -> memref<2x128xi32, #tpu.memory_space<hbm>>
      %dma_start3A_79 = tpu.memref_slice %arg9[%dma_start3A_70] : memref<4x!tpu.dma_semaphore, #tpu.memory_space<semaphore_mem>> -> memref<1x!tpu.dma_semaphore, #tpu.memory_space<semaphore_mem>>
      %dma_start3A_80 = tpu.memref_squeeze %dma_start3A_79 : memref<1x!tpu.dma_semaphore, #tpu.memory_space<semaphore_mem>> -> memref<!tpu.dma_semaphore, #tpu.memory_space<semaphore_mem>>
      %dma_start3A_81 = arith.constant 0 : i32
      %dma_start3A_82 = arith.constant 0 : i32
      %dma_start3A_83 = tpu.memref_slice %arg6[%dma_start3A_69, %dma_start3A_81, %dma_start3A_82] : memref<4x2x128xi32, #tpu.memory_space<vmem>> -> memref<1x2x128xi32, #tpu.memory_space<vmem>>
      %dma_start3A_84 = tpu.memref_squeeze %dma_start3A_83 : memref<1x2x128xi32, #tpu.memory_space<vmem>> -> memref<2x128xi32, #tpu.memory_space<vmem>>
      %dma_start3A_85 = arith.constant 0 : i32
      %dma_start3A_86 = arith.constant 0 : i32
      %dma_start3A_87 = tpu.memref_slice %arg3[%arg1, %dma_start3A_68, %dma_start3A_85, %dma_start3A_86] : memref<16x160x2x128xi32, #tpu.memory_space<hbm>> -> memref<1x1x2x128xi32, #tpu.memory_space<hbm>>
      %dma_start3A_88 = tpu.memref_squeeze %dma_start3A_87 : memref<1x1x2x128xi32, #tpu.memory_space<hbm>> -> memref<2x128xi32, #tpu.memory_space<hbm>>
      tpu.enqueue_dma source(%dma_start3A_88 : memref<2x128xi32, #tpu.memory_space<hbm>>) target(%dma_start3A_84 : memref<2x128xi32, #tpu.memory_space<vmem>>) target_semaphore(%dma_start3A_80 : memref<!tpu.dma_semaphore, #tpu.memory_space<semaphore_mem>>)
      %dma_start3A_89 = arith.constant 3 : i32
      %dma_start3A_90 = arith.constant 3 : i32
      %dma_start3A_91 = arith.constant 3 : i32
      %dma_start3A_92 = arith.constant 0 : i32
      %dma_start3A_93 = arith.constant 0 : i32
      %dma_start3A_94 = tpu.memref_slice %arg6[%dma_start3A_90, %dma_start3A_92, %dma_start3A_93] : memref<4x2x128xi32, #tpu.memory_space<vmem>> -> memref<1x2x128xi32, #tpu.memory_space<vmem>>
      %dma_start3A_95 = tpu.memref_squeeze %dma_start3A_94 : memref<1x2x128xi32, #tpu.memory_space<vmem>> -> memref<2x128xi32, #tpu.memory_space<vmem>>
      %dma_start3A_96 = arith.constant 0 : i32
      %dma_start3A_97 = arith.constant 0 : i32
      %dma_start3A_98 = tpu.memref_slice %arg3[%arg1, %dma_start3A_89, %dma_start3A_96, %dma_start3A_97] : memref<16x160x2x128xi32, #tpu.memory_space<hbm>> -> memref<1x1x2x128xi32, #tpu.memory_space<hbm>>
      %dma_start3A_99 = tpu.memref_squeeze %dma_start3A_98 : memref<1x1x2x128xi32, #tpu.memory_space<hbm>> -> memref<2x128xi32, #tpu.memory_space<hbm>>
      %dma_start3A_100 = tpu.memref_slice %arg9[%dma_start3A_91] : memref<4x!tpu.dma_semaphore, #tpu.memory_space<semaphore_mem>> -> memref<1x!tpu.dma_semaphore, #tpu.memory_space<semaphore_mem>>
      %dma_start3A_101 = tpu.memref_squeeze %dma_start3A_100 : memref<1x!tpu.dma_semaphore, #tpu.memory_space<semaphore_mem>> -> memref<!tpu.dma_semaphore, #tpu.memory_space<semaphore_mem>>
      %dma_start3A_102 = arith.constant 0 : i32
      %dma_start3A_103 = arith.constant 0 : i32
      %dma_start3A_104 = tpu.memref_slice %arg6[%dma_start3A_90, %dma_start3A_102, %dma_start3A_103] : memref<4x2x128xi32, #tpu.memory_space<vmem>> -> memref<1x2x128xi32, #tpu.memory_space<vmem>>
      %dma_start3A_105 = tpu.memref_squeeze %dma_start3A_104 : memref<1x2x128xi32, #tpu.memory_space<vmem>> -> memref<2x128xi32, #tpu.memory_space<vmem>>
      %dma_start3A_106 = arith.constant 0 : i32
      %dma_start3A_107 = arith.constant 0 : i32
      %dma_start3A_108 = tpu.memref_slice %arg3[%arg1, %dma_start3A_89, %dma_start3A_106, %dma_start3A_107] : memref<16x160x2x128xi32, #tpu.memory_space<hbm>> -> memref<1x1x2x128xi32, #tpu.memory_space<hbm>>
      %dma_start3A_109 = tpu.memref_squeeze %dma_start3A_108 : memref<1x1x2x128xi32, #tpu.memory_space<hbm>> -> memref<2x128xi32, #tpu.memory_space<hbm>>
      tpu.enqueue_dma source(%dma_start3A_109 : memref<2x128xi32, #tpu.memory_space<hbm>>) target(%dma_start3A_105 : memref<2x128xi32, #tpu.memory_space<vmem>>) target_semaphore(%dma_start3A_101 : memref<!tpu.dma_semaphore, #tpu.memory_space<semaphore_mem>>)
      %dma_wait3A = arith.constant 0 : i32
      %dma_wait3A_110 = arith.constant 0 : i32
      %dma_wait3A_111 = arith.constant 0 : i32
      %dma_wait3A_112 = arith.constant 0 : i32
      %dma_wait3A_113 = arith.constant 0 : i32
      %dma_wait3A_114 = tpu.memref_slice %arg6[%dma_wait3A_110, %dma_wait3A_112, %dma_wait3A_113] : memref<4x2x128xi32, #tpu.memory_space<vmem>> -> memref<1x2x128xi32, #tpu.memory_space<vmem>>
      %dma_wait3A_115 = tpu.memref_squeeze %dma_wait3A_114 : memref<1x2x128xi32, #tpu.memory_space<vmem>> -> memref<2x128xi32, #tpu.memory_space<vmem>>
      %dma_wait3A_116 = arith.constant 0 : i32
      %dma_wait3A_117 = arith.constant 0 : i32
      %dma_wait3A_118 = tpu.memref_slice %arg3[%arg1, %dma_wait3A, %dma_wait3A_116, %dma_wait3A_117] : memref<16x160x2x128xi32, #tpu.memory_space<hbm>> -> memref<1x1x2x128xi32, #tpu.memory_space<hbm>>
      %dma_wait3A_119 = tpu.memref_squeeze %dma_wait3A_118 : memref<1x1x2x128xi32, #tpu.memory_space<hbm>> -> memref<2x128xi32, #tpu.memory_space<hbm>>
      %dma_wait3A_120 = tpu.memref_slice %arg9[%dma_wait3A_111] : memref<4x!tpu.dma_semaphore, #tpu.memory_space<semaphore_mem>> -> memref<1x!tpu.dma_semaphore, #tpu.memory_space<semaphore_mem>>
      %dma_wait3A_121 = tpu.memref_squeeze %dma_wait3A_120 : memref<1x!tpu.dma_semaphore, #tpu.memory_space<semaphore_mem>> -> memref<!tpu.dma_semaphore, #tpu.memory_space<semaphore_mem>>
      %dma_wait3A_122 = arith.constant 0 : i32
      %dma_wait3A_123 = arith.constant 0 : i32
      %dma_wait3A_124 = tpu.memref_slice %arg6[%dma_wait3A_110, %dma_wait3A_122, %dma_wait3A_123] : memref<4x2x128xi32, #tpu.memory_space<vmem>> -> memref<1x2x128xi32, #tpu.memory_space<vmem>>
      %dma_wait3A_125 = tpu.memref_squeeze %dma_wait3A_124 : memref<1x2x128xi32, #tpu.memory_space<vmem>> -> memref<2x128xi32, #tpu.memory_space<vmem>>
      %dma_wait3A_126 = arith.constant 0 : i32
      %dma_wait3A_127 = arith.constant 0 : i32
      %dma_wait3A_128 = tpu.memref_slice %arg3[%arg1, %dma_wait3A, %dma_wait3A_126, %dma_wait3A_127] : memref<16x160x2x128xi32, #tpu.memory_space<hbm>> -> memref<1x1x2x128xi32, #tpu.memory_space<hbm>>
      %dma_wait3A_129 = tpu.memref_squeeze %dma_wait3A_128 : memref<1x1x2x128xi32, #tpu.memory_space<hbm>> -> memref<2x128xi32, #tpu.memory_space<hbm>>
      tpu.wait_dma2 semaphore(%dma_wait3A_121 : memref<!tpu.dma_semaphore, #tpu.memory_space<semaphore_mem>>) src(%dma_wait3A_129 : memref<2x128xi32, #tpu.memory_space<hbm>>) dst(%dma_wait3A_125 : memref<2x128xi32, #tpu.memory_space<vmem>>)
      %dma_start3A_130 = arith.constant 0 : i32
      %dma_start3A_131 = arith.constant 0 : i32
      %dma_start3A_132 = arith.constant 0 : i32
      %dma_start3A_133 = arith.constant 0 : i32
      %dma_start3A_134 = arith.constant 0 : i32
      %dma_start3A_135 = arith.constant 0 : i32
      %dma_start3A_136 = tpu.memref_slice %arg7[%dma_start3A_132, %dma_start3A_134, %dma_start3A_135] : memref<3x128x128xf32, #tpu.memory_space<vmem>> -> memref<1x128x128xf32, #tpu.memory_space<vmem>>
      %dma_start3A_137 = tpu.memref_squeeze %dma_start3A_136 : memref<1x128x128xf32, #tpu.memory_space<vmem>> -> memref<128x128xf32, #tpu.memory_space<vmem>>
      %dma_start3A_138 = arith.constant 0 : i32
      %dma_start3A_139 = tpu.memref_slice %arg6[%dma_start3A_130, %dma_start3A_131, %dma_start3A_138] : memref<4x2x128xi32, #tpu.memory_space<vmem>> -> memref<1x1x128xi32, #tpu.memory_space<vmem>>
      %dma_start3A_140 = tpu.memref_squeeze %dma_start3A_139 : memref<1x1x128xi32, #tpu.memory_space<vmem>> -> memref<128xi32, #tpu.memory_space<vmem>>
      %dma_start3A_141 = arith.constant 0 : i32
      %dma_start3A_142 = arith.constant 0 : i32
      %dma_start3A_143 = tpu.memref_slice %arg2[%dma_start3A_141, %dma_start3A_142] : memref<10000x128xf32, #tpu.memory_space<hbm>> -> memref<10000x128xf32, #tpu.memory_space<hbm>>
      %dma_start3A_144 = tpu.memref_slice %arg10[%dma_start3A_133] : memref<3x!tpu.dma_semaphore, #tpu.memory_space<semaphore_mem>> -> memref<1x!tpu.dma_semaphore, #tpu.memory_space<semaphore_mem>>
      %dma_start3A_145 = tpu.memref_squeeze %dma_start3A_144 : memref<1x!tpu.dma_semaphore, #tpu.memory_space<semaphore_mem>> -> memref<!tpu.dma_semaphore, #tpu.memory_space<semaphore_mem>>
      tpu.enqueue_indirect_dma source(%dma_start3A_143 : memref<10000x128xf32, #tpu.memory_space<hbm>>) target(%dma_start3A_137 : memref<128x128xf32, #tpu.memory_space<vmem>>) offsets(%dma_start3A_140 : memref<128xi32, #tpu.memory_space<vmem>>) semaphore(%dma_start3A_145 : memref<!tpu.dma_semaphore, #tpu.memory_space<semaphore_mem>>)
      %dma_wait3A_146 = arith.constant 1 : i32
      %dma_wait3A_147 = arith.constant 1 : i32
      %dma_wait3A_148 = arith.constant 1 : i32
      %dma_wait3A_149 = arith.constant 0 : i32
      %dma_wait3A_150 = arith.constant 0 : i32
      %dma_wait3A_151 = tpu.memref_slice %arg6[%dma_wait3A_147, %dma_wait3A_149, %dma_wait3A_150] : memref<4x2x128xi32, #tpu.memory_space<vmem>> -> memref<1x2x128xi32, #tpu.memory_space<vmem>>
      %dma_wait3A_152 = tpu.memref_squeeze %dma_wait3A_151 : memref<1x2x128xi32, #tpu.memory_space<vmem>> -> memref<2x128xi32, #tpu.memory_space<vmem>>
      %dma_wait3A_153 = arith.constant 0 : i32
      %dma_wait3A_154 = arith.constant 0 : i32
      %dma_wait3A_155 = tpu.memref_slice %arg3[%arg1, %dma_wait3A_146, %dma_wait3A_153, %dma_wait3A_154] : memref<16x160x2x128xi32, #tpu.memory_space<hbm>> -> memref<1x1x2x128xi32, #tpu.memory_space<hbm>>
      %dma_wait3A_156 = tpu.memref_squeeze %dma_wait3A_155 : memref<1x1x2x128xi32, #tpu.memory_space<hbm>> -> memref<2x128xi32, #tpu.memory_space<hbm>>
      %dma_wait3A_157 = tpu.memref_slice %arg9[%dma_wait3A_148] : memref<4x!tpu.dma_semaphore, #tpu.memory_space<semaphore_mem>> -> memref<1x!tpu.dma_semaphore, #tpu.memory_space<semaphore_mem>>
      %dma_wait3A_158 = tpu.memref_squeeze %dma_wait3A_157 : memref<1x!tpu.dma_semaphore, #tpu.memory_space<semaphore_mem>> -> memref<!tpu.dma_semaphore, #tpu.memory_space<semaphore_mem>>
      %dma_wait3A_159 = arith.constant 0 : i32
      %dma_wait3A_160 = arith.constant 0 : i32
      %dma_wait3A_161 = tpu.memref_slice %arg6[%dma_wait3A_147, %dma_wait3A_159, %dma_wait3A_160] : memref<4x2x128xi32, #tpu.memory_space<vmem>> -> memref<1x2x128xi32, #tpu.memory_space<vmem>>
      %dma_wait3A_162 = tpu.memref_squeeze %dma_wait3A_161 : memref<1x2x128xi32, #tpu.memory_space<vmem>> -> memref<2x128xi32, #tpu.memory_space<vmem>>
      %dma_wait3A_163 = arith.constant 0 : i32
      %dma_wait3A_164 = arith.constant 0 : i32
      %dma_wait3A_165 = tpu.memref_slice %arg3[%arg1, %dma_wait3A_146, %dma_wait3A_163, %dma_wait3A_164] : memref<16x160x2x128xi32, #tpu.memory_space<hbm>> -> memref<1x1x2x128xi32, #tpu.memory_space<hbm>>
      %dma_wait3A_166 = tpu.memref_squeeze %dma_wait3A_165 : memref<1x1x2x128xi32, #tpu.memory_space<hbm>> -> memref<2x128xi32, #tpu.memory_space<hbm>>
      tpu.wait_dma2 semaphore(%dma_wait3A_158 : memref<!tpu.dma_semaphore, #tpu.memory_space<semaphore_mem>>) src(%dma_wait3A_166 : memref<2x128xi32, #tpu.memory_space<hbm>>) dst(%dma_wait3A_162 : memref<2x128xi32, #tpu.memory_space<vmem>>)
      %dma_start3A_167 = arith.constant 1 : i32
      %dma_start3A_168 = arith.constant 0 : i32
      %dma_start3A_169 = arith.constant 1 : i32
      %dma_start3A_170 = arith.constant 1 : i32
      %dma_start3A_171 = arith.constant 0 : i32
      %dma_start3A_172 = arith.constant 0 : i32
      %dma_start3A_173 = tpu.memref_slice %arg7[%dma_start3A_169, %dma_start3A_171, %dma_start3A_172] : memref<3x128x128xf32, #tpu.memory_space<vmem>> -> memref<1x128x128xf32, #tpu.memory_space<vmem>>
      %dma_start3A_174 = tpu.memref_squeeze %dma_start3A_173 : memref<1x128x128xf32, #tpu.memory_space<vmem>> -> memref<128x128xf32, #tpu.memory_space<vmem>>
      %dma_start3A_175 = arith.constant 0 : i32
      %dma_start3A_176 = tpu.memref_slice %arg6[%dma_start3A_167, %dma_start3A_168, %dma_start3A_175] : memref<4x2x128xi32, #tpu.memory_space<vmem>> -> memref<1x1x128xi32, #tpu.memory_space<vmem>>
      %dma_start3A_177 = tpu.memref_squeeze %dma_start3A_176 : memref<1x1x128xi32, #tpu.memory_space<vmem>> -> memref<128xi32, #tpu.memory_space<vmem>>
      %dma_start3A_178 = arith.constant 0 : i32
      %dma_start3A_179 = arith.constant 0 : i32
      %dma_start3A_180 = tpu.memref_slice %arg2[%dma_start3A_178, %dma_start3A_179] : memref<10000x128xf32, #tpu.memory_space<hbm>> -> memref<10000x128xf32, #tpu.memory_space<hbm>>
      %dma_start3A_181 = tpu.memref_slice %arg10[%dma_start3A_170] : memref<3x!tpu.dma_semaphore, #tpu.memory_space<semaphore_mem>> -> memref<1x!tpu.dma_semaphore, #tpu.memory_space<semaphore_mem>>
      %dma_start3A_182 = tpu.memref_squeeze %dma_start3A_181 : memref<1x!tpu.dma_semaphore, #tpu.memory_space<semaphore_mem>> -> memref<!tpu.dma_semaphore, #tpu.memory_space<semaphore_mem>>
      tpu.enqueue_indirect_dma source(%dma_start3A_180 : memref<10000x128xf32, #tpu.memory_space<hbm>>) target(%dma_start3A_174 : memref<128x128xf32, #tpu.memory_space<vmem>>) offsets(%dma_start3A_177 : memref<128xi32, #tpu.memory_space<vmem>>) semaphore(%dma_start3A_182 : memref<!tpu.dma_semaphore, #tpu.memory_space<semaphore_mem>>)
      %scan3A = arith.constant 0 : i32
      %scan3A_183 = arith.constant 0 : i32
      %scan3A_184 = arith.constant 115 : i32
      %scan3A_185 = arith.addi %scan3A_183, %scan3A_184 : i32
      %scan3A_186 = arith.constant 1 : i32
      scf.for %scan3A_206 = %scan3A_183 to %scan3A_185 step %scan3A_186  : i32 {
        %rem3A_207 = arith.constant 3 : i32
        %rem3A_208 = arith.remsi %scan3A_206, %rem3A_207 : i32
        %add3A = arith.constant 2 : i32
        %add3A_209 = arith.addi %scan3A_206, %add3A : i32
        %rem3A_210 = arith.constant 3 : i32
        %rem3A_211 = arith.remsi %add3A_209, %rem3A_210 : i32
        %rem3A_212 = arith.constant 4 : i32
        %rem3A_213 = arith.remsi %scan3A_206, %rem3A_212 : i32
        %add3A_214 = arith.constant 2 : i32
        %add3A_215 = arith.addi %scan3A_206, %add3A_214 : i32
        %rem3A_216 = arith.constant 4 : i32
        %rem3A_217 = arith.remsi %add3A_215, %rem3A_216 : i32
        %add3A_218 = arith.constant 3 : i32
        %add3A_219 = arith.addi %scan3A_206, %add3A_218 : i32
        %rem3A_220 = arith.constant 4 : i32
        %rem3A_221 = arith.remsi %add3A_219, %rem3A_220 : i32
        %dma_wait3A_222 = arith.constant 0 : i32
        %dma_wait3A_223 = arith.constant 0 : i32
        %dma_wait3A_224 = arith.constant 0 : i32
        %dma_wait3A_225 = tpu.memref_slice %arg7[%rem3A_208, %dma_wait3A_223, %dma_wait3A_224] : memref<3x128x128xf32, #tpu.memory_space<vmem>> -> memref<1x128x128xf32, #tpu.memory_space<vmem>>
        %dma_wait3A_226 = tpu.memref_squeeze %dma_wait3A_225 : memref<1x128x128xf32, #tpu.memory_space<vmem>> -> memref<128x128xf32, #tpu.memory_space<vmem>>
        %dma_wait3A_227 = arith.constant 0 : i32
        %dma_wait3A_228 = tpu.memref_slice %arg6[%rem3A_213, %dma_wait3A_222, %dma_wait3A_227] : memref<4x2x128xi32, #tpu.memory_space<vmem>> -> memref<1x1x128xi32, #tpu.memory_space<vmem>>
        %dma_wait3A_229 = tpu.memref_squeeze %dma_wait3A_228 : memref<1x1x128xi32, #tpu.memory_space<vmem>> -> memref<128xi32, #tpu.memory_space<vmem>>
        %dma_wait3A_230 = arith.constant 0 : i32
        %dma_wait3A_231 = arith.constant 0 : i32
        %dma_wait3A_232 = tpu.memref_slice %arg2[%dma_wait3A_230, %dma_wait3A_231] : memref<10000x128xf32, #tpu.memory_space<hbm>> -> memref<10000x128xf32, #tpu.memory_space<hbm>>
        %dma_wait3A_233 = tpu.memref_slice %arg10[%rem3A_208] : memref<3x!tpu.dma_semaphore, #tpu.memory_space<semaphore_mem>> -> memref<1x!tpu.dma_semaphore, #tpu.memory_space<semaphore_mem>>
        %dma_wait3A_234 = tpu.memref_squeeze %dma_wait3A_233 : memref<1x!tpu.dma_semaphore, #tpu.memory_space<semaphore_mem>> -> memref<!tpu.dma_semaphore, #tpu.memory_space<semaphore_mem>>
        tpu.wait_indirect_dma semaphore(%dma_wait3A_234 : memref<!tpu.dma_semaphore, #tpu.memory_space<semaphore_mem>>) src(%dma_wait3A_232 : memref<10000x128xf32, #tpu.memory_space<hbm>>) dst(%dma_wait3A_226 : memref<128x128xf32, #tpu.memory_space<vmem>>)
        %dma_start3A_235 = arith.constant 1 : i32
        %dma_start3A_236 = arith.constant 0 : i32
        %dma_start3A_237 = arith.constant 0 : i32
        %dma_start3A_238 = tpu.memref_slice %arg7[%rem3A_208, %dma_start3A_236, %dma_start3A_237] : memref<3x128x128xf32, #tpu.memory_space<vmem>> -> memref<1x128x128xf32, #tpu.memory_space<vmem>>
        %dma_start3A_239 = tpu.memref_squeeze %dma_start3A_238 : memref<1x128x128xf32, #tpu.memory_space<vmem>> -> memref<128x128xf32, #tpu.memory_space<vmem>>
        %dma_start3A_240 = arith.constant 0 : i32
        %dma_start3A_241 = tpu.memref_slice %arg6[%rem3A_213, %dma_start3A_235, %dma_start3A_240] : memref<4x2x128xi32, #tpu.memory_space<vmem>> -> memref<1x1x128xi32, #tpu.memory_space<vmem>>
        %dma_start3A_242 = tpu.memref_squeeze %dma_start3A_241 : memref<1x1x128xi32, #tpu.memory_space<vmem>> -> memref<128xi32, #tpu.memory_space<vmem>>
        %dma_start3A_243 = arith.constant 0 : i32
        %dma_start3A_244 = arith.constant 0 : i32
        %dma_start3A_245 = tpu.memref_slice %arg8[%dma_start3A_243, %dma_start3A_244] : memref<10016x128xf32, #tpu.memory_space<vmem_shared>> -> memref<10016x128xf32, #tpu.memory_space<vmem_shared>>
        %dma_start3A_246 = tpu.memref_slice %arg11[%rem3A_208] : memref<3x!tpu.dma_semaphore, #tpu.memory_space<semaphore_mem>> -> memref<1x!tpu.dma_semaphore, #tpu.memory_space<semaphore_mem>>
        %dma_start3A_247 = tpu.memref_squeeze %dma_start3A_246 : memref<1x!tpu.dma_semaphore, #tpu.memory_space<semaphore_mem>> -> memref<!tpu.dma_semaphore, #tpu.memory_space<semaphore_mem>>
        tpu.enqueue_indirect_dma source(%dma_start3A_239 : memref<128x128xf32, #tpu.memory_space<vmem>>) target(%dma_start3A_245 : memref<10016x128xf32, #tpu.memory_space<vmem_shared>>) offsets(%dma_start3A_242 : memref<128xi32, #tpu.memory_space<vmem>>) semaphore(%dma_start3A_247 : memref<!tpu.dma_semaphore, #tpu.memory_space<semaphore_mem>>) {add = true}
        %ge3A = arith.constant 1 : i32
        %ge3A_248 = arith.cmpi sge, %scan3A_206, %ge3A : i32
        %convert_element_type3A_249 = arith.extui %ge3A_248 : i1 to i32
        %cond3A_250 = arith.constant 0 : i32
        %cond3A_251 = arith.cmpi ne, %convert_element_type3A_249, %cond3A_250 : i32
        scf.if %cond3A_251 {
          %dma_wait3A_268 = arith.constant 1 : i32
          %dma_wait3A_269 = arith.constant 0 : i32
          %dma_wait3A_270 = arith.constant 0 : i32
          %dma_wait3A_271 = tpu.memref_slice %arg7[%rem3A_211, %dma_wait3A_269, %dma_wait3A_270] : memref<3x128x128xf32, #tpu.memory_space<vmem>> -> memref<1x128x128xf32, #tpu.memory_space<vmem>>
          %dma_wait3A_272 = tpu.memref_squeeze %dma_wait3A_271 : memref<1x128x128xf32, #tpu.memory_space<vmem>> -> memref<128x128xf32, #tpu.memory_space<vmem>>
          %dma_wait3A_273 = arith.constant 0 : i32
          %dma_wait3A_274 = tpu.memref_slice %arg6[%rem3A_221, %dma_wait3A_268, %dma_wait3A_273] : memref<4x2x128xi32, #tpu.memory_space<vmem>> -> memref<1x1x128xi32, #tpu.memory_space<vmem>>
          %dma_wait3A_275 = tpu.memref_squeeze %dma_wait3A_274 : memref<1x1x128xi32, #tpu.memory_space<vmem>> -> memref<128xi32, #tpu.memory_space<vmem>>
          %dma_wait3A_276 = arith.constant 0 : i32
          %dma_wait3A_277 = arith.constant 0 : i32
          %dma_wait3A_278 = tpu.memref_slice %arg8[%dma_wait3A_276, %dma_wait3A_277] : memref<10016x128xf32, #tpu.memory_space<vmem_shared>> -> memref<10016x128xf32, #tpu.memory_space<vmem_shared>>
          %dma_wait3A_279 = tpu.memref_slice %arg11[%rem3A_211] : memref<3x!tpu.dma_semaphore, #tpu.memory_space<semaphore_mem>> -> memref<1x!tpu.dma_semaphore, #tpu.memory_space<semaphore_mem>>
          %dma_wait3A_280 = tpu.memref_squeeze %dma_wait3A_279 : memref<1x!tpu.dma_semaphore, #tpu.memory_space<semaphore_mem>> -> memref<!tpu.dma_semaphore, #tpu.memory_space<semaphore_mem>>
          tpu.wait_indirect_dma semaphore(%dma_wait3A_280 : memref<!tpu.dma_semaphore, #tpu.memory_space<semaphore_mem>>) src(%dma_wait3A_272 : memref<128x128xf32, #tpu.memory_space<vmem>>) dst(%dma_wait3A_278 : memref<10016x128xf32, #tpu.memory_space<vmem_shared>>)
        } else {
        }
        %ge3A_252 = arith.constant 1 : i32
        %ge3A_253 = arith.cmpi sge, %scan3A_206, %ge3A_252 : i32
        %add3A_254 = arith.constant 3 : i32
        %add3A_255 = arith.addi %scan3A_206, %add3A_254 : i32
        %lt3A_256 = arith.constant 115 : i32
        %lt3A_257 = arith.cmpi slt, %add3A_255, %lt3A_256 : i32
        %and3A = arith.andi %ge3A_253, %lt3A_257 : i1
        %convert_element_type3A_258 = arith.extui %and3A : i1 to i32
        %cond3A_259 = arith.constant 0 : i32
        %cond3A_260 = arith.cmpi ne, %convert_element_type3A_258, %cond3A_259 : i32
        scf.if %cond3A_260 {
          %add3A_268 = arith.constant 0 : i32
          %add3A_269 = arith.addi %add3A_268, %scan3A_206 : i32
          %add3A_270 = arith.constant 3 : i32
          %add3A_271 = arith.addi %add3A_269, %add3A_270 : i32
          %dma_start3A_272 = arith.constant 0 : i32
          %dma_start3A_273 = arith.constant 0 : i32
          %dma_start3A_274 = tpu.memref_slice %arg6[%rem3A_221, %dma_start3A_272, %dma_start3A_273] : memref<4x2x128xi32, #tpu.memory_space<vmem>> -> memref<1x2x128xi32, #tpu.memory_space<vmem>>
          %dma_start3A_275 = tpu.memref_squeeze %dma_start3A_274 : memref<1x2x128xi32, #tpu.memory_space<vmem>> -> memref<2x128xi32, #tpu.memory_space<vmem>>
          %dma_start3A_276 = arith.constant 0 : i32
          %dma_start3A_277 = arith.constant 0 : i32
          %dma_start3A_278 = tpu.memref_slice %arg3[%arg1, %add3A_271, %dma_start3A_276, %dma_start3A_277] : memref<16x160x2x128xi32, #tpu.memory_space<hbm>> -> memref<1x1x2x128xi32, #tpu.memory_space<hbm>>
          %dma_start3A_279 = tpu.memref_squeeze %dma_start3A_278 : memref<1x1x2x128xi32, #tpu.memory_space<hbm>> -> memref<2x128xi32, #tpu.memory_space<hbm>>
          %dma_start3A_280 = tpu.memref_slice %arg9[%rem3A_221] : memref<4x!tpu.dma_semaphore, #tpu.memory_space<semaphore_mem>> -> memref<1x!tpu.dma_semaphore, #tpu.memory_space<semaphore_mem>>
          %dma_start3A_281 = tpu.memref_squeeze %dma_start3A_280 : memref<1x!tpu.dma_semaphore, #tpu.memory_space<semaphore_mem>> -> memref<!tpu.dma_semaphore, #tpu.memory_space<semaphore_mem>>
          %dma_start3A_282 = arith.constant 0 : i32
          %dma_start3A_283 = arith.constant 0 : i32
          %dma_start3A_284 = tpu.memref_slice %arg6[%rem3A_221, %dma_start3A_282, %dma_start3A_283] : memref<4x2x128xi32, #tpu.memory_space<vmem>> -> memref<1x2x128xi32, #tpu.memory_space<vmem>>
          %dma_start3A_285 = tpu.memref_squeeze %dma_start3A_284 : memref<1x2x128xi32, #tpu.memory_space<vmem>> -> memref<2x128xi32, #tpu.memory_space<vmem>>
          %dma_start3A_286 = arith.constant 0 : i32
          %dma_start3A_287 = arith.constant 0 : i32
          %dma_start3A_288 = tpu.memref_slice %arg3[%arg1, %add3A_271, %dma_start3A_286, %dma_start3A_287] : memref<16x160x2x128xi32, #tpu.memory_space<hbm>> -> memref<1x1x2x128xi32, #tpu.memory_space<hbm>>
          %dma_start3A_289 = tpu.memref_squeeze %dma_start3A_288 : memref<1x1x2x128xi32, #tpu.memory_space<hbm>> -> memref<2x128xi32, #tpu.memory_space<hbm>>
          tpu.enqueue_dma source(%dma_start3A_289 : memref<2x128xi32, #tpu.memory_space<hbm>>) target(%dma_start3A_285 : memref<2x128xi32, #tpu.memory_space<vmem>>) target_semaphore(%dma_start3A_281 : memref<!tpu.dma_semaphore, #tpu.memory_space<semaphore_mem>>)
        } else {
        }
        %add3A_261 = arith.constant 2 : i32
        %add3A_262 = arith.addi %scan3A_206, %add3A_261 : i32
        %lt3A_263 = arith.constant 115 : i32
        %lt3A_264 = arith.cmpi slt, %add3A_262, %lt3A_263 : i32
        %convert_element_type3A_265 = arith.extui %lt3A_264 : i1 to i32
        %cond3A_266 = arith.constant 0 : i32
        %cond3A_267 = arith.cmpi ne, %convert_element_type3A_265, %cond3A_266 : i32
        scf.if %cond3A_267 {
          %add3A_268 = arith.constant 0 : i32
          %add3A_269 = arith.addi %add3A_268, %scan3A_206 : i32
          %add3A_270 = arith.constant 2 : i32
          %add3A_271 = arith.addi %add3A_269, %add3A_270 : i32
          %dma_wait3A_272 = arith.constant 0 : i32
          %dma_wait3A_273 = arith.constant 0 : i32
          %dma_wait3A_274 = tpu.memref_slice %arg6[%rem3A_217, %dma_wait3A_272, %dma_wait3A_273] : memref<4x2x128xi32, #tpu.memory_space<vmem>> -> memref<1x2x128xi32, #tpu.memory_space<vmem>>
          %dma_wait3A_275 = tpu.memref_squeeze %dma_wait3A_274 : memref<1x2x128xi32, #tpu.memory_space<vmem>> -> memref<2x128xi32, #tpu.memory_space<vmem>>
          %dma_wait3A_276 = arith.constant 0 : i32
          %dma_wait3A_277 = arith.constant 0 : i32
          %dma_wait3A_278 = tpu.memref_slice %arg3[%arg1, %add3A_271, %dma_wait3A_276, %dma_wait3A_277] : memref<16x160x2x128xi32, #tpu.memory_space<hbm>> -> memref<1x1x2x128xi32, #tpu.memory_space<hbm>>
          %dma_wait3A_279 = tpu.memref_squeeze %dma_wait3A_278 : memref<1x1x2x128xi32, #tpu.memory_space<hbm>> -> memref<2x128xi32, #tpu.memory_space<hbm>>
          %dma_wait3A_280 = tpu.memref_slice %arg9[%rem3A_217] : memref<4x!tpu.dma_semaphore, #tpu.memory_space<semaphore_mem>> -> memref<1x!tpu.dma_semaphore, #tpu.memory_space<semaphore_mem>>
          %dma_wait3A_281 = tpu.memref_squeeze %dma_wait3A_280 : memref<1x!tpu.dma_semaphore, #tpu.memory_space<semaphore_mem>> -> memref<!tpu.dma_semaphore, #tpu.memory_space<semaphore_mem>>
          %dma_wait3A_282 = arith.constant 0 : i32
          %dma_wait3A_283 = arith.constant 0 : i32
          %dma_wait3A_284 = tpu.memref_slice %arg6[%rem3A_217, %dma_wait3A_282, %dma_wait3A_283] : memref<4x2x128xi32, #tpu.memory_space<vmem>> -> memref<1x2x128xi32, #tpu.memory_space<vmem>>
          %dma_wait3A_285 = tpu.memref_squeeze %dma_wait3A_284 : memref<1x2x128xi32, #tpu.memory_space<vmem>> -> memref<2x128xi32, #tpu.memory_space<vmem>>
          %dma_wait3A_286 = arith.constant 0 : i32
          %dma_wait3A_287 = arith.constant 0 : i32
          %dma_wait3A_288 = tpu.memref_slice %arg3[%arg1, %add3A_271, %dma_wait3A_286, %dma_wait3A_287] : memref<16x160x2x128xi32, #tpu.memory_space<hbm>> -> memref<1x1x2x128xi32, #tpu.memory_space<hbm>>
          %dma_wait3A_289 = tpu.memref_squeeze %dma_wait3A_288 : memref<1x1x2x128xi32, #tpu.memory_space<hbm>> -> memref<2x128xi32, #tpu.memory_space<hbm>>
          tpu.wait_dma2 semaphore(%dma_wait3A_281 : memref<!tpu.dma_semaphore, #tpu.memory_space<semaphore_mem>>) src(%dma_wait3A_289 : memref<2x128xi32, #tpu.memory_space<hbm>>) dst(%dma_wait3A_285 : memref<2x128xi32, #tpu.memory_space<vmem>>)
          %dma_start3A_290 = arith.constant 0 : i32
          %dma_start3A_291 = arith.constant 0 : i32
          %dma_start3A_292 = arith.constant 0 : i32
          %dma_start3A_293 = tpu.memref_slice %arg7[%rem3A_211, %dma_start3A_291, %dma_start3A_292] : memref<3x128x128xf32, #tpu.memory_space<vmem>> -> memref<1x128x128xf32, #tpu.memory_space<vmem>>
          %dma_start3A_294 = tpu.memref_squeeze %dma_start3A_293 : memref<1x128x128xf32, #tpu.memory_space<vmem>> -> memref<128x128xf32, #tpu.memory_space<vmem>>
          %dma_start3A_295 = arith.constant 0 : i32
          %dma_start3A_296 = tpu.memref_slice %arg6[%rem3A_217, %dma_start3A_290, %dma_start3A_295] : memref<4x2x128xi32, #tpu.memory_space<vmem>> -> memref<1x1x128xi32, #tpu.memory_space<vmem>>
          %dma_start3A_297 = tpu.memref_squeeze %dma_start3A_296 : memref<1x1x128xi32, #tpu.memory_space<vmem>> -> memref<128xi32, #tpu.memory_space<vmem>>
          %dma_start3A_298 = arith.constant 0 : i32
          %dma_start3A_299 = arith.constant 0 : i32
          %dma_start3A_300 = tpu.memref_slice %arg2[%dma_start3A_298, %dma_start3A_299] : memref<10000x128xf32, #tpu.memory_space<hbm>> -> memref<10000x128xf32, #tpu.memory_space<hbm>>
          %dma_start3A_301 = tpu.memref_slice %arg10[%rem3A_211] : memref<3x!tpu.dma_semaphore, #tpu.memory_space<semaphore_mem>> -> memref<1x!tpu.dma_semaphore, #tpu.memory_space<semaphore_mem>>
          %dma_start3A_302 = tpu.memref_squeeze %dma_start3A_301 : memref<1x!tpu.dma_semaphore, #tpu.memory_space<semaphore_mem>> -> memref<!tpu.dma_semaphore, #tpu.memory_space<semaphore_mem>>
          tpu.enqueue_indirect_dma source(%dma_start3A_300 : memref<10000x128xf32, #tpu.memory_space<hbm>>) target(%dma_start3A_294 : memref<128x128xf32, #tpu.memory_space<vmem>>) offsets(%dma_start3A_297 : memref<128xi32, #tpu.memory_space<vmem>>) semaphore(%dma_start3A_302 : memref<!tpu.dma_semaphore, #tpu.memory_space<semaphore_mem>>)
        } else {
        }
      }
      %scan3A_187 = arith.constant 115 : i32
      %rem3A = arith.constant 114 : i32
      %rem3A_188 = arith.constant 4 : i32
      %rem3A_189 = arith.remsi %rem3A, %rem3A_188 : i32
      %rem3A_190 = arith.constant 114 : i32
      %rem3A_191 = arith.constant 3 : i32
      %rem3A_192 = arith.remsi %rem3A_190, %rem3A_191 : i32
      %dma_wait3A_193 = arith.constant 1 : i32
      %dma_wait3A_194 = arith.constant 0 : i32
      %dma_wait3A_195 = arith.constant 0 : i32
      %dma_wait3A_196 = tpu.memref_slice %arg7[%rem3A_192, %dma_wait3A_194, %dma_wait3A_195] : memref<3x128x128xf32, #tpu.memory_space<vmem>> -> memref<1x128x128xf32, #tpu.memory_space<vmem>>
      %dma_wait3A_197 = tpu.memref_squeeze %dma_wait3A_196 : memref<1x128x128xf32, #tpu.memory_space<vmem>> -> memref<128x128xf32, #tpu.memory_space<vmem>>
      %dma_wait3A_198 = arith.constant 0 : i32
      %dma_wait3A_199 = tpu.memref_slice %arg6[%rem3A_189, %dma_wait3A_193, %dma_wait3A_198] : memref<4x2x128xi32, #tpu.memory_space<vmem>> -> memref<1x1x128xi32, #tpu.memory_space<vmem>>
      %dma_wait3A_200 = tpu.memref_squeeze %dma_wait3A_199 : memref<1x1x128xi32, #tpu.memory_space<vmem>> -> memref<128xi32, #tpu.memory_space<vmem>>
      %dma_wait3A_201 = arith.constant 0 : i32
      %dma_wait3A_202 = arith.constant 0 : i32
      %dma_wait3A_203 = tpu.memref_slice %arg8[%dma_wait3A_201, %dma_wait3A_202] : memref<10016x128xf32, #tpu.memory_space<vmem_shared>> -> memref<10016x128xf32, #tpu.memory_space<vmem_shared>>
      %dma_wait3A_204 = tpu.memref_slice %arg11[%rem3A_192] : memref<3x!tpu.dma_semaphore, #tpu.memory_space<semaphore_mem>> -> memref<1x!tpu.dma_semaphore, #tpu.memory_space<semaphore_mem>>
      %dma_wait3A_205 = tpu.memref_squeeze %dma_wait3A_204 : memref<1x!tpu.dma_semaphore, #tpu.memory_space<semaphore_mem>> -> memref<!tpu.dma_semaphore, #tpu.memory_space<semaphore_mem>>
      tpu.wait_indirect_dma semaphore(%dma_wait3A_205 : memref<!tpu.dma_semaphore, #tpu.memory_space<semaphore_mem>>) src(%dma_wait3A_197 : memref<128x128xf32, #tpu.memory_space<vmem>>) dst(%dma_wait3A_203 : memref<10016x128xf32, #tpu.memory_space<vmem_shared>>)
    } else {
    }
    %eq3A_11 = arith.constant 1 : i32
    %eq3A_12 = arith.cmpi eq, %arg0, %eq3A_11 : i32
    %convert_element_type3A_13 = arith.extui %eq3A_12 : i1 to i32
    %cond3A_14 = arith.constant 0 : i32
    %cond3A_15 = arith.cmpi ne, %convert_element_type3A_13, %cond3A_14 : i32
    scf.if %cond3A_15 {
      %dma_start3A = arith.constant 115 : i32
      %dma_start3A_27 = arith.constant 0 : i32
      %dma_start3A_28 = arith.constant 0 : i32
      %dma_start3A_29 = arith.constant 0 : i32
      %dma_start3A_30 = arith.constant 0 : i32
      %dma_start3A_31 = tpu.memref_slice %arg6[%dma_start3A_27, %dma_start3A_29, %dma_start3A_30] : memref<4x2x128xi32, #tpu.memory_space<vmem>> -> memref<1x2x128xi32, #tpu.memory_space<vmem>>
      %dma_start3A_32 = tpu.memref_squeeze %dma_start3A_31 : memref<1x2x128xi32, #tpu.memory_space<vmem>> -> memref<2x128xi32, #tpu.memory_space<vmem>>
      %dma_start3A_33 = arith.constant 0 : i32
      %dma_start3A_34 = arith.constant 0 : i32
      %dma_start3A_35 = tpu.memref_slice %arg3[%arg1, %dma_start3A, %dma_start3A_33, %dma_start3A_34] : memref<16x160x2x128xi32, #tpu.memory_space<hbm>> -> memref<1x1x2x128xi32, #tpu.memory_space<hbm>>
      %dma_start3A_36 = tpu.memref_squeeze %dma_start3A_35 : memref<1x1x2x128xi32, #tpu.memory_space<hbm>> -> memref<2x128xi32, #tpu.memory_space<hbm>>
      %dma_start3A_37 = tpu.memref_slice %arg9[%dma_start3A_28] : memref<4x!tpu.dma_semaphore, #tpu.memory_space<semaphore_mem>> -> memref<1x!tpu.dma_semaphore, #tpu.memory_space<semaphore_mem>>
      %dma_start3A_38 = tpu.memref_squeeze %dma_start3A_37 : memref<1x!tpu.dma_semaphore, #tpu.memory_space<semaphore_mem>> -> memref<!tpu.dma_semaphore, #tpu.memory_space<semaphore_mem>>
      %dma_start3A_39 = arith.constant 0 : i32
      %dma_start3A_40 = arith.constant 0 : i32
      %dma_start3A_41 = tpu.memref_slice %arg6[%dma_start3A_27, %dma_start3A_39, %dma_start3A_40] : memref<4x2x128xi32, #tpu.memory_space<vmem>> -> memref<1x2x128xi32, #tpu.memory_space<vmem>>
      %dma_start3A_42 = tpu.memref_squeeze %dma_start3A_41 : memref<1x2x128xi32, #tpu.memory_space<vmem>> -> memref<2x128xi32, #tpu.memory_space<vmem>>
      %dma_start3A_43 = arith.constant 0 : i32
      %dma_start3A_44 = arith.constant 0 : i32
      %dma_start3A_45 = tpu.memref_slice %arg3[%arg1, %dma_start3A, %dma_start3A_43, %dma_start3A_44] : memref<16x160x2x128xi32, #tpu.memory_space<hbm>> -> memref<1x1x2x128xi32, #tpu.memory_space<hbm>>
      %dma_start3A_46 = tpu.memref_squeeze %dma_start3A_45 : memref<1x1x2x128xi32, #tpu.memory_space<hbm>> -> memref<2x128xi32, #tpu.memory_space<hbm>>
      tpu.enqueue_dma source(%dma_start3A_46 : memref<2x128xi32, #tpu.memory_space<hbm>>) target(%dma_start3A_42 : memref<2x128xi32, #tpu.memory_space<vmem>>) target_semaphore(%dma_start3A_38 : memref<!tpu.dma_semaphore, #tpu.memory_space<semaphore_mem>>)
      %dma_start3A_47 = arith.constant 116 : i32
      %dma_start3A_48 = arith.constant 1 : i32
      %dma_start3A_49 = arith.constant 1 : i32
      %dma_start3A_50 = arith.constant 0 : i32
      %dma_start3A_51 = arith.constant 0 : i32
      %dma_start3A_52 = tpu.memref_slice %arg6[%dma_start3A_48, %dma_start3A_50, %dma_start3A_51] : memref<4x2x128xi32, #tpu.memory_space<vmem>> -> memref<1x2x128xi32, #tpu.memory_space<vmem>>
      %dma_start3A_53 = tpu.memref_squeeze %dma_start3A_52 : memref<1x2x128xi32, #tpu.memory_space<vmem>> -> memref<2x128xi32, #tpu.memory_space<vmem>>
      %dma_start3A_54 = arith.constant 0 : i32
      %dma_start3A_55 = arith.constant 0 : i32
      %dma_start3A_56 = tpu.memref_slice %arg3[%arg1, %dma_start3A_47, %dma_start3A_54, %dma_start3A_55] : memref<16x160x2x128xi32, #tpu.memory_space<hbm>> -> memref<1x1x2x128xi32, #tpu.memory_space<hbm>>
      %dma_start3A_57 = tpu.memref_squeeze %dma_start3A_56 : memref<1x1x2x128xi32, #tpu.memory_space<hbm>> -> memref<2x128xi32, #tpu.memory_space<hbm>>
      %dma_start3A_58 = tpu.memref_slice %arg9[%dma_start3A_49] : memref<4x!tpu.dma_semaphore, #tpu.memory_space<semaphore_mem>> -> memref<1x!tpu.dma_semaphore, #tpu.memory_space<semaphore_mem>>
      %dma_start3A_59 = tpu.memref_squeeze %dma_start3A_58 : memref<1x!tpu.dma_semaphore, #tpu.memory_space<semaphore_mem>> -> memref<!tpu.dma_semaphore, #tpu.memory_space<semaphore_mem>>
      %dma_start3A_60 = arith.constant 0 : i32
      %dma_start3A_61 = arith.constant 0 : i32
      %dma_start3A_62 = tpu.memref_slice %arg6[%dma_start3A_48, %dma_start3A_60, %dma_start3A_61] : memref<4x2x128xi32, #tpu.memory_space<vmem>> -> memref<1x2x128xi32, #tpu.memory_space<vmem>>
      %dma_start3A_63 = tpu.memref_squeeze %dma_start3A_62 : memref<1x2x128xi32, #tpu.memory_space<vmem>> -> memref<2x128xi32, #tpu.memory_space<vmem>>
      %dma_start3A_64 = arith.constant 0 : i32
      %dma_start3A_65 = arith.constant 0 : i32
      %dma_start3A_66 = tpu.memref_slice %arg3[%arg1, %dma_start3A_47, %dma_start3A_64, %dma_start3A_65] : memref<16x160x2x128xi32, #tpu.memory_space<hbm>> -> memref<1x1x2x128xi32, #tpu.memory_space<hbm>>
      %dma_start3A_67 = tpu.memref_squeeze %dma_start3A_66 : memref<1x1x2x128xi32, #tpu.memory_space<hbm>> -> memref<2x128xi32, #tpu.memory_space<hbm>>
      tpu.enqueue_dma source(%dma_start3A_67 : memref<2x128xi32, #tpu.memory_space<hbm>>) target(%dma_start3A_63 : memref<2x128xi32, #tpu.memory_space<vmem>>) target_semaphore(%dma_start3A_59 : memref<!tpu.dma_semaphore, #tpu.memory_space<semaphore_mem>>)
      %dma_start3A_68 = arith.constant 117 : i32
      %dma_start3A_69 = arith.constant 2 : i32
      %dma_start3A_70 = arith.constant 2 : i32
      %dma_start3A_71 = arith.constant 0 : i32
      %dma_start3A_72 = arith.constant 0 : i32
      %dma_start3A_73 = tpu.memref_slice %arg6[%dma_start3A_69, %dma_start3A_71, %dma_start3A_72] : memref<4x2x128xi32, #tpu.memory_space<vmem>> -> memref<1x2x128xi32, #tpu.memory_space<vmem>>
      %dma_start3A_74 = tpu.memref_squeeze %dma_start3A_73 : memref<1x2x128xi32, #tpu.memory_space<vmem>> -> memref<2x128xi32, #tpu.memory_space<vmem>>
      %dma_start3A_75 = arith.constant 0 : i32
      %dma_start3A_76 = arith.constant 0 : i32
      %dma_start3A_77 = tpu.memref_slice %arg3[%arg1, %dma_start3A_68, %dma_start3A_75, %dma_start3A_76] : memref<16x160x2x128xi32, #tpu.memory_space<hbm>> -> memref<1x1x2x128xi32, #tpu.memory_space<hbm>>
      %dma_start3A_78 = tpu.memref_squeeze %dma_start3A_77 : memref<1x1x2x128xi32, #tpu.memory_space<hbm>> -> memref<2x128xi32, #tpu.memory_space<hbm>>
      %dma_start3A_79 = tpu.memref_slice %arg9[%dma_start3A_70] : memref<4x!tpu.dma_semaphore, #tpu.memory_space<semaphore_mem>> -> memref<1x!tpu.dma_semaphore, #tpu.memory_space<semaphore_mem>>
      %dma_start3A_80 = tpu.memref_squeeze %dma_start3A_79 : memref<1x!tpu.dma_semaphore, #tpu.memory_space<semaphore_mem>> -> memref<!tpu.dma_semaphore, #tpu.memory_space<semaphore_mem>>
      %dma_start3A_81 = arith.constant 0 : i32
      %dma_start3A_82 = arith.constant 0 : i32
      %dma_start3A_83 = tpu.memref_slice %arg6[%dma_start3A_69, %dma_start3A_81, %dma_start3A_82] : memref<4x2x128xi32, #tpu.memory_space<vmem>> -> memref<1x2x128xi32, #tpu.memory_space<vmem>>
      %dma_start3A_84 = tpu.memref_squeeze %dma_start3A_83 : memref<1x2x128xi32, #tpu.memory_space<vmem>> -> memref<2x128xi32, #tpu.memory_space<vmem>>
      %dma_start3A_85 = arith.constant 0 : i32
      %dma_start3A_86 = arith.constant 0 : i32
      %dma_start3A_87 = tpu.memref_slice %arg3[%arg1, %dma_start3A_68, %dma_start3A_85, %dma_start3A_86] : memref<16x160x2x128xi32, #tpu.memory_space<hbm>> -> memref<1x1x2x128xi32, #tpu.memory_space<hbm>>
      %dma_start3A_88 = tpu.memref_squeeze %dma_start3A_87 : memref<1x1x2x128xi32, #tpu.memory_space<hbm>> -> memref<2x128xi32, #tpu.memory_space<hbm>>
      tpu.enqueue_dma source(%dma_start3A_88 : memref<2x128xi32, #tpu.memory_space<hbm>>) target(%dma_start3A_84 : memref<2x128xi32, #tpu.memory_space<vmem>>) target_semaphore(%dma_start3A_80 : memref<!tpu.dma_semaphore, #tpu.memory_space<semaphore_mem>>)
      %dma_start3A_89 = arith.constant 118 : i32
      %dma_start3A_90 = arith.constant 3 : i32
      %dma_start3A_91 = arith.constant 3 : i32
      %dma_start3A_92 = arith.constant 0 : i32
      %dma_start3A_93 = arith.constant 0 : i32
      %dma_start3A_94 = tpu.memref_slice %arg6[%dma_start3A_90, %dma_start3A_92, %dma_start3A_93] : memref<4x2x128xi32, #tpu.memory_space<vmem>> -> memref<1x2x128xi32, #tpu.memory_space<vmem>>
      %dma_start3A_95 = tpu.memref_squeeze %dma_start3A_94 : memref<1x2x128xi32, #tpu.memory_space<vmem>> -> memref<2x128xi32, #tpu.memory_space<vmem>>
      %dma_start3A_96 = arith.constant 0 : i32
      %dma_start3A_97 = arith.constant 0 : i32
      %dma_start3A_98 = tpu.memref_slice %arg3[%arg1, %dma_start3A_89, %dma_start3A_96, %dma_start3A_97] : memref<16x160x2x128xi32, #tpu.memory_space<hbm>> -> memref<1x1x2x128xi32, #tpu.memory_space<hbm>>
      %dma_start3A_99 = tpu.memref_squeeze %dma_start3A_98 : memref<1x1x2x128xi32, #tpu.memory_space<hbm>> -> memref<2x128xi32, #tpu.memory_space<hbm>>
      %dma_start3A_100 = tpu.memref_slice %arg9[%dma_start3A_91] : memref<4x!tpu.dma_semaphore, #tpu.memory_space<semaphore_mem>> -> memref<1x!tpu.dma_semaphore, #tpu.memory_space<semaphore_mem>>
      %dma_start3A_101 = tpu.memref_squeeze %dma_start3A_100 : memref<1x!tpu.dma_semaphore, #tpu.memory_space<semaphore_mem>> -> memref<!tpu.dma_semaphore, #tpu.memory_space<semaphore_mem>>
      %dma_start3A_102 = arith.constant 0 : i32
      %dma_start3A_103 = arith.constant 0 : i32
      %dma_start3A_104 = tpu.memref_slice %arg6[%dma_start3A_90, %dma_start3A_102, %dma_start3A_103] : memref<4x2x128xi32, #tpu.memory_space<vmem>> -> memref<1x2x128xi32, #tpu.memory_space<vmem>>
      %dma_start3A_105 = tpu.memref_squeeze %dma_start3A_104 : memref<1x2x128xi32, #tpu.memory_space<vmem>> -> memref<2x128xi32, #tpu.memory_space<vmem>>
      %dma_start3A_106 = arith.constant 0 : i32
      %dma_start3A_107 = arith.constant 0 : i32
      %dma_start3A_108 = tpu.memref_slice %arg3[%arg1, %dma_start3A_89, %dma_start3A_106, %dma_start3A_107] : memref<16x160x2x128xi32, #tpu.memory_space<hbm>> -> memref<1x1x2x128xi32, #tpu.memory_space<hbm>>
      %dma_start3A_109 = tpu.memref_squeeze %dma_start3A_108 : memref<1x1x2x128xi32, #tpu.memory_space<hbm>> -> memref<2x128xi32, #tpu.memory_space<hbm>>
      tpu.enqueue_dma source(%dma_start3A_109 : memref<2x128xi32, #tpu.memory_space<hbm>>) target(%dma_start3A_105 : memref<2x128xi32, #tpu.memory_space<vmem>>) target_semaphore(%dma_start3A_101 : memref<!tpu.dma_semaphore, #tpu.memory_space<semaphore_mem>>)
      %dma_wait3A = arith.constant 115 : i32
      %dma_wait3A_110 = arith.constant 0 : i32
      %dma_wait3A_111 = arith.constant 0 : i32
      %dma_wait3A_112 = arith.constant 0 : i32
      %dma_wait3A_113 = arith.constant 0 : i32
      %dma_wait3A_114 = tpu.memref_slice %arg6[%dma_wait3A_110, %dma_wait3A_112, %dma_wait3A_113] : memref<4x2x128xi32, #tpu.memory_space<vmem>> -> memref<1x2x128xi32, #tpu.memory_space<vmem>>
      %dma_wait3A_115 = tpu.memref_squeeze %dma_wait3A_114 : memref<1x2x128xi32, #tpu.memory_space<vmem>> -> memref<2x128xi32, #tpu.memory_space<vmem>>
      %dma_wait3A_116 = arith.constant 0 : i32
      %dma_wait3A_117 = arith.constant 0 : i32
      %dma_wait3A_118 = tpu.memref_slice %arg3[%arg1, %dma_wait3A, %dma_wait3A_116, %dma_wait3A_117] : memref<16x160x2x128xi32, #tpu.memory_space<hbm>> -> memref<1x1x2x128xi32, #tpu.memory_space<hbm>>
      %dma_wait3A_119 = tpu.memref_squeeze %dma_wait3A_118 : memref<1x1x2x128xi32, #tpu.memory_space<hbm>> -> memref<2x128xi32, #tpu.memory_space<hbm>>
      %dma_wait3A_120 = tpu.memref_slice %arg9[%dma_wait3A_111] : memref<4x!tpu.dma_semaphore, #tpu.memory_space<semaphore_mem>> -> memref<1x!tpu.dma_semaphore, #tpu.memory_space<semaphore_mem>>
      %dma_wait3A_121 = tpu.memref_squeeze %dma_wait3A_120 : memref<1x!tpu.dma_semaphore, #tpu.memory_space<semaphore_mem>> -> memref<!tpu.dma_semaphore, #tpu.memory_space<semaphore_mem>>
      %dma_wait3A_122 = arith.constant 0 : i32
      %dma_wait3A_123 = arith.constant 0 : i32
      %dma_wait3A_124 = tpu.memref_slice %arg6[%dma_wait3A_110, %dma_wait3A_122, %dma_wait3A_123] : memref<4x2x128xi32, #tpu.memory_space<vmem>> -> memref<1x2x128xi32, #tpu.memory_space<vmem>>
      %dma_wait3A_125 = tpu.memref_squeeze %dma_wait3A_124 : memref<1x2x128xi32, #tpu.memory_space<vmem>> -> memref<2x128xi32, #tpu.memory_space<vmem>>
      %dma_wait3A_126 = arith.constant 0 : i32
      %dma_wait3A_127 = arith.constant 0 : i32
      %dma_wait3A_128 = tpu.memref_slice %arg3[%arg1, %dma_wait3A, %dma_wait3A_126, %dma_wait3A_127] : memref<16x160x2x128xi32, #tpu.memory_space<hbm>> -> memref<1x1x2x128xi32, #tpu.memory_space<hbm>>
      %dma_wait3A_129 = tpu.memref_squeeze %dma_wait3A_128 : memref<1x1x2x128xi32, #tpu.memory_space<hbm>> -> memref<2x128xi32, #tpu.memory_space<hbm>>
      tpu.wait_dma2 semaphore(%dma_wait3A_121 : memref<!tpu.dma_semaphore, #tpu.memory_space<semaphore_mem>>) src(%dma_wait3A_129 : memref<2x128xi32, #tpu.memory_space<hbm>>) dst(%dma_wait3A_125 : memref<2x128xi32, #tpu.memory_space<vmem>>)
      %dma_start3A_130 = arith.constant 0 : i32
      %dma_start3A_131 = arith.constant 0 : i32
      %dma_start3A_132 = arith.constant 0 : i32
      %dma_start3A_133 = arith.constant 0 : i32
      %dma_start3A_134 = arith.constant 0 : i32
      %dma_start3A_135 = arith.constant 0 : i32
      %dma_start3A_136 = tpu.memref_slice %arg7[%dma_start3A_132, %dma_start3A_134, %dma_start3A_135] : memref<3x128x128xf32, #tpu.memory_space<vmem>> -> memref<1x128x128xf32, #tpu.memory_space<vmem>>
      %dma_start3A_137 = tpu.memref_squeeze %dma_start3A_136 : memref<1x128x128xf32, #tpu.memory_space<vmem>> -> memref<128x128xf32, #tpu.memory_space<vmem>>
      %dma_start3A_138 = arith.constant 0 : i32
      %dma_start3A_139 = tpu.memref_slice %arg6[%dma_start3A_130, %dma_start3A_131, %dma_start3A_138] : memref<4x2x128xi32, #tpu.memory_space<vmem>> -> memref<1x1x128xi32, #tpu.memory_space<vmem>>
      %dma_start3A_140 = tpu.memref_squeeze %dma_start3A_139 : memref<1x1x128xi32, #tpu.memory_space<vmem>> -> memref<128xi32, #tpu.memory_space<vmem>>
      %dma_start3A_141 = arith.constant 0 : i32
      %dma_start3A_142 = arith.constant 0 : i32
      %dma_start3A_143 = tpu.memref_slice %arg2[%dma_start3A_141, %dma_start3A_142] : memref<10000x128xf32, #tpu.memory_space<hbm>> -> memref<10000x128xf32, #tpu.memory_space<hbm>>
      %dma_start3A_144 = tpu.memref_slice %arg10[%dma_start3A_133] : memref<3x!tpu.dma_semaphore, #tpu.memory_space<semaphore_mem>> -> memref<1x!tpu.dma_semaphore, #tpu.memory_space<semaphore_mem>>
      %dma_start3A_145 = tpu.memref_squeeze %dma_start3A_144 : memref<1x!tpu.dma_semaphore, #tpu.memory_space<semaphore_mem>> -> memref<!tpu.dma_semaphore, #tpu.memory_space<semaphore_mem>>
      tpu.enqueue_indirect_dma source(%dma_start3A_143 : memref<10000x128xf32, #tpu.memory_space<hbm>>) target(%dma_start3A_137 : memref<128x128xf32, #tpu.memory_space<vmem>>) offsets(%dma_start3A_140 : memref<128xi32, #tpu.memory_space<vmem>>) semaphore(%dma_start3A_145 : memref<!tpu.dma_semaphore, #tpu.memory_space<semaphore_mem>>)
      %dma_wait3A_146 = arith.constant 116 : i32
      %dma_wait3A_147 = arith.constant 1 : i32
      %dma_wait3A_148 = arith.constant 1 : i32
      %dma_wait3A_149 = arith.constant 0 : i32
      %dma_wait3A_150 = arith.constant 0 : i32
      %dma_wait3A_151 = tpu.memref_slice %arg6[%dma_wait3A_147, %dma_wait3A_149, %dma_wait3A_150] : memref<4x2x128xi32, #tpu.memory_space<vmem>> -> memref<1x2x128xi32, #tpu.memory_space<vmem>>
      %dma_wait3A_152 = tpu.memref_squeeze %dma_wait3A_151 : memref<1x2x128xi32, #tpu.memory_space<vmem>> -> memref<2x128xi32, #tpu.memory_space<vmem>>
      %dma_wait3A_153 = arith.constant 0 : i32
      %dma_wait3A_154 = arith.constant 0 : i32
      %dma_wait3A_155 = tpu.memref_slice %arg3[%arg1, %dma_wait3A_146, %dma_wait3A_153, %dma_wait3A_154] : memref<16x160x2x128xi32, #tpu.memory_space<hbm>> -> memref<1x1x2x128xi32, #tpu.memory_space<hbm>>
      %dma_wait3A_156 = tpu.memref_squeeze %dma_wait3A_155 : memref<1x1x2x128xi32, #tpu.memory_space<hbm>> -> memref<2x128xi32, #tpu.memory_space<hbm>>
      %dma_wait3A_157 = tpu.memref_slice %arg9[%dma_wait3A_148] : memref<4x!tpu.dma_semaphore, #tpu.memory_space<semaphore_mem>> -> memref<1x!tpu.dma_semaphore, #tpu.memory_space<semaphore_mem>>
      %dma_wait3A_158 = tpu.memref_squeeze %dma_wait3A_157 : memref<1x!tpu.dma_semaphore, #tpu.memory_space<semaphore_mem>> -> memref<!tpu.dma_semaphore, #tpu.memory_space<semaphore_mem>>
      %dma_wait3A_159 = arith.constant 0 : i32
      %dma_wait3A_160 = arith.constant 0 : i32
      %dma_wait3A_161 = tpu.memref_slice %arg6[%dma_wait3A_147, %dma_wait3A_159, %dma_wait3A_160] : memref<4x2x128xi32, #tpu.memory_space<vmem>> -> memref<1x2x128xi32, #tpu.memory_space<vmem>>
      %dma_wait3A_162 = tpu.memref_squeeze %dma_wait3A_161 : memref<1x2x128xi32, #tpu.memory_space<vmem>> -> memref<2x128xi32, #tpu.memory_space<vmem>>
      %dma_wait3A_163 = arith.constant 0 : i32
      %dma_wait3A_164 = arith.constant 0 : i32
      %dma_wait3A_165 = tpu.memref_slice %arg3[%arg1, %dma_wait3A_146, %dma_wait3A_163, %dma_wait3A_164] : memref<16x160x2x128xi32, #tpu.memory_space<hbm>> -> memref<1x1x2x128xi32, #tpu.memory_space<hbm>>
      %dma_wait3A_166 = tpu.memref_squeeze %dma_wait3A_165 : memref<1x1x2x128xi32, #tpu.memory_space<hbm>> -> memref<2x128xi32, #tpu.memory_space<hbm>>
      tpu.wait_dma2 semaphore(%dma_wait3A_158 : memref<!tpu.dma_semaphore, #tpu.memory_space<semaphore_mem>>) src(%dma_wait3A_166 : memref<2x128xi32, #tpu.memory_space<hbm>>) dst(%dma_wait3A_162 : memref<2x128xi32, #tpu.memory_space<vmem>>)
      %dma_start3A_167 = arith.constant 1 : i32
      %dma_start3A_168 = arith.constant 0 : i32
      %dma_start3A_169 = arith.constant 1 : i32
      %dma_start3A_170 = arith.constant 1 : i32
      %dma_start3A_171 = arith.constant 0 : i32
      %dma_start3A_172 = arith.constant 0 : i32
      %dma_start3A_173 = tpu.memref_slice %arg7[%dma_start3A_169, %dma_start3A_171, %dma_start3A_172] : memref<3x128x128xf32, #tpu.memory_space<vmem>> -> memref<1x128x128xf32, #tpu.memory_space<vmem>>
      %dma_start3A_174 = tpu.memref_squeeze %dma_start3A_173 : memref<1x128x128xf32, #tpu.memory_space<vmem>> -> memref<128x128xf32, #tpu.memory_space<vmem>>
      %dma_start3A_175 = arith.constant 0 : i32
      %dma_start3A_176 = tpu.memref_slice %arg6[%dma_start3A_167, %dma_start3A_168, %dma_start3A_175] : memref<4x2x128xi32, #tpu.memory_space<vmem>> -> memref<1x1x128xi32, #tpu.memory_space<vmem>>
      %dma_start3A_177 = tpu.memref_squeeze %dma_start3A_176 : memref<1x1x128xi32, #tpu.memory_space<vmem>> -> memref<128xi32, #tpu.memory_space<vmem>>
      %dma_start3A_178 = arith.constant 0 : i32
      %dma_start3A_179 = arith.constant 0 : i32
      %dma_start3A_180 = tpu.memref_slice %arg2[%dma_start3A_178, %dma_start3A_179] : memref<10000x128xf32, #tpu.memory_space<hbm>> -> memref<10000x128xf32, #tpu.memory_space<hbm>>
      %dma_start3A_181 = tpu.memref_slice %arg10[%dma_start3A_170] : memref<3x!tpu.dma_semaphore, #tpu.memory_space<semaphore_mem>> -> memref<1x!tpu.dma_semaphore, #tpu.memory_space<semaphore_mem>>
      %dma_start3A_182 = tpu.memref_squeeze %dma_start3A_181 : memref<1x!tpu.dma_semaphore, #tpu.memory_space<semaphore_mem>> -> memref<!tpu.dma_semaphore, #tpu.memory_space<semaphore_mem>>
      tpu.enqueue_indirect_dma source(%dma_start3A_180 : memref<10000x128xf32, #tpu.memory_space<hbm>>) target(%dma_start3A_174 : memref<128x128xf32, #tpu.memory_space<vmem>>) offsets(%dma_start3A_177 : memref<128xi32, #tpu.memory_space<vmem>>) semaphore(%dma_start3A_182 : memref<!tpu.dma_semaphore, #tpu.memory_space<semaphore_mem>>)
      %scan3A = arith.constant 0 : i32
      %scan3A_183 = arith.constant 0 : i32
      %scan3A_184 = arith.constant 45 : i32
      %scan3A_185 = arith.addi %scan3A_183, %scan3A_184 : i32
      %scan3A_186 = arith.constant 1 : i32
      scf.for %scan3A_206 = %scan3A_183 to %scan3A_185 step %scan3A_186  : i32 {
        %rem3A_207 = arith.constant 3 : i32
        %rem3A_208 = arith.remsi %scan3A_206, %rem3A_207 : i32
        %add3A = arith.constant 2 : i32
        %add3A_209 = arith.addi %scan3A_206, %add3A : i32
        %rem3A_210 = arith.constant 3 : i32
        %rem3A_211 = arith.remsi %add3A_209, %rem3A_210 : i32
        %rem3A_212 = arith.constant 4 : i32
        %rem3A_213 = arith.remsi %scan3A_206, %rem3A_212 : i32
        %add3A_214 = arith.constant 2 : i32
        %add3A_215 = arith.addi %scan3A_206, %add3A_214 : i32
        %rem3A_216 = arith.constant 4 : i32
        %rem3A_217 = arith.remsi %add3A_215, %rem3A_216 : i32
        %add3A_218 = arith.constant 3 : i32
        %add3A_219 = arith.addi %scan3A_206, %add3A_218 : i32
        %rem3A_220 = arith.constant 4 : i32
        %rem3A_221 = arith.remsi %add3A_219, %rem3A_220 : i32
        %dma_wait3A_222 = arith.constant 0 : i32
        %dma_wait3A_223 = arith.constant 0 : i32
        %dma_wait3A_224 = arith.constant 0 : i32
        %dma_wait3A_225 = tpu.memref_slice %arg7[%rem3A_208, %dma_wait3A_223, %dma_wait3A_224] : memref<3x128x128xf32, #tpu.memory_space<vmem>> -> memref<1x128x128xf32, #tpu.memory_space<vmem>>
        %dma_wait3A_226 = tpu.memref_squeeze %dma_wait3A_225 : memref<1x128x128xf32, #tpu.memory_space<vmem>> -> memref<128x128xf32, #tpu.memory_space<vmem>>
        %dma_wait3A_227 = arith.constant 0 : i32
        %dma_wait3A_228 = tpu.memref_slice %arg6[%rem3A_213, %dma_wait3A_222, %dma_wait3A_227] : memref<4x2x128xi32, #tpu.memory_space<vmem>> -> memref<1x1x128xi32, #tpu.memory_space<vmem>>
        %dma_wait3A_229 = tpu.memref_squeeze %dma_wait3A_228 : memref<1x1x128xi32, #tpu.memory_space<vmem>> -> memref<128xi32, #tpu.memory_space<vmem>>
        %dma_wait3A_230 = arith.constant 0 : i32
        %dma_wait3A_231 = arith.constant 0 : i32
        %dma_wait3A_232 = tpu.memref_slice %arg2[%dma_wait3A_230, %dma_wait3A_231] : memref<10000x128xf32, #tpu.memory_space<hbm>> -> memref<10000x128xf32, #tpu.memory_space<hbm>>
        %dma_wait3A_233 = tpu.memref_slice %arg10[%rem3A_208] : memref<3x!tpu.dma_semaphore, #tpu.memory_space<semaphore_mem>> -> memref<1x!tpu.dma_semaphore, #tpu.memory_space<semaphore_mem>>
        %dma_wait3A_234 = tpu.memref_squeeze %dma_wait3A_233 : memref<1x!tpu.dma_semaphore, #tpu.memory_space<semaphore_mem>> -> memref<!tpu.dma_semaphore, #tpu.memory_space<semaphore_mem>>
        tpu.wait_indirect_dma semaphore(%dma_wait3A_234 : memref<!tpu.dma_semaphore, #tpu.memory_space<semaphore_mem>>) src(%dma_wait3A_232 : memref<10000x128xf32, #tpu.memory_space<hbm>>) dst(%dma_wait3A_226 : memref<128x128xf32, #tpu.memory_space<vmem>>)
        %dma_start3A_235 = arith.constant 1 : i32
        %dma_start3A_236 = arith.constant 0 : i32
        %dma_start3A_237 = arith.constant 0 : i32
        %dma_start3A_238 = tpu.memref_slice %arg7[%rem3A_208, %dma_start3A_236, %dma_start3A_237] : memref<3x128x128xf32, #tpu.memory_space<vmem>> -> memref<1x128x128xf32, #tpu.memory_space<vmem>>
        %dma_start3A_239 = tpu.memref_squeeze %dma_start3A_238 : memref<1x128x128xf32, #tpu.memory_space<vmem>> -> memref<128x128xf32, #tpu.memory_space<vmem>>
        %dma_start3A_240 = arith.constant 0 : i32
        %dma_start3A_241 = tpu.memref_slice %arg6[%rem3A_213, %dma_start3A_235, %dma_start3A_240] : memref<4x2x128xi32, #tpu.memory_space<vmem>> -> memref<1x1x128xi32, #tpu.memory_space<vmem>>
        %dma_start3A_242 = tpu.memref_squeeze %dma_start3A_241 : memref<1x1x128xi32, #tpu.memory_space<vmem>> -> memref<128xi32, #tpu.memory_space<vmem>>
        %dma_start3A_243 = arith.constant 0 : i32
        %dma_start3A_244 = arith.constant 0 : i32
        %dma_start3A_245 = tpu.memref_slice %arg8[%dma_start3A_243, %dma_start3A_244] : memref<10016x128xf32, #tpu.memory_space<vmem_shared>> -> memref<10016x128xf32, #tpu.memory_space<vmem_shared>>
        %dma_start3A_246 = tpu.memref_slice %arg11[%rem3A_208] : memref<3x!tpu.dma_semaphore, #tpu.memory_space<semaphore_mem>> -> memref<1x!tpu.dma_semaphore, #tpu.memory_space<semaphore_mem>>
        %dma_start3A_247 = tpu.memref_squeeze %dma_start3A_246 : memref<1x!tpu.dma_semaphore, #tpu.memory_space<semaphore_mem>> -> memref<!tpu.dma_semaphore, #tpu.memory_space<semaphore_mem>>
        tpu.enqueue_indirect_dma source(%dma_start3A_239 : memref<128x128xf32, #tpu.memory_space<vmem>>) target(%dma_start3A_245 : memref<10016x128xf32, #tpu.memory_space<vmem_shared>>) offsets(%dma_start3A_242 : memref<128xi32, #tpu.memory_space<vmem>>) semaphore(%dma_start3A_247 : memref<!tpu.dma_semaphore, #tpu.memory_space<semaphore_mem>>) {add = true}
        %ge3A = arith.constant 1 : i32
        %ge3A_248 = arith.cmpi sge, %scan3A_206, %ge3A : i32
        %convert_element_type3A_249 = arith.extui %ge3A_248 : i1 to i32
        %cond3A_250 = arith.constant 0 : i32
        %cond3A_251 = arith.cmpi ne, %convert_element_type3A_249, %cond3A_250 : i32
        scf.if %cond3A_251 {
          %dma_wait3A_268 = arith.constant 1 : i32
          %dma_wait3A_269 = arith.constant 0 : i32
          %dma_wait3A_270 = arith.constant 0 : i32
          %dma_wait3A_271 = tpu.memref_slice %arg7[%rem3A_211, %dma_wait3A_269, %dma_wait3A_270] : memref<3x128x128xf32, #tpu.memory_space<vmem>> -> memref<1x128x128xf32, #tpu.memory_space<vmem>>
          %dma_wait3A_272 = tpu.memref_squeeze %dma_wait3A_271 : memref<1x128x128xf32, #tpu.memory_space<vmem>> -> memref<128x128xf32, #tpu.memory_space<vmem>>
          %dma_wait3A_273 = arith.constant 0 : i32
          %dma_wait3A_274 = tpu.memref_slice %arg6[%rem3A_221, %dma_wait3A_268, %dma_wait3A_273] : memref<4x2x128xi32, #tpu.memory_space<vmem>> -> memref<1x1x128xi32, #tpu.memory_space<vmem>>
          %dma_wait3A_275 = tpu.memref_squeeze %dma_wait3A_274 : memref<1x1x128xi32, #tpu.memory_space<vmem>> -> memref<128xi32, #tpu.memory_space<vmem>>
          %dma_wait3A_276 = arith.constant 0 : i32
          %dma_wait3A_277 = arith.constant 0 : i32
          %dma_wait3A_278 = tpu.memref_slice %arg8[%dma_wait3A_276, %dma_wait3A_277] : memref<10016x128xf32, #tpu.memory_space<vmem_shared>> -> memref<10016x128xf32, #tpu.memory_space<vmem_shared>>
          %dma_wait3A_279 = tpu.memref_slice %arg11[%rem3A_211] : memref<3x!tpu.dma_semaphore, #tpu.memory_space<semaphore_mem>> -> memref<1x!tpu.dma_semaphore, #tpu.memory_space<semaphore_mem>>
          %dma_wait3A_280 = tpu.memref_squeeze %dma_wait3A_279 : memref<1x!tpu.dma_semaphore, #tpu.memory_space<semaphore_mem>> -> memref<!tpu.dma_semaphore, #tpu.memory_space<semaphore_mem>>
          tpu.wait_indirect_dma semaphore(%dma_wait3A_280 : memref<!tpu.dma_semaphore, #tpu.memory_space<semaphore_mem>>) src(%dma_wait3A_272 : memref<128x128xf32, #tpu.memory_space<vmem>>) dst(%dma_wait3A_278 : memref<10016x128xf32, #tpu.memory_space<vmem_shared>>)
        } else {
        }
        %ge3A_252 = arith.constant 1 : i32
        %ge3A_253 = arith.cmpi sge, %scan3A_206, %ge3A_252 : i32
        %add3A_254 = arith.constant 3 : i32
        %add3A_255 = arith.addi %scan3A_206, %add3A_254 : i32
        %lt3A_256 = arith.constant 45 : i32
        %lt3A_257 = arith.cmpi slt, %add3A_255, %lt3A_256 : i32
        %and3A = arith.andi %ge3A_253, %lt3A_257 : i1
        %convert_element_type3A_258 = arith.extui %and3A : i1 to i32
        %cond3A_259 = arith.constant 0 : i32
        %cond3A_260 = arith.cmpi ne, %convert_element_type3A_258, %cond3A_259 : i32
        scf.if %cond3A_260 {
          %add3A_268 = arith.constant 115 : i32
          %add3A_269 = arith.addi %add3A_268, %scan3A_206 : i32
          %add3A_270 = arith.constant 3 : i32
          %add3A_271 = arith.addi %add3A_269, %add3A_270 : i32
          %dma_start3A_272 = arith.constant 0 : i32
          %dma_start3A_273 = arith.constant 0 : i32
          %dma_start3A_274 = tpu.memref_slice %arg6[%rem3A_221, %dma_start3A_272, %dma_start3A_273] : memref<4x2x128xi32, #tpu.memory_space<vmem>> -> memref<1x2x128xi32, #tpu.memory_space<vmem>>
          %dma_start3A_275 = tpu.memref_squeeze %dma_start3A_274 : memref<1x2x128xi32, #tpu.memory_space<vmem>> -> memref<2x128xi32, #tpu.memory_space<vmem>>
          %dma_start3A_276 = arith.constant 0 : i32
          %dma_start3A_277 = arith.constant 0 : i32
          %dma_start3A_278 = tpu.memref_slice %arg3[%arg1, %add3A_271, %dma_start3A_276, %dma_start3A_277] : memref<16x160x2x128xi32, #tpu.memory_space<hbm>> -> memref<1x1x2x128xi32, #tpu.memory_space<hbm>>
          %dma_start3A_279 = tpu.memref_squeeze %dma_start3A_278 : memref<1x1x2x128xi32, #tpu.memory_space<hbm>> -> memref<2x128xi32, #tpu.memory_space<hbm>>
          %dma_start3A_280 = tpu.memref_slice %arg9[%rem3A_221] : memref<4x!tpu.dma_semaphore, #tpu.memory_space<semaphore_mem>> -> memref<1x!tpu.dma_semaphore, #tpu.memory_space<semaphore_mem>>
          %dma_start3A_281 = tpu.memref_squeeze %dma_start3A_280 : memref<1x!tpu.dma_semaphore, #tpu.memory_space<semaphore_mem>> -> memref<!tpu.dma_semaphore, #tpu.memory_space<semaphore_mem>>
          %dma_start3A_282 = arith.constant 0 : i32
          %dma_start3A_283 = arith.constant 0 : i32
          %dma_start3A_284 = tpu.memref_slice %arg6[%rem3A_221, %dma_start3A_282, %dma_start3A_283] : memref<4x2x128xi32, #tpu.memory_space<vmem>> -> memref<1x2x128xi32, #tpu.memory_space<vmem>>
          %dma_start3A_285 = tpu.memref_squeeze %dma_start3A_284 : memref<1x2x128xi32, #tpu.memory_space<vmem>> -> memref<2x128xi32, #tpu.memory_space<vmem>>
          %dma_start3A_286 = arith.constant 0 : i32
          %dma_start3A_287 = arith.constant 0 : i32
          %dma_start3A_288 = tpu.memref_slice %arg3[%arg1, %add3A_271, %dma_start3A_286, %dma_start3A_287] : memref<16x160x2x128xi32, #tpu.memory_space<hbm>> -> memref<1x1x2x128xi32, #tpu.memory_space<hbm>>
          %dma_start3A_289 = tpu.memref_squeeze %dma_start3A_288 : memref<1x1x2x128xi32, #tpu.memory_space<hbm>> -> memref<2x128xi32, #tpu.memory_space<hbm>>
          tpu.enqueue_dma source(%dma_start3A_289 : memref<2x128xi32, #tpu.memory_space<hbm>>) target(%dma_start3A_285 : memref<2x128xi32, #tpu.memory_space<vmem>>) target_semaphore(%dma_start3A_281 : memref<!tpu.dma_semaphore, #tpu.memory_space<semaphore_mem>>)
        } else {
        }
        %add3A_261 = arith.constant 2 : i32
        %add3A_262 = arith.addi %scan3A_206, %add3A_261 : i32
        %lt3A_263 = arith.constant 45 : i32
        %lt3A_264 = arith.cmpi slt, %add3A_262, %lt3A_263 : i32
        %convert_element_type3A_265 = arith.extui %lt3A_264 : i1 to i32
        %cond3A_266 = arith.constant 0 : i32
        %cond3A_267 = arith.cmpi ne, %convert_element_type3A_265, %cond3A_266 : i32
        scf.if %cond3A_267 {
          %add3A_268 = arith.constant 115 : i32
          %add3A_269 = arith.addi %add3A_268, %scan3A_206 : i32
          %add3A_270 = arith.constant 2 : i32
          %add3A_271 = arith.addi %add3A_269, %add3A_270 : i32
          %dma_wait3A_272 = arith.constant 0 : i32
          %dma_wait3A_273 = arith.constant 0 : i32
          %dma_wait3A_274 = tpu.memref_slice %arg6[%rem3A_217, %dma_wait3A_272, %dma_wait3A_273] : memref<4x2x128xi32, #tpu.memory_space<vmem>> -> memref<1x2x128xi32, #tpu.memory_space<vmem>>
          %dma_wait3A_275 = tpu.memref_squeeze %dma_wait3A_274 : memref<1x2x128xi32, #tpu.memory_space<vmem>> -> memref<2x128xi32, #tpu.memory_space<vmem>>
          %dma_wait3A_276 = arith.constant 0 : i32
          %dma_wait3A_277 = arith.constant 0 : i32
          %dma_wait3A_278 = tpu.memref_slice %arg3[%arg1, %add3A_271, %dma_wait3A_276, %dma_wait3A_277] : memref<16x160x2x128xi32, #tpu.memory_space<hbm>> -> memref<1x1x2x128xi32, #tpu.memory_space<hbm>>
          %dma_wait3A_279 = tpu.memref_squeeze %dma_wait3A_278 : memref<1x1x2x128xi32, #tpu.memory_space<hbm>> -> memref<2x128xi32, #tpu.memory_space<hbm>>
          %dma_wait3A_280 = tpu.memref_slice %arg9[%rem3A_217] : memref<4x!tpu.dma_semaphore, #tpu.memory_space<semaphore_mem>> -> memref<1x!tpu.dma_semaphore, #tpu.memory_space<semaphore_mem>>
          %dma_wait3A_281 = tpu.memref_squeeze %dma_wait3A_280 : memref<1x!tpu.dma_semaphore, #tpu.memory_space<semaphore_mem>> -> memref<!tpu.dma_semaphore, #tpu.memory_space<semaphore_mem>>
          %dma_wait3A_282 = arith.constant 0 : i32
          %dma_wait3A_283 = arith.constant 0 : i32
          %dma_wait3A_284 = tpu.memref_slice %arg6[%rem3A_217, %dma_wait3A_282, %dma_wait3A_283] : memref<4x2x128xi32, #tpu.memory_space<vmem>> -> memref<1x2x128xi32, #tpu.memory_space<vmem>>
          %dma_wait3A_285 = tpu.memref_squeeze %dma_wait3A_284 : memref<1x2x128xi32, #tpu.memory_space<vmem>> -> memref<2x128xi32, #tpu.memory_space<vmem>>
          %dma_wait3A_286 = arith.constant 0 : i32
          %dma_wait3A_287 = arith.constant 0 : i32
          %dma_wait3A_288 = tpu.memref_slice %arg3[%arg1, %add3A_271, %dma_wait3A_286, %dma_wait3A_287] : memref<16x160x2x128xi32, #tpu.memory_space<hbm>> -> memref<1x1x2x128xi32, #tpu.memory_space<hbm>>
          %dma_wait3A_289 = tpu.memref_squeeze %dma_wait3A_288 : memref<1x1x2x128xi32, #tpu.memory_space<hbm>> -> memref<2x128xi32, #tpu.memory_space<hbm>>
          tpu.wait_dma2 semaphore(%dma_wait3A_281 : memref<!tpu.dma_semaphore, #tpu.memory_space<semaphore_mem>>) src(%dma_wait3A_289 : memref<2x128xi32, #tpu.memory_space<hbm>>) dst(%dma_wait3A_285 : memref<2x128xi32, #tpu.memory_space<vmem>>)
          %dma_start3A_290 = arith.constant 0 : i32
          %dma_start3A_291 = arith.constant 0 : i32
          %dma_start3A_292 = arith.constant 0 : i32
          %dma_start3A_293 = tpu.memref_slice %arg7[%rem3A_211, %dma_start3A_291, %dma_start3A_292] : memref<3x128x128xf32, #tpu.memory_space<vmem>> -> memref<1x128x128xf32, #tpu.memory_space<vmem>>
          %dma_start3A_294 = tpu.memref_squeeze %dma_start3A_293 : memref<1x128x128xf32, #tpu.memory_space<vmem>> -> memref<128x128xf32, #tpu.memory_space<vmem>>
          %dma_start3A_295 = arith.constant 0 : i32
          %dma_start3A_296 = tpu.memref_slice %arg6[%rem3A_217, %dma_start3A_290, %dma_start3A_295] : memref<4x2x128xi32, #tpu.memory_space<vmem>> -> memref<1x1x128xi32, #tpu.memory_space<vmem>>
          %dma_start3A_297 = tpu.memref_squeeze %dma_start3A_296 : memref<1x1x128xi32, #tpu.memory_space<vmem>> -> memref<128xi32, #tpu.memory_space<vmem>>
          %dma_start3A_298 = arith.constant 0 : i32
          %dma_start3A_299 = arith.constant 0 : i32
          %dma_start3A_300 = tpu.memref_slice %arg2[%dma_start3A_298, %dma_start3A_299] : memref<10000x128xf32, #tpu.memory_space<hbm>> -> memref<10000x128xf32, #tpu.memory_space<hbm>>
          %dma_start3A_301 = tpu.memref_slice %arg10[%rem3A_211] : memref<3x!tpu.dma_semaphore, #tpu.memory_space<semaphore_mem>> -> memref<1x!tpu.dma_semaphore, #tpu.memory_space<semaphore_mem>>
          %dma_start3A_302 = tpu.memref_squeeze %dma_start3A_301 : memref<1x!tpu.dma_semaphore, #tpu.memory_space<semaphore_mem>> -> memref<!tpu.dma_semaphore, #tpu.memory_space<semaphore_mem>>
          tpu.enqueue_indirect_dma source(%dma_start3A_300 : memref<10000x128xf32, #tpu.memory_space<hbm>>) target(%dma_start3A_294 : memref<128x128xf32, #tpu.memory_space<vmem>>) offsets(%dma_start3A_297 : memref<128xi32, #tpu.memory_space<vmem>>) semaphore(%dma_start3A_302 : memref<!tpu.dma_semaphore, #tpu.memory_space<semaphore_mem>>)
        } else {
        }
      }
      %scan3A_187 = arith.constant 45 : i32
      %rem3A = arith.constant 44 : i32
      %rem3A_188 = arith.constant 4 : i32
      %rem3A_189 = arith.remsi %rem3A, %rem3A_188 : i32
      %rem3A_190 = arith.constant 44 : i32
      %rem3A_191 = arith.constant 3 : i32
      %rem3A_192 = arith.remsi %rem3A_190, %rem3A_191 : i32
      %dma_wait3A_193 = arith.constant 1 : i32
      %dma_wait3A_194 = arith.constant 0 : i32
      %dma_wait3A_195 = arith.constant 0 : i32
      %dma_wait3A_196 = tpu.memref_slice %arg7[%rem3A_192, %dma_wait3A_194, %dma_wait3A_195] : memref<3x128x128xf32, #tpu.memory_space<vmem>> -> memref<1x128x128xf32, #tpu.memory_space<vmem>>
      %dma_wait3A_197 = tpu.memref_squeeze %dma_wait3A_196 : memref<1x128x128xf32, #tpu.memory_space<vmem>> -> memref<128x128xf32, #tpu.memory_space<vmem>>
      %dma_wait3A_198 = arith.constant 0 : i32
      %dma_wait3A_199 = tpu.memref_slice %arg6[%rem3A_189, %dma_wait3A_193, %dma_wait3A_198] : memref<4x2x128xi32, #tpu.memory_space<vmem>> -> memref<1x1x128xi32, #tpu.memory_space<vmem>>
      %dma_wait3A_200 = tpu.memref_squeeze %dma_wait3A_199 : memref<1x1x128xi32, #tpu.memory_space<vmem>> -> memref<128xi32, #tpu.memory_space<vmem>>
      %dma_wait3A_201 = arith.constant 0 : i32
      %dma_wait3A_202 = arith.constant 0 : i32
      %dma_wait3A_203 = tpu.memref_slice %arg8[%dma_wait3A_201, %dma_wait3A_202] : memref<10016x128xf32, #tpu.memory_space<vmem_shared>> -> memref<10016x128xf32, #tpu.memory_space<vmem_shared>>
      %dma_wait3A_204 = tpu.memref_slice %arg11[%rem3A_192] : memref<3x!tpu.dma_semaphore, #tpu.memory_space<semaphore_mem>> -> memref<1x!tpu.dma_semaphore, #tpu.memory_space<semaphore_mem>>
      %dma_wait3A_205 = tpu.memref_squeeze %dma_wait3A_204 : memref<1x!tpu.dma_semaphore, #tpu.memory_space<semaphore_mem>> -> memref<!tpu.dma_semaphore, #tpu.memory_space<semaphore_mem>>
      tpu.wait_indirect_dma semaphore(%dma_wait3A_205 : memref<!tpu.dma_semaphore, #tpu.memory_space<semaphore_mem>>) src(%dma_wait3A_197 : memref<128x128xf32, #tpu.memory_space<vmem>>) dst(%dma_wait3A_203 : memref<10016x128xf32, #tpu.memory_space<vmem_shared>>)
    } else {
    }
    %barrier3A_16 = arith.constant 0 : index
    tpu.barrier barrier_id(%barrier3A_16)
    %lt3A_17 = arith.constant 15 : i32
    %lt3A_18 = arith.cmpi slt, %arg1, %lt3A_17 : i32
    %convert_element_type3A_19 = arith.extui %lt3A_18 : i1 to i32
    %cond3A_20 = arith.constant 0 : i32
    %cond3A_21 = arith.cmpi ne, %convert_element_type3A_19, %cond3A_20 : i32
    scf.if %cond3A_21 {
      %mul3A = arith.constant 624 : i32
      %mul3A_27 = arith.muli %arg1, %mul3A : i32
      %mul3A_28 = arith.constant 624 : i32
      %mul3A_29 = arith.muli %arg1, %mul3A_28 : i32
      "tpu.region"() ({
        %run_scoped3A = tpu.sem_alloc : memref<!tpu.dma_semaphore, #tpu.memory_space<semaphore_mem>>
        %dma_start3A = arith.constant 0 : i32
        %dma_start3A_30 = tpu.memref_slice %arg5[%arg0, %mul3A_29, %dma_start3A] : memref<2x10016x128xf32, #tpu.memory_space<hbm>> -> memref<1x624x128xf32, #tpu.memory_space<hbm>>
        %dma_start3A_31 = tpu.memref_squeeze %dma_start3A_30 : memref<1x624x128xf32, #tpu.memory_space<hbm>> -> memref<624x128xf32, #tpu.memory_space<hbm>>
        %dma_start3A_32 = arith.constant 0 : i32
        %dma_start3A_33 = tpu.memref_slice %arg8[%mul3A_27, %dma_start3A_32] : memref<10016x128xf32, #tpu.memory_space<vmem_shared>> -> memref<624x128xf32, #tpu.memory_space<vmem_shared>>
        tpu.enqueue_dma source(%dma_start3A_33 : memref<624x128xf32, #tpu.memory_space<vmem_shared>>) target(%dma_start3A_31 : memref<624x128xf32, #tpu.memory_space<hbm>>) target_semaphore(%run_scoped3A : memref<!tpu.dma_semaphore, #tpu.memory_space<semaphore_mem>>)
        %dma_wait3A = arith.constant 0 : i32
        %dma_wait3A_34 = tpu.memref_slice %arg5[%arg0, %mul3A_29, %dma_wait3A] : memref<2x10016x128xf32, #tpu.memory_space<hbm>> -> memref<1x624x128xf32, #tpu.memory_space<hbm>>
        %dma_wait3A_35 = tpu.memref_squeeze %dma_wait3A_34 : memref<1x624x128xf32, #tpu.memory_space<hbm>> -> memref<624x128xf32, #tpu.memory_space<hbm>>
        %dma_wait3A_36 = arith.constant 0 : i32
        %dma_wait3A_37 = tpu.memref_slice %arg8[%mul3A_27, %dma_wait3A_36] : memref<10016x128xf32, #tpu.memory_space<vmem_shared>> -> memref<624x128xf32, #tpu.memory_space<vmem_shared>>
        tpu.wait_dma2 semaphore(%run_scoped3A : memref<!tpu.dma_semaphore, #tpu.memory_space<semaphore_mem>>) src(%dma_wait3A_37 : memref<624x128xf32, #tpu.memory_space<vmem_shared>>) dst(%dma_wait3A_35 : memref<624x128xf32, #tpu.memory_space<hbm>>)
        tpu.yield
      }) : () -> ()
    } else {
    }
    %eq3A_22 = arith.constant 15 : i32
    %eq3A_23 = arith.cmpi eq, %arg1, %eq3A_22 : i32
    %convert_element_type3A_24 = arith.extui %eq3A_23 : i1 to i32
    %cond3A_25 = arith.constant 0 : i32
    %cond3A_26 = arith.cmpi ne, %convert_element_type3A_24, %cond3A_25 : i32
    scf.if %cond3A_26 {
      "tpu.region"() ({
        %run_scoped3A = tpu.sem_alloc : memref<!tpu.dma_semaphore, #tpu.memory_space<semaphore_mem>>
        %dma_start3A = arith.constant 9360 : i32
        %dma_start3A_27 = arith.constant 0 : i32
        %dma_start3A_28 = tpu.memref_slice %arg5[%arg0, %dma_start3A, %dma_start3A_27] : memref<2x10016x128xf32, #tpu.memory_space<hbm>> -> memref<1x656x128xf32, #tpu.memory_space<hbm>>
        %dma_start3A_29 = tpu.memref_squeeze %dma_start3A_28 : memref<1x656x128xf32, #tpu.memory_space<hbm>> -> memref<656x128xf32, #tpu.memory_space<hbm>>
        %dma_start3A_30 = arith.constant 9360 : i32
        %dma_start3A_31 = arith.constant 0 : i32
        %dma_start3A_32 = tpu.memref_slice %arg8[%dma_start3A_30, %dma_start3A_31] : memref<10016x128xf32, #tpu.memory_space<vmem_shared>> -> memref<656x128xf32, #tpu.memory_space<vmem_shared>>
        tpu.enqueue_dma source(%dma_start3A_32 : memref<656x128xf32, #tpu.memory_space<vmem_shared>>) target(%dma_start3A_29 : memref<656x128xf32, #tpu.memory_space<hbm>>) target_semaphore(%run_scoped3A : memref<!tpu.dma_semaphore, #tpu.memory_space<semaphore_mem>>)
        %dma_wait3A = arith.constant 9360 : i32
        %dma_wait3A_33 = arith.constant 0 : i32
        %dma_wait3A_34 = tpu.memref_slice %arg5[%arg0, %dma_wait3A, %dma_wait3A_33] : memref<2x10016x128xf32, #tpu.memory_space<hbm>> -> memref<1x656x128xf32, #tpu.memory_space<hbm>>
        %dma_wait3A_35 = tpu.memref_squeeze %dma_wait3A_34 : memref<1x656x128xf32, #tpu.memory_space<hbm>> -> memref<656x128xf32, #tpu.memory_space<hbm>>
        %dma_wait3A_36 = arith.constant 9360 : i32
        %dma_wait3A_37 = arith.constant 0 : i32
        %dma_wait3A_38 = tpu.memref_slice %arg8[%dma_wait3A_36, %dma_wait3A_37] : memref<10016x128xf32, #tpu.memory_space<vmem_shared>> -> memref<656x128xf32, #tpu.memory_space<vmem_shared>>
        tpu.wait_dma2 semaphore(%run_scoped3A : memref<!tpu.dma_semaphore, #tpu.memory_space<semaphore_mem>>) src(%dma_wait3A_38 : memref<656x128xf32, #tpu.memory_space<vmem_shared>>) dst(%dma_wait3A_35 : memref<656x128xf32, #tpu.memory_space<hbm>>)
        tpu.yield
      }) : () -> ()
    } else {
    }
    return
  }
}

module attributes {stable_mosaic.version = 14 : i64} {
  func.func @body(%arg0: memref<10000x128xf32, #tpu.memory_space<vmem>>, %arg1: memref<128x128xf32, #tpu.memory_space<vmem>>, %arg2: memref<2x10016x128xf32, #tpu.memory_space<vmem>>, %arg3: memref<10000x1xf32, #tpu.memory_space<vmem>>, %arg4: memref<10000x128xf32, #tpu.memory_space<vmem>>) attributes {dimension_semantics = [], scalar_prefetch = 0 : i64, scratch_operands = 0 : i64, tpu.core_type = #tpu.core_type<tc>} {
    %get3A = arith.constant 0 : index
    %get3A_0 = arith.constant 0 : index
    %get3A_1 = arith.constant 0 : index
    %get3A_2 = vector.load %arg2[%get3A, %get3A_0, %get3A_1] : memref<2x10016x128xf32, #tpu.memory_space<vmem>>, vector<1x10000x1xf32>
    %get3A_3 = vector.shape_cast %get3A_2 : vector<1x10000x1xf32> to vector<10000x1xf32>
    %get3A_4 = arith.constant 1 : index
    %get3A_5 = arith.constant 0 : index
    %get3A_6 = arith.constant 0 : index
    %get3A_7 = vector.load %arg2[%get3A_4, %get3A_5, %get3A_6] : memref<2x10016x128xf32, #tpu.memory_space<vmem>>, vector<1x10000x1xf32>
    %get3A_8 = vector.shape_cast %get3A_7 : vector<1x10000x1xf32> to vector<10000x1xf32>
    %add3A = arith.addf %get3A_3, %get3A_8 : vector<10000x1xf32>
    %add3A_9 = arith.constant 1.000000e+00 : f32
    %add3A_10 = vector.broadcast %add3A_9 : f32 to vector<10000x1xf32>
    %add3A_11 = arith.addf %add3A, %add3A_10 : vector<10000x1xf32>
    %rsqrt3A = math.rsqrt %add3A_11 : vector<10000x1xf32>
    %swap3A = arith.constant 0 : index
    %swap3A_12 = arith.constant 0 : index
    %swap3A_13 = vector.load %arg3[%swap3A, %swap3A_12] : memref<10000x1xf32, #tpu.memory_space<vmem>>, vector<10000x1xf32>
    tpu.vector_store %arg3[%swap3A, %swap3A_12], %rsqrt3A {strides = array<i32>} : memref<10000x1xf32, #tpu.memory_space<vmem>>, vector<10000x1xf32>,
    %get3A_14 = arith.constant 0 : index
    %get3A_15 = arith.constant 0 : index
    %get3A_16 = vector.load %arg0[%get3A_14, %get3A_15] : memref<10000x128xf32, #tpu.memory_space<vmem>>, vector<10000x128xf32>
    %get3A_17 = arith.constant 0 : index
    %get3A_18 = arith.constant 0 : index
    %get3A_19 = vector.load %arg1[%get3A_17, %get3A_18] : memref<128x128xf32, #tpu.memory_space<vmem>>, vector<128x128xf32>
    %dot_general3A = arith.constant dense<0.000000e+00> : vector<10000x128xf32>
    %dot_general3A_20 = tpu.matmul %get3A_16, %get3A_19, %dot_general3A {dimension_numbers = #tpu.dot_dimension_numbers<[1], [0], [0], [1], [0, 0, 1, 1], [], []>, transpose_lhs_hint = false} : vector<10000x128xf32>, vector<128x128xf32>, vector<10000x128xf32> -> vector<10000x128xf32>
    %mul3A = vector.broadcast %rsqrt3A : vector<10000x1xf32> to vector<10000x128xf32>
    %mul3A_21 = arith.mulf %dot_general3A_20, %mul3A : vector<10000x128xf32>
    %swap3A_22 = arith.constant 0 : index
    %swap3A_23 = arith.constant 0 : index
    %swap3A_24 = vector.load %arg4[%swap3A_22, %swap3A_23] : memref<10000x128xf32, #tpu.memory_space<vmem>>, vector<10000x128xf32>
    tpu.vector_store %arg4[%swap3A_22, %swap3A_23], %mul3A_21 {strides = array<i32>} : memref<10000x128xf32, #tpu.memory_space<vmem>>, vector<10000x128xf32>,
    return
  }
}

module attributes {stable_mosaic.version = 14 : i64} {
  func.func @body(%arg0: memref<2x10016x128xf32, #tpu.memory_space<vmem>>, %arg1: memref<10000x128xf32, #tpu.memory_space<vmem>>, %arg2: memref<10000x1xf32, #tpu.memory_space<vmem>>, %arg3: memref<1x128xf32, #tpu.memory_space<vmem>>, %arg4: memref<128x128xf32, #tpu.memory_space<vmem>>, %arg5: memref<10000x128xf32, #tpu.memory_space<vmem>>) attributes {dimension_semantics = [], scalar_prefetch = 0 : i64, scratch_operands = 0 : i64, tpu.core_type = #tpu.core_type<tc>} {
    %get3A = arith.constant 0 : index
    %get3A_0 = arith.constant 0 : index
    %get3A_1 = arith.constant 0 : index
    %get3A_2 = vector.load %arg0[%get3A, %get3A_0, %get3A_1] : memref<2x10016x128xf32, #tpu.memory_space<vmem>>, vector<1x10000x128xf32>
    %get3A_3 = vector.shape_cast %get3A_2 : vector<1x10000x128xf32> to vector<10000x128xf32>
    %get3A_4 = arith.constant 1 : index
    %get3A_5 = arith.constant 0 : index
    %get3A_6 = arith.constant 0 : index
    %get3A_7 = vector.load %arg0[%get3A_4, %get3A_5, %get3A_6] : memref<2x10016x128xf32, #tpu.memory_space<vmem>>, vector<1x10000x128xf32>
    %get3A_8 = vector.shape_cast %get3A_7 : vector<1x10000x128xf32> to vector<10000x128xf32>
    %add3A = arith.addf %get3A_3, %get3A_8 : vector<10000x128xf32>
    %get3A_9 = arith.constant 0 : index
    %get3A_10 = arith.constant 0 : index
    %get3A_11 = vector.load %arg1[%get3A_9, %get3A_10] : memref<10000x128xf32, #tpu.memory_space<vmem>>, vector<10000x128xf32>
    %add3A_12 = arith.addf %add3A, %get3A_11 : vector<10000x128xf32>
    %get3A_13 = arith.constant 0 : index
    %get3A_14 = arith.constant 0 : index
    %get3A_15 = vector.load %arg2[%get3A_13, %get3A_14] : memref<10000x1xf32, #tpu.memory_space<vmem>>, vector<10000x1xf32>
    %mul3A = vector.broadcast %get3A_15 : vector<10000x1xf32> to vector<10000x128xf32>
    %mul3A_16 = arith.mulf %add3A_12, %mul3A : vector<10000x128xf32>
    %get3A_17 = arith.constant 0 : index
    %get3A_18 = arith.constant 0 : index
    %get3A_19 = vector.load %arg3[%get3A_17, %get3A_18] : memref<1x128xf32, #tpu.memory_space<vmem>>, vector<1x128xf32>
    %add3A_20 = vector.broadcast %get3A_19 : vector<1x128xf32> to vector<10000x128xf32>
    %add3A_21 = arith.addf %mul3A_16, %add3A_20 : vector<10000x128xf32>
    %max3A = arith.constant 0.000000e+00 : f32
    %max3A_22 = vector.broadcast %max3A : f32 to vector<10000x128xf32>
    %max3A_23 = arith.maximumf %add3A_21, %max3A_22 : vector<10000x128xf32>
    %get3A_24 = arith.constant 0 : index
    %get3A_25 = arith.constant 0 : index
    %get3A_26 = vector.load %arg4[%get3A_24, %get3A_25] : memref<128x128xf32, #tpu.memory_space<vmem>>, vector<128x128xf32>
    %dot_general3A = arith.constant dense<0.000000e+00> : vector<10000x128xf32>
    %dot_general3A_27 = tpu.matmul %max3A_23, %get3A_26, %dot_general3A {dimension_numbers = #tpu.dot_dimension_numbers<[1], [0], [0], [1], [0, 0, 1, 1], [], []>, transpose_lhs_hint = false} : vector<10000x128xf32>, vector<128x128xf32>, vector<10000x128xf32> -> vector<10000x128xf32>
    %get3A_28 = arith.constant 0 : index
    %get3A_29 = arith.constant 0 : index
    %get3A_30 = vector.load %arg2[%get3A_28, %get3A_29] : memref<10000x1xf32, #tpu.memory_space<vmem>>, vector<10000x1xf32>
    %mul3A_31 = vector.broadcast %get3A_30 : vector<10000x1xf32> to vector<10000x128xf32>
    %mul3A_32 = arith.mulf %dot_general3A_27, %mul3A_31 : vector<10000x128xf32>
    %swap3A = arith.constant 0 : index
    %swap3A_33 = arith.constant 0 : index
    %swap3A_34 = vector.load %arg5[%swap3A, %swap3A_33] : memref<10000x128xf32, #tpu.memory_space<vmem>>, vector<10000x128xf32>
    tpu.vector_store %arg5[%swap3A, %swap3A_33], %mul3A_32 {strides = array<i32>} : memref<10000x128xf32, #tpu.memory_space<vmem>>, vector<10000x128xf32>,
    return
  }
}

module attributes {stable_mosaic.version = 14 : i64} {
  func.func @body(%arg0: memref<2x10016x128xf32, #tpu.memory_space<vmem>>, %arg1: memref<10000x128xf32, #tpu.memory_space<vmem>>, %arg2: memref<10000x1xf32, #tpu.memory_space<vmem>>, %arg3: memref<1x128xf32, #tpu.memory_space<vmem>>, %arg4: memref<10000x128xf32, #tpu.memory_space<vmem>>) attributes {dimension_semantics = [], scalar_prefetch = 0 : i64, scratch_operands = 0 : i64, tpu.core_type = #tpu.core_type<tc>} {
    %get3A = arith.constant 0 : index
    %get3A_0 = arith.constant 0 : index
    %get3A_1 = arith.constant 0 : index
    %get3A_2 = vector.load %arg0[%get3A, %get3A_0, %get3A_1] : memref<2x10016x128xf32, #tpu.memory_space<vmem>>, vector<1x10000x128xf32>
    %get3A_3 = vector.shape_cast %get3A_2 : vector<1x10000x128xf32> to vector<10000x128xf32>
    %get3A_4 = arith.constant 1 : index
    %get3A_5 = arith.constant 0 : index
    %get3A_6 = arith.constant 0 : index
    %get3A_7 = vector.load %arg0[%get3A_4, %get3A_5, %get3A_6] : memref<2x10016x128xf32, #tpu.memory_space<vmem>>, vector<1x10000x128xf32>
    %get3A_8 = vector.shape_cast %get3A_7 : vector<1x10000x128xf32> to vector<10000x128xf32>
    %add3A = arith.addf %get3A_3, %get3A_8 : vector<10000x128xf32>
    %get3A_9 = arith.constant 0 : index
    %get3A_10 = arith.constant 0 : index
    %get3A_11 = vector.load %arg1[%get3A_9, %get3A_10] : memref<10000x128xf32, #tpu.memory_space<vmem>>, vector<10000x128xf32>
    %add3A_12 = arith.addf %add3A, %get3A_11 : vector<10000x128xf32>
    %get3A_13 = arith.constant 0 : index
    %get3A_14 = arith.constant 0 : index
    %get3A_15 = vector.load %arg2[%get3A_13, %get3A_14] : memref<10000x1xf32, #tpu.memory_space<vmem>>, vector<10000x1xf32>
    %mul3A = vector.broadcast %get3A_15 : vector<10000x1xf32> to vector<10000x128xf32>
    %mul3A_16 = arith.mulf %add3A_12, %mul3A : vector<10000x128xf32>
    %get3A_17 = arith.constant 0 : index
    %get3A_18 = arith.constant 0 : index
    %get3A_19 = vector.load %arg3[%get3A_17, %get3A_18] : memref<1x128xf32, #tpu.memory_space<vmem>>, vector<1x128xf32>
    %add3A_20 = vector.broadcast %get3A_19 : vector<1x128xf32> to vector<10000x128xf32>
    %add3A_21 = arith.addf %mul3A_16, %add3A_20 : vector<10000x128xf32>
    %max3A = arith.constant 0.000000e+00 : f32
    %max3A_22 = vector.broadcast %max3A : f32 to vector<10000x128xf32>
    %max3A_23 = arith.maximumf %add3A_21, %max3A_22 : vector<10000x128xf32>
    %swap3A = arith.constant 0 : index
    %swap3A_24 = arith.constant 0 : index
    %swap3A_25 = vector.load %arg4[%swap3A, %swap3A_24] : memref<10000x128xf32, #tpu.memory_space<vmem>>, vector<10000x128xf32>
    tpu.vector_store %arg4[%swap3A, %swap3A_24], %max3A_23 {strides = array<i32>} : memref<10000x128xf32, #tpu.memory_space<vmem>>, vector<10000x128xf32>,
    return
  }
}

</mosaic_0001>

<sc_bundles>
// kernel: kernel.10.cloned.1.call-start
scs
__scs_entry_jumppad:
0x0: {  	(pc) =	sbr.rel $0x88, $3  }
0x1: {  	(tag) =	ssettag $0x0;
	lr =	simm.s32 $0x1  }
0x2: {  	[smem:$0x3F99] =	sst lr;
	_ =	strace $0xD0000000  }
0x3: {  	_ = 	snop  }
0x4: {  	_ = 	snop  }
0x5: {  	_ = 	snop  }
0x6: {  	_ = 	snop  }
0x7: {  	_ = 	snop  }
__scs_overlays_trampoline_lowered:
0x8: {  	[smem:$0x3FA8] =	sst s0  }
0x9: {  	[smem:$0x3FA9] =	sst s1  }
0xa: {  	[smem:$0x3FAA] =	sst s2  }
0xb: {  	[smem:$0x3FAB] =	sst s3  }
0xc: {  	[smem:$0x3FAC] =	sst s4  }
0xd: {  	[smem:$0x3FAD] =	sst s5  }
0xe: {  	[smem:$0x3FAE] =	sst s6  }
0xf: {  	[smem:$0x3FAF] =	sst s7  }
0x10: {  	[smem:$0x3FB0] =	sst s8  }
0x11: {  	[smem:$0x3FB1] =	sst s9;
	s0 =	simm.s32 @!p0 $0x0  }
0x12: {  	s1 =	sld [smem:$0x3F97];
	s0 =	simm.s32 @p0 $0x1  }
0x13: {  	[smem:$0x3FB2] =	sst s0;
	s0 =	simm.s32 @!p1 $0x0  }
0x14: {  	s2 =	sld [smem:$0x3F96];
	s0 =	simm.s32 @p1 $0x1  }
0x15: {  	[smem:$0x3FB3] =	sst s0;
	s0 =	simm.s32 @!p2 $0x0  }
0x16: {  	s3 =	sld [smem:$0x3FDB];
	s0 =	simm.s32 @p2 $0x1  }
0x17: {  	s4 =	simm.s32 $0x1BF5;
	[smem:$0x3FB5] =	sst s0  }
0x18: {  	s0 =	sld [smem:$0x3F98];
	_ =	swait.ge [sflag:s4], $0x0  }
0x19: {  	s7 =	sld [smem:$0x3F99]  }
0x1a: {  	s8 =	sadd.s32 $0xFFFFE003, lr  }
0x1b: {  	s9 =	sadd.s32 $0xFFFFFEF7, lr;
	s5 =	simm.s32 $0xFFFFFFFF;
	p2 =	slt.u32 s8, $0xFFFFF086  }
0x1c: {  	p1 =	slt.u32 s9, $0xF7A;
	s5 =	simm.s32 @!p2 $0x0  }
0x1d: {  	s5 =	simm.s32 @p1 $0x1;
	p0 =	seq.s32 s7, s2  }
0x1e: {  	s7 =	smul.u32 @!p0 $0xF7A, s2;
	p2 =	seq.s32 @!p0 s5, $0x0  }
0x1f: {  	s9 =	smul.u32 $0xF7A, s1;
	s8 =	simm.s32 @!p0 $0x1BF5;
	p2 =	por !p2, p0  }
0x20: {  	[sflag:s8] =	ssyncset.s32 @!p0 $0xFFFFF086;
	s6 =	sadd.s32 @!p0 s3, s7;
	s7 =	simm.s32 @!p0 $0x108  }
0x21: {  	s3 =	sadd.s32 s3, s9;
	s6 =	sadd.s32 @!p0 $0x88, s6;
	s7 =	simm.s32 @p2 $0x1082  }
0x22: {  	[simem:s7], [sflag:s8] =	dma.local @!p0 [hbm:s6], $0xF7A  }
0x23: {  	s9 =	sor.u32 $0xD0000000, s2;
	s6 =	simm.s32 $0x108;
	_ =	swait.ge @!p0 [sflag:s8], $0x0  }
0x24: {  	s3 =	sadd.s32 $0x88, s3;
	s6 =	simm.s32 @!p1 $0x1082;
	[sflag:s4] =	ssyncset.s32 $0xFFFFF086  }
0x25: {  	[simem:s6], [sflag:s4] =	dma.local [hbm:s3], $0xF7A  }
0x26: {  	[smem:$0x3F99] =	sst s1;
	(tag) =	ssettag s2;
	_ =	strace s9  }
0x27: {  	s1 =	sld [smem:$0x3FA9]  }
0x28: {  	s2 =	sld [smem:$0x3FAA]  }
0x29: {  	s4 =	sld [smem:$0x3FAC]  }
0x2a: {  	p0 =	seq.s32 s5, $0x0;
	s5 =	sld [smem:$0x3FAD]  }
0x2b: {  	s6 =	sld [smem:$0x3FAE]  }
0x2c: {  	s7 =	sld [smem:$0x3FAF]  }
0x2d: {  	s3 =	simm.s32 $0x108;
	s8 =	sld [smem:$0x3FB0]  }
0x2e: {  	s3 =	simm.s32 @!p0 $0x1082;
	s9 =	sld [smem:$0x3FB1]  }
0x2f: {  	lr =	sadd.s32 s0, s3;
	s0 =	sld [smem:$0x3FA8]  }
0x30: {  	s3 =	sld [smem:$0x3FAB]  }
0x31: {  	[smem:$0x3FB4] =	sst s10  }
0x32: {  	s10 =	sld [smem:$0x3FB2];
	_ =	sdelay $0x3  }
0x33: {  	p0 =	seq.s32 s10, $0x1;
	s10 =	sld [smem:$0x3FB4];
	_ =	sdelay $0x3  }
0x34: {  	[smem:$0x3FB4] =	sst s10  }
0x35: {  	s10 =	sld [smem:$0x3FB3];
	_ =	sdelay $0x3  }
0x36: {  	p1 =	seq.s32 s10, $0x1;
	s10 =	sld [smem:$0x3FB4];
	_ =	sdelay $0x3  }
0x37: {  	[smem:$0x3FB4] =	sst s10  }
0x38: {  	s10 =	sld [smem:$0x3FB5]  }
0x39: {  	_ = 	snop;
	(pc) =	sbr.ind lr, $3  }
0x3a: {  	_ = 	snop  }
0x3b: {  	_ = 	snop  }
0x3c: {  	p2 =	seq.s32 s10, $0x1;
	s10 =	sld [smem:$0x3FB4]  }
0x3d: {  	_ =	shalt  }
0x3e: {  	_ =	shalt  }
0x3f: {  	_ =	shalt  }
0x40: {  	_ =	shalt  }
0x41: {  	_ =	shalt  }
0x42: {  	_ =	shalt  }
0x43: {  	_ =	shalt  }
0x44: {  	_ =	shalt  }
0x45: {  	_ =	shalt  }
0x46: {  	_ =	shalt  }
0x47: {  	_ =	shalt  }
0x48: {  	_ =	shalt  }
0x49: {  	_ =	shalt  }
0x4a: {  	_ =	shalt  }
0x4b: {  	_ =	shalt  }
0x4c: {  	_ =	shalt  }
0x4d: {  	_ =	shalt  }
0x4e: {  	_ =	shalt  }
0x4f: {  	_ =	shalt  }
0x50: {  	_ =	shalt  }
0x51: {  	_ =	shalt  }
0x52: {  	_ =	shalt  }
0x53: {  	_ =	shalt  }
0x54: {  	_ =	shalt  }
0x55: {  	_ =	shalt  }
0x56: {  	_ =	shalt  }
0x57: {  	_ =	shalt  }
0x58: {  	_ =	shalt  }
0x59: {  	_ =	shalt  }
0x5a: {  	_ =	shalt  }
0x5b: {  	_ =	shalt  }
0x5c: {  	_ =	shalt  }
0x5d: {  	_ =	shalt  }
0x5e: {  	_ =	shalt  }
0x5f: {  	_ =	shalt  }
0x60: {  	_ =	shalt  }
0x61: {  	_ =	shalt  }
0x62: {  	_ =	shalt  }
0x63: {  	_ =	shalt  }
0x64: {  	_ =	shalt  }
0x65: {  	_ =	shalt  }
0x66: {  	_ =	shalt  }
0x67: {  	_ =	shalt  }
0x68: {  	_ =	shalt  }
0x69: {  	_ =	shalt  }
0x6a: {  	_ =	shalt  }
0x6b: {  	_ =	shalt  }
0x6c: {  	_ =	shalt  }
0x6d: {  	_ =	shalt  }
0x6e: {  	_ =	shalt  }
0x6f: {  	_ =	shalt  }
0x70: {  	_ =	shalt  }
0x71: {  	_ =	shalt  }
0x72: {  	_ =	shalt  }
0x73: {  	_ =	shalt  }
0x74: {  	_ =	shalt  }
0x75: {  	_ =	shalt  }
0x76: {  	_ =	shalt  }
0x77: {  	_ =	shalt  }
0x78: {  	_ =	shalt  }
0x79: {  	_ =	shalt  }
0x7a: {  	_ =	shalt  }
0x7b: {  	_ =	shalt  }
0x7c: {  	_ =	shalt  }
0x7d: {  	_ =	shalt  }
0x7e: {  	_ =	shalt  }
0x7f: {  	_ =	shalt  }
0x80: {  	_ =	shalt  }
0x81: {  	_ =	shalt  }
0x82: {  	_ =	shalt  }
0x83: {  	_ =	shalt  }
0x84: {  	_ =	shalt  }
0x85: {  	_ =	shalt  }
0x86: {  	_ =	shalt  }
0x87: {  	_ =	shalt  }
.Lfunc_end0:
.L_simem_size_0:
called_computation_lowered:
.L_overlay_start_0:
0x88: {  	s2 =	sld [smem:$0x3FD9]  }
0x89: {  	s3 =	sld [smem:$0x3FFE];
	_ =	sdelay $0x1  }
0x8a: {  	s1 =	srdreg.scid  }
0x8b: {  	s0 =	sand.u32 $0x1, s1  }
0x8c: {  	s17 =	sshll.u32 s0, $0xA;
	s2 =	sadd.s32 s3, s2  }
0x8d: {  	s2 =	sadd.s32 s2, s17  }
0x8e: {  	[smem:$0x3FC0] =	sst s2  }
0x8f: {  	_ = 	snop  }
0x90: {  	s2 =	sld [smem:$0x3FD0];
	(tm) =	ssettm $0x1  }
0x91: {  	s18 =	sld [smem:$0x3FFB];
	_ =	sdelay $0x3  }
0x92: {  	_ =	strace s18  }
0x93: {  	s3 =	sld [smem:$0x3FFC];
	_ =	sdelay $0x3  }
0x94: {  	_ =	strace s3  }
0x95: {  	s3 =	sld [smem:$0x3FFD];
	_ =	sdelay $0x3  }
0x96: {  	_ =	strace s3  }
0x97: {  	_ =	strace $0x8FFFFFFF  }
0x98: {  	s19 =	sld [smem:$0x3FDB];
	_ =	sdelay $0x1  }
0x99: {  	s4 =	simm.s32 $_scs_section_size  }
0x9a: {  	s5 =	simm.s32 $_size__tile_overlayer_lowered;
	s6 =	simm.s32 $_tile_overlayer_lowered  }
0x9b: {  	s22 =	simm.s32 $0x1BFF;
	s21 =	sshll.u32 s6, $0x1;
	s3 =	sadd.s32 s4, s19  }
0x9c: {  	s7 =	simm.s32 $0x0;
	s20 =	sshll.u32 s5, $0x1;
	s5 =	sadd.s32 s21, s3  }
0x9d: {  	[timem:s7], [sflag:s22] =	dma.local [hbm:s5], s20  }
0x9e: {  	_ =	swait.ge [sflag:s22], s20  }
0x9f: {  	s4 =	ssub.s32 $0x0, s20;
	[sflag:s22] =	ssyncset.done $0x0  }
0xa0: {  	[sflag:s22] =	ssyncadd.s32 s4;
	_ =	sdelay $0x1  }
0xa1: {  	s23 =	simm.s32 $0x1B8B  }
0xa2: {  	_ =	swait.ge [sflag:s23], $0x1  }
0xa3: {  	[sflag:s23] =	ssyncset.done $0x0  }
0xa4: {  	s25 =	simm.s32 $0x1B8E;
	s24 =	sld [smem:$0x3FFE];
	[sflag:s23] =	ssyncadd.s32 $0xFFFFFFFF  }
0xa5: {  	s26 =	simm.s32 $execute0_lowered;
	[smem:$0x3FD2] =	sst s25  }
0xa6: {  	s5 =	sshll.u32 s26, $0x1;
	_ =	strace $0x80000046;
	[dreg:$0x1] =	wrdreg $0xFFFFFFFF  }
0xa7: {  	s28 =	simm.s32 $_size_execute0_lowered;
	s3 =	sadd.s32 s3, s5;
	[dreg:$0x0] =	wrdreg $0x0  }
0xa8: {  	s5 =	sshll.u32 s28, $0x1;
	[dreg:$0x2] =	wrdreg s3  }
0xa9: {  	[dreg:$0x3] =	wrdreg s5  }
0xaa: {  	[dreg:$0x4] =	wrdreg $0xC0  }
0xab: {  	_ =	task [dreg:s7], $0x5FFFF  }
0xac: {  	[dreg:$0x1] =	wrdreg $0xFFFFFFFF  }
0xad: {  	[dreg:$0x0] =	wrdreg $0x60  }
0xae: {  	[dreg:$0x2] =	wrdreg s2  }
0xaf: {  	[dreg:$0x3] =	wrdreg s24  }
0xb0: {  	[dreg:$0x4] =	wrdreg $0x68000  }
0xb1: {  	[dreg:$0x5] =	wrdreg $0x9  }
0xb2: {  	_ =	task.clear_ibuf [dreg:s7], $0x6FFFF;
	_ =	strace $0x90000046  }
0xb3: {  	s29 =	simm.s32 $0x9;
	_ =	strace $0x80000048  }
0xb4: {  	_ =	swait.ge [sflag:s29], $0x1  }
0xb5: {  	[sflag:s29] =	ssyncadd.s32 $0xFFFFFFFF  }
0xb6: {  	_ =	strace $0x90000048  }
0xb7: {  	_ =	sfence  }
0xb8: {  	s30 =	sld [smem:$0x0];
	_ =	sdelay $0x2  }
0xb9: {  	s31 =	sshll.u32 s1, $0xD;
	s1 =	sshrl.u32 s1, $0x2  }
0xba: {  	s3 =	sand.u32 $0x4000, s31;
	s1 =	sadd.s32 s1, s30  }
0xbb: {  	s0 =	sor.u32 s3, s0;
	s1 =	sshll.u32 s1, $0x11  }
0xbc: {  	s0 =	sor.u32 s1, s0  }
0xbd: {  	s0 =	sadd.s32 $0x8F2B, s0  }
0xbe: {  	[sflag:s0] =	ssyncadd.remote.s32 $0x1  }
0xbf: {  	_ =	sfence.sel $0xFFFF  }
0xc0: {  	[dreg:$0x0] =	wrdreg $0xFFFFFFFF;
	(pc) =	sbr.abs _section_cstart, $3  }
0xc1: {  	[dreg:$0x1] =	wrdreg $0xFFFFFFFF  }
0xc2: {  	_ =	task.clear_ibuf [dreg:s7], $0x2FFFF;
	_ =	strace $0x9FFFFFFF  }
0xc3: {  	(tm) =	ssettm $0x7FFFFFFF  }
tec
execute0_lowered:
.L_overlay_start_1:
0x0: {  	(tag) =	ssettag $0x1  }
0x1: {  	s6 =	rddreg [dreg:$0x0]  }
0x2: {  	s7 =	rddreg [dreg:$0x1]  }
0x3: {  	s2 =	rddreg [dreg:$0x2]  }
0x4: {  	s0 =	rddreg [dreg:$0x3];
	s3 =	simm.s32 $0x0;
	s4 =	srdreg.scid  }
0x5: {  	s1 =	stileid.u32;
	s16 =	simm.s32 $0x1;
	s17 =	simm.s32 $0x2  }
0x6: {  	s18 =	simm.s32 $0x3;
	s19 =	simm.s32 $0x4;
	s20 =	simm.s32 $0x5  }
0x7: {  	s21 =	simm.s32 $0x6;
	s22 =	simm.s32 $0x7;
	s23 =	simm.s32 $0x8  }
0x8: {  	s24 =	simm.s32 $0x0;
	[smem:$0x7FF] =	sst s3;
	s9 =	smul.u32 $0x4E000, s1  }
0x9: {  	s8 =	sand.u32 $0x1, s4;
	s4 =	sadd.s32 $0x3400, s7;
	s11 =	smul.u32 $0x2800, s1  }
0xa: {  	s5 =	sadd.s32 $0x3C00, s7;
	s12 =	sadd.s32 $0x6600, s7;
	s14 =	smul.u32 $0x13800, s1  }
0xb: {  	p0 =	seq.s32 s1, $0xF;
	s10 =	smul.u32 $0x28000, s8;
	s28 =	ssub.s32 $0x2, s8  }
0xc: {  	s8 =	smul.u32 $0x139000, s8;
	s13 =	sshrl.u32 s28, $0x1;
	s9 =	sshrl.u32 s9, $0x2  }
0xd: {  	_ =	strace $0x80000047;
	s13 =	ssub.s32 s28, s13;
	s15 =	sadd.s32 s9, s2  }
0xe: {  	s29 =	sadd.s32 s11, s10;
	s10 =	sadd.s32 $0x124800, s2;
	s30 =	sadd.s32 s14, s8  }
0xf: {  	s8 =	sshrl.u32 s8, $0x3;
	s11 =	sshll.u32 @!p0 s1, $0x6;
	s14 =	simm.s32 $0x9  }
0x10: {  	s7 =	sshrl.u32 s29, $0x3;
	s31 =	sshrl.u32 s30, $0x3;
	s8 =	sadd.s32 s12, s8  }
0x11: {  	s9 =	smax.u32 s13, $0x1;
	s10 =	sshrl.u32 @p0 s10, $0x3;
	s11 =	sor.u32 @!p0 $0x1C09, s11  }
0x12: {  	s13 =	simm.s32 $0x2800;
	s6 =	sadd.s32 s6, s7;
	s7 =	sadd.s32 s12, s31  }
0x13: {  	s8 =	sadd.s32 $0x24900, s8;
	s12 =	sshrl.u32 @!p0 s15, $0x3;
	s15 =	simm.s32 $0x80  }
.LBB2_1:
0x14: {  	s25 =	simm.s32 @p0 $0x1FC9  }
0x15: {  	[spmem:s10], [sflag:s25] =	dma.local @p0 [hbm:s5], $0x2900  }
0x16: {  	s25 =	simm.s32 @p0 $0x9  }
0x17: {  	_ =	swait.ge @p0 [sflag:s25], $0x2900  }
0x18: {  	[sflag:s25] =	ssyncset.done @p0 $0x0  }
0x19: {  	[sflag:s25] =	ssyncadd.s32 @p0 $0xFFFFD700;
	s25 =	simm.s32 @!p0 $0x9  }
0x1a: {  	[spmem:s12], [sflag:s11] =	dma.local @!p0 [hbm:s5], $0x2700  }
0x1b: {  	_ =	swait.ge @!p0 [sflag:s25], $0x2700  }
0x1c: {  	[sflag:s25] =	ssyncset.done @!p0 $0x0  }
0x1d: {  	[sflag:s25] =	ssyncadd.s32 @!p0 $0xFFFFD900  }
0x1e: {  	[tilespmem:s13], [sflag:$0x9] =	stream.linear.gather [hbm4b:s4+s3], $0x4000, $0x38;
	[tilespmem:$0x1A100] =	vst v63  }
0x1f: {  	_ =	swait.ge [sflag:s14], $0x4000  }
0x20: {  	[sflag:s14] =	ssyncset.done $0x0  }
0x21: {  	[sflag:s14] =	ssyncadd.s32 $0xFFFFC000  }
0x22: {  	[tilespmem:s3], [sflag:$0x9] =	stream.linear.gather [hbm4b:s6+s3], $0x2800, $0x38;
	[tilespmem:$0x1A100] =	vst v63  }
0x23: {  	_ =	swait.ge [sflag:s14], $0x2800  }
0x24: {  	[sflag:s14] =	ssyncset.done $0x0  }
0x25: {  	[sflag:s14] =	ssyncadd.s32 $0xFFFFD800  }
0x26: {  	s26 =	simm.s32 $0x0;
	[bflag:$0x0] =	sbarrier.arrive $0xFFFF  }
0x27: {  	[spmem:s2] =	stream.indirect.scatter.add.f32 [tilespmem:s13], [sflag:$0x1], $0x80, s26, s15, $0xb8;
	[tilespmem:$0x1A100] =	vst v63  }
0x28: {  	s29 =	simm.s32 $0x80  }
0x29: {  	[spmem:s2] =	stream.indirect.scatter.add.f32 [tilespmem:s13], [sflag:$0x2], $0x80, s29, s15, $0xb8;
	[tilespmem:$0x1A100] =	vst v63  }
0x2a: {  	s30 =	simm.s32 $0x100  }
0x2b: {  	[spmem:s2] =	stream.indirect.scatter.add.f32 [tilespmem:s13], [sflag:$0x3], $0x80, s30, s15, $0xb8;
	[tilespmem:$0x1A100] =	vst v63  }
0x2c: {  	s31 =	simm.s32 $0x180  }
0x2d: {  	[spmem:s2] =	stream.indirect.scatter.add.f32 [tilespmem:s13], [sflag:$0x4], $0x80, s31, s15, $0xb8;
	[tilespmem:$0x1A100] =	vst v63  }
0x2e: {  	s26 =	simm.s32 $0x200  }
0x2f: {  	[spmem:s2] =	stream.indirect.scatter.add.f32 [tilespmem:s13], [sflag:$0x5], $0x80, s26, s15, $0xb8;
	[tilespmem:$0x1A100] =	vst v63  }
0x30: {  	s29 =	simm.s32 $0x280  }
0x31: {  	[spmem:s2] =	stream.indirect.scatter.add.f32 [tilespmem:s13], [sflag:$0x6], $0x80, s29, s15, $0xb8;
	[tilespmem:$0x1A100] =	vst v63  }
0x32: {  	s30 =	simm.s32 $0x300  }
0x33: {  	[spmem:s2] =	stream.indirect.scatter.add.f32 [tilespmem:s13], [sflag:$0x7], $0x80, s30, s15, $0xb8;
	[tilespmem:$0x1A100] =	vst v63  }
0x34: {  	s31 =	simm.s32 $0x380  }
0x35: {  	[spmem:s2] =	stream.indirect.scatter.add.f32 [tilespmem:s13], [sflag:$0x8], $0x80, s31, s15, $0xb8;
	[tilespmem:$0x1A100] =	vst v63  }
0x36: {  	_ =	swait.ge [sflag:s16], $0x4000  }
0x37: {  	[sflag:s16] =	ssyncset.done $0x0  }
0x38: {  	[sflag:s16] =	ssyncadd.s32 $0xFFFFC000  }
0x39: {  	_ =	swait.ge [sflag:s17], $0x4000  }
0x3a: {  	[sflag:s17] =	ssyncset.done $0x0  }
0x3b: {  	[sflag:s17] =	ssyncadd.s32 $0xFFFFC000  }
0x3c: {  	_ =	swait.ge [sflag:s18], $0x4000  }
0x3d: {  	[sflag:s18] =	ssyncset.done $0x0  }
0x3e: {  	[sflag:s18] =	ssyncadd.s32 $0xFFFFC000  }
0x3f: {  	_ =	swait.ge [sflag:s19], $0x4000  }
0x40: {  	[sflag:s19] =	ssyncset.done $0x0  }
0x41: {  	[sflag:s19] =	ssyncadd.s32 $0xFFFFC000  }
0x42: {  	_ =	swait.ge [sflag:s20], $0x4000  }
0x43: {  	[sflag:s20] =	ssyncset.done $0x0  }
0x44: {  	[sflag:s20] =	ssyncadd.s32 $0xFFFFC000  }
0x45: {  	_ =	swait.ge [sflag:s21], $0x4000  }
0x46: {  	[sflag:s21] =	ssyncset.done $0x0  }
0x47: {  	[sflag:s21] =	ssyncadd.s32 $0xFFFFC000  }
0x48: {  	_ =	swait.ge [sflag:s22], $0x4000  }
0x49: {  	[sflag:s22] =	ssyncset.done $0x0  }
0x4a: {  	[sflag:s22] =	ssyncadd.s32 $0xFFFFC000  }
0x4b: {  	_ =	swait.ge [sflag:s23], $0x4000  }
0x4c: {  	s28 =	simm.s32 $0x2000;
	s25 =	simm.s32 $0x1000;
	[sflag:s23] =	ssyncset.done $0x0  }
.LBB2_2:
0x4d: {  	s29 =	sshra.s32 s25, $0x2  }
0x4e: {  	[sflag:s23] =	ssyncadd.s32 $0xFFFFC000;
	s25 =	smov.u32 s28;
	s26 =	sadd.s32 $0x1000, s28  }
0x4f: {  	[spmem:s2] =	stream.indirect.scatter.add.f32 [tilespmem:s13], [sflag:$0x1], $0x80, s29, s15, $0xb8;
	[tilespmem:$0x1A100] =	vst v63  }
0x50: {  	p1 =	sne.s32 s28, $0x9000;
	s28 =	sadd.s32 $0x80, s29  }
0x51: {  	[spmem:s2] =	stream.indirect.scatter.add.f32 [tilespmem:s13], [sflag:$0x2], $0x80, s28, s15, $0xb8;
	[tilespmem:$0x1A100] =	vst v63  }
0x52: {  	s28 =	sadd.s32 $0x100, s29  }
0x53: {  	[spmem:s2] =	stream.indirect.scatter.add.f32 [tilespmem:s13], [sflag:$0x3], $0x80, s28, s15, $0xb8;
	[tilespmem:$0x1A100] =	vst v63  }
0x54: {  	s28 =	sadd.s32 $0x180, s29  }
0x55: {  	[spmem:s2] =	stream.indirect.scatter.add.f32 [tilespmem:s13], [sflag:$0x4], $0x80, s28, s15, $0xb8;
	[tilespmem:$0x1A100] =	vst v63  }
0x56: {  	s28 =	sadd.s32 $0x200, s29  }
0x57: {  	[spmem:s2] =	stream.indirect.scatter.add.f32 [tilespmem:s13], [sflag:$0x5], $0x80, s28, s15, $0xb8;
	[tilespmem:$0x1A100] =	vst v63  }
0x58: {  	s28 =	sadd.s32 $0x280, s29  }
0x59: {  	[spmem:s2] =	stream.indirect.scatter.add.f32 [tilespmem:s13], [sflag:$0x6], $0x80, s28, s15, $0xb8;
	[tilespmem:$0x1A100] =	vst v63  }
0x5a: {  	s28 =	sadd.s32 $0x300, s29  }
0x5b: {  	[spmem:s2] =	stream.indirect.scatter.add.f32 [tilespmem:s13], [sflag:$0x7], $0x80, s28, s15, $0xb8;
	[tilespmem:$0x1A100] =	vst v63  }
0x5c: {  	s28 =	sadd.s32 $0x380, s29  }
0x5d: {  	[spmem:s2] =	stream.indirect.scatter.add.f32 [tilespmem:s13], [sflag:$0x8], $0x80, s28, s15, $0xb8;
	[tilespmem:$0x1A100] =	vst v63  }
0x5e: {  	_ =	swait.ge [sflag:s16], $0x4000  }
0x5f: {  	[sflag:s16] =	ssyncset.done $0x0  }
0x60: {  	[sflag:s16] =	ssyncadd.s32 $0xFFFFC000  }
0x61: {  	_ =	swait.ge [sflag:s17], $0x4000  }
0x62: {  	[sflag:s17] =	ssyncset.done $0x0  }
0x63: {  	[sflag:s17] =	ssyncadd.s32 $0xFFFFC000  }
0x64: {  	_ =	swait.ge [sflag:s18], $0x4000  }
0x65: {  	[sflag:s18] =	ssyncset.done $0x0  }
0x66: {  	[sflag:s18] =	ssyncadd.s32 $0xFFFFC000  }
0x67: {  	_ =	swait.ge [sflag:s19], $0x4000  }
0x68: {  	[sflag:s19] =	ssyncset.done $0x0  }
0x69: {  	[sflag:s19] =	ssyncadd.s32 $0xFFFFC000  }
0x6a: {  	_ =	swait.ge [sflag:s20], $0x4000  }
0x6b: {  	[sflag:s20] =	ssyncset.done $0x0  }
0x6c: {  	[sflag:s20] =	ssyncadd.s32 $0xFFFFC000  }
0x6d: {  	_ =	swait.ge [sflag:s21], $0x4000  }
0x6e: {  	[sflag:s21] =	ssyncset.done $0x0  }
0x6f: {  	[sflag:s21] =	ssyncadd.s32 $0xFFFFC000  }
.Ltmp0:
0x70: {  	_ =	swait.ge [sflag:s22], $0x4000;
	(pc) =	sbr.rel @p1 .LBB2_2-.Ltmp0, $4  }
0x71: {  	[sflag:s22] =	ssyncset.done $0x0  }
0x72: {  	[sflag:s22] =	ssyncadd.s32 $0xFFFFC000  }
0x73: {  	_ =	swait.ge [sflag:s23], $0x4000  }
0x74: {  	s28 =	smov.u32 s26;
	[sflag:s23] =	ssyncset.done $0x0  }
0x75: {  	s25 =	sshra.s32 s25, $0x2;
	[sflag:s23] =	ssyncadd.s32 $0xFFFFC000  }
0x76: {  	[spmem:s2] =	stream.indirect.scatter.add.f32 [tilespmem:s13], [sflag:$0x1], $0x80, s25, s15, $0xb8;
	[tilespmem:$0x1A100] =	vst v63  }
0x77: {  	s26 =	sadd.s32 $0x80, s25  }
0x78: {  	[spmem:s2] =	stream.indirect.scatter.add.f32 [tilespmem:s13], [sflag:$0x2], $0x80, s26, s15, $0xb8;
	[tilespmem:$0x1A100] =	vst v63  }
0x79: {  	s31 =	sadd.s32 $0x100, s25  }
0x7a: {  	[spmem:s2] =	stream.indirect.scatter.add.f32 [tilespmem:s13], [sflag:$0x3], $0x80, s31, s15, $0xb8;
	[tilespmem:$0x1A100] =	vst v63  }
0x7b: {  	s28 =	sadd.s32 $0x180, s25  }
0x7c: {  	[spmem:s2] =	stream.indirect.scatter.add.f32 [tilespmem:s13], [sflag:$0x4], $0x80, s28, s15, $0xb8;
	[tilespmem:$0x1A100] =	vst v63  }
0x7d: {  	s29 =	sadd.s32 $0x200, s25  }
0x7e: {  	[spmem:s2] =	stream.indirect.scatter.add.f32 [tilespmem:s13], [sflag:$0x5], $0x80, s29, s15, $0xb8;
	[tilespmem:$0x1A100] =	vst v63  }
0x7f: {  	s30 =	sadd.s32 $0x280, s25  }
0x80: {  	[spmem:s2] =	stream.indirect.scatter.add.f32 [tilespmem:s13], [sflag:$0x6], $0x80, s30, s15, $0xb8;
	[tilespmem:$0x1A100] =	vst v63  }
0x81: {  	s31 =	sadd.s32 $0x300, s25  }
0x82: {  	[spmem:s2] =	stream.indirect.scatter.add.f32 [tilespmem:s13], [sflag:$0x7], $0x80, s31, s15, $0xb8;
	[tilespmem:$0x1A100] =	vst v63  }
0x83: {  	s25 =	sadd.s32 $0x380, s25  }
0x84: {  	[spmem:s2] =	stream.indirect.scatter.add.f32 [tilespmem:s13], [sflag:$0x8], $0x80, s25, s15, $0xb8;
	[tilespmem:$0x1A100] =	vst v63  }
0x85: {  	_ =	swait.ge [sflag:s16], $0x4000  }
0x86: {  	[sflag:s16] =	ssyncset.done $0x0  }
0x87: {  	[sflag:s16] =	ssyncadd.s32 $0xFFFFC000  }
0x88: {  	_ =	swait.ge [sflag:s17], $0x4000  }
0x89: {  	[sflag:s17] =	ssyncset.done $0x0  }
0x8a: {  	[sflag:s17] =	ssyncadd.s32 $0xFFFFC000  }
0x8b: {  	_ =	swait.ge [sflag:s18], $0x4000  }
0x8c: {  	[sflag:s18] =	ssyncset.done $0x0  }
0x8d: {  	[sflag:s18] =	ssyncadd.s32 $0xFFFFC000  }
0x8e: {  	_ =	swait.ge [sflag:s19], $0x4000  }
0x8f: {  	[sflag:s19] =	ssyncset.done $0x0  }
0x90: {  	[sflag:s19] =	ssyncadd.s32 $0xFFFFC000  }
0x91: {  	_ =	swait.ge [sflag:s20], $0x4000  }
0x92: {  	[sflag:s20] =	ssyncset.done $0x0  }
0x93: {  	[sflag:s20] =	ssyncadd.s32 $0xFFFFC000  }
0x94: {  	_ =	swait.ge [sflag:s21], $0x4000  }
0x95: {  	[sflag:s21] =	ssyncset.done $0x0  }
0x96: {  	[sflag:s21] =	ssyncadd.s32 $0xFFFFC000  }
0x97: {  	_ =	swait.ge [sflag:s22], $0x4000  }
0x98: {  	[sflag:s22] =	ssyncset.done $0x0  }
0x99: {  	[sflag:s22] =	ssyncadd.s32 $0xFFFFC000  }
0x9a: {  	_ =	swait.ge [sflag:s23], $0x4000  }
0x9b: {  	[sflag:s23] =	ssyncset.done $0x0  }
0x9c: {  	[sflag:s23] =	ssyncadd.s32 $0xFFFFC000  }
0x9d: {  	s25 =	simm.s32 @p0 $0x1FC9;
	[bflag:$0x0] =	sbarrier.arrive $0xFFFF  }
0x9e: {  	[hbm:s8], [sflag:s25] =	dma.local @p0 [spmem:s10], $0x2900  }
0x9f: {  	s25 =	simm.s32 @p0 $0x9  }
0xa0: {  	s24 =	sadd.s32 $0x1, s24;
	_ =	swait.ge @p0 [sflag:s25], $0x2900  }
0xa1: {  	p1 =	sne.s32 s24, s9;
	[sflag:s25] =	ssyncset.done @p0 $0x0  }
.Ltmp1:
0xa2: {  	[sflag:s25] =	ssyncadd.s32 @p0 $0xFFFFD700;
	s25 =	simm.s32 @!p0 $0x9;
	(pc) =	sbr.rel @p1 .LBB2_1-.Ltmp1, $4  }
0xa3: {  	[hbm:s7], [sflag:s11] =	dma.local @!p0 [spmem:s12], $0x2700  }
0xa4: {  	_ =	swait.ge @!p0 [sflag:s25], $0x2700  }
0xa5: {  	[sflag:s25] =	ssyncset.done @!p0 $0x0  }
0xa6: {  	[sflag:s25] =	ssyncadd.s32 @!p0 $0xFFFFD900  }
0xa7: {  	_ =	sfence.sel $0x180000  }
0xa8: {  	[bflag:$0x0] =	sbarrier.arrive $0xFFFF  }
0xa9: {  	p0 =	sne.s32 s1, $0x0;
	_ =	strace $0x90000047  }
0xaa: {  	s0 =	sadd.s32 @!p0 $0x100000, s0;
	[bflag:$0x2] =	sbarrier.arrive $0xFFFF  }
0xab: {  	[sflag:s0] =	ssyncadd.tile.s32 @!p0 $0x1;
	_ =	shalt  }
.Lfunc_end2:
_tile_overlayer_lowered:
.L_overlay_start_2:
0xac: {  	(tag) =	ssettag $0x2  }
0xad: {  	s0 =	rddreg [dreg:$0x0];
	s2 =	stileid.u32  }
0xae: {  	s1 =	rddreg [dreg:$0x1];
	p0 =	sne.s32 s2, $0x0  }
0xaf: {  	s3 =	rddreg [dreg:$0x2];
	[bflag:$0x3] =	sbarrier.arrive $0xFFFF;
	s2 =	simm.s32 @!p0 $0x1C09  }
0xb0: {  	[timem:s3], [sflag:s2] =	dma.local @!p0 [hbm:s0], s1  }
0xb1: {  	s0 =	simm.s32 @!p0 $0x9  }
0xb2: {  	_ =	swait.ge @!p0 [sflag:s0], s1  }
0xb3: {  	s1 =	ssub.s32 @!p0 $0x0, s1;
	[sflag:s0] =	ssyncset.done @!p0 $0x0  }
0xb4: {  	[sflag:s0] =	ssyncadd.s32 @!p0 s1  }
0xb5: {  	[bflag:$0x3] =	sbarrier.arrive $0xFFFF  }
0xb6: {  	_ =	shalt  }

// kernel: kernel.13.cloned.1.call-start
scs
__scs_entry_jumppad:
0x0: {  	(pc) =	sbr.rel $0x88, $3  }
0x1: {  	(tag) =	ssettag $0x0;
	lr =	simm.s32 $0x1  }
0x2: {  	[smem:$0x3F99] =	sst lr;
	_ =	strace $0xD0000000  }
0x3: {  	_ = 	snop  }
0x4: {  	_ = 	snop  }
0x5: {  	_ = 	snop  }
0x6: {  	_ = 	snop  }
0x7: {  	_ = 	snop  }
__scs_overlays_trampoline_lowered:
0x8: {  	[smem:$0x3FA8] =	sst s0  }
0x9: {  	[smem:$0x3FA9] =	sst s1  }
0xa: {  	[smem:$0x3FAA] =	sst s2  }
0xb: {  	[smem:$0x3FAB] =	sst s3  }
0xc: {  	[smem:$0x3FAC] =	sst s4  }
0xd: {  	[smem:$0x3FAD] =	sst s5  }
0xe: {  	[smem:$0x3FAE] =	sst s6  }
0xf: {  	[smem:$0x3FAF] =	sst s7  }
0x10: {  	[smem:$0x3FB0] =	sst s8  }
0x11: {  	[smem:$0x3FB1] =	sst s9;
	s0 =	simm.s32 @!p0 $0x0  }
0x12: {  	s1 =	sld [smem:$0x3F97];
	s0 =	simm.s32 @p0 $0x1  }
0x13: {  	[smem:$0x3FB2] =	sst s0;
	s0 =	simm.s32 @!p1 $0x0  }
0x14: {  	s2 =	sld [smem:$0x3F96];
	s0 =	simm.s32 @p1 $0x1  }
0x15: {  	[smem:$0x3FB3] =	sst s0;
	s0 =	simm.s32 @!p2 $0x0  }
0x16: {  	s3 =	sld [smem:$0x3FDB];
	s0 =	simm.s32 @p2 $0x1  }
0x17: {  	s4 =	simm.s32 $0x1BF5;
	[smem:$0x3FB5] =	sst s0  }
0x18: {  	s0 =	sld [smem:$0x3F98];
	_ =	swait.ge [sflag:s4], $0x0  }
0x19: {  	s7 =	sld [smem:$0x3F99]  }
0x1a: {  	s8 =	sadd.s32 $0xFFFFE003, lr  }
0x1b: {  	s9 =	sadd.s32 $0xFFFFFEF7, lr;
	s5 =	simm.s32 $0xFFFFFFFF;
	p2 =	slt.u32 s8, $0xFFFFF086  }
0x1c: {  	p1 =	slt.u32 s9, $0xF7A;
	s5 =	simm.s32 @!p2 $0x0  }
0x1d: {  	s5 =	simm.s32 @p1 $0x1;
	p0 =	seq.s32 s7, s2  }
0x1e: {  	s7 =	smul.u32 @!p0 $0xF7A, s2;
	p2 =	seq.s32 @!p0 s5, $0x0  }
0x1f: {  	s9 =	smul.u32 $0xF7A, s1;
	s8 =	simm.s32 @!p0 $0x1BF5;
	p2 =	por !p2, p0  }
0x20: {  	[sflag:s8] =	ssyncset.s32 @!p0 $0xFFFFF086;
	s6 =	sadd.s32 @!p0 s3, s7;
	s7 =	simm.s32 @!p0 $0x108  }
0x21: {  	s3 =	sadd.s32 s3, s9;
	s6 =	sadd.s32 @!p0 $0x88, s6;
	s7 =	simm.s32 @p2 $0x1082  }
0x22: {  	[simem:s7], [sflag:s8] =	dma.local @!p0 [hbm:s6], $0xF7A  }
0x23: {  	s9 =	sor.u32 $0xD0000000, s2;
	s6 =	simm.s32 $0x108;
	_ =	swait.ge @!p0 [sflag:s8], $0x0  }
0x24: {  	s3 =	sadd.s32 $0x88, s3;
	s6 =	simm.s32 @!p1 $0x1082;
	[sflag:s4] =	ssyncset.s32 $0xFFFFF086  }
0x25: {  	[simem:s6], [sflag:s4] =	dma.local [hbm:s3], $0xF7A  }
0x26: {  	[smem:$0x3F99] =	sst s1;
	(tag) =	ssettag s2;
	_ =	strace s9  }
0x27: {  	s1 =	sld [smem:$0x3FA9]  }
0x28: {  	s2 =	sld [smem:$0x3FAA]  }
0x29: {  	s4 =	sld [smem:$0x3FAC]  }
0x2a: {  	p0 =	seq.s32 s5, $0x0;
	s5 =	sld [smem:$0x3FAD]  }
0x2b: {  	s6 =	sld [smem:$0x3FAE]  }
0x2c: {  	s7 =	sld [smem:$0x3FAF]  }
0x2d: {  	s3 =	simm.s32 $0x108;
	s8 =	sld [smem:$0x3FB0]  }
0x2e: {  	s3 =	simm.s32 @!p0 $0x1082;
	s9 =	sld [smem:$0x3FB1]  }
0x2f: {  	lr =	sadd.s32 s0, s3;
	s0 =	sld [smem:$0x3FA8]  }
0x30: {  	s3 =	sld [smem:$0x3FAB]  }
0x31: {  	[smem:$0x3FB4] =	sst s10  }
0x32: {  	s10 =	sld [smem:$0x3FB2];
	_ =	sdelay $0x3  }
0x33: {  	p0 =	seq.s32 s10, $0x1;
	s10 =	sld [smem:$0x3FB4];
	_ =	sdelay $0x3  }
0x34: {  	[smem:$0x3FB4] =	sst s10  }
0x35: {  	s10 =	sld [smem:$0x3FB3];
	_ =	sdelay $0x3  }
0x36: {  	p1 =	seq.s32 s10, $0x1;
	s10 =	sld [smem:$0x3FB4];
	_ =	sdelay $0x3  }
0x37: {  	[smem:$0x3FB4] =	sst s10  }
0x38: {  	s10 =	sld [smem:$0x3FB5]  }
0x39: {  	_ = 	snop;
	(pc) =	sbr.ind lr, $3  }
0x3a: {  	_ = 	snop  }
0x3b: {  	_ = 	snop  }
0x3c: {  	p2 =	seq.s32 s10, $0x1;
	s10 =	sld [smem:$0x3FB4]  }
0x3d: {  	_ =	shalt  }
0x3e: {  	_ =	shalt  }
0x3f: {  	_ =	shalt  }
0x40: {  	_ =	shalt  }
0x41: {  	_ =	shalt  }
0x42: {  	_ =	shalt  }
0x43: {  	_ =	shalt  }
0x44: {  	_ =	shalt  }
0x45: {  	_ =	shalt  }
0x46: {  	_ =	shalt  }
0x47: {  	_ =	shalt  }
0x48: {  	_ =	shalt  }
0x49: {  	_ =	shalt  }
0x4a: {  	_ =	shalt  }
0x4b: {  	_ =	shalt  }
0x4c: {  	_ =	shalt  }
0x4d: {  	_ =	shalt  }
0x4e: {  	_ =	shalt  }
0x4f: {  	_ =	shalt  }
0x50: {  	_ =	shalt  }
0x51: {  	_ =	shalt  }
0x52: {  	_ =	shalt  }
0x53: {  	_ =	shalt  }
0x54: {  	_ =	shalt  }
0x55: {  	_ =	shalt  }
0x56: {  	_ =	shalt  }
0x57: {  	_ =	shalt  }
0x58: {  	_ =	shalt  }
0x59: {  	_ =	shalt  }
0x5a: {  	_ =	shalt  }
0x5b: {  	_ =	shalt  }
0x5c: {  	_ =	shalt  }
0x5d: {  	_ =	shalt  }
0x5e: {  	_ =	shalt  }
0x5f: {  	_ =	shalt  }
0x60: {  	_ =	shalt  }
0x61: {  	_ =	shalt  }
0x62: {  	_ =	shalt  }
0x63: {  	_ =	shalt  }
0x64: {  	_ =	shalt  }
0x65: {  	_ =	shalt  }
0x66: {  	_ =	shalt  }
0x67: {  	_ =	shalt  }
0x68: {  	_ =	shalt  }
0x69: {  	_ =	shalt  }
0x6a: {  	_ =	shalt  }
0x6b: {  	_ =	shalt  }
0x6c: {  	_ =	shalt  }
0x6d: {  	_ =	shalt  }
0x6e: {  	_ =	shalt  }
0x6f: {  	_ =	shalt  }
0x70: {  	_ =	shalt  }
0x71: {  	_ =	shalt  }
0x72: {  	_ =	shalt  }
0x73: {  	_ =	shalt  }
0x74: {  	_ =	shalt  }
0x75: {  	_ =	shalt  }
0x76: {  	_ =	shalt  }
0x77: {  	_ =	shalt  }
0x78: {  	_ =	shalt  }
0x79: {  	_ =	shalt  }
0x7a: {  	_ =	shalt  }
0x7b: {  	_ =	shalt  }
0x7c: {  	_ =	shalt  }
0x7d: {  	_ =	shalt  }
0x7e: {  	_ =	shalt  }
0x7f: {  	_ =	shalt  }
0x80: {  	_ =	shalt  }
0x81: {  	_ =	shalt  }
0x82: {  	_ =	shalt  }
0x83: {  	_ =	shalt  }
0x84: {  	_ =	shalt  }
0x85: {  	_ =	shalt  }
0x86: {  	_ =	shalt  }
0x87: {  	_ =	shalt  }
.Lfunc_end0:
.L_simem_size_0:
called_computation.1_lowered:
.L_overlay_start_0:
0x88: {  	s2 =	sld [smem:$0x3FD9]  }
0x89: {  	s3 =	sld [smem:$0x3FFE];
	_ =	sdelay $0x1  }
0x8a: {  	s1 =	srdreg.scid  }
0x8b: {  	s0 =	sand.u32 $0x1, s1  }
0x8c: {  	s17 =	sshll.u32 s0, $0xA;
	s2 =	sadd.s32 s3, s2  }
0x8d: {  	s2 =	sadd.s32 s2, s17  }
0x8e: {  	[smem:$0x3FC0] =	sst s2  }
0x8f: {  	_ = 	snop  }
0x90: {  	s2 =	sld [smem:$0x3FD0];
	(tm) =	ssettm $0x1  }
0x91: {  	s18 =	sld [smem:$0x3FFB];
	_ =	sdelay $0x3  }
0x92: {  	_ =	strace s18  }
0x93: {  	s3 =	sld [smem:$0x3FFC];
	_ =	sdelay $0x3  }
0x94: {  	_ =	strace s3  }
0x95: {  	s3 =	sld [smem:$0x3FFD];
	_ =	sdelay $0x3  }
0x96: {  	_ =	strace s3  }
0x97: {  	_ =	strace $0x8FFFFFFF  }
0x98: {  	s19 =	sld [smem:$0x3FDB];
	_ =	sdelay $0x1  }
0x99: {  	s4 =	simm.s32 $_scs_section_size  }
0x9a: {  	s5 =	simm.s32 $_size__tile_overlayer_lowered;
	s6 =	simm.s32 $_tile_overlayer_lowered  }
0x9b: {  	s22 =	simm.s32 $0x1BFF;
	s21 =	sshll.u32 s6, $0x1;
	s3 =	sadd.s32 s4, s19  }
0x9c: {  	s7 =	simm.s32 $0x0;
	s20 =	sshll.u32 s5, $0x1;
	s5 =	sadd.s32 s21, s3  }
0x9d: {  	[timem:s7], [sflag:s22] =	dma.local [hbm:s5], s20  }
0x9e: {  	_ =	swait.ge [sflag:s22], s20  }
0x9f: {  	s4 =	ssub.s32 $0x0, s20;
	[sflag:s22] =	ssyncset.done $0x0  }
0xa0: {  	[sflag:s22] =	ssyncadd.s32 s4;
	_ =	sdelay $0x1  }
0xa1: {  	s23 =	simm.s32 $0x1B8B  }
0xa2: {  	_ =	swait.ge [sflag:s23], $0x1  }
0xa3: {  	[sflag:s23] =	ssyncset.done $0x0  }
0xa4: {  	s25 =	simm.s32 $0x1B8E;
	s24 =	sld [smem:$0x3FFE];
	[sflag:s23] =	ssyncadd.s32 $0xFFFFFFFF  }
0xa5: {  	s26 =	simm.s32 $execute0_lowered;
	[smem:$0x3FD2] =	sst s25  }
0xa6: {  	s5 =	sshll.u32 s26, $0x1;
	_ =	strace $0x80000049;
	[dreg:$0x1] =	wrdreg $0xFFFFFFFF  }
0xa7: {  	s28 =	simm.s32 $_size_execute0_lowered;
	s3 =	sadd.s32 s3, s5;
	[dreg:$0x0] =	wrdreg $0x0  }
0xa8: {  	s5 =	sshll.u32 s28, $0x1;
	[dreg:$0x2] =	wrdreg s3  }
0xa9: {  	[dreg:$0x3] =	wrdreg s5  }
0xaa: {  	[dreg:$0x4] =	wrdreg $0xC0  }
0xab: {  	_ =	task [dreg:s7], $0x5FFFF  }
0xac: {  	[dreg:$0x1] =	wrdreg $0xFFFFFFFF  }
0xad: {  	[dreg:$0x0] =	wrdreg $0x60  }
0xae: {  	[dreg:$0x2] =	wrdreg s2  }
0xaf: {  	[dreg:$0x3] =	wrdreg s24  }
0xb0: {  	[dreg:$0x4] =	wrdreg $0xC4000  }
0xb1: {  	[dreg:$0x5] =	wrdreg $0x9  }
0xb2: {  	_ =	task.clear_ibuf [dreg:s7], $0x6FFFF;
	_ =	strace $0x90000049  }
0xb3: {  	s29 =	simm.s32 $0x9;
	_ =	strace $0x8000004B  }
0xb4: {  	_ =	swait.ge [sflag:s29], $0x1  }
0xb5: {  	[sflag:s29] =	ssyncadd.s32 $0xFFFFFFFF  }
0xb6: {  	_ =	strace $0x9000004B  }
0xb7: {  	_ =	sfence  }
0xb8: {  	s30 =	sld [smem:$0x0];
	_ =	sdelay $0x2  }
0xb9: {  	s31 =	sshll.u32 s1, $0xD;
	s1 =	sshrl.u32 s1, $0x2  }
0xba: {  	s3 =	sand.u32 $0x4000, s31;
	s1 =	sadd.s32 s1, s30  }
0xbb: {  	s0 =	sor.u32 s3, s0;
	s1 =	sshll.u32 s1, $0x11  }
0xbc: {  	s0 =	sor.u32 s1, s0  }
0xbd: {  	s0 =	sadd.s32 $0x8F2B, s0  }
0xbe: {  	[sflag:s0] =	ssyncadd.remote.s32 $0x1  }
0xbf: {  	_ =	sfence.sel $0xFFFF  }
0xc0: {  	[dreg:$0x0] =	wrdreg $0xFFFFFFFF;
	(pc) =	sbr.abs _section_cstart, $3  }
0xc1: {  	[dreg:$0x1] =	wrdreg $0xFFFFFFFF  }
0xc2: {  	_ =	task.clear_ibuf [dreg:s7], $0x2FFFF;
	_ =	strace $0x9FFFFFFF  }
0xc3: {  	(tm) =	ssettm $0x7FFFFFFF  }
tec
execute0_lowered:
.L_overlay_start_1:
0x0: {  	(tag) =	ssettag $0x1  }
0x1: {  	s1 =	rddreg [dreg:$0x0]  }
0x2: {  	s0 =	rddreg [dreg:$0x1]  }
0x3: {  	s2 =	rddreg [dreg:$0x2];
	s4 =	simm.s32 $0x0  }
0x4: {  	s3 =	srdreg.scid;
	s12 =	stileid.u32;
	s28 =	simm.s32 $0x400  }
0x5: {  	s29 =	simm.s32 $0x2;
	s30 =	simm.s32 $0x4400;
	s6 =	smul.u32 $0x4E000, s12  }
0x6: {  	s31 =	simm.s32 $0x0;
	[smem:$0x7FF] =	sst s4;
	s9 =	smul.u32 $0xA000, s12  }
0x7: {  	s8 =	sadd.s32 $0x54A00, s0;
	s3 =	sand.u32 $0x1, s3;
	s20 =	smul.u32 $0x13800, s12  }
0x8: {  	s5 =	sadd.s32 $0x3C00, s0;
	s0 =	sadd.s32 $0x6600, s0;
	s17 =	smul.u32 $0x1400, s12  }
0x9: {  	p1 =	seq.s32 s12, $0xF;
	_ =	strace $0x8000004A;
	s7 =	ssub.s32 $0x2, s3  }
0xa: {  	s11 =	smul.u32 $0x139000, s3;
	p0 =	seq.s32 s3, $0x1;
	s10 =	sshrl.u32 s7, $0x1  }
0xb: {  	s6 =	sshrl.u32 s6, $0x2;
	s18 =	sshrl.u32 s9, $0x3;
	s9 =	sadd.s32 $0x124800, s2  }
0xc: {  	s26 =	sadd.s32 s17, s8;
	s10 =	ssub.s32 s7, s10;
	s7 =	sadd.s32 s8, s18  }
0xd: {  	s6 =	sadd.s32 s6, s2;
	s3 =	sadd.s32 s20, s11;
	s19 =	sadd.s32 $0x20, s7  }
0xe: {  	s11 =	sshrl.u32 s11, $0x3;
	s13 =	sadd.s32 $0x40, s7;
	[dreg:$0x4] =	wrdreg s19  }
0xf: {  	s8 =	sadd.s32 $0x60, s26;
	s21 =	sadd.s32 $0x60, s7;
	[dreg:$0x5] =	wrdreg s13  }
0x10: {  	s20 =	sshrl.u32 @p1 s9, $0x3;
	s22 =	sadd.s32 $0xE60, s7;
	[dreg:$0x6] =	wrdreg s21  }
0x11: {  	s23 =	sadd.s32 $0xE80, s7;
	s24 =	sadd.s32 $0xEA0, s7;
	[dreg:$0x7] =	wrdreg s22  }
0x12: {  	s3 =	sshrl.u32 s3, $0x3;
	s25 =	sadd.s32 $0xEC0, s7;
	[dreg:$0x8] =	wrdreg s23  }
.Ltmp0:
0x13: {  	s17 =	smax.u32 s10, $0x1;
	[dreg:$0x9] =	wrdreg s24;
	(pc) =	sbr.rel .LBB2_1-.Ltmp0, $4  }
0x14: {  	[dreg:$0xa] =	wrdreg s25;
	s15 =	sadd.s32 s0, s3;
	s0 =	sadd.s32 s0, s11  }
0x15: {  	s3 =	sshll.u32 @!p1 s12, $0x6;
	s19 =	sadd.s32 $0xEC0, s26;
	s22 =	simm.s32 $0x100  }
0x16: {  	s23 =	simm.s32 $0x200;
	s24 =	simm.s32 $0x300;
	s25 =	simm.s32 $0x1  }
0x17: {  	s26 =	simm.s32 $0x80;
	s16 =	sadd.s32 $0x24900, s0;
	s21 =	sor.u32 @!p1 $0x1C0B, s3  }
.LBB2_17:
0x18: {  	s3 =	simm.s32 $0xA  }
.LBB2_18:
0x19: {  	_ =	swait.ge [sflag:s3], $0x4000  }
0x1a: {  	[sflag:s3] =	ssyncset.done $0x0  }
0x1b: {  	[sflag:s3] =	ssyncadd.s32 $0xFFFFC000  }
0x1c: {  	s3 =	simm.s32 @p1 $0x1FCB;
	[bflag:$0x0] =	sbarrier.arrive $0xFFFF  }
0x1d: {  	[hbm:s16], [sflag:s3] =	dma.local @p1 [spmem:s20], $0x2900  }
0x1e: {  	s3 =	simm.s32 @p1 $0xB  }
0x1f: {  	_ =	swait.ge @p1 [sflag:s3], $0x2900  }
0x20: {  	s31 =	sadd.s32 $0x1, s31;
	[sflag:s3] =	ssyncset.done @p1 $0x0  }
0x21: {  	p2 =	sne.s32 s31, s17;
	[sflag:s3] =	ssyncadd.s32 @p1 $0xFFFFD700  }
0x22: {  	[hbm:s15], [sflag:s21] =	dma.local @!p1 [spmem:s0], $0x2700  }
.Ltmp1:
0x23: {  	_ = 	snop;
	(pc) =	sbr.rel @!p2 .LBB2_19-.Ltmp1, $4  }
0x24: {  	s0 =	simm.s32 @!p1 $0xB  }
0x25: {  	_ =	swait.ge @!p1 [sflag:s0], $0x2700  }
0x26: {  	[sflag:s0] =	ssyncset.done @!p1 $0x0  }
0x27: {  	[sflag:s0] =	ssyncadd.s32 @!p1 $0xFFFFD900  }
.LBB2_1:
0x28: {  	s0 =	simm.s32 @p1 $0x1FCB  }
0x29: {  	[spmem:s20], [sflag:s0] =	dma.local @p1 [hbm:s5], $0x2900  }
0x2a: {  	s0 =	simm.s32 @p1 $0xB  }
0x2b: {  	_ =	swait.ge @p1 [sflag:s0], $0x2900  }
0x2c: {  	[sflag:s0] =	ssyncset.done @p1 $0x0  }
0x2d: {  	s3 =	simm.s32 @!p1 $0xB;
	[sflag:s0] =	ssyncadd.s32 @p1 $0xFFFFD700;
	s0 =	sshrl.u32 @!p1 s6, $0x3  }
0x2e: {  	[spmem:s0], [sflag:s21] =	dma.local @!p1 [hbm:s5], $0x2700  }
.Ltmp2:
0x2f: {  	_ =	swait.ge @!p1 [sflag:s3], $0x2700;
	(pc) =	sbr.rel @!p0 .LBB2_2-.Ltmp2, $4  }
0x30: {  	[sflag:s3] =	ssyncset.done @!p1 $0x0  }
0x31: {  	[sflag:s3] =	ssyncadd.s32 @!p1 $0xFFFFD900  }
0x32: {  	[bflag:$0x0] =	sbarrier.arrive $0xFFFF  }
0x33: {  	s3 =	simm.s32 $0x0  }
0x34: {  	s9 =	rddreg [dreg:$0x7]  }
0x35: {  	[tilespmem:s3], [sflag:$0x1] =	stream.linear.gather [hbm4b:s9+s3], $0x100, $0x38;
	[tilespmem:$0x1FD00] =	vst v63  }
0x36: {  	s13 =	rddreg [dreg:$0x8]  }
0x37: {  	[tilespmem:s22], [sflag:$0x2] =	stream.linear.gather [hbm4b:s13+s3], $0x100, $0x38;
	[tilespmem:$0x1FD00] =	vst v63  }
0x38: {  	s14 =	rddreg [dreg:$0x9]  }
0x39: {  	[tilespmem:s23], [sflag:$0x3] =	stream.linear.gather [hbm4b:s14+s3], $0x100, $0x38;
	[tilespmem:$0x1FD00] =	vst v63  }
0x3a: {  	s18 =	rddreg [dreg:$0xa]  }
0x3b: {  	[tilespmem:s24], [sflag:$0x4] =	stream.linear.gather [hbm4b:s18+s3], $0x100, $0x38;
	[tilespmem:$0x1FD00] =	vst v63  }
0x3c: {  	_ =	swait.ge [sflag:s25], $0x100  }
0x3d: {  	[sflag:s25] =	ssyncset.done $0x0  }
0x3e: {  	[sflag:s25] =	ssyncadd.s32 $0xFFFFFF00  }
0x3f: {  	[tilespmem:s28], [sflag:$0x5] =	stream.indirect.gather [hbm4b:s1+s26], $0x80, s3, s26, $0xb8;
	[tilespmem:$0x1FD00] =	vst v63  }
.Ltmp3:
0x40: {  	_ = 	snop;
	(pc) =	sbr.rel .LBB2_11-.Ltmp3, $4  }
0x41: {  	_ =	swait.ge [sflag:s29], $0x100  }
0x42: {  	[sflag:s29] =	ssyncset.done $0x0  }
0x43: {  	s9 =	simm.s32 $0x0;
	s18 =	smov.u32 s19;
	[sflag:s29] =	ssyncadd.s32 $0xFFFFFF00  }
0x44: {  	[tilespmem:s30], [sflag:$0x6] =	stream.indirect.gather [hbm4b:s1+s26], $0x80, s22, s26, $0xb8;
	[tilespmem:$0x1FD00] =	vst v63  }
.LBB2_13:
0x45: {  	s12 =	sadd.s32 $0xFFFFFFFF, s9  }
0x46: {  	s12 =	sand.u32 $0x3, s12  }
0x47: {  	s13 =	sshll.u32 s12, $0x8;
	s12 =	sadd.s32 $0x1, s12  }
0x48: {  	[tilespmem:s13], [sflag:s12] =	stream.linear.gather [hbm4b:s18+s4], $0x100, $0x38;
	[tilespmem:$0x1FD00] =	vst v63  }
.LBB2_15:
0x49: {  	s10 =	sand.u32 $0x3, s10  }
0x4a: {  	s12 =	sadd.s32 $0x1, s10  }
0x4b: {  	_ =	swait.ge [sflag:s12], $0x100  }
0x4c: {  	s13 =	sshll.u32 s11, $0xE;
	s14 =	sadd.s32 $0x5, s11;
	[sflag:s12] =	ssyncset.done $0x0  }
0x4d: {  	s10 =	sshll.u32 s10, $0x8;
	[sflag:s12] =	ssyncadd.s32 $0xFFFFFF00;
	s12 =	sor.u32 $0x400, s13  }
0x4e: {  	[tilespmem:s12], [sflag:s14] =	stream.indirect.gather [hbm4b:s1+s26], $0x80, s10, s26, $0xb8;
	[tilespmem:$0x1FD00] =	vst v63  }
.LBB2_16:
0x4f: {  	s9 =	sadd.s32 $0x1, s9  }
0x50: {  	p2 =	sne.s32 s9, $0x2D  }
.Ltmp4:
0x51: {  	_ = 	snop;
	(pc) =	sbr.rel @!p2 .LBB2_17-.Ltmp4, $2  }
0x52: {  	_ =	sdelay $0x2  }
0x53: {  	s18 =	sadd.s32 $0x20, s18;
	s3 =	sadd.s32 $0x400, s3  }
.LBB2_11:
0x54: {  	s10 =	smul.u32 $0xAB, s9;
	_ =	sdelay $0x1  }
0x55: {  	s11 =	sshrl.u32 s10, $0x9  }
0x56: {  	s11 =	sand.u32 $0x7F, s11  }
0x57: {  	s11 =	smul.u32 $0x3, s11;
	_ =	sdelay $0x1  }
0x58: {  	s11 =	ssub.s32 s9, s11  }
0x59: {  	s14 =	sand.u32 $0xC00, s3;
	p2 =	seq.s32 s9, $0x0;
	s11 =	sand.u32 $0xFF, s11  }
0x5a: {  	s14 =	sshrl.u32 s14, $0x2;
	s10 =	sadd.s32 $0x156, s10;
	s13 =	sadd.s32 $0x5, s11  }
0x5b: {  	s14 =	sor.u32 $0x80, s14;
	s12 =	sshrl.u32 s10, $0x9;
	_ =	swait.ge [sflag:s13], $0x4000  }
0x5c: {  	s10 =	sadd.s32 $0x2, s9;
	s12 =	sand.u32 $0x7F, s12;
	[sflag:s13] =	ssyncset.done $0x0  }
.Ltmp5:
0x5d: {  	[sflag:s13] =	ssyncadd.s32 $0xFFFFC000;
	s13 =	sshll.u32 s11, $0xE;
	(pc) =	sbr.rel @p2 .LBB2_15-.Ltmp5, $4  }
0x5e: {  	s12 =	smul.u32 $0x3, s12;
	s11 =	sor.u32 $0x8, s11;
	s13 =	sor.u32 $0x400, s13  }
0x5f: {  	[spmem:s2] =	stream.indirect.scatter.add.f32 [tilespmem:s13], [sflag:s11], $0x80, s14, s26, $0xb8;
	[tilespmem:$0x1FD00] =	vst v63  }
0x60: {  	s14 =	ssub.s32 s10, s12  }
0x61: {  	s11 =	sand.u32 $0xFF, s14  }
0x62: {  	p2 =	sgt.u32 s9, $0x29  }
.Ltmp6:
0x63: {  	_ = 	snop;
	(pc) =	sbr.rel @!p2 .LBB2_13-.Ltmp6, $4  }
0x64: {  	s12 =	sadd.s32 $0x8, s11  }
0x65: {  	_ =	swait.ge [sflag:s12], $0x4000  }
0x66: {  	[sflag:s12] =	ssyncset.done $0x0  }
0x67: {  	[sflag:s12] =	ssyncadd.s32 $0xFFFFC000  }
0x68: {  	p2 =	sne.s32 s9, $0x2A  }
.Ltmp7:
0x69: {  	_ = 	snop;
	(pc) =	sbr.rel @p2 .LBB2_16-.Ltmp7, $4  }
.Ltmp8:
0x6a: {  	_ = 	snop;
	(pc) =	sbr.rel @!p2 .LBB2_15-.Ltmp8, $4  }
0x6b: {  	_ = 	snop  }
0x6c: {  	_ = 	snop  }
0x6d: {  	_ = 	snop  }
0x6e: {  	_ = 	snop  }
.LBB2_2:
0x6f: {  	[tilespmem:s3], [sflag:$0x1] =	stream.linear.gather [hbm4b:s7+s3], $0x100, $0x38;
	[tilespmem:$0x1FD00] =	vst v63  }
0x70: {  	s9 =	rddreg [dreg:$0x4]  }
0x71: {  	[tilespmem:s22], [sflag:$0x2] =	stream.linear.gather [hbm4b:s9+s3], $0x100, $0x38;
	[tilespmem:$0x1FD00] =	vst v63  }
0x72: {  	s14 =	rddreg [dreg:$0x5]  }
0x73: {  	[tilespmem:s23], [sflag:$0x3] =	stream.linear.gather [hbm4b:s14+s3], $0x100, $0x38;
	[tilespmem:$0x1FD00] =	vst v63  }
0x74: {  	s18 =	rddreg [dreg:$0x6]  }
0x75: {  	[tilespmem:s24], [sflag:$0x4] =	stream.linear.gather [hbm4b:s18+s3], $0x100, $0x38;
	[tilespmem:$0x1FD00] =	vst v63  }
0x76: {  	_ =	swait.ge [sflag:s25], $0x100  }
0x77: {  	[sflag:s25] =	ssyncset.done $0x0  }
0x78: {  	[sflag:s25] =	ssyncadd.s32 $0xFFFFFF00  }
0x79: {  	[tilespmem:s28], [sflag:$0x5] =	stream.indirect.gather [hbm4b:s1+s26], $0x80, s3, s26, $0xb8;
	[tilespmem:$0x1FD00] =	vst v63  }
.Ltmp9:
0x7a: {  	_ = 	snop;
	(pc) =	sbr.rel .LBB2_3-.Ltmp9, $4  }
0x7b: {  	_ =	swait.ge [sflag:s29], $0x100  }
0x7c: {  	[sflag:s29] =	ssyncset.done $0x0  }
0x7d: {  	s9 =	simm.s32 $0x0;
	s18 =	smov.u32 s8;
	[sflag:s29] =	ssyncadd.s32 $0xFFFFFF00  }
0x7e: {  	[tilespmem:s30], [sflag:$0x6] =	stream.indirect.gather [hbm4b:s1+s26], $0x80, s22, s26, $0xb8;
	[tilespmem:$0x1FD00] =	vst v63  }
.LBB2_5:
0x7f: {  	s12 =	sadd.s32 $0xFFFFFFFF, s9  }
0x80: {  	s12 =	sand.u32 $0x3, s12  }
0x81: {  	s13 =	sshll.u32 s12, $0x8;
	s12 =	sadd.s32 $0x1, s12  }
0x82: {  	[tilespmem:s13], [sflag:s12] =	stream.linear.gather [hbm4b:s18+s4], $0x100, $0x38;
	[tilespmem:$0x1FD00] =	vst v63  }
.LBB2_7:
0x83: {  	s10 =	sand.u32 $0x3, s10  }
0x84: {  	s12 =	sadd.s32 $0x1, s10  }
0x85: {  	_ =	swait.ge [sflag:s12], $0x100  }
0x86: {  	s13 =	sshll.u32 s11, $0xE;
	s14 =	sadd.s32 $0x5, s11;
	[sflag:s12] =	ssyncset.done $0x0  }
0x87: {  	s10 =	sshll.u32 s10, $0x8;
	[sflag:s12] =	ssyncadd.s32 $0xFFFFFF00;
	s12 =	sor.u32 $0x400, s13  }
0x88: {  	[tilespmem:s12], [sflag:s14] =	stream.indirect.gather [hbm4b:s1+s26], $0x80, s10, s26, $0xb8;
	[tilespmem:$0x1FD00] =	vst v63  }
.LBB2_8:
0x89: {  	s9 =	sadd.s32 $0x1, s9  }
0x8a: {  	p2 =	seq.s32 s9, $0x73  }
.Ltmp10:
0x8b: {  	_ = 	snop;
	(pc) =	sbr.rel @p2 .LBB2_9-.Ltmp10, $2  }
0x8c: {  	_ =	sdelay $0x2  }
0x8d: {  	s18 =	sadd.s32 $0x20, s18;
	s3 =	sadd.s32 $0x400, s3  }
.LBB2_3:
0x8e: {  	s10 =	smul.u32 $0xAB, s9;
	_ =	sdelay $0x1  }
0x8f: {  	s11 =	sshrl.u32 s10, $0x9  }
0x90: {  	s11 =	sand.u32 $0x7F, s11  }
0x91: {  	s11 =	smul.u32 $0x3, s11;
	_ =	sdelay $0x1  }
0x92: {  	s11 =	ssub.s32 s9, s11  }
0x93: {  	s14 =	sand.u32 $0xC00, s3;
	p2 =	seq.s32 s9, $0x0;
	s11 =	sand.u32 $0xFF, s11  }
0x94: {  	s14 =	sshrl.u32 s14, $0x2;
	s10 =	sadd.s32 $0x156, s10;
	s13 =	sadd.s32 $0x5, s11  }
0x95: {  	s14 =	sor.u32 $0x80, s14;
	s12 =	sshrl.u32 s10, $0x9;
	_ =	swait.ge [sflag:s13], $0x4000  }
0x96: {  	s10 =	sadd.s32 $0x2, s9;
	s12 =	sand.u32 $0x7F, s12;
	[sflag:s13] =	ssyncset.done $0x0  }
.Ltmp11:
0x97: {  	[sflag:s13] =	ssyncadd.s32 $0xFFFFC000;
	s13 =	sshll.u32 s11, $0xE;
	(pc) =	sbr.rel @p2 .LBB2_7-.Ltmp11, $4  }
0x98: {  	s12 =	smul.u32 $0x3, s12;
	s11 =	sor.u32 $0x8, s11;
	s13 =	sor.u32 $0x400, s13  }
0x99: {  	[spmem:s2] =	stream.indirect.scatter.add.f32 [tilespmem:s13], [sflag:s11], $0x80, s14, s26, $0xb8;
	[tilespmem:$0x1FD00] =	vst v63  }
0x9a: {  	s14 =	ssub.s32 s10, s12  }
0x9b: {  	s11 =	sand.u32 $0xFF, s14  }
0x9c: {  	p2 =	sgt.u32 s9, $0x6F  }
.Ltmp12:
0x9d: {  	_ = 	snop;
	(pc) =	sbr.rel @!p2 .LBB2_5-.Ltmp12, $4  }
0x9e: {  	s12 =	sadd.s32 $0x8, s11  }
0x9f: {  	_ =	swait.ge [sflag:s12], $0x4000  }
0xa0: {  	[sflag:s12] =	ssyncset.done $0x0  }
0xa1: {  	[sflag:s12] =	ssyncadd.s32 $0xFFFFC000  }
0xa2: {  	p2 =	sne.s32 s9, $0x70  }
.Ltmp13:
0xa3: {  	_ = 	snop;
	(pc) =	sbr.rel @p2 .LBB2_8-.Ltmp13, $4  }
.Ltmp14:
0xa4: {  	_ = 	snop;
	(pc) =	sbr.rel @!p2 .LBB2_7-.Ltmp14, $4  }
0xa5: {  	_ = 	snop  }
0xa6: {  	_ = 	snop  }
0xa7: {  	_ = 	snop  }
0xa8: {  	_ = 	snop  }
.LBB2_9:
.Ltmp15:
0xa9: {  	(pc) =	sbr.rel .LBB2_18-.Ltmp15, $2  }
0xaa: {  	_ =	sdelay $0x2  }
0xab: {  	s3 =	simm.s32 $0x8  }
.LBB2_19:
0xac: {  	_ =	sfence.sel $0x180000  }
0xad: {  	[bflag:$0x0] =	sbarrier.arrive $0xFFFF  }
0xae: {  	_ =	strace $0x9000004A  }
0xaf: {  	s0 =	stileid.u32;
	[bflag:$0x2] =	sbarrier.arrive $0xFFFF  }
0xb0: {  	p0 =	sne.s32 s0, $0x0;
	s0 =	rddreg [dreg:$0x3]  }
0xb1: {  	s0 =	sadd.s32 @!p0 $0x100000, s0  }
0xb2: {  	[sflag:s0] =	ssyncadd.tile.s32 @!p0 $0x1;
	_ =	shalt  }
.Lfunc_end2:
_tile_overlayer_lowered:
.L_overlay_start_2:
0xb3: {  	(tag) =	ssettag $0x2  }
0xb4: {  	s0 =	rddreg [dreg:$0x0];
	s2 =	stileid.u32  }
0xb5: {  	s1 =	rddreg [dreg:$0x1];
	p0 =	sne.s32 s2, $0x0  }
0xb6: {  	s3 =	rddreg [dreg:$0x2];
	[bflag:$0x3] =	sbarrier.arrive $0xFFFF;
	s2 =	simm.s32 @!p0 $0x1C0B  }
0xb7: {  	[timem:s3], [sflag:s2] =	dma.local @!p0 [hbm:s0], s1  }
0xb8: {  	s0 =	simm.s32 @!p0 $0xB  }
0xb9: {  	_ =	swait.ge @!p0 [sflag:s0], s1  }
0xba: {  	s1 =	ssub.s32 @!p0 $0x0, s1;
	[sflag:s0] =	ssyncset.done @!p0 $0x0  }
0xbb: {  	[sflag:s0] =	ssyncadd.s32 @!p0 s1  }
0xbc: {  	[bflag:$0x3] =	sbarrier.arrive $0xFFFF  }
0xbd: {  	_ =	shalt  }

// kernel: kernel.16.cloned.1.call-start
scs
__scs_entry_jumppad:
0x0: {  	(pc) =	sbr.rel $0x88, $3  }
0x1: {  	(tag) =	ssettag $0x0;
	lr =	simm.s32 $0x1  }
0x2: {  	[smem:$0x3F99] =	sst lr;
	_ =	strace $0xD0000000  }
0x3: {  	_ = 	snop  }
0x4: {  	_ = 	snop  }
0x5: {  	_ = 	snop  }
0x6: {  	_ = 	snop  }
0x7: {  	_ = 	snop  }
__scs_overlays_trampoline_lowered:
0x8: {  	[smem:$0x3FA8] =	sst s0  }
0x9: {  	[smem:$0x3FA9] =	sst s1  }
0xa: {  	[smem:$0x3FAA] =	sst s2  }
0xb: {  	[smem:$0x3FAB] =	sst s3  }
0xc: {  	[smem:$0x3FAC] =	sst s4  }
0xd: {  	[smem:$0x3FAD] =	sst s5  }
0xe: {  	[smem:$0x3FAE] =	sst s6  }
0xf: {  	[smem:$0x3FAF] =	sst s7  }
0x10: {  	[smem:$0x3FB0] =	sst s8  }
0x11: {  	[smem:$0x3FB1] =	sst s9;
	s0 =	simm.s32 @!p0 $0x0  }
0x12: {  	s1 =	sld [smem:$0x3F97];
	s0 =	simm.s32 @p0 $0x1  }
0x13: {  	[smem:$0x3FB2] =	sst s0;
	s0 =	simm.s32 @!p1 $0x0  }
0x14: {  	s2 =	sld [smem:$0x3F96];
	s0 =	simm.s32 @p1 $0x1  }
0x15: {  	[smem:$0x3FB3] =	sst s0;
	s0 =	simm.s32 @!p2 $0x0  }
0x16: {  	s3 =	sld [smem:$0x3FDB];
	s0 =	simm.s32 @p2 $0x1  }
0x17: {  	s4 =	simm.s32 $0x1BF5;
	[smem:$0x3FB5] =	sst s0  }
0x18: {  	s0 =	sld [smem:$0x3F98];
	_ =	swait.ge [sflag:s4], $0x0  }
0x19: {  	s7 =	sld [smem:$0x3F99]  }
0x1a: {  	s8 =	sadd.s32 $0xFFFFE003, lr  }
0x1b: {  	s9 =	sadd.s32 $0xFFFFFEF7, lr;
	s5 =	simm.s32 $0xFFFFFFFF;
	p2 =	slt.u32 s8, $0xFFFFF086  }
0x1c: {  	p1 =	slt.u32 s9, $0xF7A;
	s5 =	simm.s32 @!p2 $0x0  }
0x1d: {  	s5 =	simm.s32 @p1 $0x1;
	p0 =	seq.s32 s7, s2  }
0x1e: {  	s7 =	smul.u32 @!p0 $0xF7A, s2;
	p2 =	seq.s32 @!p0 s5, $0x0  }
0x1f: {  	s9 =	smul.u32 $0xF7A, s1;
	s8 =	simm.s32 @!p0 $0x1BF5;
	p2 =	por !p2, p0  }
0x20: {  	[sflag:s8] =	ssyncset.s32 @!p0 $0xFFFFF086;
	s6 =	sadd.s32 @!p0 s3, s7;
	s7 =	simm.s32 @!p0 $0x108  }
0x21: {  	s3 =	sadd.s32 s3, s9;
	s6 =	sadd.s32 @!p0 $0x88, s6;
	s7 =	simm.s32 @p2 $0x1082  }
0x22: {  	[simem:s7], [sflag:s8] =	dma.local @!p0 [hbm:s6], $0xF7A  }
0x23: {  	s9 =	sor.u32 $0xD0000000, s2;
	s6 =	simm.s32 $0x108;
	_ =	swait.ge @!p0 [sflag:s8], $0x0  }
0x24: {  	s3 =	sadd.s32 $0x88, s3;
	s6 =	simm.s32 @!p1 $0x1082;
	[sflag:s4] =	ssyncset.s32 $0xFFFFF086  }
0x25: {  	[simem:s6], [sflag:s4] =	dma.local [hbm:s3], $0xF7A  }
0x26: {  	[smem:$0x3F99] =	sst s1;
	(tag) =	ssettag s2;
	_ =	strace s9  }
0x27: {  	s1 =	sld [smem:$0x3FA9]  }
0x28: {  	s2 =	sld [smem:$0x3FAA]  }
0x29: {  	s4 =	sld [smem:$0x3FAC]  }
0x2a: {  	p0 =	seq.s32 s5, $0x0;
	s5 =	sld [smem:$0x3FAD]  }
0x2b: {  	s6 =	sld [smem:$0x3FAE]  }
0x2c: {  	s7 =	sld [smem:$0x3FAF]  }
0x2d: {  	s3 =	simm.s32 $0x108;
	s8 =	sld [smem:$0x3FB0]  }
0x2e: {  	s3 =	simm.s32 @!p0 $0x1082;
	s9 =	sld [smem:$0x3FB1]  }
0x2f: {  	lr =	sadd.s32 s0, s3;
	s0 =	sld [smem:$0x3FA8]  }
0x30: {  	s3 =	sld [smem:$0x3FAB]  }
0x31: {  	[smem:$0x3FB4] =	sst s10  }
0x32: {  	s10 =	sld [smem:$0x3FB2];
	_ =	sdelay $0x3  }
0x33: {  	p0 =	seq.s32 s10, $0x1;
	s10 =	sld [smem:$0x3FB4];
	_ =	sdelay $0x3  }
0x34: {  	[smem:$0x3FB4] =	sst s10  }
0x35: {  	s10 =	sld [smem:$0x3FB3];
	_ =	sdelay $0x3  }
0x36: {  	p1 =	seq.s32 s10, $0x1;
	s10 =	sld [smem:$0x3FB4];
	_ =	sdelay $0x3  }
0x37: {  	[smem:$0x3FB4] =	sst s10  }
0x38: {  	s10 =	sld [smem:$0x3FB5]  }
0x39: {  	_ = 	snop;
	(pc) =	sbr.ind lr, $3  }
0x3a: {  	_ = 	snop  }
0x3b: {  	_ = 	snop  }
0x3c: {  	p2 =	seq.s32 s10, $0x1;
	s10 =	sld [smem:$0x3FB4]  }
0x3d: {  	_ =	shalt  }
0x3e: {  	_ =	shalt  }
0x3f: {  	_ =	shalt  }
0x40: {  	_ =	shalt  }
0x41: {  	_ =	shalt  }
0x42: {  	_ =	shalt  }
0x43: {  	_ =	shalt  }
0x44: {  	_ =	shalt  }
0x45: {  	_ =	shalt  }
0x46: {  	_ =	shalt  }
0x47: {  	_ =	shalt  }
0x48: {  	_ =	shalt  }
0x49: {  	_ =	shalt  }
0x4a: {  	_ =	shalt  }
0x4b: {  	_ =	shalt  }
0x4c: {  	_ =	shalt  }
0x4d: {  	_ =	shalt  }
0x4e: {  	_ =	shalt  }
0x4f: {  	_ =	shalt  }
0x50: {  	_ =	shalt  }
0x51: {  	_ =	shalt  }
0x52: {  	_ =	shalt  }
0x53: {  	_ =	shalt  }
0x54: {  	_ =	shalt  }
0x55: {  	_ =	shalt  }
0x56: {  	_ =	shalt  }
0x57: {  	_ =	shalt  }
0x58: {  	_ =	shalt  }
0x59: {  	_ =	shalt  }
0x5a: {  	_ =	shalt  }
0x5b: {  	_ =	shalt  }
0x5c: {  	_ =	shalt  }
0x5d: {  	_ =	shalt  }
0x5e: {  	_ =	shalt  }
0x5f: {  	_ =	shalt  }
0x60: {  	_ =	shalt  }
0x61: {  	_ =	shalt  }
0x62: {  	_ =	shalt  }
0x63: {  	_ =	shalt  }
0x64: {  	_ =	shalt  }
0x65: {  	_ =	shalt  }
0x66: {  	_ =	shalt  }
0x67: {  	_ =	shalt  }
0x68: {  	_ =	shalt  }
0x69: {  	_ =	shalt  }
0x6a: {  	_ =	shalt  }
0x6b: {  	_ =	shalt  }
0x6c: {  	_ =	shalt  }
0x6d: {  	_ =	shalt  }
0x6e: {  	_ =	shalt  }
0x6f: {  	_ =	shalt  }
0x70: {  	_ =	shalt  }
0x71: {  	_ =	shalt  }
0x72: {  	_ =	shalt  }
0x73: {  	_ =	shalt  }
0x74: {  	_ =	shalt  }
0x75: {  	_ =	shalt  }
0x76: {  	_ =	shalt  }
0x77: {  	_ =	shalt  }
0x78: {  	_ =	shalt  }
0x79: {  	_ =	shalt  }
0x7a: {  	_ =	shalt  }
0x7b: {  	_ =	shalt  }
0x7c: {  	_ =	shalt  }
0x7d: {  	_ =	shalt  }
0x7e: {  	_ =	shalt  }
0x7f: {  	_ =	shalt  }
0x80: {  	_ =	shalt  }
0x81: {  	_ =	shalt  }
0x82: {  	_ =	shalt  }
0x83: {  	_ =	shalt  }
0x84: {  	_ =	shalt  }
0x85: {  	_ =	shalt  }
0x86: {  	_ =	shalt  }
0x87: {  	_ =	shalt  }
.Lfunc_end0:
.L_simem_size_0:
called_computation.2_lowered:
.L_overlay_start_0:
0x88: {  	s2 =	sld [smem:$0x3FD9]  }
0x89: {  	s3 =	sld [smem:$0x3FFE];
	_ =	sdelay $0x1  }
0x8a: {  	s1 =	srdreg.scid  }
0x8b: {  	s0 =	sand.u32 $0x1, s1  }
0x8c: {  	s17 =	sshll.u32 s0, $0xA;
	s2 =	sadd.s32 s3, s2  }
0x8d: {  	s2 =	sadd.s32 s2, s17  }
0x8e: {  	[smem:$0x3FC0] =	sst s2  }
0x8f: {  	_ = 	snop  }
0x90: {  	s2 =	sld [smem:$0x3FD0];
	(tm) =	ssettm $0x1  }
0x91: {  	s18 =	sld [smem:$0x3FFB];
	_ =	sdelay $0x3  }
0x92: {  	_ =	strace s18  }
0x93: {  	s3 =	sld [smem:$0x3FFC];
	_ =	sdelay $0x3  }
0x94: {  	_ =	strace s3  }
0x95: {  	s3 =	sld [smem:$0x3FFD];
	_ =	sdelay $0x3  }
0x96: {  	_ =	strace s3  }
0x97: {  	_ =	strace $0x8FFFFFFF  }
0x98: {  	s19 =	sld [smem:$0x3FDB];
	_ =	sdelay $0x1  }
0x99: {  	s4 =	simm.s32 $_scs_section_size  }
0x9a: {  	s5 =	simm.s32 $_size__tile_overlayer_lowered;
	s6 =	simm.s32 $_tile_overlayer_lowered  }
0x9b: {  	s22 =	simm.s32 $0x1BFF;
	s21 =	sshll.u32 s6, $0x1;
	s3 =	sadd.s32 s4, s19  }
0x9c: {  	s7 =	simm.s32 $0x0;
	s20 =	sshll.u32 s5, $0x1;
	s5 =	sadd.s32 s21, s3  }
0x9d: {  	[timem:s7], [sflag:s22] =	dma.local [hbm:s5], s20  }
0x9e: {  	_ =	swait.ge [sflag:s22], s20  }
0x9f: {  	s4 =	ssub.s32 $0x0, s20;
	[sflag:s22] =	ssyncset.done $0x0  }
0xa0: {  	[sflag:s22] =	ssyncadd.s32 s4;
	_ =	sdelay $0x1  }
0xa1: {  	s23 =	simm.s32 $0x1B8B  }
0xa2: {  	_ =	swait.ge [sflag:s23], $0x1  }
0xa3: {  	[sflag:s23] =	ssyncset.done $0x0  }
0xa4: {  	s25 =	simm.s32 $0x1B8E;
	s24 =	sld [smem:$0x3FFE];
	[sflag:s23] =	ssyncadd.s32 $0xFFFFFFFF  }
0xa5: {  	s26 =	simm.s32 $execute0_lowered;
	[smem:$0x3FD2] =	sst s25  }
0xa6: {  	s5 =	sshll.u32 s26, $0x1;
	_ =	strace $0x8000004C;
	[dreg:$0x1] =	wrdreg $0xFFFFFFFF  }
0xa7: {  	s28 =	simm.s32 $_size_execute0_lowered;
	s3 =	sadd.s32 s3, s5;
	[dreg:$0x0] =	wrdreg $0x0  }
0xa8: {  	s5 =	sshll.u32 s28, $0x1;
	[dreg:$0x2] =	wrdreg s3  }
0xa9: {  	[dreg:$0x3] =	wrdreg s5  }
0xaa: {  	[dreg:$0x4] =	wrdreg $0xC0  }
0xab: {  	_ =	task [dreg:s7], $0x5FFFF  }
0xac: {  	[dreg:$0x1] =	wrdreg $0xFFFFFFFF  }
0xad: {  	[dreg:$0x0] =	wrdreg $0x60  }
0xae: {  	[dreg:$0x2] =	wrdreg s2  }
0xaf: {  	[dreg:$0x3] =	wrdreg s24  }
0xb0: {  	[dreg:$0x4] =	wrdreg $0xC4000  }
0xb1: {  	[dreg:$0x5] =	wrdreg $0x9  }
0xb2: {  	_ =	task.clear_ibuf [dreg:s7], $0x6FFFF;
	_ =	strace $0x9000004C  }
0xb3: {  	s29 =	simm.s32 $0x9;
	_ =	strace $0x8000004E  }
0xb4: {  	_ =	swait.ge [sflag:s29], $0x1  }
0xb5: {  	[sflag:s29] =	ssyncadd.s32 $0xFFFFFFFF  }
0xb6: {  	_ =	strace $0x9000004E  }
0xb7: {  	_ =	sfence  }
0xb8: {  	s30 =	sld [smem:$0x0];
	_ =	sdelay $0x2  }
0xb9: {  	s31 =	sshll.u32 s1, $0xD;
	s1 =	sshrl.u32 s1, $0x2  }
0xba: {  	s3 =	sand.u32 $0x4000, s31;
	s1 =	sadd.s32 s1, s30  }
0xbb: {  	s0 =	sor.u32 s3, s0;
	s1 =	sshll.u32 s1, $0x11  }
0xbc: {  	s0 =	sor.u32 s1, s0  }
0xbd: {  	s0 =	sadd.s32 $0x8F2B, s0  }
0xbe: {  	[sflag:s0] =	ssyncadd.remote.s32 $0x1  }
0xbf: {  	_ =	sfence.sel $0xFFFF  }
0xc0: {  	[dreg:$0x0] =	wrdreg $0xFFFFFFFF;
	(pc) =	sbr.abs _section_cstart, $3  }
0xc1: {  	[dreg:$0x1] =	wrdreg $0xFFFFFFFF  }
0xc2: {  	_ =	task.clear_ibuf [dreg:s7], $0x2FFFF;
	_ =	strace $0x9FFFFFFF  }
0xc3: {  	(tm) =	ssettm $0x7FFFFFFF  }
tec
execute0_lowered:
.L_overlay_start_1:
0x0: {  	(tag) =	ssettag $0x1  }
0x1: {  	s1 =	rddreg [dreg:$0x0]  }
0x2: {  	s0 =	rddreg [dreg:$0x1]  }
0x3: {  	s2 =	rddreg [dreg:$0x2];
	s4 =	simm.s32 $0x0  }
0x4: {  	s3 =	srdreg.scid;
	s12 =	stileid.u32;
	s28 =	simm.s32 $0x400  }
0x5: {  	s29 =	simm.s32 $0x2;
	s30 =	simm.s32 $0x4400;
	s6 =	smul.u32 $0x4E000, s12  }
0x6: {  	s31 =	simm.s32 $0x0;
	[smem:$0x7FF] =	sst s4;
	s9 =	smul.u32 $0xA000, s12  }
0x7: {  	s8 =	sadd.s32 $0x54A00, s0;
	s3 =	sand.u32 $0x1, s3;
	s20 =	smul.u32 $0x13800, s12  }
0x8: {  	s5 =	sadd.s32 $0x3C00, s0;
	s0 =	sadd.s32 $0x6600, s0;
	s17 =	smul.u32 $0x1400, s12  }
0x9: {  	p1 =	seq.s32 s12, $0xF;
	_ =	strace $0x8000004D;
	s7 =	ssub.s32 $0x2, s3  }
0xa: {  	s11 =	smul.u32 $0x139000, s3;
	p0 =	seq.s32 s3, $0x1;
	s10 =	sshrl.u32 s7, $0x1  }
0xb: {  	s6 =	sshrl.u32 s6, $0x2;
	s18 =	sshrl.u32 s9, $0x3;
	s9 =	sadd.s32 $0x124800, s2  }
0xc: {  	s26 =	sadd.s32 s17, s8;
	s10 =	ssub.s32 s7, s10;
	s7 =	sadd.s32 s8, s18  }
0xd: {  	s6 =	sadd.s32 s6, s2;
	s3 =	sadd.s32 s20, s11;
	s19 =	sadd.s32 $0x20, s7  }
0xe: {  	s11 =	sshrl.u32 s11, $0x3;
	s13 =	sadd.s32 $0x40, s7;
	[dreg:$0x4] =	wrdreg s19  }
0xf: {  	s8 =	sadd.s32 $0x60, s26;
	s21 =	sadd.s32 $0x60, s7;
	[dreg:$0x5] =	wrdreg s13  }
0x10: {  	s20 =	sshrl.u32 @p1 s9, $0x3;
	s22 =	sadd.s32 $0xE60, s7;
	[dreg:$0x6] =	wrdreg s21  }
0x11: {  	s23 =	sadd.s32 $0xE80, s7;
	s24 =	sadd.s32 $0xEA0, s7;
	[dreg:$0x7] =	wrdreg s22  }
0x12: {  	s3 =	sshrl.u32 s3, $0x3;
	s25 =	sadd.s32 $0xEC0, s7;
	[dreg:$0x8] =	wrdreg s23  }
.Ltmp0:
0x13: {  	s17 =	smax.u32 s10, $0x1;
	[dreg:$0x9] =	wrdreg s24;
	(pc) =	sbr.rel .LBB2_1-.Ltmp0, $4  }
0x14: {  	[dreg:$0xa] =	wrdreg s25;
	s15 =	sadd.s32 s0, s3;
	s0 =	sadd.s32 s0, s11  }
0x15: {  	s3 =	sshll.u32 @!p1 s12, $0x6;
	s19 =	sadd.s32 $0xEC0, s26;
	s22 =	simm.s32 $0x100  }
0x16: {  	s23 =	simm.s32 $0x200;
	s24 =	simm.s32 $0x300;
	s25 =	simm.s32 $0x1  }
0x17: {  	s26 =	simm.s32 $0x80;
	s16 =	sadd.s32 $0x24900, s0;
	s21 =	sor.u32 @!p1 $0x1C0B, s3  }
.LBB2_17:
0x18: {  	s3 =	simm.s32 $0xA  }
.LBB2_18:
0x19: {  	_ =	swait.ge [sflag:s3], $0x4000  }
0x1a: {  	[sflag:s3] =	ssyncset.done $0x0  }
0x1b: {  	[sflag:s3] =	ssyncadd.s32 $0xFFFFC000  }
0x1c: {  	s3 =	simm.s32 @p1 $0x1FCB;
	[bflag:$0x0] =	sbarrier.arrive $0xFFFF  }
0x1d: {  	[hbm:s16], [sflag:s3] =	dma.local @p1 [spmem:s20], $0x2900  }
0x1e: {  	s3 =	simm.s32 @p1 $0xB  }
0x1f: {  	_ =	swait.ge @p1 [sflag:s3], $0x2900  }
0x20: {  	s31 =	sadd.s32 $0x1, s31;
	[sflag:s3] =	ssyncset.done @p1 $0x0  }
0x21: {  	p2 =	sne.s32 s31, s17;
	[sflag:s3] =	ssyncadd.s32 @p1 $0xFFFFD700  }
0x22: {  	[hbm:s15], [sflag:s21] =	dma.local @!p1 [spmem:s0], $0x2700  }
.Ltmp1:
0x23: {  	_ = 	snop;
	(pc) =	sbr.rel @!p2 .LBB2_19-.Ltmp1, $4  }
0x24: {  	s0 =	simm.s32 @!p1 $0xB  }
0x25: {  	_ =	swait.ge @!p1 [sflag:s0], $0x2700  }
0x26: {  	[sflag:s0] =	ssyncset.done @!p1 $0x0  }
0x27: {  	[sflag:s0] =	ssyncadd.s32 @!p1 $0xFFFFD900  }
.LBB2_1:
0x28: {  	s0 =	simm.s32 @p1 $0x1FCB  }
0x29: {  	[spmem:s20], [sflag:s0] =	dma.local @p1 [hbm:s5], $0x2900  }
0x2a: {  	s0 =	simm.s32 @p1 $0xB  }
0x2b: {  	_ =	swait.ge @p1 [sflag:s0], $0x2900  }
0x2c: {  	[sflag:s0] =	ssyncset.done @p1 $0x0  }
0x2d: {  	s3 =	simm.s32 @!p1 $0xB;
	[sflag:s0] =	ssyncadd.s32 @p1 $0xFFFFD700;
	s0 =	sshrl.u32 @!p1 s6, $0x3  }
0x2e: {  	[spmem:s0], [sflag:s21] =	dma.local @!p1 [hbm:s5], $0x2700  }
.Ltmp2:
0x2f: {  	_ =	swait.ge @!p1 [sflag:s3], $0x2700;
	(pc) =	sbr.rel @!p0 .LBB2_2-.Ltmp2, $4  }
0x30: {  	[sflag:s3] =	ssyncset.done @!p1 $0x0  }
0x31: {  	[sflag:s3] =	ssyncadd.s32 @!p1 $0xFFFFD900  }
0x32: {  	[bflag:$0x0] =	sbarrier.arrive $0xFFFF  }
0x33: {  	s3 =	simm.s32 $0x0  }
0x34: {  	s9 =	rddreg [dreg:$0x7]  }
0x35: {  	[tilespmem:s3], [sflag:$0x1] =	stream.linear.gather [hbm4b:s9+s3], $0x100, $0x38;
	[tilespmem:$0x1FD00] =	vst v63  }
0x36: {  	s13 =	rddreg [dreg:$0x8]  }
0x37: {  	[tilespmem:s22], [sflag:$0x2] =	stream.linear.gather [hbm4b:s13+s3], $0x100, $0x38;
	[tilespmem:$0x1FD00] =	vst v63  }
0x38: {  	s14 =	rddreg [dreg:$0x9]  }
0x39: {  	[tilespmem:s23], [sflag:$0x3] =	stream.linear.gather [hbm4b:s14+s3], $0x100, $0x38;
	[tilespmem:$0x1FD00] =	vst v63  }
0x3a: {  	s18 =	rddreg [dreg:$0xa]  }
0x3b: {  	[tilespmem:s24], [sflag:$0x4] =	stream.linear.gather [hbm4b:s18+s3], $0x100, $0x38;
	[tilespmem:$0x1FD00] =	vst v63  }
0x3c: {  	_ =	swait.ge [sflag:s25], $0x100  }
0x3d: {  	[sflag:s25] =	ssyncset.done $0x0  }
0x3e: {  	[sflag:s25] =	ssyncadd.s32 $0xFFFFFF00  }
0x3f: {  	[tilespmem:s28], [sflag:$0x5] =	stream.indirect.gather [hbm4b:s1+s26], $0x80, s3, s26, $0xb8;
	[tilespmem:$0x1FD00] =	vst v63  }
.Ltmp3:
0x40: {  	_ = 	snop;
	(pc) =	sbr.rel .LBB2_11-.Ltmp3, $4  }
0x41: {  	_ =	swait.ge [sflag:s29], $0x100  }
0x42: {  	[sflag:s29] =	ssyncset.done $0x0  }
0x43: {  	s9 =	simm.s32 $0x0;
	s18 =	smov.u32 s19;
	[sflag:s29] =	ssyncadd.s32 $0xFFFFFF00  }
0x44: {  	[tilespmem:s30], [sflag:$0x6] =	stream.indirect.gather [hbm4b:s1+s26], $0x80, s22, s26, $0xb8;
	[tilespmem:$0x1FD00] =	vst v63  }
.LBB2_13:
0x45: {  	s12 =	sadd.s32 $0xFFFFFFFF, s9  }
0x46: {  	s12 =	sand.u32 $0x3, s12  }
0x47: {  	s13 =	sshll.u32 s12, $0x8;
	s12 =	sadd.s32 $0x1, s12  }
0x48: {  	[tilespmem:s13], [sflag:s12] =	stream.linear.gather [hbm4b:s18+s4], $0x100, $0x38;
	[tilespmem:$0x1FD00] =	vst v63  }
.LBB2_15:
0x49: {  	s10 =	sand.u32 $0x3, s10  }
0x4a: {  	s12 =	sadd.s32 $0x1, s10  }
0x4b: {  	_ =	swait.ge [sflag:s12], $0x100  }
0x4c: {  	s13 =	sshll.u32 s11, $0xE;
	s14 =	sadd.s32 $0x5, s11;
	[sflag:s12] =	ssyncset.done $0x0  }
0x4d: {  	s10 =	sshll.u32 s10, $0x8;
	[sflag:s12] =	ssyncadd.s32 $0xFFFFFF00;
	s12 =	sor.u32 $0x400, s13  }
0x4e: {  	[tilespmem:s12], [sflag:s14] =	stream.indirect.gather [hbm4b:s1+s26], $0x80, s10, s26, $0xb8;
	[tilespmem:$0x1FD00] =	vst v63  }
.LBB2_16:
0x4f: {  	s9 =	sadd.s32 $0x1, s9  }
0x50: {  	p2 =	sne.s32 s9, $0x2D  }
.Ltmp4:
0x51: {  	_ = 	snop;
	(pc) =	sbr.rel @!p2 .LBB2_17-.Ltmp4, $2  }
0x52: {  	_ =	sdelay $0x2  }
0x53: {  	s18 =	sadd.s32 $0x20, s18;
	s3 =	sadd.s32 $0x400, s3  }
.LBB2_11:
0x54: {  	s10 =	smul.u32 $0xAB, s9;
	_ =	sdelay $0x1  }
0x55: {  	s11 =	sshrl.u32 s10, $0x9  }
0x56: {  	s11 =	sand.u32 $0x7F, s11  }
0x57: {  	s11 =	smul.u32 $0x3, s11;
	_ =	sdelay $0x1  }
0x58: {  	s11 =	ssub.s32 s9, s11  }
0x59: {  	s14 =	sand.u32 $0xC00, s3;
	p2 =	seq.s32 s9, $0x0;
	s11 =	sand.u32 $0xFF, s11  }
0x5a: {  	s14 =	sshrl.u32 s14, $0x2;
	s10 =	sadd.s32 $0x156, s10;
	s13 =	sadd.s32 $0x5, s11  }
0x5b: {  	s14 =	sor.u32 $0x80, s14;
	s12 =	sshrl.u32 s10, $0x9;
	_ =	swait.ge [sflag:s13], $0x4000  }
0x5c: {  	s10 =	sadd.s32 $0x2, s9;
	s12 =	sand.u32 $0x7F, s12;
	[sflag:s13] =	ssyncset.done $0x0  }
.Ltmp5:
0x5d: {  	[sflag:s13] =	ssyncadd.s32 $0xFFFFC000;
	s13 =	sshll.u32 s11, $0xE;
	(pc) =	sbr.rel @p2 .LBB2_15-.Ltmp5, $4  }
0x5e: {  	s12 =	smul.u32 $0x3, s12;
	s11 =	sor.u32 $0x8, s11;
	s13 =	sor.u32 $0x400, s13  }
0x5f: {  	[spmem:s2] =	stream.indirect.scatter.add.f32 [tilespmem:s13], [sflag:s11], $0x80, s14, s26, $0xb8;
	[tilespmem:$0x1FD00] =	vst v63  }
0x60: {  	s14 =	ssub.s32 s10, s12  }
0x61: {  	s11 =	sand.u32 $0xFF, s14  }
0x62: {  	p2 =	sgt.u32 s9, $0x29  }
.Ltmp6:
0x63: {  	_ = 	snop;
	(pc) =	sbr.rel @!p2 .LBB2_13-.Ltmp6, $4  }
0x64: {  	s12 =	sadd.s32 $0x8, s11  }
0x65: {  	_ =	swait.ge [sflag:s12], $0x4000  }
0x66: {  	[sflag:s12] =	ssyncset.done $0x0  }
0x67: {  	[sflag:s12] =	ssyncadd.s32 $0xFFFFC000  }
0x68: {  	p2 =	sne.s32 s9, $0x2A  }
.Ltmp7:
0x69: {  	_ = 	snop;
	(pc) =	sbr.rel @p2 .LBB2_16-.Ltmp7, $4  }
.Ltmp8:
0x6a: {  	_ = 	snop;
	(pc) =	sbr.rel @!p2 .LBB2_15-.Ltmp8, $4  }
0x6b: {  	_ = 	snop  }
0x6c: {  	_ = 	snop  }
0x6d: {  	_ = 	snop  }
0x6e: {  	_ = 	snop  }
.LBB2_2:
0x6f: {  	[tilespmem:s3], [sflag:$0x1] =	stream.linear.gather [hbm4b:s7+s3], $0x100, $0x38;
	[tilespmem:$0x1FD00] =	vst v63  }
0x70: {  	s9 =	rddreg [dreg:$0x4]  }
0x71: {  	[tilespmem:s22], [sflag:$0x2] =	stream.linear.gather [hbm4b:s9+s3], $0x100, $0x38;
	[tilespmem:$0x1FD00] =	vst v63  }
0x72: {  	s14 =	rddreg [dreg:$0x5]  }
0x73: {  	[tilespmem:s23], [sflag:$0x3] =	stream.linear.gather [hbm4b:s14+s3], $0x100, $0x38;
	[tilespmem:$0x1FD00] =	vst v63  }
0x74: {  	s18 =	rddreg [dreg:$0x6]  }
0x75: {  	[tilespmem:s24], [sflag:$0x4] =	stream.linear.gather [hbm4b:s18+s3], $0x100, $0x38;
	[tilespmem:$0x1FD00] =	vst v63  }
0x76: {  	_ =	swait.ge [sflag:s25], $0x100  }
0x77: {  	[sflag:s25] =	ssyncset.done $0x0  }
0x78: {  	[sflag:s25] =	ssyncadd.s32 $0xFFFFFF00  }
0x79: {  	[tilespmem:s28], [sflag:$0x5] =	stream.indirect.gather [hbm4b:s1+s26], $0x80, s3, s26, $0xb8;
	[tilespmem:$0x1FD00] =	vst v63  }
.Ltmp9:
0x7a: {  	_ = 	snop;
	(pc) =	sbr.rel .LBB2_3-.Ltmp9, $4  }
0x7b: {  	_ =	swait.ge [sflag:s29], $0x100  }
0x7c: {  	[sflag:s29] =	ssyncset.done $0x0  }
0x7d: {  	s9 =	simm.s32 $0x0;
	s18 =	smov.u32 s8;
	[sflag:s29] =	ssyncadd.s32 $0xFFFFFF00  }
0x7e: {  	[tilespmem:s30], [sflag:$0x6] =	stream.indirect.gather [hbm4b:s1+s26], $0x80, s22, s26, $0xb8;
	[tilespmem:$0x1FD00] =	vst v63  }
.LBB2_5:
0x7f: {  	s12 =	sadd.s32 $0xFFFFFFFF, s9  }
0x80: {  	s12 =	sand.u32 $0x3, s12  }
0x81: {  	s13 =	sshll.u32 s12, $0x8;
	s12 =	sadd.s32 $0x1, s12  }
0x82: {  	[tilespmem:s13], [sflag:s12] =	stream.linear.gather [hbm4b:s18+s4], $0x100, $0x38;
	[tilespmem:$0x1FD00] =	vst v63  }
.LBB2_7:
0x83: {  	s10 =	sand.u32 $0x3, s10  }
0x84: {  	s12 =	sadd.s32 $0x1, s10  }
0x85: {  	_ =	swait.ge [sflag:s12], $0x100  }
0x86: {  	s13 =	sshll.u32 s11, $0xE;
	s14 =	sadd.s32 $0x5, s11;
	[sflag:s12] =	ssyncset.done $0x0  }
0x87: {  	s10 =	sshll.u32 s10, $0x8;
	[sflag:s12] =	ssyncadd.s32 $0xFFFFFF00;
	s12 =	sor.u32 $0x400, s13  }
0x88: {  	[tilespmem:s12], [sflag:s14] =	stream.indirect.gather [hbm4b:s1+s26], $0x80, s10, s26, $0xb8;
	[tilespmem:$0x1FD00] =	vst v63  }
.LBB2_8:
0x89: {  	s9 =	sadd.s32 $0x1, s9  }
0x8a: {  	p2 =	seq.s32 s9, $0x73  }
.Ltmp10:
0x8b: {  	_ = 	snop;
	(pc) =	sbr.rel @p2 .LBB2_9-.Ltmp10, $2  }
0x8c: {  	_ =	sdelay $0x2  }
0x8d: {  	s18 =	sadd.s32 $0x20, s18;
	s3 =	sadd.s32 $0x400, s3  }
.LBB2_3:
0x8e: {  	s10 =	smul.u32 $0xAB, s9;
	_ =	sdelay $0x1  }
0x8f: {  	s11 =	sshrl.u32 s10, $0x9  }
0x90: {  	s11 =	sand.u32 $0x7F, s11  }
0x91: {  	s11 =	smul.u32 $0x3, s11;
	_ =	sdelay $0x1  }
0x92: {  	s11 =	ssub.s32 s9, s11  }
0x93: {  	s14 =	sand.u32 $0xC00, s3;
	p2 =	seq.s32 s9, $0x0;
	s11 =	sand.u32 $0xFF, s11  }
0x94: {  	s14 =	sshrl.u32 s14, $0x2;
	s10 =	sadd.s32 $0x156, s10;
	s13 =	sadd.s32 $0x5, s11  }
0x95: {  	s14 =	sor.u32 $0x80, s14;
	s12 =	sshrl.u32 s10, $0x9;
	_ =	swait.ge [sflag:s13], $0x4000  }
0x96: {  	s10 =	sadd.s32 $0x2, s9;
	s12 =	sand.u32 $0x7F, s12;
	[sflag:s13] =	ssyncset.done $0x0  }
.Ltmp11:
0x97: {  	[sflag:s13] =	ssyncadd.s32 $0xFFFFC000;
	s13 =	sshll.u32 s11, $0xE;
	(pc) =	sbr.rel @p2 .LBB2_7-.Ltmp11, $4  }
0x98: {  	s12 =	smul.u32 $0x3, s12;
	s11 =	sor.u32 $0x8, s11;
	s13 =	sor.u32 $0x400, s13  }
0x99: {  	[spmem:s2] =	stream.indirect.scatter.add.f32 [tilespmem:s13], [sflag:s11], $0x80, s14, s26, $0xb8;
	[tilespmem:$0x1FD00] =	vst v63  }
0x9a: {  	s14 =	ssub.s32 s10, s12  }
0x9b: {  	s11 =	sand.u32 $0xFF, s14  }
0x9c: {  	p2 =	sgt.u32 s9, $0x6F  }
.Ltmp12:
0x9d: {  	_ = 	snop;
	(pc) =	sbr.rel @!p2 .LBB2_5-.Ltmp12, $4  }
0x9e: {  	s12 =	sadd.s32 $0x8, s11  }
0x9f: {  	_ =	swait.ge [sflag:s12], $0x4000  }
0xa0: {  	[sflag:s12] =	ssyncset.done $0x0  }
0xa1: {  	[sflag:s12] =	ssyncadd.s32 $0xFFFFC000  }
0xa2: {  	p2 =	sne.s32 s9, $0x70  }
.Ltmp13:
0xa3: {  	_ = 	snop;
	(pc) =	sbr.rel @p2 .LBB2_8-.Ltmp13, $4  }
.Ltmp14:
0xa4: {  	_ = 	snop;
	(pc) =	sbr.rel @!p2 .LBB2_7-.Ltmp14, $4  }
0xa5: {  	_ = 	snop  }
0xa6: {  	_ = 	snop  }
0xa7: {  	_ = 	snop  }
0xa8: {  	_ = 	snop  }
.LBB2_9:
.Ltmp15:
0xa9: {  	(pc) =	sbr.rel .LBB2_18-.Ltmp15, $2  }
0xaa: {  	_ =	sdelay $0x2  }
0xab: {  	s3 =	simm.s32 $0x8  }
.LBB2_19:
0xac: {  	_ =	sfence.sel $0x180000  }
0xad: {  	[bflag:$0x0] =	sbarrier.arrive $0xFFFF  }
0xae: {  	_ =	strace $0x9000004D  }
0xaf: {  	s0 =	stileid.u32;
	[bflag:$0x2] =	sbarrier.arrive $0xFFFF  }
0xb0: {  	p0 =	sne.s32 s0, $0x0;
	s0 =	rddreg [dreg:$0x3]  }
0xb1: {  	s0 =	sadd.s32 @!p0 $0x100000, s0  }
0xb2: {  	[sflag:s0] =	ssyncadd.tile.s32 @!p0 $0x1;
	_ =	shalt  }
.Lfunc_end2:
_tile_overlayer_lowered:
.L_overlay_start_2:
0xb3: {  	(tag) =	ssettag $0x2  }
0xb4: {  	s0 =	rddreg [dreg:$0x0];
	s2 =	stileid.u32  }
0xb5: {  	s1 =	rddreg [dreg:$0x1];
	p0 =	sne.s32 s2, $0x0  }
0xb6: {  	s3 =	rddreg [dreg:$0x2];
	[bflag:$0x3] =	sbarrier.arrive $0xFFFF;
	s2 =	simm.s32 @!p0 $0x1C0B  }
0xb7: {  	[timem:s3], [sflag:s2] =	dma.local @!p0 [hbm:s0], s1  }
0xb8: {  	s0 =	simm.s32 @!p0 $0xB  }
0xb9: {  	_ =	swait.ge @!p0 [sflag:s0], s1  }
0xba: {  	s1 =	ssub.s32 @!p0 $0x0, s1;
	[sflag:s0] =	ssyncset.done @!p0 $0x0  }
0xbb: {  	[sflag:s0] =	ssyncadd.s32 @!p0 s1  }
0xbc: {  	[bflag:$0x3] =	sbarrier.arrive $0xFFFF  }
0xbd: {  	_ =	shalt  }

// kernel: kernel.19.cloned.1.call-start
scs
__scs_entry_jumppad:
0x0: {  	(pc) =	sbr.rel $0x88, $3  }
0x1: {  	(tag) =	ssettag $0x0;
	lr =	simm.s32 $0x1  }
0x2: {  	[smem:$0x3F99] =	sst lr;
	_ =	strace $0xD0000000  }
0x3: {  	_ = 	snop  }
0x4: {  	_ = 	snop  }
0x5: {  	_ = 	snop  }
0x6: {  	_ = 	snop  }
0x7: {  	_ = 	snop  }
__scs_overlays_trampoline_lowered:
0x8: {  	[smem:$0x3FA8] =	sst s0  }
0x9: {  	[smem:$0x3FA9] =	sst s1  }
0xa: {  	[smem:$0x3FAA] =	sst s2  }
0xb: {  	[smem:$0x3FAB] =	sst s3  }
0xc: {  	[smem:$0x3FAC] =	sst s4  }
0xd: {  	[smem:$0x3FAD] =	sst s5  }
0xe: {  	[smem:$0x3FAE] =	sst s6  }
0xf: {  	[smem:$0x3FAF] =	sst s7  }
0x10: {  	[smem:$0x3FB0] =	sst s8  }
0x11: {  	[smem:$0x3FB1] =	sst s9;
	s0 =	simm.s32 @!p0 $0x0  }
0x12: {  	s1 =	sld [smem:$0x3F97];
	s0 =	simm.s32 @p0 $0x1  }
0x13: {  	[smem:$0x3FB2] =	sst s0;
	s0 =	simm.s32 @!p1 $0x0  }
0x14: {  	s2 =	sld [smem:$0x3F96];
	s0 =	simm.s32 @p1 $0x1  }
0x15: {  	[smem:$0x3FB3] =	sst s0;
	s0 =	simm.s32 @!p2 $0x0  }
0x16: {  	s3 =	sld [smem:$0x3FDB];
	s0 =	simm.s32 @p2 $0x1  }
0x17: {  	s4 =	simm.s32 $0x1BF5;
	[smem:$0x3FB5] =	sst s0  }
0x18: {  	s0 =	sld [smem:$0x3F98];
	_ =	swait.ge [sflag:s4], $0x0  }
0x19: {  	s7 =	sld [smem:$0x3F99]  }
0x1a: {  	s8 =	sadd.s32 $0xFFFFE003, lr  }
0x1b: {  	s9 =	sadd.s32 $0xFFFFFEF7, lr;
	s5 =	simm.s32 $0xFFFFFFFF;
	p2 =	slt.u32 s8, $0xFFFFF086  }
0x1c: {  	p1 =	slt.u32 s9, $0xF7A;
	s5 =	simm.s32 @!p2 $0x0  }
0x1d: {  	s5 =	simm.s32 @p1 $0x1;
	p0 =	seq.s32 s7, s2  }
0x1e: {  	s7 =	smul.u32 @!p0 $0xF7A, s2;
	p2 =	seq.s32 @!p0 s5, $0x0  }
0x1f: {  	s9 =	smul.u32 $0xF7A, s1;
	s8 =	simm.s32 @!p0 $0x1BF5;
	p2 =	por !p2, p0  }
0x20: {  	[sflag:s8] =	ssyncset.s32 @!p0 $0xFFFFF086;
	s6 =	sadd.s32 @!p0 s3, s7;
	s7 =	simm.s32 @!p0 $0x108  }
0x21: {  	s3 =	sadd.s32 s3, s9;
	s6 =	sadd.s32 @!p0 $0x88, s6;
	s7 =	simm.s32 @p2 $0x1082  }
0x22: {  	[simem:s7], [sflag:s8] =	dma.local @!p0 [hbm:s6], $0xF7A  }
0x23: {  	s9 =	sor.u32 $0xD0000000, s2;
	s6 =	simm.s32 $0x108;
	_ =	swait.ge @!p0 [sflag:s8], $0x0  }
0x24: {  	s3 =	sadd.s32 $0x88, s3;
	s6 =	simm.s32 @!p1 $0x1082;
	[sflag:s4] =	ssyncset.s32 $0xFFFFF086  }
0x25: {  	[simem:s6], [sflag:s4] =	dma.local [hbm:s3], $0xF7A  }
0x26: {  	[smem:$0x3F99] =	sst s1;
	(tag) =	ssettag s2;
	_ =	strace s9  }
0x27: {  	s1 =	sld [smem:$0x3FA9]  }
0x28: {  	s2 =	sld [smem:$0x3FAA]  }
0x29: {  	s4 =	sld [smem:$0x3FAC]  }
0x2a: {  	p0 =	seq.s32 s5, $0x0;
	s5 =	sld [smem:$0x3FAD]  }
0x2b: {  	s6 =	sld [smem:$0x3FAE]  }
0x2c: {  	s7 =	sld [smem:$0x3FAF]  }
0x2d: {  	s3 =	simm.s32 $0x108;
	s8 =	sld [smem:$0x3FB0]  }
0x2e: {  	s3 =	simm.s32 @!p0 $0x1082;
	s9 =	sld [smem:$0x3FB1]  }
0x2f: {  	lr =	sadd.s32 s0, s3;
	s0 =	sld [smem:$0x3FA8]  }
0x30: {  	s3 =	sld [smem:$0x3FAB]  }
0x31: {  	[smem:$0x3FB4] =	sst s10  }
0x32: {  	s10 =	sld [smem:$0x3FB2];
	_ =	sdelay $0x3  }
0x33: {  	p0 =	seq.s32 s10, $0x1;
	s10 =	sld [smem:$0x3FB4];
	_ =	sdelay $0x3  }
0x34: {  	[smem:$0x3FB4] =	sst s10  }
0x35: {  	s10 =	sld [smem:$0x3FB3];
	_ =	sdelay $0x3  }
0x36: {  	p1 =	seq.s32 s10, $0x1;
	s10 =	sld [smem:$0x3FB4];
	_ =	sdelay $0x3  }
0x37: {  	[smem:$0x3FB4] =	sst s10  }
0x38: {  	s10 =	sld [smem:$0x3FB5]  }
0x39: {  	_ = 	snop;
	(pc) =	sbr.ind lr, $3  }
0x3a: {  	_ = 	snop  }
0x3b: {  	_ = 	snop  }
0x3c: {  	p2 =	seq.s32 s10, $0x1;
	s10 =	sld [smem:$0x3FB4]  }
0x3d: {  	_ =	shalt  }
0x3e: {  	_ =	shalt  }
0x3f: {  	_ =	shalt  }
0x40: {  	_ =	shalt  }
0x41: {  	_ =	shalt  }
0x42: {  	_ =	shalt  }
0x43: {  	_ =	shalt  }
0x44: {  	_ =	shalt  }
0x45: {  	_ =	shalt  }
0x46: {  	_ =	shalt  }
0x47: {  	_ =	shalt  }
0x48: {  	_ =	shalt  }
0x49: {  	_ =	shalt  }
0x4a: {  	_ =	shalt  }
0x4b: {  	_ =	shalt  }
0x4c: {  	_ =	shalt  }
0x4d: {  	_ =	shalt  }
0x4e: {  	_ =	shalt  }
0x4f: {  	_ =	shalt  }
0x50: {  	_ =	shalt  }
0x51: {  	_ =	shalt  }
0x52: {  	_ =	shalt  }
0x53: {  	_ =	shalt  }
0x54: {  	_ =	shalt  }
0x55: {  	_ =	shalt  }
0x56: {  	_ =	shalt  }
0x57: {  	_ =	shalt  }
0x58: {  	_ =	shalt  }
0x59: {  	_ =	shalt  }
0x5a: {  	_ =	shalt  }
0x5b: {  	_ =	shalt  }
0x5c: {  	_ =	shalt  }
0x5d: {  	_ =	shalt  }
0x5e: {  	_ =	shalt  }
0x5f: {  	_ =	shalt  }
0x60: {  	_ =	shalt  }
0x61: {  	_ =	shalt  }
0x62: {  	_ =	shalt  }
0x63: {  	_ =	shalt  }
0x64: {  	_ =	shalt  }
0x65: {  	_ =	shalt  }
0x66: {  	_ =	shalt  }
0x67: {  	_ =	shalt  }
0x68: {  	_ =	shalt  }
0x69: {  	_ =	shalt  }
0x6a: {  	_ =	shalt  }
0x6b: {  	_ =	shalt  }
0x6c: {  	_ =	shalt  }
0x6d: {  	_ =	shalt  }
0x6e: {  	_ =	shalt  }
0x6f: {  	_ =	shalt  }
0x70: {  	_ =	shalt  }
0x71: {  	_ =	shalt  }
0x72: {  	_ =	shalt  }
0x73: {  	_ =	shalt  }
0x74: {  	_ =	shalt  }
0x75: {  	_ =	shalt  }
0x76: {  	_ =	shalt  }
0x77: {  	_ =	shalt  }
0x78: {  	_ =	shalt  }
0x79: {  	_ =	shalt  }
0x7a: {  	_ =	shalt  }
0x7b: {  	_ =	shalt  }
0x7c: {  	_ =	shalt  }
0x7d: {  	_ =	shalt  }
0x7e: {  	_ =	shalt  }
0x7f: {  	_ =	shalt  }
0x80: {  	_ =	shalt  }
0x81: {  	_ =	shalt  }
0x82: {  	_ =	shalt  }
0x83: {  	_ =	shalt  }
0x84: {  	_ =	shalt  }
0x85: {  	_ =	shalt  }
0x86: {  	_ =	shalt  }
0x87: {  	_ =	shalt  }
.Lfunc_end0:
.L_simem_size_0:
called_computation.3_lowered:
.L_overlay_start_0:
0x88: {  	s2 =	sld [smem:$0x3FD9]  }
0x89: {  	s3 =	sld [smem:$0x3FFE];
	_ =	sdelay $0x1  }
0x8a: {  	s1 =	srdreg.scid  }
0x8b: {  	s0 =	sand.u32 $0x1, s1  }
0x8c: {  	s17 =	sshll.u32 s0, $0xA;
	s2 =	sadd.s32 s3, s2  }
0x8d: {  	s2 =	sadd.s32 s2, s17  }
0x8e: {  	[smem:$0x3FC0] =	sst s2  }
0x8f: {  	_ = 	snop  }
0x90: {  	s2 =	sld [smem:$0x3FD0];
	(tm) =	ssettm $0x1  }
0x91: {  	s18 =	sld [smem:$0x3FFB];
	_ =	sdelay $0x3  }
0x92: {  	_ =	strace s18  }
0x93: {  	s3 =	sld [smem:$0x3FFC];
	_ =	sdelay $0x3  }
0x94: {  	_ =	strace s3  }
0x95: {  	s3 =	sld [smem:$0x3FFD];
	_ =	sdelay $0x3  }
0x96: {  	_ =	strace s3  }
0x97: {  	_ =	strace $0x8FFFFFFF  }
0x98: {  	s19 =	sld [smem:$0x3FDB];
	_ =	sdelay $0x1  }
0x99: {  	s4 =	simm.s32 $_scs_section_size  }
0x9a: {  	s5 =	simm.s32 $_size__tile_overlayer_lowered;
	s6 =	simm.s32 $_tile_overlayer_lowered  }
0x9b: {  	s22 =	simm.s32 $0x1BFF;
	s21 =	sshll.u32 s6, $0x1;
	s3 =	sadd.s32 s4, s19  }
0x9c: {  	s7 =	simm.s32 $0x0;
	s20 =	sshll.u32 s5, $0x1;
	s5 =	sadd.s32 s21, s3  }
0x9d: {  	[timem:s7], [sflag:s22] =	dma.local [hbm:s5], s20  }
0x9e: {  	_ =	swait.ge [sflag:s22], s20  }
0x9f: {  	s4 =	ssub.s32 $0x0, s20;
	[sflag:s22] =	ssyncset.done $0x0  }
0xa0: {  	[sflag:s22] =	ssyncadd.s32 s4;
	_ =	sdelay $0x1  }
0xa1: {  	s23 =	simm.s32 $0x1B8B  }
0xa2: {  	_ =	swait.ge [sflag:s23], $0x1  }
0xa3: {  	[sflag:s23] =	ssyncset.done $0x0  }
0xa4: {  	s25 =	simm.s32 $0x1B8E;
	s24 =	sld [smem:$0x3FFE];
	[sflag:s23] =	ssyncadd.s32 $0xFFFFFFFF  }
0xa5: {  	s26 =	simm.s32 $execute0_lowered;
	[smem:$0x3FD2] =	sst s25  }
0xa6: {  	s5 =	sshll.u32 s26, $0x1;
	_ =	strace $0x8000004F;
	[dreg:$0x1] =	wrdreg $0xFFFFFFFF  }
0xa7: {  	s28 =	simm.s32 $_size_execute0_lowered;
	s3 =	sadd.s32 s3, s5;
	[dreg:$0x0] =	wrdreg $0x0  }
0xa8: {  	s5 =	sshll.u32 s28, $0x1;
	[dreg:$0x2] =	wrdreg s3  }
0xa9: {  	[dreg:$0x3] =	wrdreg s5  }
0xaa: {  	[dreg:$0x4] =	wrdreg $0xC0  }
0xab: {  	_ =	task [dreg:s7], $0x5FFFF  }
0xac: {  	[dreg:$0x1] =	wrdreg $0xFFFFFFFF  }
0xad: {  	[dreg:$0x0] =	wrdreg $0x60  }
0xae: {  	[dreg:$0x2] =	wrdreg s2  }
0xaf: {  	[dreg:$0x3] =	wrdreg s24  }
0xb0: {  	[dreg:$0x4] =	wrdreg $0xC4000  }
0xb1: {  	[dreg:$0x5] =	wrdreg $0x9  }
0xb2: {  	_ =	task.clear_ibuf [dreg:s7], $0x6FFFF;
	_ =	strace $0x9000004F  }
0xb3: {  	s29 =	simm.s32 $0x9;
	_ =	strace $0x80000051  }
0xb4: {  	_ =	swait.ge [sflag:s29], $0x1  }
0xb5: {  	[sflag:s29] =	ssyncadd.s32 $0xFFFFFFFF  }
0xb6: {  	_ =	strace $0x90000051  }
0xb7: {  	_ =	sfence  }
0xb8: {  	s30 =	sld [smem:$0x0];
	_ =	sdelay $0x2  }
0xb9: {  	s31 =	sshll.u32 s1, $0xD;
	s1 =	sshrl.u32 s1, $0x2  }
0xba: {  	s3 =	sand.u32 $0x4000, s31;
	s1 =	sadd.s32 s1, s30  }
0xbb: {  	s0 =	sor.u32 s3, s0;
	s1 =	sshll.u32 s1, $0x11  }
0xbc: {  	s0 =	sor.u32 s1, s0  }
0xbd: {  	s0 =	sadd.s32 $0x8F2B, s0  }
0xbe: {  	[sflag:s0] =	ssyncadd.remote.s32 $0x1  }
0xbf: {  	_ =	sfence.sel $0xFFFF  }
0xc0: {  	[dreg:$0x0] =	wrdreg $0xFFFFFFFF;
	(pc) =	sbr.abs _section_cstart, $3  }
0xc1: {  	[dreg:$0x1] =	wrdreg $0xFFFFFFFF  }
0xc2: {  	_ =	task.clear_ibuf [dreg:s7], $0x2FFFF;
	_ =	strace $0x9FFFFFFF  }
0xc3: {  	(tm) =	ssettm $0x7FFFFFFF  }
tec
execute0_lowered:
.L_overlay_start_1:
0x0: {  	(tag) =	ssettag $0x1  }
0x1: {  	s1 =	rddreg [dreg:$0x0]  }
0x2: {  	s0 =	rddreg [dreg:$0x1]  }
0x3: {  	s2 =	rddreg [dreg:$0x2];
	s4 =	simm.s32 $0x0  }
0x4: {  	s3 =	srdreg.scid;
	s12 =	stileid.u32;
	s28 =	simm.s32 $0x400  }
0x5: {  	s29 =	simm.s32 $0x2;
	s30 =	simm.s32 $0x4400;
	s6 =	smul.u32 $0x4E000, s12  }
0x6: {  	s31 =	simm.s32 $0x0;
	[smem:$0x7FF] =	sst s4;
	s9 =	smul.u32 $0xA000, s12  }
0x7: {  	s8 =	sadd.s32 $0x54A00, s0;
	s3 =	sand.u32 $0x1, s3;
	s20 =	smul.u32 $0x13800, s12  }
0x8: {  	s5 =	sadd.s32 $0x3C00, s0;
	s0 =	sadd.s32 $0x6600, s0;
	s17 =	smul.u32 $0x1400, s12  }
0x9: {  	p1 =	seq.s32 s12, $0xF;
	_ =	strace $0x80000050;
	s7 =	ssub.s32 $0x2, s3  }
0xa: {  	s11 =	smul.u32 $0x139000, s3;
	p0 =	seq.s32 s3, $0x1;
	s10 =	sshrl.u32 s7, $0x1  }
0xb: {  	s6 =	sshrl.u32 s6, $0x2;
	s18 =	sshrl.u32 s9, $0x3;
	s9 =	sadd.s32 $0x124800, s2  }
0xc: {  	s26 =	sadd.s32 s17, s8;
	s10 =	ssub.s32 s7, s10;
	s7 =	sadd.s32 s8, s18  }
0xd: {  	s6 =	sadd.s32 s6, s2;
	s3 =	sadd.s32 s20, s11;
	s19 =	sadd.s32 $0x20, s7  }
0xe: {  	s11 =	sshrl.u32 s11, $0x3;
	s13 =	sadd.s32 $0x40, s7;
	[dreg:$0x4] =	wrdreg s19  }
0xf: {  	s8 =	sadd.s32 $0x60, s26;
	s21 =	sadd.s32 $0x60, s7;
	[dreg:$0x5] =	wrdreg s13  }
0x10: {  	s20 =	sshrl.u32 @p1 s9, $0x3;
	s22 =	sadd.s32 $0xE60, s7;
	[dreg:$0x6] =	wrdreg s21  }
0x11: {  	s23 =	sadd.s32 $0xE80, s7;
	s24 =	sadd.s32 $0xEA0, s7;
	[dreg:$0x7] =	wrdreg s22  }
0x12: {  	s3 =	sshrl.u32 s3, $0x3;
	s25 =	sadd.s32 $0xEC0, s7;
	[dreg:$0x8] =	wrdreg s23  }
.Ltmp0:
0x13: {  	s17 =	smax.u32 s10, $0x1;
	[dreg:$0x9] =	wrdreg s24;
	(pc) =	sbr.rel .LBB2_1-.Ltmp0, $4  }
0x14: {  	[dreg:$0xa] =	wrdreg s25;
	s15 =	sadd.s32 s0, s3;
	s0 =	sadd.s32 s0, s11  }
0x15: {  	s3 =	sshll.u32 @!p1 s12, $0x6;
	s19 =	sadd.s32 $0xEC0, s26;
	s22 =	simm.s32 $0x100  }
0x16: {  	s23 =	simm.s32 $0x200;
	s24 =	simm.s32 $0x300;
	s25 =	simm.s32 $0x1  }
0x17: {  	s26 =	simm.s32 $0x80;
	s16 =	sadd.s32 $0x24900, s0;
	s21 =	sor.u32 @!p1 $0x1C0B, s3  }
.LBB2_17:
0x18: {  	s3 =	simm.s32 $0xA  }
.LBB2_18:
0x19: {  	_ =	swait.ge [sflag:s3], $0x4000  }
0x1a: {  	[sflag:s3] =	ssyncset.done $0x0  }
0x1b: {  	[sflag:s3] =	ssyncadd.s32 $0xFFFFC000  }
0x1c: {  	s3 =	simm.s32 @p1 $0x1FCB;
	[bflag:$0x0] =	sbarrier.arrive $0xFFFF  }
0x1d: {  	[hbm:s16], [sflag:s3] =	dma.local @p1 [spmem:s20], $0x2900  }
0x1e: {  	s3 =	simm.s32 @p1 $0xB  }
0x1f: {  	_ =	swait.ge @p1 [sflag:s3], $0x2900  }
0x20: {  	s31 =	sadd.s32 $0x1, s31;
	[sflag:s3] =	ssyncset.done @p1 $0x0  }
0x21: {  	p2 =	sne.s32 s31, s17;
	[sflag:s3] =	ssyncadd.s32 @p1 $0xFFFFD700  }
0x22: {  	[hbm:s15], [sflag:s21] =	dma.local @!p1 [spmem:s0], $0x2700  }
.Ltmp1:
0x23: {  	_ = 	snop;
	(pc) =	sbr.rel @!p2 .LBB2_19-.Ltmp1, $4  }
0x24: {  	s0 =	simm.s32 @!p1 $0xB  }
0x25: {  	_ =	swait.ge @!p1 [sflag:s0], $0x2700  }
0x26: {  	[sflag:s0] =	ssyncset.done @!p1 $0x0  }
0x27: {  	[sflag:s0] =	ssyncadd.s32 @!p1 $0xFFFFD900  }
.LBB2_1:
0x28: {  	s0 =	simm.s32 @p1 $0x1FCB  }
0x29: {  	[spmem:s20], [sflag:s0] =	dma.local @p1 [hbm:s5], $0x2900  }
0x2a: {  	s0 =	simm.s32 @p1 $0xB  }
0x2b: {  	_ =	swait.ge @p1 [sflag:s0], $0x2900  }
0x2c: {  	[sflag:s0] =	ssyncset.done @p1 $0x0  }
0x2d: {  	s3 =	simm.s32 @!p1 $0xB;
	[sflag:s0] =	ssyncadd.s32 @p1 $0xFFFFD700;
	s0 =	sshrl.u32 @!p1 s6, $0x3  }
0x2e: {  	[spmem:s0], [sflag:s21] =	dma.local @!p1 [hbm:s5], $0x2700  }
.Ltmp2:
0x2f: {  	_ =	swait.ge @!p1 [sflag:s3], $0x2700;
	(pc) =	sbr.rel @!p0 .LBB2_2-.Ltmp2, $4  }
0x30: {  	[sflag:s3] =	ssyncset.done @!p1 $0x0  }
0x31: {  	[sflag:s3] =	ssyncadd.s32 @!p1 $0xFFFFD900  }
0x32: {  	[bflag:$0x0] =	sbarrier.arrive $0xFFFF  }
0x33: {  	s3 =	simm.s32 $0x0  }
0x34: {  	s9 =	rddreg [dreg:$0x7]  }
0x35: {  	[tilespmem:s3], [sflag:$0x1] =	stream.linear.gather [hbm4b:s9+s3], $0x100, $0x38;
	[tilespmem:$0x1FD00] =	vst v63  }
0x36: {  	s13 =	rddreg [dreg:$0x8]  }
0x37: {  	[tilespmem:s22], [sflag:$0x2] =	stream.linear.gather [hbm4b:s13+s3], $0x100, $0x38;
	[tilespmem:$0x1FD00] =	vst v63  }
0x38: {  	s14 =	rddreg [dreg:$0x9]  }
0x39: {  	[tilespmem:s23], [sflag:$0x3] =	stream.linear.gather [hbm4b:s14+s3], $0x100, $0x38;
	[tilespmem:$0x1FD00] =	vst v63  }
0x3a: {  	s18 =	rddreg [dreg:$0xa]  }
0x3b: {  	[tilespmem:s24], [sflag:$0x4] =	stream.linear.gather [hbm4b:s18+s3], $0x100, $0x38;
	[tilespmem:$0x1FD00] =	vst v63  }
0x3c: {  	_ =	swait.ge [sflag:s25], $0x100  }
0x3d: {  	[sflag:s25] =	ssyncset.done $0x0  }
0x3e: {  	[sflag:s25] =	ssyncadd.s32 $0xFFFFFF00  }
0x3f: {  	[tilespmem:s28], [sflag:$0x5] =	stream.indirect.gather [hbm4b:s1+s26], $0x80, s3, s26, $0xb8;
	[tilespmem:$0x1FD00] =	vst v63  }
.Ltmp3:
0x40: {  	_ = 	snop;
	(pc) =	sbr.rel .LBB2_11-.Ltmp3, $4  }
0x41: {  	_ =	swait.ge [sflag:s29], $0x100  }
0x42: {  	[sflag:s29] =	ssyncset.done $0x0  }
0x43: {  	s9 =	simm.s32 $0x0;
	s18 =	smov.u32 s19;
	[sflag:s29] =	ssyncadd.s32 $0xFFFFFF00  }
0x44: {  	[tilespmem:s30], [sflag:$0x6] =	stream.indirect.gather [hbm4b:s1+s26], $0x80, s22, s26, $0xb8;
	[tilespmem:$0x1FD00] =	vst v63  }
.LBB2_13:
0x45: {  	s12 =	sadd.s32 $0xFFFFFFFF, s9  }
0x46: {  	s12 =	sand.u32 $0x3, s12  }
0x47: {  	s13 =	sshll.u32 s12, $0x8;
	s12 =	sadd.s32 $0x1, s12  }
0x48: {  	[tilespmem:s13], [sflag:s12] =	stream.linear.gather [hbm4b:s18+s4], $0x100, $0x38;
	[tilespmem:$0x1FD00] =	vst v63  }
.LBB2_15:
0x49: {  	s10 =	sand.u32 $0x3, s10  }
0x4a: {  	s12 =	sadd.s32 $0x1, s10  }
0x4b: {  	_ =	swait.ge [sflag:s12], $0x100  }
0x4c: {  	s13 =	sshll.u32 s11, $0xE;
	s14 =	sadd.s32 $0x5, s11;
	[sflag:s12] =	ssyncset.done $0x0  }
0x4d: {  	s10 =	sshll.u32 s10, $0x8;
	[sflag:s12] =	ssyncadd.s32 $0xFFFFFF00;
	s12 =	sor.u32 $0x400, s13  }
0x4e: {  	[tilespmem:s12], [sflag:s14] =	stream.indirect.gather [hbm4b:s1+s26], $0x80, s10, s26, $0xb8;
	[tilespmem:$0x1FD00] =	vst v63  }
.LBB2_16:
0x4f: {  	s9 =	sadd.s32 $0x1, s9  }
0x50: {  	p2 =	sne.s32 s9, $0x2D  }
.Ltmp4:
0x51: {  	_ = 	snop;
	(pc) =	sbr.rel @!p2 .LBB2_17-.Ltmp4, $2  }
0x52: {  	_ =	sdelay $0x2  }
0x53: {  	s18 =	sadd.s32 $0x20, s18;
	s3 =	sadd.s32 $0x400, s3  }
.LBB2_11:
0x54: {  	s10 =	smul.u32 $0xAB, s9;
	_ =	sdelay $0x1  }
0x55: {  	s11 =	sshrl.u32 s10, $0x9  }
0x56: {  	s11 =	sand.u32 $0x7F, s11  }
0x57: {  	s11 =	smul.u32 $0x3, s11;
	_ =	sdelay $0x1  }
0x58: {  	s11 =	ssub.s32 s9, s11  }
0x59: {  	s14 =	sand.u32 $0xC00, s3;
	p2 =	seq.s32 s9, $0x0;
	s11 =	sand.u32 $0xFF, s11  }
0x5a: {  	s14 =	sshrl.u32 s14, $0x2;
	s10 =	sadd.s32 $0x156, s10;
	s13 =	sadd.s32 $0x5, s11  }
0x5b: {  	s14 =	sor.u32 $0x80, s14;
	s12 =	sshrl.u32 s10, $0x9;
	_ =	swait.ge [sflag:s13], $0x4000  }
0x5c: {  	s10 =	sadd.s32 $0x2, s9;
	s12 =	sand.u32 $0x7F, s12;
	[sflag:s13] =	ssyncset.done $0x0  }
.Ltmp5:
0x5d: {  	[sflag:s13] =	ssyncadd.s32 $0xFFFFC000;
	s13 =	sshll.u32 s11, $0xE;
	(pc) =	sbr.rel @p2 .LBB2_15-.Ltmp5, $4  }
0x5e: {  	s12 =	smul.u32 $0x3, s12;
	s11 =	sor.u32 $0x8, s11;
	s13 =	sor.u32 $0x400, s13  }
0x5f: {  	[spmem:s2] =	stream.indirect.scatter.add.f32 [tilespmem:s13], [sflag:s11], $0x80, s14, s26, $0xb8;
	[tilespmem:$0x1FD00] =	vst v63  }
0x60: {  	s14 =	ssub.s32 s10, s12  }
0x61: {  	s11 =	sand.u32 $0xFF, s14  }
0x62: {  	p2 =	sgt.u32 s9, $0x29  }
.Ltmp6:
0x63: {  	_ = 	snop;
	(pc) =	sbr.rel @!p2 .LBB2_13-.Ltmp6, $4  }
0x64: {  	s12 =	sadd.s32 $0x8, s11  }
0x65: {  	_ =	swait.ge [sflag:s12], $0x4000  }
0x66: {  	[sflag:s12] =	ssyncset.done $0x0  }
0x67: {  	[sflag:s12] =	ssyncadd.s32 $0xFFFFC000  }
0x68: {  	p2 =	sne.s32 s9, $0x2A  }
.Ltmp7:
0x69: {  	_ = 	snop;
	(pc) =	sbr.rel @p2 .LBB2_16-.Ltmp7, $4  }
.Ltmp8:
0x6a: {  	_ = 	snop;
	(pc) =	sbr.rel @!p2 .LBB2_15-.Ltmp8, $4  }
0x6b: {  	_ = 	snop  }
0x6c: {  	_ = 	snop  }
0x6d: {  	_ = 	snop  }
0x6e: {  	_ = 	snop  }
.LBB2_2:
0x6f: {  	[tilespmem:s3], [sflag:$0x1] =	stream.linear.gather [hbm4b:s7+s3], $0x100, $0x38;
	[tilespmem:$0x1FD00] =	vst v63  }
0x70: {  	s9 =	rddreg [dreg:$0x4]  }
0x71: {  	[tilespmem:s22], [sflag:$0x2] =	stream.linear.gather [hbm4b:s9+s3], $0x100, $0x38;
	[tilespmem:$0x1FD00] =	vst v63  }
0x72: {  	s14 =	rddreg [dreg:$0x5]  }
0x73: {  	[tilespmem:s23], [sflag:$0x3] =	stream.linear.gather [hbm4b:s14+s3], $0x100, $0x38;
	[tilespmem:$0x1FD00] =	vst v63  }
0x74: {  	s18 =	rddreg [dreg:$0x6]  }
0x75: {  	[tilespmem:s24], [sflag:$0x4] =	stream.linear.gather [hbm4b:s18+s3], $0x100, $0x38;
	[tilespmem:$0x1FD00] =	vst v63  }
0x76: {  	_ =	swait.ge [sflag:s25], $0x100  }
0x77: {  	[sflag:s25] =	ssyncset.done $0x0  }
0x78: {  	[sflag:s25] =	ssyncadd.s32 $0xFFFFFF00  }
0x79: {  	[tilespmem:s28], [sflag:$0x5] =	stream.indirect.gather [hbm4b:s1+s26], $0x80, s3, s26, $0xb8;
	[tilespmem:$0x1FD00] =	vst v63  }
.Ltmp9:
0x7a: {  	_ = 	snop;
	(pc) =	sbr.rel .LBB2_3-.Ltmp9, $4  }
0x7b: {  	_ =	swait.ge [sflag:s29], $0x100  }
0x7c: {  	[sflag:s29] =	ssyncset.done $0x0  }
0x7d: {  	s9 =	simm.s32 $0x0;
	s18 =	smov.u32 s8;
	[sflag:s29] =	ssyncadd.s32 $0xFFFFFF00  }
0x7e: {  	[tilespmem:s30], [sflag:$0x6] =	stream.indirect.gather [hbm4b:s1+s26], $0x80, s22, s26, $0xb8;
	[tilespmem:$0x1FD00] =	vst v63  }
.LBB2_5:
0x7f: {  	s12 =	sadd.s32 $0xFFFFFFFF, s9  }
0x80: {  	s12 =	sand.u32 $0x3, s12  }
0x81: {  	s13 =	sshll.u32 s12, $0x8;
	s12 =	sadd.s32 $0x1, s12  }
0x82: {  	[tilespmem:s13], [sflag:s12] =	stream.linear.gather [hbm4b:s18+s4], $0x100, $0x38;
	[tilespmem:$0x1FD00] =	vst v63  }
.LBB2_7:
0x83: {  	s10 =	sand.u32 $0x3, s10  }
0x84: {  	s12 =	sadd.s32 $0x1, s10  }
0x85: {  	_ =	swait.ge [sflag:s12], $0x100  }
0x86: {  	s13 =	sshll.u32 s11, $0xE;
	s14 =	sadd.s32 $0x5, s11;
	[sflag:s12] =	ssyncset.done $0x0  }
0x87: {  	s10 =	sshll.u32 s10, $0x8;
	[sflag:s12] =	ssyncadd.s32 $0xFFFFFF00;
	s12 =	sor.u32 $0x400, s13  }
0x88: {  	[tilespmem:s12], [sflag:s14] =	stream.indirect.gather [hbm4b:s1+s26], $0x80, s10, s26, $0xb8;
	[tilespmem:$0x1FD00] =	vst v63  }
.LBB2_8:
0x89: {  	s9 =	sadd.s32 $0x1, s9  }
0x8a: {  	p2 =	seq.s32 s9, $0x73  }
.Ltmp10:
0x8b: {  	_ = 	snop;
	(pc) =	sbr.rel @p2 .LBB2_9-.Ltmp10, $2  }
0x8c: {  	_ =	sdelay $0x2  }
0x8d: {  	s18 =	sadd.s32 $0x20, s18;
	s3 =	sadd.s32 $0x400, s3  }
.LBB2_3:
0x8e: {  	s10 =	smul.u32 $0xAB, s9;
	_ =	sdelay $0x1  }
0x8f: {  	s11 =	sshrl.u32 s10, $0x9  }
0x90: {  	s11 =	sand.u32 $0x7F, s11  }
0x91: {  	s11 =	smul.u32 $0x3, s11;
	_ =	sdelay $0x1  }
0x92: {  	s11 =	ssub.s32 s9, s11  }
0x93: {  	s14 =	sand.u32 $0xC00, s3;
	p2 =	seq.s32 s9, $0x0;
	s11 =	sand.u32 $0xFF, s11  }
0x94: {  	s14 =	sshrl.u32 s14, $0x2;
	s10 =	sadd.s32 $0x156, s10;
	s13 =	sadd.s32 $0x5, s11  }
0x95: {  	s14 =	sor.u32 $0x80, s14;
	s12 =	sshrl.u32 s10, $0x9;
	_ =	swait.ge [sflag:s13], $0x4000  }
0x96: {  	s10 =	sadd.s32 $0x2, s9;
	s12 =	sand.u32 $0x7F, s12;
	[sflag:s13] =	ssyncset.done $0x0  }
.Ltmp11:
0x97: {  	[sflag:s13] =	ssyncadd.s32 $0xFFFFC000;
	s13 =	sshll.u32 s11, $0xE;
	(pc) =	sbr.rel @p2 .LBB2_7-.Ltmp11, $4  }
0x98: {  	s12 =	smul.u32 $0x3, s12;
	s11 =	sor.u32 $0x8, s11;
	s13 =	sor.u32 $0x400, s13  }
0x99: {  	[spmem:s2] =	stream.indirect.scatter.add.f32 [tilespmem:s13], [sflag:s11], $0x80, s14, s26, $0xb8;
	[tilespmem:$0x1FD00] =	vst v63  }
0x9a: {  	s14 =	ssub.s32 s10, s12  }
0x9b: {  	s11 =	sand.u32 $0xFF, s14  }
0x9c: {  	p2 =	sgt.u32 s9, $0x6F  }
.Ltmp12:
0x9d: {  	_ = 	snop;
	(pc) =	sbr.rel @!p2 .LBB2_5-.Ltmp12, $4  }
0x9e: {  	s12 =	sadd.s32 $0x8, s11  }
0x9f: {  	_ =	swait.ge [sflag:s12], $0x4000  }
0xa0: {  	[sflag:s12] =	ssyncset.done $0x0  }
0xa1: {  	[sflag:s12] =	ssyncadd.s32 $0xFFFFC000  }
0xa2: {  	p2 =	sne.s32 s9, $0x70  }
.Ltmp13:
0xa3: {  	_ = 	snop;
	(pc) =	sbr.rel @p2 .LBB2_8-.Ltmp13, $4  }
.Ltmp14:
0xa4: {  	_ = 	snop;
	(pc) =	sbr.rel @!p2 .LBB2_7-.Ltmp14, $4  }
0xa5: {  	_ = 	snop  }
0xa6: {  	_ = 	snop  }
0xa7: {  	_ = 	snop  }
0xa8: {  	_ = 	snop  }
.LBB2_9:
.Ltmp15:
0xa9: {  	(pc) =	sbr.rel .LBB2_18-.Ltmp15, $2  }
0xaa: {  	_ =	sdelay $0x2  }
0xab: {  	s3 =	simm.s32 $0x8  }
.LBB2_19:
0xac: {  	_ =	sfence.sel $0x180000  }
0xad: {  	[bflag:$0x0] =	sbarrier.arrive $0xFFFF  }
0xae: {  	_ =	strace $0x90000050  }
0xaf: {  	s0 =	stileid.u32;
	[bflag:$0x2] =	sbarrier.arrive $0xFFFF  }
0xb0: {  	p0 =	sne.s32 s0, $0x0;
	s0 =	rddreg [dreg:$0x3]  }
0xb1: {  	s0 =	sadd.s32 @!p0 $0x100000, s0  }
0xb2: {  	[sflag:s0] =	ssyncadd.tile.s32 @!p0 $0x1;
	_ =	shalt  }
.Lfunc_end2:
_tile_overlayer_lowered:
.L_overlay_start_2:
0xb3: {  	(tag) =	ssettag $0x2  }
0xb4: {  	s0 =	rddreg [dreg:$0x0];
	s2 =	stileid.u32  }
0xb5: {  	s1 =	rddreg [dreg:$0x1];
	p0 =	sne.s32 s2, $0x0  }
0xb6: {  	s3 =	rddreg [dreg:$0x2];
	[bflag:$0x3] =	sbarrier.arrive $0xFFFF;
	s2 =	simm.s32 @!p0 $0x1C0B  }
0xb7: {  	[timem:s3], [sflag:s2] =	dma.local @!p0 [hbm:s0], s1  }
0xb8: {  	s0 =	simm.s32 @!p0 $0xB  }
0xb9: {  	_ =	swait.ge @!p0 [sflag:s0], s1  }
0xba: {  	s1 =	ssub.s32 @!p0 $0x0, s1;
	[sflag:s0] =	ssyncset.done @!p0 $0x0  }
0xbb: {  	[sflag:s0] =	ssyncadd.s32 @!p0 s1  }
0xbc: {  	[bflag:$0x3] =	sbarrier.arrive $0xFFFF  }
0xbd: {  	_ =	shalt  }

</sc_bundles>
